<compile_context>
chip_gen: v7x
topology: tpu7x:2x2x1
jax: 0.10.2.dev20260603
libtpu: 0.0.44.dev20260713+nightly
codegen_flags: <defaults>
</compile_context>

<pallas_src>
import jax
import jax.numpy as jnp
from jax import lax
from jax.experimental import pallas as pl
from jax.experimental.pallas import tpu as pltpu
from jax.experimental.pallas import tpu_sc as plsc

B, L, G = 1024, 50, 26
V, D = 1000000, 32
F = G * D
NC, NS = 2, 16
NW = NC * NS
N_POS = B * L
N_ROWS = N_POS * G

BI = 64
N_BLK = N_POS // BI
BLK_PER_W = N_BLK // NW
ROWS_BLK = BI * G
ROWS_CHUNK = ROWS_BLK // 2
CHUNKS_PER_W = 2 * BLK_PER_W
ROWS_PER_W = BLK_PER_W * ROWS_BLK
SCALE_PER_W = BLK_PER_W * BI
TPAD = BI + 8

OUT5 = (L, F // 8, B // 128, 8, 128)

def _sc_kernel(table_hbm, idx_hbm, scale_hbm, out_hbm,
               idx_v, scale_v, rows0, rows1, t_v,
               gsem0, gsem1, tsem, isem):
    rows = (rows0, rows1)
    gsem = (gsem0, gsem1)

    wid = lax.axis_index("s") * NC + lax.axis_index("c")

    scale_base = pl.multiple_of(wid * SCALE_PER_W, 8)
    pltpu.sync_copy(scale_hbm.at[pl.ds(scale_base, SCALE_PER_W)], scale_v)

    def idx_start(k, sel):
        s = wid * BLK_PER_W + k
        l = s // 16
        b0 = pl.multiple_of((s % 16) * BI, 8)
        pltpu.async_copy(idx_hbm.at[pl.ds(b0, BI), l, :],
                         idx_v.at[sel], isem)

    def idx_wait(sel):
        pltpu.make_async_copy(idx_hbm.at[pl.ds(0, BI), 0, :],
                              idx_v.at[sel], isem).wait()

    def gather_start(q, sel, bf):
        for j in range(BI // 2):
            pltpu.async_copy(
                table_hbm.at[idx_v.at[sel, q * (BI // 2) + j, :]],
                rows[bf].at[pl.ds(j * G, G)], gsem[bf])

    def gather_wait(bf):
        for j in range(BI // 2):
            pltpu.make_async_copy(table_hbm.at[pl.ds(0, G)],
                                  rows[bf].at[pl.ds(0, G)], gsem[bf]).wait()

    def t_start(blk):
        s = wid * BLK_PER_W + blk
        l = s // 16
        bt = (s % 16) // 2
        bi0 = (s % 2) * BI
        pltpu.async_copy(t_v.at[:, :, pl.ds(0, BI)],
                         out_hbm.at[l, :, bt, :, pl.ds(bi0, BI)], tsem)

    def t_wait():
        pltpu.make_async_copy(t_v.at[:, :, pl.ds(0, BI)],
                              out_hbm.at[0, :, 0, :, pl.ds(0, BI)],
                              tsem).wait()

    i16 = lax.iota(jnp.int32, 16)
    ft16 = i16 // 8
    fi16 = lax.rem(i16, 8)

    def scatter_chunk(c, q, bf):
        col0 = q * 32
        scale0 = c * 32

        def bi_body(i, carry):
            splat = plsc.load_gather(
                scale_v, [jnp.full((16,), scale0 + i, jnp.int32)])
            col = jnp.full((16,), col0 + i, jnp.int32)
            base = i * G
            for g in range(G):
                v0 = rows[bf][base + g, pl.ds(0, 16)] * splat
                v1 = rows[bf][base + g, pl.ds(16, 16)] * splat
                plsc.store_scatter(t_v, [g * 4 + ft16, fi16, col], v0)
                plsc.store_scatter(t_v, [g * 4 + 2 + ft16, fi16, col], v1)
            return carry

        lax.fori_loop(0, ROWS_CHUNK // G, bi_body, 0)

    idx_start(0, 0)
    idx_wait(0)
    gather_start(0, 0, 0)
    idx_start(1, 1)

    def blk_body(k, carry):
        kf = lax.rem(k, 2)

        gather_start(1, kf, 1)
        gather_wait(0)

        @pl.when(k > 0)
        def _():
            t_wait()

        scatter_chunk(2 * k, 0, 0)

        gather_wait(1)

        @pl.when(k + 1 < BLK_PER_W)
        def _():
            idx_wait(1 - kf)
            gather_start(0, 1 - kf, 0)

            @pl.when(k + 2 < BLK_PER_W)
            def _():
                idx_start(k + 2, kf)

        scatter_chunk(2 * k + 1, 1, 1)
        t_start(k)
        return carry

    lax.fori_loop(0, BLK_PER_W, blk_body, 0)
    t_wait()


@jax.jit
def kernel(feat_matrix, padding, embed_table):
    scale_flat = (1.0 - padding.T.astype(jnp.float32)).reshape((N_POS,))

    mesh = plsc.VectorSubcoreMesh(core_axis_name="c", subcore_axis_name="s",
                                  num_cores=NC, num_subcores=NS)
    out5 = pl.kernel(
        _sc_kernel,
        out_type=jax.ShapeDtypeStruct(OUT5, jnp.float32),
        mesh=mesh,
        scratch_types=[
            pltpu.VMEM((2, BI, G), jnp.int32),
            pltpu.VMEM((SCALE_PER_W,), jnp.float32),
            pltpu.VMEM((ROWS_CHUNK, D), jnp.float32),
            pltpu.VMEM((ROWS_CHUNK, D), jnp.float32),
            pltpu.VMEM((F // 8, 8, TPAD), jnp.float32),
            pltpu.SemaphoreType.DMA,
            pltpu.SemaphoreType.DMA,
            pltpu.SemaphoreType.DMA,
            pltpu.SemaphoreType.DMA,
        ],
        compiler_params=pltpu.CompilerParams(use_tc_tiling_on_sc=False,
                                             needs_layout_passes=False),
    )(embed_table, feat_matrix, scale_flat)
    return out5.transpose(2, 4, 0, 1, 3).reshape((B, L, F))

# --- scband reference (transcript-rebuilt; emitter-appended) ---
"""Pipeline reference for scband-feat-embedding-5832565588392 (READ-ONLY COPY).

The authoritative reference and input builder live on the scoring server;
editing this copy changes nothing except your own understanding.
"""

import jax, jax.numpy as jnp
import numpy as np

B, L, G = 1024, 50, 26
V, D = 1000000, 32

def setup_inputs(seed: int = 0) -> dict:
    key = jax.random.key(seed)
    k1, k2, k3 = jax.random.split(key, 3)
    feat_matrix = jax.random.randint(k1, (B, L, G), 0, V, dtype=jnp.int32)
    padding = jax.random.bernoulli(k2, 0.3, (B, L))
    embed_table = jax.random.normal(k3, (V, D), dtype=jnp.float32) * 0.02
    return {"feat_matrix": feat_matrix, "padding": padding, "embed_table": embed_table}

def reference(feat_matrix, padding, embed_table):
    # embedding lookup: [B, L, G] -> [B, L, G, D]
    feat_emb = jnp.take(embed_table, feat_matrix, axis=0)
    # flatten group and embedding dims into char_emb dim: [B, L, G*D]
    b, l, g, d = feat_emb.shape
    feat_emb = feat_emb.reshape(b, l, g * d)
    # zero out padded positions (padding aligned to [batch, length])
    feat_emb = jnp.where(padding[..., None], 0.0, feat_emb)
    return feat_emb

if __name__ == "__main__":
    import jax
    _d = setup_inputs()
    print(jax.jit(kernel)(*tuple(_d.values())))

</pallas_src>

<mosaic_0001>
#map = affine_map<(d0, d1) -> (0, 0)>
#map1 = affine_map<(d0, d1) -> (0, 0, 0)>
#map2 = affine_map<(d0, d1) -> (0)>
#map3 = affine_map<(d0, d1) -> (0, 0, 0, 0, 0)>
module attributes {stable_mosaic.version = 14 : i64} {
  func.func @_sc_kernel(%arg0: i32, %arg1: i32, %arg2: memref<1000000x32xf32, #tpu.memory_space<hbm>>, %arg3: memref<1024x50x26xi32, #tpu.memory_space<hbm>>, %arg4: memref<51200xf32, #tpu.memory_space<hbm>>, %arg5: memref<50x104x8x8x128xf32, #tpu.memory_space<hbm>>, %arg6: memref<2x64x26xi32, #tpu.memory_space<vmem>>, %arg7: memref<1600xf32, #tpu.memory_space<vmem>>, %arg8: memref<832x32xf32, #tpu.memory_space<vmem>>, %arg9: memref<832x32xf32, #tpu.memory_space<vmem>>, %arg10: memref<104x8x72xf32, #tpu.memory_space<vmem>>, %arg11: memref<!tpu.dma_semaphore, #tpu.memory_space<semaphore_mem>>, %arg12: memref<!tpu.dma_semaphore, #tpu.memory_space<semaphore_mem>>, %arg13: memref<!tpu.dma_semaphore, #tpu.memory_space<semaphore_mem>>, %arg14: memref<!tpu.dma_semaphore, #tpu.memory_space<semaphore_mem>>) attributes {dimension_semantics = [#tpu.dimension_semantics<core_parallel>, #tpu.dimension_semantics<subcore_parallel>], iteration_bounds = array<i64: 2, 16>, scalar_prefetch = 0 : i64, scratch_operands = 9 : i64, tpu.core_type = #tpu.core_type<sc_vector_subcore>, window_params = [{transform_indices = #map}, {transform_indices = #map1}, {transform_indices = #map2}, {transform_indices = #map3}]} {
    %mul3A = arith.constant 2 : i32
    %mul3A_0 = arith.muli %arg1, %mul3A : i32
    %add3A = arith.addi %mul3A_0, %arg0 : i32
    %mul3A_1 = arith.constant 1600 : i32
    %mul3A_2 = arith.muli %add3A, %mul3A_1 : i32
    %multiple_of3A = tpu.assume_multiple %mul3A_2, 8 : i32
    "tpu.region"() ({
      %run_scoped3A = tpu.sem_alloc : memref<!tpu.dma_semaphore, #tpu.memory_space<semaphore_mem>>
      %dma_start3A_544 = tpu.memref_slice %arg4[%multiple_of3A] : memref<51200xf32, #tpu.memory_space<hbm>> -> memref<1600xf32, #tpu.memory_space<hbm>>
      %dma_start3A_545 = tpu.memref_slice %arg4[%multiple_of3A] : memref<51200xf32, #tpu.memory_space<hbm>> -> memref<1600xf32, #tpu.memory_space<hbm>>
      tpu.enqueue_dma source(%dma_start3A_545 : memref<1600xf32, #tpu.memory_space<hbm>>) target(%arg7 : memref<1600xf32, #tpu.memory_space<vmem>>) target_semaphore(%run_scoped3A : memref<!tpu.dma_semaphore, #tpu.memory_space<semaphore_mem>>)
      %dma_wait3A_546 = tpu.memref_slice %arg4[%multiple_of3A] : memref<51200xf32, #tpu.memory_space<hbm>> -> memref<1600xf32, #tpu.memory_space<hbm>>
      %dma_wait3A_547 = tpu.memref_slice %arg4[%multiple_of3A] : memref<51200xf32, #tpu.memory_space<hbm>> -> memref<1600xf32, #tpu.memory_space<hbm>>
      tpu.wait_dma2 semaphore(%run_scoped3A : memref<!tpu.dma_semaphore, #tpu.memory_space<semaphore_mem>>) src(%dma_wait3A_547 : memref<1600xf32, #tpu.memory_space<hbm>>) dst(%arg7 : memref<1600xf32, #tpu.memory_space<vmem>>)
      tpu.yield
    }) : () -> ()
    %iota3A = tpu.iota {dimensions = array<i32: 0>} : vector<16xi32>
    %jit3A = arith.constant 8 : i32
    %div3A = vector.broadcast %jit3A : i32 to vector<16xi32>
    %div3A_3 = arith.divsi %iota3A, %div3A : vector<16xi32>
    %sign3A = arith.constant 0 : i32
    %sign3A_4 = vector.broadcast %sign3A : i32 to vector<16xi32>
    %sign3A_5 = arith.cmpi sgt, %iota3A, %sign3A_4 : vector<16xi32>
    %sign3A_6 = arith.extui %sign3A_5 : vector<16xi1> to vector<16xi32>
    %sign3A_7 = arith.constant 0 : i32
    %sign3A_8 = vector.broadcast %sign3A_7 : i32 to vector<16xi32>
    %sign3A_9 = arith.cmpi slt, %iota3A, %sign3A_8 : vector<16xi32>
    %sign3A_10 = arith.extui %sign3A_9 : vector<16xi1> to vector<16xi32>
    %sign3A_11 = arith.subi %sign3A_6, %sign3A_10 : vector<16xi32>
    %sign3A_12 = arith.constant 0 : i32
    %sign3A_13 = arith.cmpi sgt, %jit3A, %sign3A_12 : i32
    %sign3A_14 = arith.extui %sign3A_13 : i1 to i32
    %sign3A_15 = arith.constant 0 : i32
    %sign3A_16 = arith.cmpi slt, %jit3A, %sign3A_15 : i32
    %sign3A_17 = arith.extui %sign3A_16 : i1 to i32
    %sign3A_18 = arith.subi %sign3A_14, %sign3A_17 : i32
    %ne3A = vector.broadcast %sign3A_18 : i32 to vector<16xi32>
    %ne3A_19 = arith.cmpi ne, %sign3A_11, %ne3A : vector<16xi32>
    %rem3A = vector.broadcast %jit3A : i32 to vector<16xi32>
    %rem3A_20 = arith.remsi %iota3A, %rem3A : vector<16xi32>
    %ne3A_21 = arith.constant 0 : i32
    %ne3A_22 = vector.broadcast %ne3A_21 : i32 to vector<16xi32>
    %ne3A_23 = arith.cmpi ne, %rem3A_20, %ne3A_22 : vector<16xi32>
    %and3A = arith.andi %ne3A_19, %ne3A_23 : vector<16xi1>
    %sub3A = arith.constant 1 : i32
    %sub3A_24 = vector.broadcast %sub3A : i32 to vector<16xi32>
    %sub3A_25 = arith.subi %div3A_3, %sub3A_24 : vector<16xi32>
    %select_n3A = arith.select %and3A, %sub3A_25, %div3A_3 : vector<16xi1>, vector<16xi32>
    %rem3A_26 = arith.constant 8 : i32
    %rem3A_27 = vector.broadcast %rem3A_26 : i32 to vector<16xi32>
    %rem3A_28 = arith.remsi %iota3A, %rem3A_27 : vector<16xi32>
    %mul3A_29 = arith.constant 25 : i32
    %mul3A_30 = arith.muli %add3A, %mul3A_29 : i32
    %add3A_31 = arith.constant 0 : i32
    %add3A_32 = arith.addi %mul3A_30, %add3A_31 : i32
    %jit3A_33 = arith.constant 16 : i32
    %div3A_34 = arith.divsi %add3A_32, %jit3A_33 : i32
    %sign3A_35 = arith.constant 0 : i32
    %sign3A_36 = arith.cmpi sgt, %add3A_32, %sign3A_35 : i32
    %sign3A_37 = arith.extui %sign3A_36 : i1 to i32
    %sign3A_38 = arith.constant 0 : i32
    %sign3A_39 = arith.cmpi slt, %add3A_32, %sign3A_38 : i32
    %sign3A_40 = arith.extui %sign3A_39 : i1 to i32
    %sign3A_41 = arith.subi %sign3A_37, %sign3A_40 : i32
    %sign3A_42 = arith.constant 0 : i32
    %sign3A_43 = arith.cmpi sgt, %jit3A_33, %sign3A_42 : i32
    %sign3A_44 = arith.extui %sign3A_43 : i1 to i32
    %sign3A_45 = arith.constant 0 : i32
    %sign3A_46 = arith.cmpi slt, %jit3A_33, %sign3A_45 : i32
    %sign3A_47 = arith.extui %sign3A_46 : i1 to i32
    %sign3A_48 = arith.subi %sign3A_44, %sign3A_47 : i32
    %ne3A_49 = arith.cmpi ne, %sign3A_41, %sign3A_48 : i32
    %rem3A_50 = arith.remsi %add3A_32, %jit3A_33 : i32
    %ne3A_51 = arith.constant 0 : i32
    %ne3A_52 = arith.cmpi ne, %rem3A_50, %ne3A_51 : i32
    %and3A_53 = arith.andi %ne3A_49, %ne3A_52 : i1
    %sub3A_54 = arith.constant 1 : i32
    %sub3A_55 = arith.subi %div3A_34, %sub3A_54 : i32
    %select_n3A_56 = arith.select %and3A_53, %sub3A_55, %div3A_34 : i32
    %jit3A_57 = arith.constant 16 : i32
    %eq3A = arith.constant 0 : i32
    %eq3A_58 = arith.cmpi eq, %jit3A_57, %eq3A : i32
    %jit3A_59 = arith.constant 1 : i32
    %select_n3A_60 = arith.select %eq3A_58, %jit3A_59, %jit3A_57 : i32
    %rem3A_61 = arith.remsi %add3A_32, %select_n3A_60 : i32
    %ne3A_62 = arith.constant 0 : i32
    %ne3A_63 = arith.cmpi ne, %rem3A_61, %ne3A_62 : i32
    %lt3A = arith.constant 0 : i32
    %lt3A_64 = arith.cmpi slt, %rem3A_61, %lt3A : i32
    %lt3A_65 = arith.constant 0 : i32
    %lt3A_66 = arith.cmpi slt, %select_n3A_60, %lt3A_65 : i32
    %ne3A_67 = arith.xori %lt3A_64, %lt3A_66 : i1
    %and3A_68 = arith.andi %ne3A_67, %ne3A_63 : i1
    %add3A_69 = arith.addi %rem3A_61, %select_n3A_60 : i32
    %select_n3A_70 = arith.select %and3A_68, %add3A_69, %rem3A_61 : i32
    %mul3A_71 = arith.constant 64 : i32
    %mul3A_72 = arith.muli %select_n3A_70, %mul3A_71 : i32
    %multiple_of3A_73 = tpu.assume_multiple %mul3A_72, 8 : i32
    %dma_start3A = arith.constant 0 : i32
    %dma_start3A_74 = arith.constant 0 : i32
    %dma_start3A_75 = arith.constant 0 : i32
    %dma_start3A_76 = tpu.memref_slice %arg6[%dma_start3A, %dma_start3A_74, %dma_start3A_75] : memref<2x64x26xi32, #tpu.memory_space<vmem>> -> memref<1x64x26xi32, #tpu.memory_space<vmem>>
    %dma_start3A_77 = tpu.memref_squeeze %dma_start3A_76 : memref<1x64x26xi32, #tpu.memory_space<vmem>> -> memref<64x26xi32, #tpu.memory_space<vmem>>
    %dma_start3A_78 = arith.constant 0 : i32
    %dma_start3A_79 = tpu.memref_slice %arg3[%multiple_of3A_73, %select_n3A_56, %dma_start3A_78] : memref<1024x50x26xi32, #tpu.memory_space<hbm>> -> memref<64x1x26xi32, #tpu.memory_space<hbm>>
    %dma_start3A_80 = tpu.memref_squeeze %dma_start3A_79 : memref<64x1x26xi32, #tpu.memory_space<hbm>> -> memref<64x26xi32, #tpu.memory_space<hbm>>
    %dma_start3A_81 = arith.constant 0 : i32
    %dma_start3A_82 = arith.constant 0 : i32
    %dma_start3A_83 = tpu.memref_slice %arg6[%dma_start3A, %dma_start3A_81, %dma_start3A_82] : memref<2x64x26xi32, #tpu.memory_space<vmem>> -> memref<1x64x26xi32, #tpu.memory_space<vmem>>
    %dma_start3A_84 = tpu.memref_squeeze %dma_start3A_83 : memref<1x64x26xi32, #tpu.memory_space<vmem>> -> memref<64x26xi32, #tpu.memory_space<vmem>>
    %dma_start3A_85 = arith.constant 0 : i32
    %dma_start3A_86 = tpu.memref_slice %arg3[%multiple_of3A_73, %select_n3A_56, %dma_start3A_85] : memref<1024x50x26xi32, #tpu.memory_space<hbm>> -> memref<64x1x26xi32, #tpu.memory_space<hbm>>
    %dma_start3A_87 = tpu.memref_squeeze %dma_start3A_86 : memref<64x1x26xi32, #tpu.memory_space<hbm>> -> memref<64x26xi32, #tpu.memory_space<hbm>>
    tpu.enqueue_dma source(%dma_start3A_87 : memref<64x26xi32, #tpu.memory_space<hbm>>) target(%dma_start3A_84 : memref<64x26xi32, #tpu.memory_space<vmem>>) target_semaphore(%arg14 : memref<!tpu.dma_semaphore, #tpu.memory_space<semaphore_mem>>)
    %dma_wait3A = arith.constant 0 : i32
    %dma_wait3A_88 = arith.constant 0 : i32
    %dma_wait3A_89 = arith.constant 0 : i32
    %dma_wait3A_90 = arith.constant 0 : i32
    %dma_wait3A_91 = tpu.memref_slice %arg6[%dma_wait3A_88, %dma_wait3A_89, %dma_wait3A_90] : memref<2x64x26xi32, #tpu.memory_space<vmem>> -> memref<1x64x26xi32, #tpu.memory_space<vmem>>
    %dma_wait3A_92 = tpu.memref_squeeze %dma_wait3A_91 : memref<1x64x26xi32, #tpu.memory_space<vmem>> -> memref<64x26xi32, #tpu.memory_space<vmem>>
    %dma_wait3A_93 = arith.constant 0 : i32
    %dma_wait3A_94 = arith.constant 0 : i32
    %dma_wait3A_95 = tpu.memref_slice %arg3[%dma_wait3A_93, %dma_wait3A, %dma_wait3A_94] : memref<1024x50x26xi32, #tpu.memory_space<hbm>> -> memref<64x1x26xi32, #tpu.memory_space<hbm>>
    %dma_wait3A_96 = tpu.memref_squeeze %dma_wait3A_95 : memref<64x1x26xi32, #tpu.memory_space<hbm>> -> memref<64x26xi32, #tpu.memory_space<hbm>>
    %dma_wait3A_97 = arith.constant 0 : i32
    %dma_wait3A_98 = arith.constant 0 : i32
    %dma_wait3A_99 = tpu.memref_slice %arg6[%dma_wait3A_88, %dma_wait3A_97, %dma_wait3A_98] : memref<2x64x26xi32, #tpu.memory_space<vmem>> -> memref<1x64x26xi32, #tpu.memory_space<vmem>>
    %dma_wait3A_100 = tpu.memref_squeeze %dma_wait3A_99 : memref<1x64x26xi32, #tpu.memory_space<vmem>> -> memref<64x26xi32, #tpu.memory_space<vmem>>
    %dma_wait3A_101 = arith.constant 0 : i32
    %dma_wait3A_102 = arith.constant 0 : i32
    %dma_wait3A_103 = tpu.memref_slice %arg3[%dma_wait3A_101, %dma_wait3A, %dma_wait3A_102] : memref<1024x50x26xi32, #tpu.memory_space<hbm>> -> memref<64x1x26xi32, #tpu.memory_space<hbm>>
    %dma_wait3A_104 = tpu.memref_squeeze %dma_wait3A_103 : memref<64x1x26xi32, #tpu.memory_space<hbm>> -> memref<64x26xi32, #tpu.memory_space<hbm>>
    tpu.wait_dma2 semaphore(%arg14 : memref<!tpu.dma_semaphore, #tpu.memory_space<semaphore_mem>>) src(%dma_wait3A_104 : memref<64x26xi32, #tpu.memory_space<hbm>>) dst(%dma_wait3A_100 : memref<64x26xi32, #tpu.memory_space<vmem>>)
    %dma_start3A_105 = arith.constant 0 : i32
    %dma_start3A_106 = arith.constant 0 : i32
    %dma_start3A_107 = arith.constant 0 : i32
    %dma_start3A_108 = arith.constant 0 : i32
    %dma_start3A_109 = tpu.memref_slice %arg8[%dma_start3A_107, %dma_start3A_108] : memref<832x32xf32, #tpu.memory_space<vmem>> -> memref<26x32xf32, #tpu.memory_space<vmem>>
    %dma_start3A_110 = arith.constant 0 : i32
    %dma_start3A_111 = tpu.memref_slice %arg6[%dma_start3A_105, %dma_start3A_106, %dma_start3A_110] : memref<2x64x26xi32, #tpu.memory_space<vmem>> -> memref<1x1x26xi32, #tpu.memory_space<vmem>>
    %dma_start3A_112 = tpu.memref_squeeze %dma_start3A_111 : memref<1x1x26xi32, #tpu.memory_space<vmem>> -> memref<26xi32, #tpu.memory_space<vmem>>
    %dma_start3A_113 = arith.constant 0 : i32
    %dma_start3A_114 = arith.constant 0 : i32
    %dma_start3A_115 = tpu.memref_slice %arg2[%dma_start3A_113, %dma_start3A_114] : memref<1000000x32xf32, #tpu.memory_space<hbm>> -> memref<1000000x32xf32, #tpu.memory_space<hbm>>
    tpu.enqueue_indirect_dma source(%dma_start3A_115 : memref<1000000x32xf32, #tpu.memory_space<hbm>>) target(%dma_start3A_109 : memref<26x32xf32, #tpu.memory_space<vmem>>) offsets(%dma_start3A_112 : memref<26xi32, #tpu.memory_space<vmem>>) semaphore(%arg11 : memref<!tpu.dma_semaphore, #tpu.memory_space<semaphore_mem>>)
    %dma_start3A_116 = arith.constant 0 : i32
    %dma_start3A_117 = arith.constant 1 : i32
    %dma_start3A_118 = arith.constant 26 : i32
    %dma_start3A_119 = arith.constant 0 : i32
    %dma_start3A_120 = tpu.memref_slice %arg8[%dma_start3A_118, %dma_start3A_119] : memref<832x32xf32, #tpu.memory_space<vmem>> -> memref<26x32xf32, #tpu.memory_space<vmem>>
    %dma_start3A_121 = arith.constant 0 : i32
    %dma_start3A_122 = tpu.memref_slice %arg6[%dma_start3A_116, %dma_start3A_117, %dma_start3A_121] : memref<2x64x26xi32, #tpu.memory_space<vmem>> -> memref<1x1x26xi32, #tpu.memory_space<vmem>>
    %dma_start3A_123 = tpu.memref_squeeze %dma_start3A_122 : memref<1x1x26xi32, #tpu.memory_space<vmem>> -> memref<26xi32, #tpu.memory_space<vmem>>
    %dma_start3A_124 = arith.constant 0 : i32
    %dma_start3A_125 = arith.constant 0 : i32
    %dma_start3A_126 = tpu.memref_slice %arg2[%dma_start3A_124, %dma_start3A_125] : memref<1000000x32xf32, #tpu.memory_space<hbm>> -> memref<1000000x32xf32, #tpu.memory_space<hbm>>
    tpu.enqueue_indirect_dma source(%dma_start3A_126 : memref<1000000x32xf32, #tpu.memory_space<hbm>>) target(%dma_start3A_120 : memref<26x32xf32, #tpu.memory_space<vmem>>) offsets(%dma_start3A_123 : memref<26xi32, #tpu.memory_space<vmem>>) semaphore(%arg11 : memref<!tpu.dma_semaphore, #tpu.memory_space<semaphore_mem>>)
    %dma_start3A_127 = arith.constant 0 : i32
    %dma_start3A_128 = arith.constant 2 : i32
    %dma_start3A_129 = arith.constant 52 : i32
    %dma_start3A_130 = arith.constant 0 : i32
    %dma_start3A_131 = tpu.memref_slice %arg8[%dma_start3A_129, %dma_start3A_130] : memref<832x32xf32, #tpu.memory_space<vmem>> -> memref<26x32xf32, #tpu.memory_space<vmem>>
    %dma_start3A_132 = arith.constant 0 : i32
    %dma_start3A_133 = tpu.memref_slice %arg6[%dma_start3A_127, %dma_start3A_128, %dma_start3A_132] : memref<2x64x26xi32, #tpu.memory_space<vmem>> -> memref<1x1x26xi32, #tpu.memory_space<vmem>>
    %dma_start3A_134 = tpu.memref_squeeze %dma_start3A_133 : memref<1x1x26xi32, #tpu.memory_space<vmem>> -> memref<26xi32, #tpu.memory_space<vmem>>
    %dma_start3A_135 = arith.constant 0 : i32
    %dma_start3A_136 = arith.constant 0 : i32
    %dma_start3A_137 = tpu.memref_slice %arg2[%dma_start3A_135, %dma_start3A_136] : memref<1000000x32xf32, #tpu.memory_space<hbm>> -> memref<1000000x32xf32, #tpu.memory_space<hbm>>
    tpu.enqueue_indirect_dma source(%dma_start3A_137 : memref<1000000x32xf32, #tpu.memory_space<hbm>>) target(%dma_start3A_131 : memref<26x32xf32, #tpu.memory_space<vmem>>) offsets(%dma_start3A_134 : memref<26xi32, #tpu.memory_space<vmem>>) semaphore(%arg11 : memref<!tpu.dma_semaphore, #tpu.memory_space<semaphore_mem>>)
    %dma_start3A_138 = arith.constant 0 : i32
    %dma_start3A_139 = arith.constant 3 : i32
    %dma_start3A_140 = arith.constant 78 : i32
    %dma_start3A_141 = arith.constant 0 : i32
    %dma_start3A_142 = tpu.memref_slice %arg8[%dma_start3A_140, %dma_start3A_141] : memref<832x32xf32, #tpu.memory_space<vmem>> -> memref<26x32xf32, #tpu.memory_space<vmem>>
    %dma_start3A_143 = arith.constant 0 : i32
    %dma_start3A_144 = tpu.memref_slice %arg6[%dma_start3A_138, %dma_start3A_139, %dma_start3A_143] : memref<2x64x26xi32, #tpu.memory_space<vmem>> -> memref<1x1x26xi32, #tpu.memory_space<vmem>>
    %dma_start3A_145 = tpu.memref_squeeze %dma_start3A_144 : memref<1x1x26xi32, #tpu.memory_space<vmem>> -> memref<26xi32, #tpu.memory_space<vmem>>
    %dma_start3A_146 = arith.constant 0 : i32
    %dma_start3A_147 = arith.constant 0 : i32
    %dma_start3A_148 = tpu.memref_slice %arg2[%dma_start3A_146, %dma_start3A_147] : memref<1000000x32xf32, #tpu.memory_space<hbm>> -> memref<1000000x32xf32, #tpu.memory_space<hbm>>
    tpu.enqueue_indirect_dma source(%dma_start3A_148 : memref<1000000x32xf32, #tpu.memory_space<hbm>>) target(%dma_start3A_142 : memref<26x32xf32, #tpu.memory_space<vmem>>) offsets(%dma_start3A_145 : memref<26xi32, #tpu.memory_space<vmem>>) semaphore(%arg11 : memref<!tpu.dma_semaphore, #tpu.memory_space<semaphore_mem>>)
    %dma_start3A_149 = arith.constant 0 : i32
    %dma_start3A_150 = arith.constant 4 : i32
    %dma_start3A_151 = arith.constant 104 : i32
    %dma_start3A_152 = arith.constant 0 : i32
    %dma_start3A_153 = tpu.memref_slice %arg8[%dma_start3A_151, %dma_start3A_152] : memref<832x32xf32, #tpu.memory_space<vmem>> -> memref<26x32xf32, #tpu.memory_space<vmem>>
    %dma_start3A_154 = arith.constant 0 : i32
    %dma_start3A_155 = tpu.memref_slice %arg6[%dma_start3A_149, %dma_start3A_150, %dma_start3A_154] : memref<2x64x26xi32, #tpu.memory_space<vmem>> -> memref<1x1x26xi32, #tpu.memory_space<vmem>>
    %dma_start3A_156 = tpu.memref_squeeze %dma_start3A_155 : memref<1x1x26xi32, #tpu.memory_space<vmem>> -> memref<26xi32, #tpu.memory_space<vmem>>
    %dma_start3A_157 = arith.constant 0 : i32
    %dma_start3A_158 = arith.constant 0 : i32
    %dma_start3A_159 = tpu.memref_slice %arg2[%dma_start3A_157, %dma_start3A_158] : memref<1000000x32xf32, #tpu.memory_space<hbm>> -> memref<1000000x32xf32, #tpu.memory_space<hbm>>
    tpu.enqueue_indirect_dma source(%dma_start3A_159 : memref<1000000x32xf32, #tpu.memory_space<hbm>>) target(%dma_start3A_153 : memref<26x32xf32, #tpu.memory_space<vmem>>) offsets(%dma_start3A_156 : memref<26xi32, #tpu.memory_space<vmem>>) semaphore(%arg11 : memref<!tpu.dma_semaphore, #tpu.memory_space<semaphore_mem>>)
    %dma_start3A_160 = arith.constant 0 : i32
    %dma_start3A_161 = arith.constant 5 : i32
    %dma_start3A_162 = arith.constant 130 : i32
    %dma_start3A_163 = arith.constant 0 : i32
    %dma_start3A_164 = tpu.memref_slice %arg8[%dma_start3A_162, %dma_start3A_163] : memref<832x32xf32, #tpu.memory_space<vmem>> -> memref<26x32xf32, #tpu.memory_space<vmem>>
    %dma_start3A_165 = arith.constant 0 : i32
    %dma_start3A_166 = tpu.memref_slice %arg6[%dma_start3A_160, %dma_start3A_161, %dma_start3A_165] : memref<2x64x26xi32, #tpu.memory_space<vmem>> -> memref<1x1x26xi32, #tpu.memory_space<vmem>>
    %dma_start3A_167 = tpu.memref_squeeze %dma_start3A_166 : memref<1x1x26xi32, #tpu.memory_space<vmem>> -> memref<26xi32, #tpu.memory_space<vmem>>
    %dma_start3A_168 = arith.constant 0 : i32
    %dma_start3A_169 = arith.constant 0 : i32
    %dma_start3A_170 = tpu.memref_slice %arg2[%dma_start3A_168, %dma_start3A_169] : memref<1000000x32xf32, #tpu.memory_space<hbm>> -> memref<1000000x32xf32, #tpu.memory_space<hbm>>
    tpu.enqueue_indirect_dma source(%dma_start3A_170 : memref<1000000x32xf32, #tpu.memory_space<hbm>>) target(%dma_start3A_164 : memref<26x32xf32, #tpu.memory_space<vmem>>) offsets(%dma_start3A_167 : memref<26xi32, #tpu.memory_space<vmem>>) semaphore(%arg11 : memref<!tpu.dma_semaphore, #tpu.memory_space<semaphore_mem>>)
    %dma_start3A_171 = arith.constant 0 : i32
    %dma_start3A_172 = arith.constant 6 : i32
    %dma_start3A_173 = arith.constant 156 : i32
    %dma_start3A_174 = arith.constant 0 : i32
    %dma_start3A_175 = tpu.memref_slice %arg8[%dma_start3A_173, %dma_start3A_174] : memref<832x32xf32, #tpu.memory_space<vmem>> -> memref<26x32xf32, #tpu.memory_space<vmem>>
    %dma_start3A_176 = arith.constant 0 : i32
    %dma_start3A_177 = tpu.memref_slice %arg6[%dma_start3A_171, %dma_start3A_172, %dma_start3A_176] : memref<2x64x26xi32, #tpu.memory_space<vmem>> -> memref<1x1x26xi32, #tpu.memory_space<vmem>>
    %dma_start3A_178 = tpu.memref_squeeze %dma_start3A_177 : memref<1x1x26xi32, #tpu.memory_space<vmem>> -> memref<26xi32, #tpu.memory_space<vmem>>
    %dma_start3A_179 = arith.constant 0 : i32
    %dma_start3A_180 = arith.constant 0 : i32
    %dma_start3A_181 = tpu.memref_slice %arg2[%dma_start3A_179, %dma_start3A_180] : memref<1000000x32xf32, #tpu.memory_space<hbm>> -> memref<1000000x32xf32, #tpu.memory_space<hbm>>
    tpu.enqueue_indirect_dma source(%dma_start3A_181 : memref<1000000x32xf32, #tpu.memory_space<hbm>>) target(%dma_start3A_175 : memref<26x32xf32, #tpu.memory_space<vmem>>) offsets(%dma_start3A_178 : memref<26xi32, #tpu.memory_space<vmem>>) semaphore(%arg11 : memref<!tpu.dma_semaphore, #tpu.memory_space<semaphore_mem>>)
    %dma_start3A_182 = arith.constant 0 : i32
    %dma_start3A_183 = arith.constant 7 : i32
    %dma_start3A_184 = arith.constant 182 : i32
    %dma_start3A_185 = arith.constant 0 : i32
    %dma_start3A_186 = tpu.memref_slice %arg8[%dma_start3A_184, %dma_start3A_185] : memref<832x32xf32, #tpu.memory_space<vmem>> -> memref<26x32xf32, #tpu.memory_space<vmem>>
    %dma_start3A_187 = arith.constant 0 : i32
    %dma_start3A_188 = tpu.memref_slice %arg6[%dma_start3A_182, %dma_start3A_183, %dma_start3A_187] : memref<2x64x26xi32, #tpu.memory_space<vmem>> -> memref<1x1x26xi32, #tpu.memory_space<vmem>>
    %dma_start3A_189 = tpu.memref_squeeze %dma_start3A_188 : memref<1x1x26xi32, #tpu.memory_space<vmem>> -> memref<26xi32, #tpu.memory_space<vmem>>
    %dma_start3A_190 = arith.constant 0 : i32
    %dma_start3A_191 = arith.constant 0 : i32
    %dma_start3A_192 = tpu.memref_slice %arg2[%dma_start3A_190, %dma_start3A_191] : memref<1000000x32xf32, #tpu.memory_space<hbm>> -> memref<1000000x32xf32, #tpu.memory_space<hbm>>
    tpu.enqueue_indirect_dma source(%dma_start3A_192 : memref<1000000x32xf32, #tpu.memory_space<hbm>>) target(%dma_start3A_186 : memref<26x32xf32, #tpu.memory_space<vmem>>) offsets(%dma_start3A_189 : memref<26xi32, #tpu.memory_space<vmem>>) semaphore(%arg11 : memref<!tpu.dma_semaphore, #tpu.memory_space<semaphore_mem>>)
    %dma_start3A_193 = arith.constant 0 : i32
    %dma_start3A_194 = arith.constant 8 : i32
    %dma_start3A_195 = arith.constant 208 : i32
    %dma_start3A_196 = arith.constant 0 : i32
    %dma_start3A_197 = tpu.memref_slice %arg8[%dma_start3A_195, %dma_start3A_196] : memref<832x32xf32, #tpu.memory_space<vmem>> -> memref<26x32xf32, #tpu.memory_space<vmem>>
    %dma_start3A_198 = arith.constant 0 : i32
    %dma_start3A_199 = tpu.memref_slice %arg6[%dma_start3A_193, %dma_start3A_194, %dma_start3A_198] : memref<2x64x26xi32, #tpu.memory_space<vmem>> -> memref<1x1x26xi32, #tpu.memory_space<vmem>>
    %dma_start3A_200 = tpu.memref_squeeze %dma_start3A_199 : memref<1x1x26xi32, #tpu.memory_space<vmem>> -> memref<26xi32, #tpu.memory_space<vmem>>
    %dma_start3A_201 = arith.constant 0 : i32
    %dma_start3A_202 = arith.constant 0 : i32
    %dma_start3A_203 = tpu.memref_slice %arg2[%dma_start3A_201, %dma_start3A_202] : memref<1000000x32xf32, #tpu.memory_space<hbm>> -> memref<1000000x32xf32, #tpu.memory_space<hbm>>
    tpu.enqueue_indirect_dma source(%dma_start3A_203 : memref<1000000x32xf32, #tpu.memory_space<hbm>>) target(%dma_start3A_197 : memref<26x32xf32, #tpu.memory_space<vmem>>) offsets(%dma_start3A_200 : memref<26xi32, #tpu.memory_space<vmem>>) semaphore(%arg11 : memref<!tpu.dma_semaphore, #tpu.memory_space<semaphore_mem>>)
    %dma_start3A_204 = arith.constant 0 : i32
    %dma_start3A_205 = arith.constant 9 : i32
    %dma_start3A_206 = arith.constant 234 : i32
    %dma_start3A_207 = arith.constant 0 : i32
    %dma_start3A_208 = tpu.memref_slice %arg8[%dma_start3A_206, %dma_start3A_207] : memref<832x32xf32, #tpu.memory_space<vmem>> -> memref<26x32xf32, #tpu.memory_space<vmem>>
    %dma_start3A_209 = arith.constant 0 : i32
    %dma_start3A_210 = tpu.memref_slice %arg6[%dma_start3A_204, %dma_start3A_205, %dma_start3A_209] : memref<2x64x26xi32, #tpu.memory_space<vmem>> -> memref<1x1x26xi32, #tpu.memory_space<vmem>>
    %dma_start3A_211 = tpu.memref_squeeze %dma_start3A_210 : memref<1x1x26xi32, #tpu.memory_space<vmem>> -> memref<26xi32, #tpu.memory_space<vmem>>
    %dma_start3A_212 = arith.constant 0 : i32
    %dma_start3A_213 = arith.constant 0 : i32
    %dma_start3A_214 = tpu.memref_slice %arg2[%dma_start3A_212, %dma_start3A_213] : memref<1000000x32xf32, #tpu.memory_space<hbm>> -> memref<1000000x32xf32, #tpu.memory_space<hbm>>
    tpu.enqueue_indirect_dma source(%dma_start3A_214 : memref<1000000x32xf32, #tpu.memory_space<hbm>>) target(%dma_start3A_208 : memref<26x32xf32, #tpu.memory_space<vmem>>) offsets(%dma_start3A_211 : memref<26xi32, #tpu.memory_space<vmem>>) semaphore(%arg11 : memref<!tpu.dma_semaphore, #tpu.memory_space<semaphore_mem>>)
    %dma_start3A_215 = arith.constant 0 : i32
    %dma_start3A_216 = arith.constant 10 : i32
    %dma_start3A_217 = arith.constant 260 : i32
    %dma_start3A_218 = arith.constant 0 : i32
    %dma_start3A_219 = tpu.memref_slice %arg8[%dma_start3A_217, %dma_start3A_218] : memref<832x32xf32, #tpu.memory_space<vmem>> -> memref<26x32xf32, #tpu.memory_space<vmem>>
    %dma_start3A_220 = arith.constant 0 : i32
    %dma_start3A_221 = tpu.memref_slice %arg6[%dma_start3A_215, %dma_start3A_216, %dma_start3A_220] : memref<2x64x26xi32, #tpu.memory_space<vmem>> -> memref<1x1x26xi32, #tpu.memory_space<vmem>>
    %dma_start3A_222 = tpu.memref_squeeze %dma_start3A_221 : memref<1x1x26xi32, #tpu.memory_space<vmem>> -> memref<26xi32, #tpu.memory_space<vmem>>
    %dma_start3A_223 = arith.constant 0 : i32
    %dma_start3A_224 = arith.constant 0 : i32
    %dma_start3A_225 = tpu.memref_slice %arg2[%dma_start3A_223, %dma_start3A_224] : memref<1000000x32xf32, #tpu.memory_space<hbm>> -> memref<1000000x32xf32, #tpu.memory_space<hbm>>
    tpu.enqueue_indirect_dma source(%dma_start3A_225 : memref<1000000x32xf32, #tpu.memory_space<hbm>>) target(%dma_start3A_219 : memref<26x32xf32, #tpu.memory_space<vmem>>) offsets(%dma_start3A_222 : memref<26xi32, #tpu.memory_space<vmem>>) semaphore(%arg11 : memref<!tpu.dma_semaphore, #tpu.memory_space<semaphore_mem>>)
    %dma_start3A_226 = arith.constant 0 : i32
    %dma_start3A_227 = arith.constant 11 : i32
    %dma_start3A_228 = arith.constant 286 : i32
    %dma_start3A_229 = arith.constant 0 : i32
    %dma_start3A_230 = tpu.memref_slice %arg8[%dma_start3A_228, %dma_start3A_229] : memref<832x32xf32, #tpu.memory_space<vmem>> -> memref<26x32xf32, #tpu.memory_space<vmem>>
    %dma_start3A_231 = arith.constant 0 : i32
    %dma_start3A_232 = tpu.memref_slice %arg6[%dma_start3A_226, %dma_start3A_227, %dma_start3A_231] : memref<2x64x26xi32, #tpu.memory_space<vmem>> -> memref<1x1x26xi32, #tpu.memory_space<vmem>>
    %dma_start3A_233 = tpu.memref_squeeze %dma_start3A_232 : memref<1x1x26xi32, #tpu.memory_space<vmem>> -> memref<26xi32, #tpu.memory_space<vmem>>
    %dma_start3A_234 = arith.constant 0 : i32
    %dma_start3A_235 = arith.constant 0 : i32
    %dma_start3A_236 = tpu.memref_slice %arg2[%dma_start3A_234, %dma_start3A_235] : memref<1000000x32xf32, #tpu.memory_space<hbm>> -> memref<1000000x32xf32, #tpu.memory_space<hbm>>
    tpu.enqueue_indirect_dma source(%dma_start3A_236 : memref<1000000x32xf32, #tpu.memory_space<hbm>>) target(%dma_start3A_230 : memref<26x32xf32, #tpu.memory_space<vmem>>) offsets(%dma_start3A_233 : memref<26xi32, #tpu.memory_space<vmem>>) semaphore(%arg11 : memref<!tpu.dma_semaphore, #tpu.memory_space<semaphore_mem>>)
    %dma_start3A_237 = arith.constant 0 : i32
    %dma_start3A_238 = arith.constant 12 : i32
    %dma_start3A_239 = arith.constant 312 : i32
    %dma_start3A_240 = arith.constant 0 : i32
    %dma_start3A_241 = tpu.memref_slice %arg8[%dma_start3A_239, %dma_start3A_240] : memref<832x32xf32, #tpu.memory_space<vmem>> -> memref<26x32xf32, #tpu.memory_space<vmem>>
    %dma_start3A_242 = arith.constant 0 : i32
    %dma_start3A_243 = tpu.memref_slice %arg6[%dma_start3A_237, %dma_start3A_238, %dma_start3A_242] : memref<2x64x26xi32, #tpu.memory_space<vmem>> -> memref<1x1x26xi32, #tpu.memory_space<vmem>>
    %dma_start3A_244 = tpu.memref_squeeze %dma_start3A_243 : memref<1x1x26xi32, #tpu.memory_space<vmem>> -> memref<26xi32, #tpu.memory_space<vmem>>
    %dma_start3A_245 = arith.constant 0 : i32
    %dma_start3A_246 = arith.constant 0 : i32
    %dma_start3A_247 = tpu.memref_slice %arg2[%dma_start3A_245, %dma_start3A_246] : memref<1000000x32xf32, #tpu.memory_space<hbm>> -> memref<1000000x32xf32, #tpu.memory_space<hbm>>
    tpu.enqueue_indirect_dma source(%dma_start3A_247 : memref<1000000x32xf32, #tpu.memory_space<hbm>>) target(%dma_start3A_241 : memref<26x32xf32, #tpu.memory_space<vmem>>) offsets(%dma_start3A_244 : memref<26xi32, #tpu.memory_space<vmem>>) semaphore(%arg11 : memref<!tpu.dma_semaphore, #tpu.memory_space<semaphore_mem>>)
    %dma_start3A_248 = arith.constant 0 : i32
    %dma_start3A_249 = arith.constant 13 : i32
    %dma_start3A_250 = arith.constant 338 : i32
    %dma_start3A_251 = arith.constant 0 : i32
    %dma_start3A_252 = tpu.memref_slice %arg8[%dma_start3A_250, %dma_start3A_251] : memref<832x32xf32, #tpu.memory_space<vmem>> -> memref<26x32xf32, #tpu.memory_space<vmem>>
    %dma_start3A_253 = arith.constant 0 : i32
    %dma_start3A_254 = tpu.memref_slice %arg6[%dma_start3A_248, %dma_start3A_249, %dma_start3A_253] : memref<2x64x26xi32, #tpu.memory_space<vmem>> -> memref<1x1x26xi32, #tpu.memory_space<vmem>>
    %dma_start3A_255 = tpu.memref_squeeze %dma_start3A_254 : memref<1x1x26xi32, #tpu.memory_space<vmem>> -> memref<26xi32, #tpu.memory_space<vmem>>
    %dma_start3A_256 = arith.constant 0 : i32
    %dma_start3A_257 = arith.constant 0 : i32
    %dma_start3A_258 = tpu.memref_slice %arg2[%dma_start3A_256, %dma_start3A_257] : memref<1000000x32xf32, #tpu.memory_space<hbm>> -> memref<1000000x32xf32, #tpu.memory_space<hbm>>
    tpu.enqueue_indirect_dma source(%dma_start3A_258 : memref<1000000x32xf32, #tpu.memory_space<hbm>>) target(%dma_start3A_252 : memref<26x32xf32, #tpu.memory_space<vmem>>) offsets(%dma_start3A_255 : memref<26xi32, #tpu.memory_space<vmem>>) semaphore(%arg11 : memref<!tpu.dma_semaphore, #tpu.memory_space<semaphore_mem>>)
    %dma_start3A_259 = arith.constant 0 : i32
    %dma_start3A_260 = arith.constant 14 : i32
    %dma_start3A_261 = arith.constant 364 : i32
    %dma_start3A_262 = arith.constant 0 : i32
    %dma_start3A_263 = tpu.memref_slice %arg8[%dma_start3A_261, %dma_start3A_262] : memref<832x32xf32, #tpu.memory_space<vmem>> -> memref<26x32xf32, #tpu.memory_space<vmem>>
    %dma_start3A_264 = arith.constant 0 : i32
    %dma_start3A_265 = tpu.memref_slice %arg6[%dma_start3A_259, %dma_start3A_260, %dma_start3A_264] : memref<2x64x26xi32, #tpu.memory_space<vmem>> -> memref<1x1x26xi32, #tpu.memory_space<vmem>>
    %dma_start3A_266 = tpu.memref_squeeze %dma_start3A_265 : memref<1x1x26xi32, #tpu.memory_space<vmem>> -> memref<26xi32, #tpu.memory_space<vmem>>
    %dma_start3A_267 = arith.constant 0 : i32
    %dma_start3A_268 = arith.constant 0 : i32
    %dma_start3A_269 = tpu.memref_slice %arg2[%dma_start3A_267, %dma_start3A_268] : memref<1000000x32xf32, #tpu.memory_space<hbm>> -> memref<1000000x32xf32, #tpu.memory_space<hbm>>
    tpu.enqueue_indirect_dma source(%dma_start3A_269 : memref<1000000x32xf32, #tpu.memory_space<hbm>>) target(%dma_start3A_263 : memref<26x32xf32, #tpu.memory_space<vmem>>) offsets(%dma_start3A_266 : memref<26xi32, #tpu.memory_space<vmem>>) semaphore(%arg11 : memref<!tpu.dma_semaphore, #tpu.memory_space<semaphore_mem>>)
    %dma_start3A_270 = arith.constant 0 : i32
    %dma_start3A_271 = arith.constant 15 : i32
    %dma_start3A_272 = arith.constant 390 : i32
    %dma_start3A_273 = arith.constant 0 : i32
    %dma_start3A_274 = tpu.memref_slice %arg8[%dma_start3A_272, %dma_start3A_273] : memref<832x32xf32, #tpu.memory_space<vmem>> -> memref<26x32xf32, #tpu.memory_space<vmem>>
    %dma_start3A_275 = arith.constant 0 : i32
    %dma_start3A_276 = tpu.memref_slice %arg6[%dma_start3A_270, %dma_start3A_271, %dma_start3A_275] : memref<2x64x26xi32, #tpu.memory_space<vmem>> -> memref<1x1x26xi32, #tpu.memory_space<vmem>>
    %dma_start3A_277 = tpu.memref_squeeze %dma_start3A_276 : memref<1x1x26xi32, #tpu.memory_space<vmem>> -> memref<26xi32, #tpu.memory_space<vmem>>
    %dma_start3A_278 = arith.constant 0 : i32
    %dma_start3A_279 = arith.constant 0 : i32
    %dma_start3A_280 = tpu.memref_slice %arg2[%dma_start3A_278, %dma_start3A_279] : memref<1000000x32xf32, #tpu.memory_space<hbm>> -> memref<1000000x32xf32, #tpu.memory_space<hbm>>
    tpu.enqueue_indirect_dma source(%dma_start3A_280 : memref<1000000x32xf32, #tpu.memory_space<hbm>>) target(%dma_start3A_274 : memref<26x32xf32, #tpu.memory_space<vmem>>) offsets(%dma_start3A_277 : memref<26xi32, #tpu.memory_space<vmem>>) semaphore(%arg11 : memref<!tpu.dma_semaphore, #tpu.memory_space<semaphore_mem>>)
    %dma_start3A_281 = arith.constant 0 : i32
    %dma_start3A_282 = arith.constant 16 : i32
    %dma_start3A_283 = arith.constant 416 : i32
    %dma_start3A_284 = arith.constant 0 : i32
    %dma_start3A_285 = tpu.memref_slice %arg8[%dma_start3A_283, %dma_start3A_284] : memref<832x32xf32, #tpu.memory_space<vmem>> -> memref<26x32xf32, #tpu.memory_space<vmem>>
    %dma_start3A_286 = arith.constant 0 : i32
    %dma_start3A_287 = tpu.memref_slice %arg6[%dma_start3A_281, %dma_start3A_282, %dma_start3A_286] : memref<2x64x26xi32, #tpu.memory_space<vmem>> -> memref<1x1x26xi32, #tpu.memory_space<vmem>>
    %dma_start3A_288 = tpu.memref_squeeze %dma_start3A_287 : memref<1x1x26xi32, #tpu.memory_space<vmem>> -> memref<26xi32, #tpu.memory_space<vmem>>
    %dma_start3A_289 = arith.constant 0 : i32
    %dma_start3A_290 = arith.constant 0 : i32
    %dma_start3A_291 = tpu.memref_slice %arg2[%dma_start3A_289, %dma_start3A_290] : memref<1000000x32xf32, #tpu.memory_space<hbm>> -> memref<1000000x32xf32, #tpu.memory_space<hbm>>
    tpu.enqueue_indirect_dma source(%dma_start3A_291 : memref<1000000x32xf32, #tpu.memory_space<hbm>>) target(%dma_start3A_285 : memref<26x32xf32, #tpu.memory_space<vmem>>) offsets(%dma_start3A_288 : memref<26xi32, #tpu.memory_space<vmem>>) semaphore(%arg11 : memref<!tpu.dma_semaphore, #tpu.memory_space<semaphore_mem>>)
    %dma_start3A_292 = arith.constant 0 : i32
    %dma_start3A_293 = arith.constant 17 : i32
    %dma_start3A_294 = arith.constant 442 : i32
    %dma_start3A_295 = arith.constant 0 : i32
    %dma_start3A_296 = tpu.memref_slice %arg8[%dma_start3A_294, %dma_start3A_295] : memref<832x32xf32, #tpu.memory_space<vmem>> -> memref<26x32xf32, #tpu.memory_space<vmem>>
    %dma_start3A_297 = arith.constant 0 : i32
    %dma_start3A_298 = tpu.memref_slice %arg6[%dma_start3A_292, %dma_start3A_293, %dma_start3A_297] : memref<2x64x26xi32, #tpu.memory_space<vmem>> -> memref<1x1x26xi32, #tpu.memory_space<vmem>>
    %dma_start3A_299 = tpu.memref_squeeze %dma_start3A_298 : memref<1x1x26xi32, #tpu.memory_space<vmem>> -> memref<26xi32, #tpu.memory_space<vmem>>
    %dma_start3A_300 = arith.constant 0 : i32
    %dma_start3A_301 = arith.constant 0 : i32
    %dma_start3A_302 = tpu.memref_slice %arg2[%dma_start3A_300, %dma_start3A_301] : memref<1000000x32xf32, #tpu.memory_space<hbm>> -> memref<1000000x32xf32, #tpu.memory_space<hbm>>
    tpu.enqueue_indirect_dma source(%dma_start3A_302 : memref<1000000x32xf32, #tpu.memory_space<hbm>>) target(%dma_start3A_296 : memref<26x32xf32, #tpu.memory_space<vmem>>) offsets(%dma_start3A_299 : memref<26xi32, #tpu.memory_space<vmem>>) semaphore(%arg11 : memref<!tpu.dma_semaphore, #tpu.memory_space<semaphore_mem>>)
    %dma_start3A_303 = arith.constant 0 : i32
    %dma_start3A_304 = arith.constant 18 : i32
    %dma_start3A_305 = arith.constant 468 : i32
    %dma_start3A_306 = arith.constant 0 : i32
    %dma_start3A_307 = tpu.memref_slice %arg8[%dma_start3A_305, %dma_start3A_306] : memref<832x32xf32, #tpu.memory_space<vmem>> -> memref<26x32xf32, #tpu.memory_space<vmem>>
    %dma_start3A_308 = arith.constant 0 : i32
    %dma_start3A_309 = tpu.memref_slice %arg6[%dma_start3A_303, %dma_start3A_304, %dma_start3A_308] : memref<2x64x26xi32, #tpu.memory_space<vmem>> -> memref<1x1x26xi32, #tpu.memory_space<vmem>>
    %dma_start3A_310 = tpu.memref_squeeze %dma_start3A_309 : memref<1x1x26xi32, #tpu.memory_space<vmem>> -> memref<26xi32, #tpu.memory_space<vmem>>
    %dma_start3A_311 = arith.constant 0 : i32
    %dma_start3A_312 = arith.constant 0 : i32
    %dma_start3A_313 = tpu.memref_slice %arg2[%dma_start3A_311, %dma_start3A_312] : memref<1000000x32xf32, #tpu.memory_space<hbm>> -> memref<1000000x32xf32, #tpu.memory_space<hbm>>
    tpu.enqueue_indirect_dma source(%dma_start3A_313 : memref<1000000x32xf32, #tpu.memory_space<hbm>>) target(%dma_start3A_307 : memref<26x32xf32, #tpu.memory_space<vmem>>) offsets(%dma_start3A_310 : memref<26xi32, #tpu.memory_space<vmem>>) semaphore(%arg11 : memref<!tpu.dma_semaphore, #tpu.memory_space<semaphore_mem>>)
    %dma_start3A_314 = arith.constant 0 : i32
    %dma_start3A_315 = arith.constant 19 : i32
    %dma_start3A_316 = arith.constant 494 : i32
    %dma_start3A_317 = arith.constant 0 : i32
    %dma_start3A_318 = tpu.memref_slice %arg8[%dma_start3A_316, %dma_start3A_317] : memref<832x32xf32, #tpu.memory_space<vmem>> -> memref<26x32xf32, #tpu.memory_space<vmem>>
    %dma_start3A_319 = arith.constant 0 : i32
    %dma_start3A_320 = tpu.memref_slice %arg6[%dma_start3A_314, %dma_start3A_315, %dma_start3A_319] : memref<2x64x26xi32, #tpu.memory_space<vmem>> -> memref<1x1x26xi32, #tpu.memory_space<vmem>>
    %dma_start3A_321 = tpu.memref_squeeze %dma_start3A_320 : memref<1x1x26xi32, #tpu.memory_space<vmem>> -> memref<26xi32, #tpu.memory_space<vmem>>
    %dma_start3A_322 = arith.constant 0 : i32
    %dma_start3A_323 = arith.constant 0 : i32
    %dma_start3A_324 = tpu.memref_slice %arg2[%dma_start3A_322, %dma_start3A_323] : memref<1000000x32xf32, #tpu.memory_space<hbm>> -> memref<1000000x32xf32, #tpu.memory_space<hbm>>
    tpu.enqueue_indirect_dma source(%dma_start3A_324 : memref<1000000x32xf32, #tpu.memory_space<hbm>>) target(%dma_start3A_318 : memref<26x32xf32, #tpu.memory_space<vmem>>) offsets(%dma_start3A_321 : memref<26xi32, #tpu.memory_space<vmem>>) semaphore(%arg11 : memref<!tpu.dma_semaphore, #tpu.memory_space<semaphore_mem>>)
    %dma_start3A_325 = arith.constant 0 : i32
    %dma_start3A_326 = arith.constant 20 : i32
    %dma_start3A_327 = arith.constant 520 : i32
    %dma_start3A_328 = arith.constant 0 : i32
    %dma_start3A_329 = tpu.memref_slice %arg8[%dma_start3A_327, %dma_start3A_328] : memref<832x32xf32, #tpu.memory_space<vmem>> -> memref<26x32xf32, #tpu.memory_space<vmem>>
    %dma_start3A_330 = arith.constant 0 : i32
    %dma_start3A_331 = tpu.memref_slice %arg6[%dma_start3A_325, %dma_start3A_326, %dma_start3A_330] : memref<2x64x26xi32, #tpu.memory_space<vmem>> -> memref<1x1x26xi32, #tpu.memory_space<vmem>>
    %dma_start3A_332 = tpu.memref_squeeze %dma_start3A_331 : memref<1x1x26xi32, #tpu.memory_space<vmem>> -> memref<26xi32, #tpu.memory_space<vmem>>
    %dma_start3A_333 = arith.constant 0 : i32
    %dma_start3A_334 = arith.constant 0 : i32
    %dma_start3A_335 = tpu.memref_slice %arg2[%dma_start3A_333, %dma_start3A_334] : memref<1000000x32xf32, #tpu.memory_space<hbm>> -> memref<1000000x32xf32, #tpu.memory_space<hbm>>
    tpu.enqueue_indirect_dma source(%dma_start3A_335 : memref<1000000x32xf32, #tpu.memory_space<hbm>>) target(%dma_start3A_329 : memref<26x32xf32, #tpu.memory_space<vmem>>) offsets(%dma_start3A_332 : memref<26xi32, #tpu.memory_space<vmem>>) semaphore(%arg11 : memref<!tpu.dma_semaphore, #tpu.memory_space<semaphore_mem>>)
    %dma_start3A_336 = arith.constant 0 : i32
    %dma_start3A_337 = arith.constant 21 : i32
    %dma_start3A_338 = arith.constant 546 : i32
    %dma_start3A_339 = arith.constant 0 : i32
    %dma_start3A_340 = tpu.memref_slice %arg8[%dma_start3A_338, %dma_start3A_339] : memref<832x32xf32, #tpu.memory_space<vmem>> -> memref<26x32xf32, #tpu.memory_space<vmem>>
    %dma_start3A_341 = arith.constant 0 : i32
    %dma_start3A_342 = tpu.memref_slice %arg6[%dma_start3A_336, %dma_start3A_337, %dma_start3A_341] : memref<2x64x26xi32, #tpu.memory_space<vmem>> -> memref<1x1x26xi32, #tpu.memory_space<vmem>>
    %dma_start3A_343 = tpu.memref_squeeze %dma_start3A_342 : memref<1x1x26xi32, #tpu.memory_space<vmem>> -> memref<26xi32, #tpu.memory_space<vmem>>
    %dma_start3A_344 = arith.constant 0 : i32
    %dma_start3A_345 = arith.constant 0 : i32
    %dma_start3A_346 = tpu.memref_slice %arg2[%dma_start3A_344, %dma_start3A_345] : memref<1000000x32xf32, #tpu.memory_space<hbm>> -> memref<1000000x32xf32, #tpu.memory_space<hbm>>
    tpu.enqueue_indirect_dma source(%dma_start3A_346 : memref<1000000x32xf32, #tpu.memory_space<hbm>>) target(%dma_start3A_340 : memref<26x32xf32, #tpu.memory_space<vmem>>) offsets(%dma_start3A_343 : memref<26xi32, #tpu.memory_space<vmem>>) semaphore(%arg11 : memref<!tpu.dma_semaphore, #tpu.memory_space<semaphore_mem>>)
    %dma_start3A_347 = arith.constant 0 : i32
    %dma_start3A_348 = arith.constant 22 : i32
    %dma_start3A_349 = arith.constant 572 : i32
    %dma_start3A_350 = arith.constant 0 : i32
    %dma_start3A_351 = tpu.memref_slice %arg8[%dma_start3A_349, %dma_start3A_350] : memref<832x32xf32, #tpu.memory_space<vmem>> -> memref<26x32xf32, #tpu.memory_space<vmem>>
    %dma_start3A_352 = arith.constant 0 : i32
    %dma_start3A_353 = tpu.memref_slice %arg6[%dma_start3A_347, %dma_start3A_348, %dma_start3A_352] : memref<2x64x26xi32, #tpu.memory_space<vmem>> -> memref<1x1x26xi32, #tpu.memory_space<vmem>>
    %dma_start3A_354 = tpu.memref_squeeze %dma_start3A_353 : memref<1x1x26xi32, #tpu.memory_space<vmem>> -> memref<26xi32, #tpu.memory_space<vmem>>
    %dma_start3A_355 = arith.constant 0 : i32
    %dma_start3A_356 = arith.constant 0 : i32
    %dma_start3A_357 = tpu.memref_slice %arg2[%dma_start3A_355, %dma_start3A_356] : memref<1000000x32xf32, #tpu.memory_space<hbm>> -> memref<1000000x32xf32, #tpu.memory_space<hbm>>
    tpu.enqueue_indirect_dma source(%dma_start3A_357 : memref<1000000x32xf32, #tpu.memory_space<hbm>>) target(%dma_start3A_351 : memref<26x32xf32, #tpu.memory_space<vmem>>) offsets(%dma_start3A_354 : memref<26xi32, #tpu.memory_space<vmem>>) semaphore(%arg11 : memref<!tpu.dma_semaphore, #tpu.memory_space<semaphore_mem>>)
    %dma_start3A_358 = arith.constant 0 : i32
    %dma_start3A_359 = arith.constant 23 : i32
    %dma_start3A_360 = arith.constant 598 : i32
    %dma_start3A_361 = arith.constant 0 : i32
    %dma_start3A_362 = tpu.memref_slice %arg8[%dma_start3A_360, %dma_start3A_361] : memref<832x32xf32, #tpu.memory_space<vmem>> -> memref<26x32xf32, #tpu.memory_space<vmem>>
    %dma_start3A_363 = arith.constant 0 : i32
    %dma_start3A_364 = tpu.memref_slice %arg6[%dma_start3A_358, %dma_start3A_359, %dma_start3A_363] : memref<2x64x26xi32, #tpu.memory_space<vmem>> -> memref<1x1x26xi32, #tpu.memory_space<vmem>>
    %dma_start3A_365 = tpu.memref_squeeze %dma_start3A_364 : memref<1x1x26xi32, #tpu.memory_space<vmem>> -> memref<26xi32, #tpu.memory_space<vmem>>
    %dma_start3A_366 = arith.constant 0 : i32
    %dma_start3A_367 = arith.constant 0 : i32
    %dma_start3A_368 = tpu.memref_slice %arg2[%dma_start3A_366, %dma_start3A_367] : memref<1000000x32xf32, #tpu.memory_space<hbm>> -> memref<1000000x32xf32, #tpu.memory_space<hbm>>
    tpu.enqueue_indirect_dma source(%dma_start3A_368 : memref<1000000x32xf32, #tpu.memory_space<hbm>>) target(%dma_start3A_362 : memref<26x32xf32, #tpu.memory_space<vmem>>) offsets(%dma_start3A_365 : memref<26xi32, #tpu.memory_space<vmem>>) semaphore(%arg11 : memref<!tpu.dma_semaphore, #tpu.memory_space<semaphore_mem>>)
    %dma_start3A_369 = arith.constant 0 : i32
    %dma_start3A_370 = arith.constant 24 : i32
    %dma_start3A_371 = arith.constant 624 : i32
    %dma_start3A_372 = arith.constant 0 : i32
    %dma_start3A_373 = tpu.memref_slice %arg8[%dma_start3A_371, %dma_start3A_372] : memref<832x32xf32, #tpu.memory_space<vmem>> -> memref<26x32xf32, #tpu.memory_space<vmem>>
    %dma_start3A_374 = arith.constant 0 : i32
    %dma_start3A_375 = tpu.memref_slice %arg6[%dma_start3A_369, %dma_start3A_370, %dma_start3A_374] : memref<2x64x26xi32, #tpu.memory_space<vmem>> -> memref<1x1x26xi32, #tpu.memory_space<vmem>>
    %dma_start3A_376 = tpu.memref_squeeze %dma_start3A_375 : memref<1x1x26xi32, #tpu.memory_space<vmem>> -> memref<26xi32, #tpu.memory_space<vmem>>
    %dma_start3A_377 = arith.constant 0 : i32
    %dma_start3A_378 = arith.constant 0 : i32
    %dma_start3A_379 = tpu.memref_slice %arg2[%dma_start3A_377, %dma_start3A_378] : memref<1000000x32xf32, #tpu.memory_space<hbm>> -> memref<1000000x32xf32, #tpu.memory_space<hbm>>
    tpu.enqueue_indirect_dma source(%dma_start3A_379 : memref<1000000x32xf32, #tpu.memory_space<hbm>>) target(%dma_start3A_373 : memref<26x32xf32, #tpu.memory_space<vmem>>) offsets(%dma_start3A_376 : memref<26xi32, #tpu.memory_space<vmem>>) semaphore(%arg11 : memref<!tpu.dma_semaphore, #tpu.memory_space<semaphore_mem>>)
    %dma_start3A_380 = arith.constant 0 : i32
    %dma_start3A_381 = arith.constant 25 : i32
    %dma_start3A_382 = arith.constant 650 : i32
    %dma_start3A_383 = arith.constant 0 : i32
    %dma_start3A_384 = tpu.memref_slice %arg8[%dma_start3A_382, %dma_start3A_383] : memref<832x32xf32, #tpu.memory_space<vmem>> -> memref<26x32xf32, #tpu.memory_space<vmem>>
    %dma_start3A_385 = arith.constant 0 : i32
    %dma_start3A_386 = tpu.memref_slice %arg6[%dma_start3A_380, %dma_start3A_381, %dma_start3A_385] : memref<2x64x26xi32, #tpu.memory_space<vmem>> -> memref<1x1x26xi32, #tpu.memory_space<vmem>>
    %dma_start3A_387 = tpu.memref_squeeze %dma_start3A_386 : memref<1x1x26xi32, #tpu.memory_space<vmem>> -> memref<26xi32, #tpu.memory_space<vmem>>
    %dma_start3A_388 = arith.constant 0 : i32
    %dma_start3A_389 = arith.constant 0 : i32
    %dma_start3A_390 = tpu.memref_slice %arg2[%dma_start3A_388, %dma_start3A_389] : memref<1000000x32xf32, #tpu.memory_space<hbm>> -> memref<1000000x32xf32, #tpu.memory_space<hbm>>
    tpu.enqueue_indirect_dma source(%dma_start3A_390 : memref<1000000x32xf32, #tpu.memory_space<hbm>>) target(%dma_start3A_384 : memref<26x32xf32, #tpu.memory_space<vmem>>) offsets(%dma_start3A_387 : memref<26xi32, #tpu.memory_space<vmem>>) semaphore(%arg11 : memref<!tpu.dma_semaphore, #tpu.memory_space<semaphore_mem>>)
    %dma_start3A_391 = arith.constant 0 : i32
    %dma_start3A_392 = arith.constant 26 : i32
    %dma_start3A_393 = arith.constant 676 : i32
    %dma_start3A_394 = arith.constant 0 : i32
    %dma_start3A_395 = tpu.memref_slice %arg8[%dma_start3A_393, %dma_start3A_394] : memref<832x32xf32, #tpu.memory_space<vmem>> -> memref<26x32xf32, #tpu.memory_space<vmem>>
    %dma_start3A_396 = arith.constant 0 : i32
    %dma_start3A_397 = tpu.memref_slice %arg6[%dma_start3A_391, %dma_start3A_392, %dma_start3A_396] : memref<2x64x26xi32, #tpu.memory_space<vmem>> -> memref<1x1x26xi32, #tpu.memory_space<vmem>>
    %dma_start3A_398 = tpu.memref_squeeze %dma_start3A_397 : memref<1x1x26xi32, #tpu.memory_space<vmem>> -> memref<26xi32, #tpu.memory_space<vmem>>
    %dma_start3A_399 = arith.constant 0 : i32
    %dma_start3A_400 = arith.constant 0 : i32
    %dma_start3A_401 = tpu.memref_slice %arg2[%dma_start3A_399, %dma_start3A_400] : memref<1000000x32xf32, #tpu.memory_space<hbm>> -> memref<1000000x32xf32, #tpu.memory_space<hbm>>
    tpu.enqueue_indirect_dma source(%dma_start3A_401 : memref<1000000x32xf32, #tpu.memory_space<hbm>>) target(%dma_start3A_395 : memref<26x32xf32, #tpu.memory_space<vmem>>) offsets(%dma_start3A_398 : memref<26xi32, #tpu.memory_space<vmem>>) semaphore(%arg11 : memref<!tpu.dma_semaphore, #tpu.memory_space<semaphore_mem>>)
    %dma_start3A_402 = arith.constant 0 : i32
    %dma_start3A_403 = arith.constant 27 : i32
    %dma_start3A_404 = arith.constant 702 : i32
    %dma_start3A_405 = arith.constant 0 : i32
    %dma_start3A_406 = tpu.memref_slice %arg8[%dma_start3A_404, %dma_start3A_405] : memref<832x32xf32, #tpu.memory_space<vmem>> -> memref<26x32xf32, #tpu.memory_space<vmem>>
    %dma_start3A_407 = arith.constant 0 : i32
    %dma_start3A_408 = tpu.memref_slice %arg6[%dma_start3A_402, %dma_start3A_403, %dma_start3A_407] : memref<2x64x26xi32, #tpu.memory_space<vmem>> -> memref<1x1x26xi32, #tpu.memory_space<vmem>>
    %dma_start3A_409 = tpu.memref_squeeze %dma_start3A_408 : memref<1x1x26xi32, #tpu.memory_space<vmem>> -> memref<26xi32, #tpu.memory_space<vmem>>
    %dma_start3A_410 = arith.constant 0 : i32
    %dma_start3A_411 = arith.constant 0 : i32
    %dma_start3A_412 = tpu.memref_slice %arg2[%dma_start3A_410, %dma_start3A_411] : memref<1000000x32xf32, #tpu.memory_space<hbm>> -> memref<1000000x32xf32, #tpu.memory_space<hbm>>
    tpu.enqueue_indirect_dma source(%dma_start3A_412 : memref<1000000x32xf32, #tpu.memory_space<hbm>>) target(%dma_start3A_406 : memref<26x32xf32, #tpu.memory_space<vmem>>) offsets(%dma_start3A_409 : memref<26xi32, #tpu.memory_space<vmem>>) semaphore(%arg11 : memref<!tpu.dma_semaphore, #tpu.memory_space<semaphore_mem>>)
    %dma_start3A_413 = arith.constant 0 : i32
    %dma_start3A_414 = arith.constant 28 : i32
    %dma_start3A_415 = arith.constant 728 : i32
    %dma_start3A_416 = arith.constant 0 : i32
    %dma_start3A_417 = tpu.memref_slice %arg8[%dma_start3A_415, %dma_start3A_416] : memref<832x32xf32, #tpu.memory_space<vmem>> -> memref<26x32xf32, #tpu.memory_space<vmem>>
    %dma_start3A_418 = arith.constant 0 : i32
    %dma_start3A_419 = tpu.memref_slice %arg6[%dma_start3A_413, %dma_start3A_414, %dma_start3A_418] : memref<2x64x26xi32, #tpu.memory_space<vmem>> -> memref<1x1x26xi32, #tpu.memory_space<vmem>>
    %dma_start3A_420 = tpu.memref_squeeze %dma_start3A_419 : memref<1x1x26xi32, #tpu.memory_space<vmem>> -> memref<26xi32, #tpu.memory_space<vmem>>
    %dma_start3A_421 = arith.constant 0 : i32
    %dma_start3A_422 = arith.constant 0 : i32
    %dma_start3A_423 = tpu.memref_slice %arg2[%dma_start3A_421, %dma_start3A_422] : memref<1000000x32xf32, #tpu.memory_space<hbm>> -> memref<1000000x32xf32, #tpu.memory_space<hbm>>
    tpu.enqueue_indirect_dma source(%dma_start3A_423 : memref<1000000x32xf32, #tpu.memory_space<hbm>>) target(%dma_start3A_417 : memref<26x32xf32, #tpu.memory_space<vmem>>) offsets(%dma_start3A_420 : memref<26xi32, #tpu.memory_space<vmem>>) semaphore(%arg11 : memref<!tpu.dma_semaphore, #tpu.memory_space<semaphore_mem>>)
    %dma_start3A_424 = arith.constant 0 : i32
    %dma_start3A_425 = arith.constant 29 : i32
    %dma_start3A_426 = arith.constant 754 : i32
    %dma_start3A_427 = arith.constant 0 : i32
    %dma_start3A_428 = tpu.memref_slice %arg8[%dma_start3A_426, %dma_start3A_427] : memref<832x32xf32, #tpu.memory_space<vmem>> -> memref<26x32xf32, #tpu.memory_space<vmem>>
    %dma_start3A_429 = arith.constant 0 : i32
    %dma_start3A_430 = tpu.memref_slice %arg6[%dma_start3A_424, %dma_start3A_425, %dma_start3A_429] : memref<2x64x26xi32, #tpu.memory_space<vmem>> -> memref<1x1x26xi32, #tpu.memory_space<vmem>>
    %dma_start3A_431 = tpu.memref_squeeze %dma_start3A_430 : memref<1x1x26xi32, #tpu.memory_space<vmem>> -> memref<26xi32, #tpu.memory_space<vmem>>
    %dma_start3A_432 = arith.constant 0 : i32
    %dma_start3A_433 = arith.constant 0 : i32
    %dma_start3A_434 = tpu.memref_slice %arg2[%dma_start3A_432, %dma_start3A_433] : memref<1000000x32xf32, #tpu.memory_space<hbm>> -> memref<1000000x32xf32, #tpu.memory_space<hbm>>
    tpu.enqueue_indirect_dma source(%dma_start3A_434 : memref<1000000x32xf32, #tpu.memory_space<hbm>>) target(%dma_start3A_428 : memref<26x32xf32, #tpu.memory_space<vmem>>) offsets(%dma_start3A_431 : memref<26xi32, #tpu.memory_space<vmem>>) semaphore(%arg11 : memref<!tpu.dma_semaphore, #tpu.memory_space<semaphore_mem>>)
    %dma_start3A_435 = arith.constant 0 : i32
    %dma_start3A_436 = arith.constant 30 : i32
    %dma_start3A_437 = arith.constant 780 : i32
    %dma_start3A_438 = arith.constant 0 : i32
    %dma_start3A_439 = tpu.memref_slice %arg8[%dma_start3A_437, %dma_start3A_438] : memref<832x32xf32, #tpu.memory_space<vmem>> -> memref<26x32xf32, #tpu.memory_space<vmem>>
    %dma_start3A_440 = arith.constant 0 : i32
    %dma_start3A_441 = tpu.memref_slice %arg6[%dma_start3A_435, %dma_start3A_436, %dma_start3A_440] : memref<2x64x26xi32, #tpu.memory_space<vmem>> -> memref<1x1x26xi32, #tpu.memory_space<vmem>>
    %dma_start3A_442 = tpu.memref_squeeze %dma_start3A_441 : memref<1x1x26xi32, #tpu.memory_space<vmem>> -> memref<26xi32, #tpu.memory_space<vmem>>
    %dma_start3A_443 = arith.constant 0 : i32
    %dma_start3A_444 = arith.constant 0 : i32
    %dma_start3A_445 = tpu.memref_slice %arg2[%dma_start3A_443, %dma_start3A_444] : memref<1000000x32xf32, #tpu.memory_space<hbm>> -> memref<1000000x32xf32, #tpu.memory_space<hbm>>
    tpu.enqueue_indirect_dma source(%dma_start3A_445 : memref<1000000x32xf32, #tpu.memory_space<hbm>>) target(%dma_start3A_439 : memref<26x32xf32, #tpu.memory_space<vmem>>) offsets(%dma_start3A_442 : memref<26xi32, #tpu.memory_space<vmem>>) semaphore(%arg11 : memref<!tpu.dma_semaphore, #tpu.memory_space<semaphore_mem>>)
    %dma_start3A_446 = arith.constant 0 : i32
    %dma_start3A_447 = arith.constant 31 : i32
    %dma_start3A_448 = arith.constant 806 : i32
    %dma_start3A_449 = arith.constant 0 : i32
    %dma_start3A_450 = tpu.memref_slice %arg8[%dma_start3A_448, %dma_start3A_449] : memref<832x32xf32, #tpu.memory_space<vmem>> -> memref<26x32xf32, #tpu.memory_space<vmem>>
    %dma_start3A_451 = arith.constant 0 : i32
    %dma_start3A_452 = tpu.memref_slice %arg6[%dma_start3A_446, %dma_start3A_447, %dma_start3A_451] : memref<2x64x26xi32, #tpu.memory_space<vmem>> -> memref<1x1x26xi32, #tpu.memory_space<vmem>>
    %dma_start3A_453 = tpu.memref_squeeze %dma_start3A_452 : memref<1x1x26xi32, #tpu.memory_space<vmem>> -> memref<26xi32, #tpu.memory_space<vmem>>
    %dma_start3A_454 = arith.constant 0 : i32
    %dma_start3A_455 = arith.constant 0 : i32
    %dma_start3A_456 = tpu.memref_slice %arg2[%dma_start3A_454, %dma_start3A_455] : memref<1000000x32xf32, #tpu.memory_space<hbm>> -> memref<1000000x32xf32, #tpu.memory_space<hbm>>
    tpu.enqueue_indirect_dma source(%dma_start3A_456 : memref<1000000x32xf32, #tpu.memory_space<hbm>>) target(%dma_start3A_450 : memref<26x32xf32, #tpu.memory_space<vmem>>) offsets(%dma_start3A_453 : memref<26xi32, #tpu.memory_space<vmem>>) semaphore(%arg11 : memref<!tpu.dma_semaphore, #tpu.memory_space<semaphore_mem>>)
    %mul3A_457 = arith.constant 25 : i32
    %mul3A_458 = arith.muli %add3A, %mul3A_457 : i32
    %add3A_459 = arith.constant 1 : i32
    %add3A_460 = arith.addi %mul3A_458, %add3A_459 : i32
    %jit3A_461 = arith.constant 16 : i32
    %div3A_462 = arith.divsi %add3A_460, %jit3A_461 : i32
    %sign3A_463 = arith.constant 0 : i32
    %sign3A_464 = arith.cmpi sgt, %add3A_460, %sign3A_463 : i32
    %sign3A_465 = arith.extui %sign3A_464 : i1 to i32
    %sign3A_466 = arith.constant 0 : i32
    %sign3A_467 = arith.cmpi slt, %add3A_460, %sign3A_466 : i32
    %sign3A_468 = arith.extui %sign3A_467 : i1 to i32
    %sign3A_469 = arith.subi %sign3A_465, %sign3A_468 : i32
    %sign3A_470 = arith.constant 0 : i32
    %sign3A_471 = arith.cmpi sgt, %jit3A_461, %sign3A_470 : i32
    %sign3A_472 = arith.extui %sign3A_471 : i1 to i32
    %sign3A_473 = arith.constant 0 : i32
    %sign3A_474 = arith.cmpi slt, %jit3A_461, %sign3A_473 : i32
    %sign3A_475 = arith.extui %sign3A_474 : i1 to i32
    %sign3A_476 = arith.subi %sign3A_472, %sign3A_475 : i32
    %ne3A_477 = arith.cmpi ne, %sign3A_469, %sign3A_476 : i32
    %rem3A_478 = arith.remsi %add3A_460, %jit3A_461 : i32
    %ne3A_479 = arith.constant 0 : i32
    %ne3A_480 = arith.cmpi ne, %rem3A_478, %ne3A_479 : i32
    %and3A_481 = arith.andi %ne3A_477, %ne3A_480 : i1
    %sub3A_482 = arith.constant 1 : i32
    %sub3A_483 = arith.subi %div3A_462, %sub3A_482 : i32
    %select_n3A_484 = arith.select %and3A_481, %sub3A_483, %div3A_462 : i32
    %jit3A_485 = arith.constant 16 : i32
    %eq3A_486 = arith.constant 0 : i32
    %eq3A_487 = arith.cmpi eq, %jit3A_485, %eq3A_486 : i32
    %jit3A_488 = arith.constant 1 : i32
    %select_n3A_489 = arith.select %eq3A_487, %jit3A_488, %jit3A_485 : i32
    %rem3A_490 = arith.remsi %add3A_460, %select_n3A_489 : i32
    %ne3A_491 = arith.constant 0 : i32
    %ne3A_492 = arith.cmpi ne, %rem3A_490, %ne3A_491 : i32
    %lt3A_493 = arith.constant 0 : i32
    %lt3A_494 = arith.cmpi slt, %rem3A_490, %lt3A_493 : i32
    %lt3A_495 = arith.constant 0 : i32
    %lt3A_496 = arith.cmpi slt, %select_n3A_489, %lt3A_495 : i32
    %ne3A_497 = arith.xori %lt3A_494, %lt3A_496 : i1
    %and3A_498 = arith.andi %ne3A_497, %ne3A_492 : i1
    %add3A_499 = arith.addi %rem3A_490, %select_n3A_489 : i32
    %select_n3A_500 = arith.select %and3A_498, %add3A_499, %rem3A_490 : i32
    %mul3A_501 = arith.constant 64 : i32
    %mul3A_502 = arith.muli %select_n3A_500, %mul3A_501 : i32
    %multiple_of3A_503 = tpu.assume_multiple %mul3A_502, 8 : i32
    %dma_start3A_504 = arith.constant 1 : i32
    %dma_start3A_505 = arith.constant 0 : i32
    %dma_start3A_506 = arith.constant 0 : i32
    %dma_start3A_507 = tpu.memref_slice %arg6[%dma_start3A_504, %dma_start3A_505, %dma_start3A_506] : memref<2x64x26xi32, #tpu.memory_space<vmem>> -> memref<1x64x26xi32, #tpu.memory_space<vmem>>
    %dma_start3A_508 = tpu.memref_squeeze %dma_start3A_507 : memref<1x64x26xi32, #tpu.memory_space<vmem>> -> memref<64x26xi32, #tpu.memory_space<vmem>>
    %dma_start3A_509 = arith.constant 0 : i32
    %dma_start3A_510 = tpu.memref_slice %arg3[%multiple_of3A_503, %select_n3A_484, %dma_start3A_509] : memref<1024x50x26xi32, #tpu.memory_space<hbm>> -> memref<64x1x26xi32, #tpu.memory_space<hbm>>
    %dma_start3A_511 = tpu.memref_squeeze %dma_start3A_510 : memref<64x1x26xi32, #tpu.memory_space<hbm>> -> memref<64x26xi32, #tpu.memory_space<hbm>>
    %dma_start3A_512 = arith.constant 0 : i32
    %dma_start3A_513 = arith.constant 0 : i32
    %dma_start3A_514 = tpu.memref_slice %arg6[%dma_start3A_504, %dma_start3A_512, %dma_start3A_513] : memref<2x64x26xi32, #tpu.memory_space<vmem>> -> memref<1x64x26xi32, #tpu.memory_space<vmem>>
    %dma_start3A_515 = tpu.memref_squeeze %dma_start3A_514 : memref<1x64x26xi32, #tpu.memory_space<vmem>> -> memref<64x26xi32, #tpu.memory_space<vmem>>
    %dma_start3A_516 = arith.constant 0 : i32
    %dma_start3A_517 = tpu.memref_slice %arg3[%multiple_of3A_503, %select_n3A_484, %dma_start3A_516] : memref<1024x50x26xi32, #tpu.memory_space<hbm>> -> memref<64x1x26xi32, #tpu.memory_space<hbm>>
    %dma_start3A_518 = tpu.memref_squeeze %dma_start3A_517 : memref<64x1x26xi32, #tpu.memory_space<hbm>> -> memref<64x26xi32, #tpu.memory_space<hbm>>
    tpu.enqueue_dma source(%dma_start3A_518 : memref<64x26xi32, #tpu.memory_space<hbm>>) target(%dma_start3A_515 : memref<64x26xi32, #tpu.memory_space<vmem>>) target_semaphore(%arg14 : memref<!tpu.dma_semaphore, #tpu.memory_space<semaphore_mem>>)
    %scan3A = arith.constant 0 : i32
    %scan3A_519 = arith.constant 0 : i32
    %scan3A_520 = arith.constant 25 : i32
    %scan3A_521 = arith.addi %scan3A_519, %scan3A_520 : i32
    %scan3A_522 = arith.constant 1 : i32
    scf.for %scan3A_544 = %scan3A_519 to %scan3A_521 step %scan3A_522  : i32 {
      %rem3A_545 = arith.constant 2 : i32
      %rem3A_546 = arith.remsi %scan3A_544, %rem3A_545 : i32
      %dma_start3A_547 = arith.constant 32 : i32
      %dma_start3A_548 = arith.constant 0 : i32
      %dma_start3A_549 = arith.constant 0 : i32
      %dma_start3A_550 = tpu.memref_slice %arg9[%dma_start3A_548, %dma_start3A_549] : memref<832x32xf32, #tpu.memory_space<vmem>> -> memref<26x32xf32, #tpu.memory_space<vmem>>
      %dma_start3A_551 = arith.constant 0 : i32
      %dma_start3A_552 = tpu.memref_slice %arg6[%rem3A_546, %dma_start3A_547, %dma_start3A_551] : memref<2x64x26xi32, #tpu.memory_space<vmem>> -> memref<1x1x26xi32, #tpu.memory_space<vmem>>
      %dma_start3A_553 = tpu.memref_squeeze %dma_start3A_552 : memref<1x1x26xi32, #tpu.memory_space<vmem>> -> memref<26xi32, #tpu.memory_space<vmem>>
      %dma_start3A_554 = arith.constant 0 : i32
      %dma_start3A_555 = arith.constant 0 : i32
      %dma_start3A_556 = tpu.memref_slice %arg2[%dma_start3A_554, %dma_start3A_555] : memref<1000000x32xf32, #tpu.memory_space<hbm>> -> memref<1000000x32xf32, #tpu.memory_space<hbm>>
      tpu.enqueue_indirect_dma source(%dma_start3A_556 : memref<1000000x32xf32, #tpu.memory_space<hbm>>) target(%dma_start3A_550 : memref<26x32xf32, #tpu.memory_space<vmem>>) offsets(%dma_start3A_553 : memref<26xi32, #tpu.memory_space<vmem>>) semaphore(%arg12 : memref<!tpu.dma_semaphore, #tpu.memory_space<semaphore_mem>>)
      %dma_start3A_557 = arith.constant 33 : i32
      %dma_start3A_558 = arith.constant 26 : i32
      %dma_start3A_559 = arith.constant 0 : i32
      %dma_start3A_560 = tpu.memref_slice %arg9[%dma_start3A_558, %dma_start3A_559] : memref<832x32xf32, #tpu.memory_space<vmem>> -> memref<26x32xf32, #tpu.memory_space<vmem>>
      %dma_start3A_561 = arith.constant 0 : i32
      %dma_start3A_562 = tpu.memref_slice %arg6[%rem3A_546, %dma_start3A_557, %dma_start3A_561] : memref<2x64x26xi32, #tpu.memory_space<vmem>> -> memref<1x1x26xi32, #tpu.memory_space<vmem>>
      %dma_start3A_563 = tpu.memref_squeeze %dma_start3A_562 : memref<1x1x26xi32, #tpu.memory_space<vmem>> -> memref<26xi32, #tpu.memory_space<vmem>>
      %dma_start3A_564 = arith.constant 0 : i32
      %dma_start3A_565 = arith.constant 0 : i32
      %dma_start3A_566 = tpu.memref_slice %arg2[%dma_start3A_564, %dma_start3A_565] : memref<1000000x32xf32, #tpu.memory_space<hbm>> -> memref<1000000x32xf32, #tpu.memory_space<hbm>>
      tpu.enqueue_indirect_dma source(%dma_start3A_566 : memref<1000000x32xf32, #tpu.memory_space<hbm>>) target(%dma_start3A_560 : memref<26x32xf32, #tpu.memory_space<vmem>>) offsets(%dma_start3A_563 : memref<26xi32, #tpu.memory_space<vmem>>) semaphore(%arg12 : memref<!tpu.dma_semaphore, #tpu.memory_space<semaphore_mem>>)
      %dma_start3A_567 = arith.constant 34 : i32
      %dma_start3A_568 = arith.constant 52 : i32
      %dma_start3A_569 = arith.constant 0 : i32
      %dma_start3A_570 = tpu.memref_slice %arg9[%dma_start3A_568, %dma_start3A_569] : memref<832x32xf32, #tpu.memory_space<vmem>> -> memref<26x32xf32, #tpu.memory_space<vmem>>
      %dma_start3A_571 = arith.constant 0 : i32
      %dma_start3A_572 = tpu.memref_slice %arg6[%rem3A_546, %dma_start3A_567, %dma_start3A_571] : memref<2x64x26xi32, #tpu.memory_space<vmem>> -> memref<1x1x26xi32, #tpu.memory_space<vmem>>
      %dma_start3A_573 = tpu.memref_squeeze %dma_start3A_572 : memref<1x1x26xi32, #tpu.memory_space<vmem>> -> memref<26xi32, #tpu.memory_space<vmem>>
      %dma_start3A_574 = arith.constant 0 : i32
      %dma_start3A_575 = arith.constant 0 : i32
      %dma_start3A_576 = tpu.memref_slice %arg2[%dma_start3A_574, %dma_start3A_575] : memref<1000000x32xf32, #tpu.memory_space<hbm>> -> memref<1000000x32xf32, #tpu.memory_space<hbm>>
      tpu.enqueue_indirect_dma source(%dma_start3A_576 : memref<1000000x32xf32, #tpu.memory_space<hbm>>) target(%dma_start3A_570 : memref<26x32xf32, #tpu.memory_space<vmem>>) offsets(%dma_start3A_573 : memref<26xi32, #tpu.memory_space<vmem>>) semaphore(%arg12 : memref<!tpu.dma_semaphore, #tpu.memory_space<semaphore_mem>>)
      %dma_start3A_577 = arith.constant 35 : i32
      %dma_start3A_578 = arith.constant 78 : i32
      %dma_start3A_579 = arith.constant 0 : i32
      %dma_start3A_580 = tpu.memref_slice %arg9[%dma_start3A_578, %dma_start3A_579] : memref<832x32xf32, #tpu.memory_space<vmem>> -> memref<26x32xf32, #tpu.memory_space<vmem>>
      %dma_start3A_581 = arith.constant 0 : i32
      %dma_start3A_582 = tpu.memref_slice %arg6[%rem3A_546, %dma_start3A_577, %dma_start3A_581] : memref<2x64x26xi32, #tpu.memory_space<vmem>> -> memref<1x1x26xi32, #tpu.memory_space<vmem>>
      %dma_start3A_583 = tpu.memref_squeeze %dma_start3A_582 : memref<1x1x26xi32, #tpu.memory_space<vmem>> -> memref<26xi32, #tpu.memory_space<vmem>>
      %dma_start3A_584 = arith.constant 0 : i32
      %dma_start3A_585 = arith.constant 0 : i32
      %dma_start3A_586 = tpu.memref_slice %arg2[%dma_start3A_584, %dma_start3A_585] : memref<1000000x32xf32, #tpu.memory_space<hbm>> -> memref<1000000x32xf32, #tpu.memory_space<hbm>>
      tpu.enqueue_indirect_dma source(%dma_start3A_586 : memref<1000000x32xf32, #tpu.memory_space<hbm>>) target(%dma_start3A_580 : memref<26x32xf32, #tpu.memory_space<vmem>>) offsets(%dma_start3A_583 : memref<26xi32, #tpu.memory_space<vmem>>) semaphore(%arg12 : memref<!tpu.dma_semaphore, #tpu.memory_space<semaphore_mem>>)
      %dma_start3A_587 = arith.constant 36 : i32
      %dma_start3A_588 = arith.constant 104 : i32
      %dma_start3A_589 = arith.constant 0 : i32
      %dma_start3A_590 = tpu.memref_slice %arg9[%dma_start3A_588, %dma_start3A_589] : memref<832x32xf32, #tpu.memory_space<vmem>> -> memref<26x32xf32, #tpu.memory_space<vmem>>
      %dma_start3A_591 = arith.constant 0 : i32
      %dma_start3A_592 = tpu.memref_slice %arg6[%rem3A_546, %dma_start3A_587, %dma_start3A_591] : memref<2x64x26xi32, #tpu.memory_space<vmem>> -> memref<1x1x26xi32, #tpu.memory_space<vmem>>
      %dma_start3A_593 = tpu.memref_squeeze %dma_start3A_592 : memref<1x1x26xi32, #tpu.memory_space<vmem>> -> memref<26xi32, #tpu.memory_space<vmem>>
      %dma_start3A_594 = arith.constant 0 : i32
      %dma_start3A_595 = arith.constant 0 : i32
      %dma_start3A_596 = tpu.memref_slice %arg2[%dma_start3A_594, %dma_start3A_595] : memref<1000000x32xf32, #tpu.memory_space<hbm>> -> memref<1000000x32xf32, #tpu.memory_space<hbm>>
      tpu.enqueue_indirect_dma source(%dma_start3A_596 : memref<1000000x32xf32, #tpu.memory_space<hbm>>) target(%dma_start3A_590 : memref<26x32xf32, #tpu.memory_space<vmem>>) offsets(%dma_start3A_593 : memref<26xi32, #tpu.memory_space<vmem>>) semaphore(%arg12 : memref<!tpu.dma_semaphore, #tpu.memory_space<semaphore_mem>>)
      %dma_start3A_597 = arith.constant 37 : i32
      %dma_start3A_598 = arith.constant 130 : i32
      %dma_start3A_599 = arith.constant 0 : i32
      %dma_start3A_600 = tpu.memref_slice %arg9[%dma_start3A_598, %dma_start3A_599] : memref<832x32xf32, #tpu.memory_space<vmem>> -> memref<26x32xf32, #tpu.memory_space<vmem>>
      %dma_start3A_601 = arith.constant 0 : i32
      %dma_start3A_602 = tpu.memref_slice %arg6[%rem3A_546, %dma_start3A_597, %dma_start3A_601] : memref<2x64x26xi32, #tpu.memory_space<vmem>> -> memref<1x1x26xi32, #tpu.memory_space<vmem>>
      %dma_start3A_603 = tpu.memref_squeeze %dma_start3A_602 : memref<1x1x26xi32, #tpu.memory_space<vmem>> -> memref<26xi32, #tpu.memory_space<vmem>>
      %dma_start3A_604 = arith.constant 0 : i32
      %dma_start3A_605 = arith.constant 0 : i32
      %dma_start3A_606 = tpu.memref_slice %arg2[%dma_start3A_604, %dma_start3A_605] : memref<1000000x32xf32, #tpu.memory_space<hbm>> -> memref<1000000x32xf32, #tpu.memory_space<hbm>>
      tpu.enqueue_indirect_dma source(%dma_start3A_606 : memref<1000000x32xf32, #tpu.memory_space<hbm>>) target(%dma_start3A_600 : memref<26x32xf32, #tpu.memory_space<vmem>>) offsets(%dma_start3A_603 : memref<26xi32, #tpu.memory_space<vmem>>) semaphore(%arg12 : memref<!tpu.dma_semaphore, #tpu.memory_space<semaphore_mem>>)
      %dma_start3A_607 = arith.constant 38 : i32
      %dma_start3A_608 = arith.constant 156 : i32
      %dma_start3A_609 = arith.constant 0 : i32
      %dma_start3A_610 = tpu.memref_slice %arg9[%dma_start3A_608, %dma_start3A_609] : memref<832x32xf32, #tpu.memory_space<vmem>> -> memref<26x32xf32, #tpu.memory_space<vmem>>
      %dma_start3A_611 = arith.constant 0 : i32
      %dma_start3A_612 = tpu.memref_slice %arg6[%rem3A_546, %dma_start3A_607, %dma_start3A_611] : memref<2x64x26xi32, #tpu.memory_space<vmem>> -> memref<1x1x26xi32, #tpu.memory_space<vmem>>
      %dma_start3A_613 = tpu.memref_squeeze %dma_start3A_612 : memref<1x1x26xi32, #tpu.memory_space<vmem>> -> memref<26xi32, #tpu.memory_space<vmem>>
      %dma_start3A_614 = arith.constant 0 : i32
      %dma_start3A_615 = arith.constant 0 : i32
      %dma_start3A_616 = tpu.memref_slice %arg2[%dma_start3A_614, %dma_start3A_615] : memref<1000000x32xf32, #tpu.memory_space<hbm>> -> memref<1000000x32xf32, #tpu.memory_space<hbm>>
      tpu.enqueue_indirect_dma source(%dma_start3A_616 : memref<1000000x32xf32, #tpu.memory_space<hbm>>) target(%dma_start3A_610 : memref<26x32xf32, #tpu.memory_space<vmem>>) offsets(%dma_start3A_613 : memref<26xi32, #tpu.memory_space<vmem>>) semaphore(%arg12 : memref<!tpu.dma_semaphore, #tpu.memory_space<semaphore_mem>>)
      %dma_start3A_617 = arith.constant 39 : i32
      %dma_start3A_618 = arith.constant 182 : i32
      %dma_start3A_619 = arith.constant 0 : i32
      %dma_start3A_620 = tpu.memref_slice %arg9[%dma_start3A_618, %dma_start3A_619] : memref<832x32xf32, #tpu.memory_space<vmem>> -> memref<26x32xf32, #tpu.memory_space<vmem>>
      %dma_start3A_621 = arith.constant 0 : i32
      %dma_start3A_622 = tpu.memref_slice %arg6[%rem3A_546, %dma_start3A_617, %dma_start3A_621] : memref<2x64x26xi32, #tpu.memory_space<vmem>> -> memref<1x1x26xi32, #tpu.memory_space<vmem>>
      %dma_start3A_623 = tpu.memref_squeeze %dma_start3A_622 : memref<1x1x26xi32, #tpu.memory_space<vmem>> -> memref<26xi32, #tpu.memory_space<vmem>>
      %dma_start3A_624 = arith.constant 0 : i32
      %dma_start3A_625 = arith.constant 0 : i32
      %dma_start3A_626 = tpu.memref_slice %arg2[%dma_start3A_624, %dma_start3A_625] : memref<1000000x32xf32, #tpu.memory_space<hbm>> -> memref<1000000x32xf32, #tpu.memory_space<hbm>>
      tpu.enqueue_indirect_dma source(%dma_start3A_626 : memref<1000000x32xf32, #tpu.memory_space<hbm>>) target(%dma_start3A_620 : memref<26x32xf32, #tpu.memory_space<vmem>>) offsets(%dma_start3A_623 : memref<26xi32, #tpu.memory_space<vmem>>) semaphore(%arg12 : memref<!tpu.dma_semaphore, #tpu.memory_space<semaphore_mem>>)
      %dma_start3A_627 = arith.constant 40 : i32
      %dma_start3A_628 = arith.constant 208 : i32
      %dma_start3A_629 = arith.constant 0 : i32
      %dma_start3A_630 = tpu.memref_slice %arg9[%dma_start3A_628, %dma_start3A_629] : memref<832x32xf32, #tpu.memory_space<vmem>> -> memref<26x32xf32, #tpu.memory_space<vmem>>
      %dma_start3A_631 = arith.constant 0 : i32
      %dma_start3A_632 = tpu.memref_slice %arg6[%rem3A_546, %dma_start3A_627, %dma_start3A_631] : memref<2x64x26xi32, #tpu.memory_space<vmem>> -> memref<1x1x26xi32, #tpu.memory_space<vmem>>
      %dma_start3A_633 = tpu.memref_squeeze %dma_start3A_632 : memref<1x1x26xi32, #tpu.memory_space<vmem>> -> memref<26xi32, #tpu.memory_space<vmem>>
      %dma_start3A_634 = arith.constant 0 : i32
      %dma_start3A_635 = arith.constant 0 : i32
      %dma_start3A_636 = tpu.memref_slice %arg2[%dma_start3A_634, %dma_start3A_635] : memref<1000000x32xf32, #tpu.memory_space<hbm>> -> memref<1000000x32xf32, #tpu.memory_space<hbm>>
      tpu.enqueue_indirect_dma source(%dma_start3A_636 : memref<1000000x32xf32, #tpu.memory_space<hbm>>) target(%dma_start3A_630 : memref<26x32xf32, #tpu.memory_space<vmem>>) offsets(%dma_start3A_633 : memref<26xi32, #tpu.memory_space<vmem>>) semaphore(%arg12 : memref<!tpu.dma_semaphore, #tpu.memory_space<semaphore_mem>>)
      %dma_start3A_637 = arith.constant 41 : i32
      %dma_start3A_638 = arith.constant 234 : i32
      %dma_start3A_639 = arith.constant 0 : i32
      %dma_start3A_640 = tpu.memref_slice %arg9[%dma_start3A_638, %dma_start3A_639] : memref<832x32xf32, #tpu.memory_space<vmem>> -> memref<26x32xf32, #tpu.memory_space<vmem>>
      %dma_start3A_641 = arith.constant 0 : i32
      %dma_start3A_642 = tpu.memref_slice %arg6[%rem3A_546, %dma_start3A_637, %dma_start3A_641] : memref<2x64x26xi32, #tpu.memory_space<vmem>> -> memref<1x1x26xi32, #tpu.memory_space<vmem>>
      %dma_start3A_643 = tpu.memref_squeeze %dma_start3A_642 : memref<1x1x26xi32, #tpu.memory_space<vmem>> -> memref<26xi32, #tpu.memory_space<vmem>>
      %dma_start3A_644 = arith.constant 0 : i32
      %dma_start3A_645 = arith.constant 0 : i32
      %dma_start3A_646 = tpu.memref_slice %arg2[%dma_start3A_644, %dma_start3A_645] : memref<1000000x32xf32, #tpu.memory_space<hbm>> -> memref<1000000x32xf32, #tpu.memory_space<hbm>>
      tpu.enqueue_indirect_dma source(%dma_start3A_646 : memref<1000000x32xf32, #tpu.memory_space<hbm>>) target(%dma_start3A_640 : memref<26x32xf32, #tpu.memory_space<vmem>>) offsets(%dma_start3A_643 : memref<26xi32, #tpu.memory_space<vmem>>) semaphore(%arg12 : memref<!tpu.dma_semaphore, #tpu.memory_space<semaphore_mem>>)
      %dma_start3A_647 = arith.constant 42 : i32
      %dma_start3A_648 = arith.constant 260 : i32
      %dma_start3A_649 = arith.constant 0 : i32
      %dma_start3A_650 = tpu.memref_slice %arg9[%dma_start3A_648, %dma_start3A_649] : memref<832x32xf32, #tpu.memory_space<vmem>> -> memref<26x32xf32, #tpu.memory_space<vmem>>
      %dma_start3A_651 = arith.constant 0 : i32
      %dma_start3A_652 = tpu.memref_slice %arg6[%rem3A_546, %dma_start3A_647, %dma_start3A_651] : memref<2x64x26xi32, #tpu.memory_space<vmem>> -> memref<1x1x26xi32, #tpu.memory_space<vmem>>
      %dma_start3A_653 = tpu.memref_squeeze %dma_start3A_652 : memref<1x1x26xi32, #tpu.memory_space<vmem>> -> memref<26xi32, #tpu.memory_space<vmem>>
      %dma_start3A_654 = arith.constant 0 : i32
      %dma_start3A_655 = arith.constant 0 : i32
      %dma_start3A_656 = tpu.memref_slice %arg2[%dma_start3A_654, %dma_start3A_655] : memref<1000000x32xf32, #tpu.memory_space<hbm>> -> memref<1000000x32xf32, #tpu.memory_space<hbm>>
      tpu.enqueue_indirect_dma source(%dma_start3A_656 : memref<1000000x32xf32, #tpu.memory_space<hbm>>) target(%dma_start3A_650 : memref<26x32xf32, #tpu.memory_space<vmem>>) offsets(%dma_start3A_653 : memref<26xi32, #tpu.memory_space<vmem>>) semaphore(%arg12 : memref<!tpu.dma_semaphore, #tpu.memory_space<semaphore_mem>>)
      %dma_start3A_657 = arith.constant 43 : i32
      %dma_start3A_658 = arith.constant 286 : i32
      %dma_start3A_659 = arith.constant 0 : i32
      %dma_start3A_660 = tpu.memref_slice %arg9[%dma_start3A_658, %dma_start3A_659] : memref<832x32xf32, #tpu.memory_space<vmem>> -> memref<26x32xf32, #tpu.memory_space<vmem>>
      %dma_start3A_661 = arith.constant 0 : i32
      %dma_start3A_662 = tpu.memref_slice %arg6[%rem3A_546, %dma_start3A_657, %dma_start3A_661] : memref<2x64x26xi32, #tpu.memory_space<vmem>> -> memref<1x1x26xi32, #tpu.memory_space<vmem>>
      %dma_start3A_663 = tpu.memref_squeeze %dma_start3A_662 : memref<1x1x26xi32, #tpu.memory_space<vmem>> -> memref<26xi32, #tpu.memory_space<vmem>>
      %dma_start3A_664 = arith.constant 0 : i32
      %dma_start3A_665 = arith.constant 0 : i32
      %dma_start3A_666 = tpu.memref_slice %arg2[%dma_start3A_664, %dma_start3A_665] : memref<1000000x32xf32, #tpu.memory_space<hbm>> -> memref<1000000x32xf32, #tpu.memory_space<hbm>>
      tpu.enqueue_indirect_dma source(%dma_start3A_666 : memref<1000000x32xf32, #tpu.memory_space<hbm>>) target(%dma_start3A_660 : memref<26x32xf32, #tpu.memory_space<vmem>>) offsets(%dma_start3A_663 : memref<26xi32, #tpu.memory_space<vmem>>) semaphore(%arg12 : memref<!tpu.dma_semaphore, #tpu.memory_space<semaphore_mem>>)
      %dma_start3A_667 = arith.constant 44 : i32
      %dma_start3A_668 = arith.constant 312 : i32
      %dma_start3A_669 = arith.constant 0 : i32
      %dma_start3A_670 = tpu.memref_slice %arg9[%dma_start3A_668, %dma_start3A_669] : memref<832x32xf32, #tpu.memory_space<vmem>> -> memref<26x32xf32, #tpu.memory_space<vmem>>
      %dma_start3A_671 = arith.constant 0 : i32
      %dma_start3A_672 = tpu.memref_slice %arg6[%rem3A_546, %dma_start3A_667, %dma_start3A_671] : memref<2x64x26xi32, #tpu.memory_space<vmem>> -> memref<1x1x26xi32, #tpu.memory_space<vmem>>
      %dma_start3A_673 = tpu.memref_squeeze %dma_start3A_672 : memref<1x1x26xi32, #tpu.memory_space<vmem>> -> memref<26xi32, #tpu.memory_space<vmem>>
      %dma_start3A_674 = arith.constant 0 : i32
      %dma_start3A_675 = arith.constant 0 : i32
      %dma_start3A_676 = tpu.memref_slice %arg2[%dma_start3A_674, %dma_start3A_675] : memref<1000000x32xf32, #tpu.memory_space<hbm>> -> memref<1000000x32xf32, #tpu.memory_space<hbm>>
      tpu.enqueue_indirect_dma source(%dma_start3A_676 : memref<1000000x32xf32, #tpu.memory_space<hbm>>) target(%dma_start3A_670 : memref<26x32xf32, #tpu.memory_space<vmem>>) offsets(%dma_start3A_673 : memref<26xi32, #tpu.memory_space<vmem>>) semaphore(%arg12 : memref<!tpu.dma_semaphore, #tpu.memory_space<semaphore_mem>>)
      %dma_start3A_677 = arith.constant 45 : i32
      %dma_start3A_678 = arith.constant 338 : i32
      %dma_start3A_679 = arith.constant 0 : i32
      %dma_start3A_680 = tpu.memref_slice %arg9[%dma_start3A_678, %dma_start3A_679] : memref<832x32xf32, #tpu.memory_space<vmem>> -> memref<26x32xf32, #tpu.memory_space<vmem>>
      %dma_start3A_681 = arith.constant 0 : i32
      %dma_start3A_682 = tpu.memref_slice %arg6[%rem3A_546, %dma_start3A_677, %dma_start3A_681] : memref<2x64x26xi32, #tpu.memory_space<vmem>> -> memref<1x1x26xi32, #tpu.memory_space<vmem>>
      %dma_start3A_683 = tpu.memref_squeeze %dma_start3A_682 : memref<1x1x26xi32, #tpu.memory_space<vmem>> -> memref<26xi32, #tpu.memory_space<vmem>>
      %dma_start3A_684 = arith.constant 0 : i32
      %dma_start3A_685 = arith.constant 0 : i32
      %dma_start3A_686 = tpu.memref_slice %arg2[%dma_start3A_684, %dma_start3A_685] : memref<1000000x32xf32, #tpu.memory_space<hbm>> -> memref<1000000x32xf32, #tpu.memory_space<hbm>>
      tpu.enqueue_indirect_dma source(%dma_start3A_686 : memref<1000000x32xf32, #tpu.memory_space<hbm>>) target(%dma_start3A_680 : memref<26x32xf32, #tpu.memory_space<vmem>>) offsets(%dma_start3A_683 : memref<26xi32, #tpu.memory_space<vmem>>) semaphore(%arg12 : memref<!tpu.dma_semaphore, #tpu.memory_space<semaphore_mem>>)
      %dma_start3A_687 = arith.constant 46 : i32
      %dma_start3A_688 = arith.constant 364 : i32
      %dma_start3A_689 = arith.constant 0 : i32
      %dma_start3A_690 = tpu.memref_slice %arg9[%dma_start3A_688, %dma_start3A_689] : memref<832x32xf32, #tpu.memory_space<vmem>> -> memref<26x32xf32, #tpu.memory_space<vmem>>
      %dma_start3A_691 = arith.constant 0 : i32
      %dma_start3A_692 = tpu.memref_slice %arg6[%rem3A_546, %dma_start3A_687, %dma_start3A_691] : memref<2x64x26xi32, #tpu.memory_space<vmem>> -> memref<1x1x26xi32, #tpu.memory_space<vmem>>
      %dma_start3A_693 = tpu.memref_squeeze %dma_start3A_692 : memref<1x1x26xi32, #tpu.memory_space<vmem>> -> memref<26xi32, #tpu.memory_space<vmem>>
      %dma_start3A_694 = arith.constant 0 : i32
      %dma_start3A_695 = arith.constant 0 : i32
      %dma_start3A_696 = tpu.memref_slice %arg2[%dma_start3A_694, %dma_start3A_695] : memref<1000000x32xf32, #tpu.memory_space<hbm>> -> memref<1000000x32xf32, #tpu.memory_space<hbm>>
      tpu.enqueue_indirect_dma source(%dma_start3A_696 : memref<1000000x32xf32, #tpu.memory_space<hbm>>) target(%dma_start3A_690 : memref<26x32xf32, #tpu.memory_space<vmem>>) offsets(%dma_start3A_693 : memref<26xi32, #tpu.memory_space<vmem>>) semaphore(%arg12 : memref<!tpu.dma_semaphore, #tpu.memory_space<semaphore_mem>>)
      %dma_start3A_697 = arith.constant 47 : i32
      %dma_start3A_698 = arith.constant 390 : i32
      %dma_start3A_699 = arith.constant 0 : i32
      %dma_start3A_700 = tpu.memref_slice %arg9[%dma_start3A_698, %dma_start3A_699] : memref<832x32xf32, #tpu.memory_space<vmem>> -> memref<26x32xf32, #tpu.memory_space<vmem>>
      %dma_start3A_701 = arith.constant 0 : i32
      %dma_start3A_702 = tpu.memref_slice %arg6[%rem3A_546, %dma_start3A_697, %dma_start3A_701] : memref<2x64x26xi32, #tpu.memory_space<vmem>> -> memref<1x1x26xi32, #tpu.memory_space<vmem>>
      %dma_start3A_703 = tpu.memref_squeeze %dma_start3A_702 : memref<1x1x26xi32, #tpu.memory_space<vmem>> -> memref<26xi32, #tpu.memory_space<vmem>>
      %dma_start3A_704 = arith.constant 0 : i32
      %dma_start3A_705 = arith.constant 0 : i32
      %dma_start3A_706 = tpu.memref_slice %arg2[%dma_start3A_704, %dma_start3A_705] : memref<1000000x32xf32, #tpu.memory_space<hbm>> -> memref<1000000x32xf32, #tpu.memory_space<hbm>>
      tpu.enqueue_indirect_dma source(%dma_start3A_706 : memref<1000000x32xf32, #tpu.memory_space<hbm>>) target(%dma_start3A_700 : memref<26x32xf32, #tpu.memory_space<vmem>>) offsets(%dma_start3A_703 : memref<26xi32, #tpu.memory_space<vmem>>) semaphore(%arg12 : memref<!tpu.dma_semaphore, #tpu.memory_space<semaphore_mem>>)
      %dma_start3A_707 = arith.constant 48 : i32
      %dma_start3A_708 = arith.constant 416 : i32
      %dma_start3A_709 = arith.constant 0 : i32
      %dma_start3A_710 = tpu.memref_slice %arg9[%dma_start3A_708, %dma_start3A_709] : memref<832x32xf32, #tpu.memory_space<vmem>> -> memref<26x32xf32, #tpu.memory_space<vmem>>
      %dma_start3A_711 = arith.constant 0 : i32
      %dma_start3A_712 = tpu.memref_slice %arg6[%rem3A_546, %dma_start3A_707, %dma_start3A_711] : memref<2x64x26xi32, #tpu.memory_space<vmem>> -> memref<1x1x26xi32, #tpu.memory_space<vmem>>
      %dma_start3A_713 = tpu.memref_squeeze %dma_start3A_712 : memref<1x1x26xi32, #tpu.memory_space<vmem>> -> memref<26xi32, #tpu.memory_space<vmem>>
      %dma_start3A_714 = arith.constant 0 : i32
      %dma_start3A_715 = arith.constant 0 : i32
      %dma_start3A_716 = tpu.memref_slice %arg2[%dma_start3A_714, %dma_start3A_715] : memref<1000000x32xf32, #tpu.memory_space<hbm>> -> memref<1000000x32xf32, #tpu.memory_space<hbm>>
      tpu.enqueue_indirect_dma source(%dma_start3A_716 : memref<1000000x32xf32, #tpu.memory_space<hbm>>) target(%dma_start3A_710 : memref<26x32xf32, #tpu.memory_space<vmem>>) offsets(%dma_start3A_713 : memref<26xi32, #tpu.memory_space<vmem>>) semaphore(%arg12 : memref<!tpu.dma_semaphore, #tpu.memory_space<semaphore_mem>>)
      %dma_start3A_717 = arith.constant 49 : i32
      %dma_start3A_718 = arith.constant 442 : i32
      %dma_start3A_719 = arith.constant 0 : i32
      %dma_start3A_720 = tpu.memref_slice %arg9[%dma_start3A_718, %dma_start3A_719] : memref<832x32xf32, #tpu.memory_space<vmem>> -> memref<26x32xf32, #tpu.memory_space<vmem>>
      %dma_start3A_721 = arith.constant 0 : i32
      %dma_start3A_722 = tpu.memref_slice %arg6[%rem3A_546, %dma_start3A_717, %dma_start3A_721] : memref<2x64x26xi32, #tpu.memory_space<vmem>> -> memref<1x1x26xi32, #tpu.memory_space<vmem>>
      %dma_start3A_723 = tpu.memref_squeeze %dma_start3A_722 : memref<1x1x26xi32, #tpu.memory_space<vmem>> -> memref<26xi32, #tpu.memory_space<vmem>>
      %dma_start3A_724 = arith.constant 0 : i32
      %dma_start3A_725 = arith.constant 0 : i32
      %dma_start3A_726 = tpu.memref_slice %arg2[%dma_start3A_724, %dma_start3A_725] : memref<1000000x32xf32, #tpu.memory_space<hbm>> -> memref<1000000x32xf32, #tpu.memory_space<hbm>>
      tpu.enqueue_indirect_dma source(%dma_start3A_726 : memref<1000000x32xf32, #tpu.memory_space<hbm>>) target(%dma_start3A_720 : memref<26x32xf32, #tpu.memory_space<vmem>>) offsets(%dma_start3A_723 : memref<26xi32, #tpu.memory_space<vmem>>) semaphore(%arg12 : memref<!tpu.dma_semaphore, #tpu.memory_space<semaphore_mem>>)
      %dma_start3A_727 = arith.constant 50 : i32
      %dma_start3A_728 = arith.constant 468 : i32
      %dma_start3A_729 = arith.constant 0 : i32
      %dma_start3A_730 = tpu.memref_slice %arg9[%dma_start3A_728, %dma_start3A_729] : memref<832x32xf32, #tpu.memory_space<vmem>> -> memref<26x32xf32, #tpu.memory_space<vmem>>
      %dma_start3A_731 = arith.constant 0 : i32
      %dma_start3A_732 = tpu.memref_slice %arg6[%rem3A_546, %dma_start3A_727, %dma_start3A_731] : memref<2x64x26xi32, #tpu.memory_space<vmem>> -> memref<1x1x26xi32, #tpu.memory_space<vmem>>
      %dma_start3A_733 = tpu.memref_squeeze %dma_start3A_732 : memref<1x1x26xi32, #tpu.memory_space<vmem>> -> memref<26xi32, #tpu.memory_space<vmem>>
      %dma_start3A_734 = arith.constant 0 : i32
      %dma_start3A_735 = arith.constant 0 : i32
      %dma_start3A_736 = tpu.memref_slice %arg2[%dma_start3A_734, %dma_start3A_735] : memref<1000000x32xf32, #tpu.memory_space<hbm>> -> memref<1000000x32xf32, #tpu.memory_space<hbm>>
      tpu.enqueue_indirect_dma source(%dma_start3A_736 : memref<1000000x32xf32, #tpu.memory_space<hbm>>) target(%dma_start3A_730 : memref<26x32xf32, #tpu.memory_space<vmem>>) offsets(%dma_start3A_733 : memref<26xi32, #tpu.memory_space<vmem>>) semaphore(%arg12 : memref<!tpu.dma_semaphore, #tpu.memory_space<semaphore_mem>>)
      %dma_start3A_737 = arith.constant 51 : i32
      %dma_start3A_738 = arith.constant 494 : i32
      %dma_start3A_739 = arith.constant 0 : i32
      %dma_start3A_740 = tpu.memref_slice %arg9[%dma_start3A_738, %dma_start3A_739] : memref<832x32xf32, #tpu.memory_space<vmem>> -> memref<26x32xf32, #tpu.memory_space<vmem>>
      %dma_start3A_741 = arith.constant 0 : i32
      %dma_start3A_742 = tpu.memref_slice %arg6[%rem3A_546, %dma_start3A_737, %dma_start3A_741] : memref<2x64x26xi32, #tpu.memory_space<vmem>> -> memref<1x1x26xi32, #tpu.memory_space<vmem>>
      %dma_start3A_743 = tpu.memref_squeeze %dma_start3A_742 : memref<1x1x26xi32, #tpu.memory_space<vmem>> -> memref<26xi32, #tpu.memory_space<vmem>>
      %dma_start3A_744 = arith.constant 0 : i32
      %dma_start3A_745 = arith.constant 0 : i32
      %dma_start3A_746 = tpu.memref_slice %arg2[%dma_start3A_744, %dma_start3A_745] : memref<1000000x32xf32, #tpu.memory_space<hbm>> -> memref<1000000x32xf32, #tpu.memory_space<hbm>>
      tpu.enqueue_indirect_dma source(%dma_start3A_746 : memref<1000000x32xf32, #tpu.memory_space<hbm>>) target(%dma_start3A_740 : memref<26x32xf32, #tpu.memory_space<vmem>>) offsets(%dma_start3A_743 : memref<26xi32, #tpu.memory_space<vmem>>) semaphore(%arg12 : memref<!tpu.dma_semaphore, #tpu.memory_space<semaphore_mem>>)
      %dma_start3A_747 = arith.constant 52 : i32
      %dma_start3A_748 = arith.constant 520 : i32
      %dma_start3A_749 = arith.constant 0 : i32
      %dma_start3A_750 = tpu.memref_slice %arg9[%dma_start3A_748, %dma_start3A_749] : memref<832x32xf32, #tpu.memory_space<vmem>> -> memref<26x32xf32, #tpu.memory_space<vmem>>
      %dma_start3A_751 = arith.constant 0 : i32
      %dma_start3A_752 = tpu.memref_slice %arg6[%rem3A_546, %dma_start3A_747, %dma_start3A_751] : memref<2x64x26xi32, #tpu.memory_space<vmem>> -> memref<1x1x26xi32, #tpu.memory_space<vmem>>
      %dma_start3A_753 = tpu.memref_squeeze %dma_start3A_752 : memref<1x1x26xi32, #tpu.memory_space<vmem>> -> memref<26xi32, #tpu.memory_space<vmem>>
      %dma_start3A_754 = arith.constant 0 : i32
      %dma_start3A_755 = arith.constant 0 : i32
      %dma_start3A_756 = tpu.memref_slice %arg2[%dma_start3A_754, %dma_start3A_755] : memref<1000000x32xf32, #tpu.memory_space<hbm>> -> memref<1000000x32xf32, #tpu.memory_space<hbm>>
      tpu.enqueue_indirect_dma source(%dma_start3A_756 : memref<1000000x32xf32, #tpu.memory_space<hbm>>) target(%dma_start3A_750 : memref<26x32xf32, #tpu.memory_space<vmem>>) offsets(%dma_start3A_753 : memref<26xi32, #tpu.memory_space<vmem>>) semaphore(%arg12 : memref<!tpu.dma_semaphore, #tpu.memory_space<semaphore_mem>>)
      %dma_start3A_757 = arith.constant 53 : i32
      %dma_start3A_758 = arith.constant 546 : i32
      %dma_start3A_759 = arith.constant 0 : i32
      %dma_start3A_760 = tpu.memref_slice %arg9[%dma_start3A_758, %dma_start3A_759] : memref<832x32xf32, #tpu.memory_space<vmem>> -> memref<26x32xf32, #tpu.memory_space<vmem>>
      %dma_start3A_761 = arith.constant 0 : i32
      %dma_start3A_762 = tpu.memref_slice %arg6[%rem3A_546, %dma_start3A_757, %dma_start3A_761] : memref<2x64x26xi32, #tpu.memory_space<vmem>> -> memref<1x1x26xi32, #tpu.memory_space<vmem>>
      %dma_start3A_763 = tpu.memref_squeeze %dma_start3A_762 : memref<1x1x26xi32, #tpu.memory_space<vmem>> -> memref<26xi32, #tpu.memory_space<vmem>>
      %dma_start3A_764 = arith.constant 0 : i32
      %dma_start3A_765 = arith.constant 0 : i32
      %dma_start3A_766 = tpu.memref_slice %arg2[%dma_start3A_764, %dma_start3A_765] : memref<1000000x32xf32, #tpu.memory_space<hbm>> -> memref<1000000x32xf32, #tpu.memory_space<hbm>>
      tpu.enqueue_indirect_dma source(%dma_start3A_766 : memref<1000000x32xf32, #tpu.memory_space<hbm>>) target(%dma_start3A_760 : memref<26x32xf32, #tpu.memory_space<vmem>>) offsets(%dma_start3A_763 : memref<26xi32, #tpu.memory_space<vmem>>) semaphore(%arg12 : memref<!tpu.dma_semaphore, #tpu.memory_space<semaphore_mem>>)
      %dma_start3A_767 = arith.constant 54 : i32
      %dma_start3A_768 = arith.constant 572 : i32
      %dma_start3A_769 = arith.constant 0 : i32
      %dma_start3A_770 = tpu.memref_slice %arg9[%dma_start3A_768, %dma_start3A_769] : memref<832x32xf32, #tpu.memory_space<vmem>> -> memref<26x32xf32, #tpu.memory_space<vmem>>
      %dma_start3A_771 = arith.constant 0 : i32
      %dma_start3A_772 = tpu.memref_slice %arg6[%rem3A_546, %dma_start3A_767, %dma_start3A_771] : memref<2x64x26xi32, #tpu.memory_space<vmem>> -> memref<1x1x26xi32, #tpu.memory_space<vmem>>
      %dma_start3A_773 = tpu.memref_squeeze %dma_start3A_772 : memref<1x1x26xi32, #tpu.memory_space<vmem>> -> memref<26xi32, #tpu.memory_space<vmem>>
      %dma_start3A_774 = arith.constant 0 : i32
      %dma_start3A_775 = arith.constant 0 : i32
      %dma_start3A_776 = tpu.memref_slice %arg2[%dma_start3A_774, %dma_start3A_775] : memref<1000000x32xf32, #tpu.memory_space<hbm>> -> memref<1000000x32xf32, #tpu.memory_space<hbm>>
      tpu.enqueue_indirect_dma source(%dma_start3A_776 : memref<1000000x32xf32, #tpu.memory_space<hbm>>) target(%dma_start3A_770 : memref<26x32xf32, #tpu.memory_space<vmem>>) offsets(%dma_start3A_773 : memref<26xi32, #tpu.memory_space<vmem>>) semaphore(%arg12 : memref<!tpu.dma_semaphore, #tpu.memory_space<semaphore_mem>>)
      %dma_start3A_777 = arith.constant 55 : i32
      %dma_start3A_778 = arith.constant 598 : i32
      %dma_start3A_779 = arith.constant 0 : i32
      %dma_start3A_780 = tpu.memref_slice %arg9[%dma_start3A_778, %dma_start3A_779] : memref<832x32xf32, #tpu.memory_space<vmem>> -> memref<26x32xf32, #tpu.memory_space<vmem>>
      %dma_start3A_781 = arith.constant 0 : i32
      %dma_start3A_782 = tpu.memref_slice %arg6[%rem3A_546, %dma_start3A_777, %dma_start3A_781] : memref<2x64x26xi32, #tpu.memory_space<vmem>> -> memref<1x1x26xi32, #tpu.memory_space<vmem>>
      %dma_start3A_783 = tpu.memref_squeeze %dma_start3A_782 : memref<1x1x26xi32, #tpu.memory_space<vmem>> -> memref<26xi32, #tpu.memory_space<vmem>>
      %dma_start3A_784 = arith.constant 0 : i32
      %dma_start3A_785 = arith.constant 0 : i32
      %dma_start3A_786 = tpu.memref_slice %arg2[%dma_start3A_784, %dma_start3A_785] : memref<1000000x32xf32, #tpu.memory_space<hbm>> -> memref<1000000x32xf32, #tpu.memory_space<hbm>>
      tpu.enqueue_indirect_dma source(%dma_start3A_786 : memref<1000000x32xf32, #tpu.memory_space<hbm>>) target(%dma_start3A_780 : memref<26x32xf32, #tpu.memory_space<vmem>>) offsets(%dma_start3A_783 : memref<26xi32, #tpu.memory_space<vmem>>) semaphore(%arg12 : memref<!tpu.dma_semaphore, #tpu.memory_space<semaphore_mem>>)
      %dma_start3A_787 = arith.constant 56 : i32
      %dma_start3A_788 = arith.constant 624 : i32
      %dma_start3A_789 = arith.constant 0 : i32
      %dma_start3A_790 = tpu.memref_slice %arg9[%dma_start3A_788, %dma_start3A_789] : memref<832x32xf32, #tpu.memory_space<vmem>> -> memref<26x32xf32, #tpu.memory_space<vmem>>
      %dma_start3A_791 = arith.constant 0 : i32
      %dma_start3A_792 = tpu.memref_slice %arg6[%rem3A_546, %dma_start3A_787, %dma_start3A_791] : memref<2x64x26xi32, #tpu.memory_space<vmem>> -> memref<1x1x26xi32, #tpu.memory_space<vmem>>
      %dma_start3A_793 = tpu.memref_squeeze %dma_start3A_792 : memref<1x1x26xi32, #tpu.memory_space<vmem>> -> memref<26xi32, #tpu.memory_space<vmem>>
      %dma_start3A_794 = arith.constant 0 : i32
      %dma_start3A_795 = arith.constant 0 : i32
      %dma_start3A_796 = tpu.memref_slice %arg2[%dma_start3A_794, %dma_start3A_795] : memref<1000000x32xf32, #tpu.memory_space<hbm>> -> memref<1000000x32xf32, #tpu.memory_space<hbm>>
      tpu.enqueue_indirect_dma source(%dma_start3A_796 : memref<1000000x32xf32, #tpu.memory_space<hbm>>) target(%dma_start3A_790 : memref<26x32xf32, #tpu.memory_space<vmem>>) offsets(%dma_start3A_793 : memref<26xi32, #tpu.memory_space<vmem>>) semaphore(%arg12 : memref<!tpu.dma_semaphore, #tpu.memory_space<semaphore_mem>>)
      %dma_start3A_797 = arith.constant 57 : i32
      %dma_start3A_798 = arith.constant 650 : i32
      %dma_start3A_799 = arith.constant 0 : i32
      %dma_start3A_800 = tpu.memref_slice %arg9[%dma_start3A_798, %dma_start3A_799] : memref<832x32xf32, #tpu.memory_space<vmem>> -> memref<26x32xf32, #tpu.memory_space<vmem>>
      %dma_start3A_801 = arith.constant 0 : i32
      %dma_start3A_802 = tpu.memref_slice %arg6[%rem3A_546, %dma_start3A_797, %dma_start3A_801] : memref<2x64x26xi32, #tpu.memory_space<vmem>> -> memref<1x1x26xi32, #tpu.memory_space<vmem>>
      %dma_start3A_803 = tpu.memref_squeeze %dma_start3A_802 : memref<1x1x26xi32, #tpu.memory_space<vmem>> -> memref<26xi32, #tpu.memory_space<vmem>>
      %dma_start3A_804 = arith.constant 0 : i32
      %dma_start3A_805 = arith.constant 0 : i32
      %dma_start3A_806 = tpu.memref_slice %arg2[%dma_start3A_804, %dma_start3A_805] : memref<1000000x32xf32, #tpu.memory_space<hbm>> -> memref<1000000x32xf32, #tpu.memory_space<hbm>>
      tpu.enqueue_indirect_dma source(%dma_start3A_806 : memref<1000000x32xf32, #tpu.memory_space<hbm>>) target(%dma_start3A_800 : memref<26x32xf32, #tpu.memory_space<vmem>>) offsets(%dma_start3A_803 : memref<26xi32, #tpu.memory_space<vmem>>) semaphore(%arg12 : memref<!tpu.dma_semaphore, #tpu.memory_space<semaphore_mem>>)
      %dma_start3A_807 = arith.constant 58 : i32
      %dma_start3A_808 = arith.constant 676 : i32
      %dma_start3A_809 = arith.constant 0 : i32
      %dma_start3A_810 = tpu.memref_slice %arg9[%dma_start3A_808, %dma_start3A_809] : memref<832x32xf32, #tpu.memory_space<vmem>> -> memref<26x32xf32, #tpu.memory_space<vmem>>
      %dma_start3A_811 = arith.constant 0 : i32
      %dma_start3A_812 = tpu.memref_slice %arg6[%rem3A_546, %dma_start3A_807, %dma_start3A_811] : memref<2x64x26xi32, #tpu.memory_space<vmem>> -> memref<1x1x26xi32, #tpu.memory_space<vmem>>
      %dma_start3A_813 = tpu.memref_squeeze %dma_start3A_812 : memref<1x1x26xi32, #tpu.memory_space<vmem>> -> memref<26xi32, #tpu.memory_space<vmem>>
      %dma_start3A_814 = arith.constant 0 : i32
      %dma_start3A_815 = arith.constant 0 : i32
      %dma_start3A_816 = tpu.memref_slice %arg2[%dma_start3A_814, %dma_start3A_815] : memref<1000000x32xf32, #tpu.memory_space<hbm>> -> memref<1000000x32xf32, #tpu.memory_space<hbm>>
      tpu.enqueue_indirect_dma source(%dma_start3A_816 : memref<1000000x32xf32, #tpu.memory_space<hbm>>) target(%dma_start3A_810 : memref<26x32xf32, #tpu.memory_space<vmem>>) offsets(%dma_start3A_813 : memref<26xi32, #tpu.memory_space<vmem>>) semaphore(%arg12 : memref<!tpu.dma_semaphore, #tpu.memory_space<semaphore_mem>>)
      %dma_start3A_817 = arith.constant 59 : i32
      %dma_start3A_818 = arith.constant 702 : i32
      %dma_start3A_819 = arith.constant 0 : i32
      %dma_start3A_820 = tpu.memref_slice %arg9[%dma_start3A_818, %dma_start3A_819] : memref<832x32xf32, #tpu.memory_space<vmem>> -> memref<26x32xf32, #tpu.memory_space<vmem>>
      %dma_start3A_821 = arith.constant 0 : i32
      %dma_start3A_822 = tpu.memref_slice %arg6[%rem3A_546, %dma_start3A_817, %dma_start3A_821] : memref<2x64x26xi32, #tpu.memory_space<vmem>> -> memref<1x1x26xi32, #tpu.memory_space<vmem>>
      %dma_start3A_823 = tpu.memref_squeeze %dma_start3A_822 : memref<1x1x26xi32, #tpu.memory_space<vmem>> -> memref<26xi32, #tpu.memory_space<vmem>>
      %dma_start3A_824 = arith.constant 0 : i32
      %dma_start3A_825 = arith.constant 0 : i32
      %dma_start3A_826 = tpu.memref_slice %arg2[%dma_start3A_824, %dma_start3A_825] : memref<1000000x32xf32, #tpu.memory_space<hbm>> -> memref<1000000x32xf32, #tpu.memory_space<hbm>>
      tpu.enqueue_indirect_dma source(%dma_start3A_826 : memref<1000000x32xf32, #tpu.memory_space<hbm>>) target(%dma_start3A_820 : memref<26x32xf32, #tpu.memory_space<vmem>>) offsets(%dma_start3A_823 : memref<26xi32, #tpu.memory_space<vmem>>) semaphore(%arg12 : memref<!tpu.dma_semaphore, #tpu.memory_space<semaphore_mem>>)
      %dma_start3A_827 = arith.constant 60 : i32
      %dma_start3A_828 = arith.constant 728 : i32
      %dma_start3A_829 = arith.constant 0 : i32
      %dma_start3A_830 = tpu.memref_slice %arg9[%dma_start3A_828, %dma_start3A_829] : memref<832x32xf32, #tpu.memory_space<vmem>> -> memref<26x32xf32, #tpu.memory_space<vmem>>
      %dma_start3A_831 = arith.constant 0 : i32
      %dma_start3A_832 = tpu.memref_slice %arg6[%rem3A_546, %dma_start3A_827, %dma_start3A_831] : memref<2x64x26xi32, #tpu.memory_space<vmem>> -> memref<1x1x26xi32, #tpu.memory_space<vmem>>
      %dma_start3A_833 = tpu.memref_squeeze %dma_start3A_832 : memref<1x1x26xi32, #tpu.memory_space<vmem>> -> memref<26xi32, #tpu.memory_space<vmem>>
      %dma_start3A_834 = arith.constant 0 : i32
      %dma_start3A_835 = arith.constant 0 : i32
      %dma_start3A_836 = tpu.memref_slice %arg2[%dma_start3A_834, %dma_start3A_835] : memref<1000000x32xf32, #tpu.memory_space<hbm>> -> memref<1000000x32xf32, #tpu.memory_space<hbm>>
      tpu.enqueue_indirect_dma source(%dma_start3A_836 : memref<1000000x32xf32, #tpu.memory_space<hbm>>) target(%dma_start3A_830 : memref<26x32xf32, #tpu.memory_space<vmem>>) offsets(%dma_start3A_833 : memref<26xi32, #tpu.memory_space<vmem>>) semaphore(%arg12 : memref<!tpu.dma_semaphore, #tpu.memory_space<semaphore_mem>>)
      %dma_start3A_837 = arith.constant 61 : i32
      %dma_start3A_838 = arith.constant 754 : i32
      %dma_start3A_839 = arith.constant 0 : i32
      %dma_start3A_840 = tpu.memref_slice %arg9[%dma_start3A_838, %dma_start3A_839] : memref<832x32xf32, #tpu.memory_space<vmem>> -> memref<26x32xf32, #tpu.memory_space<vmem>>
      %dma_start3A_841 = arith.constant 0 : i32
      %dma_start3A_842 = tpu.memref_slice %arg6[%rem3A_546, %dma_start3A_837, %dma_start3A_841] : memref<2x64x26xi32, #tpu.memory_space<vmem>> -> memref<1x1x26xi32, #tpu.memory_space<vmem>>
      %dma_start3A_843 = tpu.memref_squeeze %dma_start3A_842 : memref<1x1x26xi32, #tpu.memory_space<vmem>> -> memref<26xi32, #tpu.memory_space<vmem>>
      %dma_start3A_844 = arith.constant 0 : i32
      %dma_start3A_845 = arith.constant 0 : i32
      %dma_start3A_846 = tpu.memref_slice %arg2[%dma_start3A_844, %dma_start3A_845] : memref<1000000x32xf32, #tpu.memory_space<hbm>> -> memref<1000000x32xf32, #tpu.memory_space<hbm>>
      tpu.enqueue_indirect_dma source(%dma_start3A_846 : memref<1000000x32xf32, #tpu.memory_space<hbm>>) target(%dma_start3A_840 : memref<26x32xf32, #tpu.memory_space<vmem>>) offsets(%dma_start3A_843 : memref<26xi32, #tpu.memory_space<vmem>>) semaphore(%arg12 : memref<!tpu.dma_semaphore, #tpu.memory_space<semaphore_mem>>)
      %dma_start3A_847 = arith.constant 62 : i32
      %dma_start3A_848 = arith.constant 780 : i32
      %dma_start3A_849 = arith.constant 0 : i32
      %dma_start3A_850 = tpu.memref_slice %arg9[%dma_start3A_848, %dma_start3A_849] : memref<832x32xf32, #tpu.memory_space<vmem>> -> memref<26x32xf32, #tpu.memory_space<vmem>>
      %dma_start3A_851 = arith.constant 0 : i32
      %dma_start3A_852 = tpu.memref_slice %arg6[%rem3A_546, %dma_start3A_847, %dma_start3A_851] : memref<2x64x26xi32, #tpu.memory_space<vmem>> -> memref<1x1x26xi32, #tpu.memory_space<vmem>>
      %dma_start3A_853 = tpu.memref_squeeze %dma_start3A_852 : memref<1x1x26xi32, #tpu.memory_space<vmem>> -> memref<26xi32, #tpu.memory_space<vmem>>
      %dma_start3A_854 = arith.constant 0 : i32
      %dma_start3A_855 = arith.constant 0 : i32
      %dma_start3A_856 = tpu.memref_slice %arg2[%dma_start3A_854, %dma_start3A_855] : memref<1000000x32xf32, #tpu.memory_space<hbm>> -> memref<1000000x32xf32, #tpu.memory_space<hbm>>
      tpu.enqueue_indirect_dma source(%dma_start3A_856 : memref<1000000x32xf32, #tpu.memory_space<hbm>>) target(%dma_start3A_850 : memref<26x32xf32, #tpu.memory_space<vmem>>) offsets(%dma_start3A_853 : memref<26xi32, #tpu.memory_space<vmem>>) semaphore(%arg12 : memref<!tpu.dma_semaphore, #tpu.memory_space<semaphore_mem>>)
      %dma_start3A_857 = arith.constant 63 : i32
      %dma_start3A_858 = arith.constant 806 : i32
      %dma_start3A_859 = arith.constant 0 : i32
      %dma_start3A_860 = tpu.memref_slice %arg9[%dma_start3A_858, %dma_start3A_859] : memref<832x32xf32, #tpu.memory_space<vmem>> -> memref<26x32xf32, #tpu.memory_space<vmem>>
      %dma_start3A_861 = arith.constant 0 : i32
      %dma_start3A_862 = tpu.memref_slice %arg6[%rem3A_546, %dma_start3A_857, %dma_start3A_861] : memref<2x64x26xi32, #tpu.memory_space<vmem>> -> memref<1x1x26xi32, #tpu.memory_space<vmem>>
      %dma_start3A_863 = tpu.memref_squeeze %dma_start3A_862 : memref<1x1x26xi32, #tpu.memory_space<vmem>> -> memref<26xi32, #tpu.memory_space<vmem>>
      %dma_start3A_864 = arith.constant 0 : i32
      %dma_start3A_865 = arith.constant 0 : i32
      %dma_start3A_866 = tpu.memref_slice %arg2[%dma_start3A_864, %dma_start3A_865] : memref<1000000x32xf32, #tpu.memory_space<hbm>> -> memref<1000000x32xf32, #tpu.memory_space<hbm>>
      tpu.enqueue_indirect_dma source(%dma_start3A_866 : memref<1000000x32xf32, #tpu.memory_space<hbm>>) target(%dma_start3A_860 : memref<26x32xf32, #tpu.memory_space<vmem>>) offsets(%dma_start3A_863 : memref<26xi32, #tpu.memory_space<vmem>>) semaphore(%arg12 : memref<!tpu.dma_semaphore, #tpu.memory_space<semaphore_mem>>)
      %dma_wait3A_867 = arith.constant 0 : i32
      %dma_wait3A_868 = arith.constant 0 : i32
      %dma_wait3A_869 = tpu.memref_slice %arg8[%dma_wait3A_867, %dma_wait3A_868] : memref<832x32xf32, #tpu.memory_space<vmem>> -> memref<26x32xf32, #tpu.memory_space<vmem>>
      %dma_wait3A_870 = arith.constant 0 : i32
      %dma_wait3A_871 = arith.constant 0 : i32
      %dma_wait3A_872 = tpu.memref_slice %arg2[%dma_wait3A_870, %dma_wait3A_871] : memref<1000000x32xf32, #tpu.memory_space<hbm>> -> memref<26x32xf32, #tpu.memory_space<hbm>>
      %dma_wait3A_873 = arith.constant 0 : i32
      %dma_wait3A_874 = arith.constant 0 : i32
      %dma_wait3A_875 = tpu.memref_slice %arg8[%dma_wait3A_873, %dma_wait3A_874] : memref<832x32xf32, #tpu.memory_space<vmem>> -> memref<26x32xf32, #tpu.memory_space<vmem>>
      %dma_wait3A_876 = arith.constant 0 : i32
      %dma_wait3A_877 = arith.constant 0 : i32
      %dma_wait3A_878 = tpu.memref_slice %arg2[%dma_wait3A_876, %dma_wait3A_877] : memref<1000000x32xf32, #tpu.memory_space<hbm>> -> memref<26x32xf32, #tpu.memory_space<hbm>>
      tpu.wait_dma2 semaphore(%arg11 : memref<!tpu.dma_semaphore, #tpu.memory_space<semaphore_mem>>) src(%dma_wait3A_878 : memref<26x32xf32, #tpu.memory_space<hbm>>) dst(%dma_wait3A_875 : memref<26x32xf32, #tpu.memory_space<vmem>>)
      %dma_wait3A_879 = arith.constant 0 : i32
      %dma_wait3A_880 = arith.constant 0 : i32
      %dma_wait3A_881 = tpu.memref_slice %arg8[%dma_wait3A_879, %dma_wait3A_880] : memref<832x32xf32, #tpu.memory_space<vmem>> -> memref<26x32xf32, #tpu.memory_space<vmem>>
      %dma_wait3A_882 = arith.constant 0 : i32
      %dma_wait3A_883 = arith.constant 0 : i32
      %dma_wait3A_884 = tpu.memref_slice %arg2[%dma_wait3A_882, %dma_wait3A_883] : memref<1000000x32xf32, #tpu.memory_space<hbm>> -> memref<26x32xf32, #tpu.memory_space<hbm>>
      %dma_wait3A_885 = arith.constant 0 : i32
      %dma_wait3A_886 = arith.constant 0 : i32
      %dma_wait3A_887 = tpu.memref_slice %arg8[%dma_wait3A_885, %dma_wait3A_886] : memref<832x32xf32, #tpu.memory_space<vmem>> -> memref<26x32xf32, #tpu.memory_space<vmem>>
      %dma_wait3A_888 = arith.constant 0 : i32
      %dma_wait3A_889 = arith.constant 0 : i32
      %dma_wait3A_890 = tpu.memref_slice %arg2[%dma_wait3A_888, %dma_wait3A_889] : memref<1000000x32xf32, #tpu.memory_space<hbm>> -> memref<26x32xf32, #tpu.memory_space<hbm>>
      tpu.wait_dma2 semaphore(%arg11 : memref<!tpu.dma_semaphore, #tpu.memory_space<semaphore_mem>>) src(%dma_wait3A_890 : memref<26x32xf32, #tpu.memory_space<hbm>>) dst(%dma_wait3A_887 : memref<26x32xf32, #tpu.memory_space<vmem>>)
      %dma_wait3A_891 = arith.constant 0 : i32
      %dma_wait3A_892 = arith.constant 0 : i32
      %dma_wait3A_893 = tpu.memref_slice %arg8[%dma_wait3A_891, %dma_wait3A_892] : memref<832x32xf32, #tpu.memory_space<vmem>> -> memref<26x32xf32, #tpu.memory_space<vmem>>
      %dma_wait3A_894 = arith.constant 0 : i32
      %dma_wait3A_895 = arith.constant 0 : i32
      %dma_wait3A_896 = tpu.memref_slice %arg2[%dma_wait3A_894, %dma_wait3A_895] : memref<1000000x32xf32, #tpu.memory_space<hbm>> -> memref<26x32xf32, #tpu.memory_space<hbm>>
      %dma_wait3A_897 = arith.constant 0 : i32
      %dma_wait3A_898 = arith.constant 0 : i32
      %dma_wait3A_899 = tpu.memref_slice %arg8[%dma_wait3A_897, %dma_wait3A_898] : memref<832x32xf32, #tpu.memory_space<vmem>> -> memref<26x32xf32, #tpu.memory_space<vmem>>
      %dma_wait3A_900 = arith.constant 0 : i32
      %dma_wait3A_901 = arith.constant 0 : i32
      %dma_wait3A_902 = tpu.memref_slice %arg2[%dma_wait3A_900, %dma_wait3A_901] : memref<1000000x32xf32, #tpu.memory_space<hbm>> -> memref<26x32xf32, #tpu.memory_space<hbm>>
      tpu.wait_dma2 semaphore(%arg11 : memref<!tpu.dma_semaphore, #tpu.memory_space<semaphore_mem>>) src(%dma_wait3A_902 : memref<26x32xf32, #tpu.memory_space<hbm>>) dst(%dma_wait3A_899 : memref<26x32xf32, #tpu.memory_space<vmem>>)
      %dma_wait3A_903 = arith.constant 0 : i32
      %dma_wait3A_904 = arith.constant 0 : i32
      %dma_wait3A_905 = tpu.memref_slice %arg8[%dma_wait3A_903, %dma_wait3A_904] : memref<832x32xf32, #tpu.memory_space<vmem>> -> memref<26x32xf32, #tpu.memory_space<vmem>>
      %dma_wait3A_906 = arith.constant 0 : i32
      %dma_wait3A_907 = arith.constant 0 : i32
      %dma_wait3A_908 = tpu.memref_slice %arg2[%dma_wait3A_906, %dma_wait3A_907] : memref<1000000x32xf32, #tpu.memory_space<hbm>> -> memref<26x32xf32, #tpu.memory_space<hbm>>
      %dma_wait3A_909 = arith.constant 0 : i32
      %dma_wait3A_910 = arith.constant 0 : i32
      %dma_wait3A_911 = tpu.memref_slice %arg8[%dma_wait3A_909, %dma_wait3A_910] : memref<832x32xf32, #tpu.memory_space<vmem>> -> memref<26x32xf32, #tpu.memory_space<vmem>>
      %dma_wait3A_912 = arith.constant 0 : i32
      %dma_wait3A_913 = arith.constant 0 : i32
      %dma_wait3A_914 = tpu.memref_slice %arg2[%dma_wait3A_912, %dma_wait3A_913] : memref<1000000x32xf32, #tpu.memory_space<hbm>> -> memref<26x32xf32, #tpu.memory_space<hbm>>
      tpu.wait_dma2 semaphore(%arg11 : memref<!tpu.dma_semaphore, #tpu.memory_space<semaphore_mem>>) src(%dma_wait3A_914 : memref<26x32xf32, #tpu.memory_space<hbm>>) dst(%dma_wait3A_911 : memref<26x32xf32, #tpu.memory_space<vmem>>)
      %dma_wait3A_915 = arith.constant 0 : i32
      %dma_wait3A_916 = arith.constant 0 : i32
      %dma_wait3A_917 = tpu.memref_slice %arg8[%dma_wait3A_915, %dma_wait3A_916] : memref<832x32xf32, #tpu.memory_space<vmem>> -> memref<26x32xf32, #tpu.memory_space<vmem>>
      %dma_wait3A_918 = arith.constant 0 : i32
      %dma_wait3A_919 = arith.constant 0 : i32
      %dma_wait3A_920 = tpu.memref_slice %arg2[%dma_wait3A_918, %dma_wait3A_919] : memref<1000000x32xf32, #tpu.memory_space<hbm>> -> memref<26x32xf32, #tpu.memory_space<hbm>>
      %dma_wait3A_921 = arith.constant 0 : i32
      %dma_wait3A_922 = arith.constant 0 : i32
      %dma_wait3A_923 = tpu.memref_slice %arg8[%dma_wait3A_921, %dma_wait3A_922] : memref<832x32xf32, #tpu.memory_space<vmem>> -> memref<26x32xf32, #tpu.memory_space<vmem>>
      %dma_wait3A_924 = arith.constant 0 : i32
      %dma_wait3A_925 = arith.constant 0 : i32
      %dma_wait3A_926 = tpu.memref_slice %arg2[%dma_wait3A_924, %dma_wait3A_925] : memref<1000000x32xf32, #tpu.memory_space<hbm>> -> memref<26x32xf32, #tpu.memory_space<hbm>>
      tpu.wait_dma2 semaphore(%arg11 : memref<!tpu.dma_semaphore, #tpu.memory_space<semaphore_mem>>) src(%dma_wait3A_926 : memref<26x32xf32, #tpu.memory_space<hbm>>) dst(%dma_wait3A_923 : memref<26x32xf32, #tpu.memory_space<vmem>>)
      %dma_wait3A_927 = arith.constant 0 : i32
      %dma_wait3A_928 = arith.constant 0 : i32
      %dma_wait3A_929 = tpu.memref_slice %arg8[%dma_wait3A_927, %dma_wait3A_928] : memref<832x32xf32, #tpu.memory_space<vmem>> -> memref<26x32xf32, #tpu.memory_space<vmem>>
      %dma_wait3A_930 = arith.constant 0 : i32
      %dma_wait3A_931 = arith.constant 0 : i32
      %dma_wait3A_932 = tpu.memref_slice %arg2[%dma_wait3A_930, %dma_wait3A_931] : memref<1000000x32xf32, #tpu.memory_space<hbm>> -> memref<26x32xf32, #tpu.memory_space<hbm>>
      %dma_wait3A_933 = arith.constant 0 : i32
      %dma_wait3A_934 = arith.constant 0 : i32
      %dma_wait3A_935 = tpu.memref_slice %arg8[%dma_wait3A_933, %dma_wait3A_934] : memref<832x32xf32, #tpu.memory_space<vmem>> -> memref<26x32xf32, #tpu.memory_space<vmem>>
      %dma_wait3A_936 = arith.constant 0 : i32
      %dma_wait3A_937 = arith.constant 0 : i32
      %dma_wait3A_938 = tpu.memref_slice %arg2[%dma_wait3A_936, %dma_wait3A_937] : memref<1000000x32xf32, #tpu.memory_space<hbm>> -> memref<26x32xf32, #tpu.memory_space<hbm>>
      tpu.wait_dma2 semaphore(%arg11 : memref<!tpu.dma_semaphore, #tpu.memory_space<semaphore_mem>>) src(%dma_wait3A_938 : memref<26x32xf32, #tpu.memory_space<hbm>>) dst(%dma_wait3A_935 : memref<26x32xf32, #tpu.memory_space<vmem>>)
      %dma_wait3A_939 = arith.constant 0 : i32
      %dma_wait3A_940 = arith.constant 0 : i32
      %dma_wait3A_941 = tpu.memref_slice %arg8[%dma_wait3A_939, %dma_wait3A_940] : memref<832x32xf32, #tpu.memory_space<vmem>> -> memref<26x32xf32, #tpu.memory_space<vmem>>
      %dma_wait3A_942 = arith.constant 0 : i32
      %dma_wait3A_943 = arith.constant 0 : i32
      %dma_wait3A_944 = tpu.memref_slice %arg2[%dma_wait3A_942, %dma_wait3A_943] : memref<1000000x32xf32, #tpu.memory_space<hbm>> -> memref<26x32xf32, #tpu.memory_space<hbm>>
      %dma_wait3A_945 = arith.constant 0 : i32
      %dma_wait3A_946 = arith.constant 0 : i32
      %dma_wait3A_947 = tpu.memref_slice %arg8[%dma_wait3A_945, %dma_wait3A_946] : memref<832x32xf32, #tpu.memory_space<vmem>> -> memref<26x32xf32, #tpu.memory_space<vmem>>
      %dma_wait3A_948 = arith.constant 0 : i32
      %dma_wait3A_949 = arith.constant 0 : i32
      %dma_wait3A_950 = tpu.memref_slice %arg2[%dma_wait3A_948, %dma_wait3A_949] : memref<1000000x32xf32, #tpu.memory_space<hbm>> -> memref<26x32xf32, #tpu.memory_space<hbm>>
      tpu.wait_dma2 semaphore(%arg11 : memref<!tpu.dma_semaphore, #tpu.memory_space<semaphore_mem>>) src(%dma_wait3A_950 : memref<26x32xf32, #tpu.memory_space<hbm>>) dst(%dma_wait3A_947 : memref<26x32xf32, #tpu.memory_space<vmem>>)
      %dma_wait3A_951 = arith.constant 0 : i32
      %dma_wait3A_952 = arith.constant 0 : i32
      %dma_wait3A_953 = tpu.memref_slice %arg8[%dma_wait3A_951, %dma_wait3A_952] : memref<832x32xf32, #tpu.memory_space<vmem>> -> memref<26x32xf32, #tpu.memory_space<vmem>>
      %dma_wait3A_954 = arith.constant 0 : i32
      %dma_wait3A_955 = arith.constant 0 : i32
      %dma_wait3A_956 = tpu.memref_slice %arg2[%dma_wait3A_954, %dma_wait3A_955] : memref<1000000x32xf32, #tpu.memory_space<hbm>> -> memref<26x32xf32, #tpu.memory_space<hbm>>
      %dma_wait3A_957 = arith.constant 0 : i32
      %dma_wait3A_958 = arith.constant 0 : i32
      %dma_wait3A_959 = tpu.memref_slice %arg8[%dma_wait3A_957, %dma_wait3A_958] : memref<832x32xf32, #tpu.memory_space<vmem>> -> memref<26x32xf32, #tpu.memory_space<vmem>>
      %dma_wait3A_960 = arith.constant 0 : i32
      %dma_wait3A_961 = arith.constant 0 : i32
      %dma_wait3A_962 = tpu.memref_slice %arg2[%dma_wait3A_960, %dma_wait3A_961] : memref<1000000x32xf32, #tpu.memory_space<hbm>> -> memref<26x32xf32, #tpu.memory_space<hbm>>
      tpu.wait_dma2 semaphore(%arg11 : memref<!tpu.dma_semaphore, #tpu.memory_space<semaphore_mem>>) src(%dma_wait3A_962 : memref<26x32xf32, #tpu.memory_space<hbm>>) dst(%dma_wait3A_959 : memref<26x32xf32, #tpu.memory_space<vmem>>)
      %dma_wait3A_963 = arith.constant 0 : i32
      %dma_wait3A_964 = arith.constant 0 : i32
      %dma_wait3A_965 = tpu.memref_slice %arg8[%dma_wait3A_963, %dma_wait3A_964] : memref<832x32xf32, #tpu.memory_space<vmem>> -> memref<26x32xf32, #tpu.memory_space<vmem>>
      %dma_wait3A_966 = arith.constant 0 : i32
      %dma_wait3A_967 = arith.constant 0 : i32
      %dma_wait3A_968 = tpu.memref_slice %arg2[%dma_wait3A_966, %dma_wait3A_967] : memref<1000000x32xf32, #tpu.memory_space<hbm>> -> memref<26x32xf32, #tpu.memory_space<hbm>>
      %dma_wait3A_969 = arith.constant 0 : i32
      %dma_wait3A_970 = arith.constant 0 : i32
      %dma_wait3A_971 = tpu.memref_slice %arg8[%dma_wait3A_969, %dma_wait3A_970] : memref<832x32xf32, #tpu.memory_space<vmem>> -> memref<26x32xf32, #tpu.memory_space<vmem>>
      %dma_wait3A_972 = arith.constant 0 : i32
      %dma_wait3A_973 = arith.constant 0 : i32
      %dma_wait3A_974 = tpu.memref_slice %arg2[%dma_wait3A_972, %dma_wait3A_973] : memref<1000000x32xf32, #tpu.memory_space<hbm>> -> memref<26x32xf32, #tpu.memory_space<hbm>>
      tpu.wait_dma2 semaphore(%arg11 : memref<!tpu.dma_semaphore, #tpu.memory_space<semaphore_mem>>) src(%dma_wait3A_974 : memref<26x32xf32, #tpu.memory_space<hbm>>) dst(%dma_wait3A_971 : memref<26x32xf32, #tpu.memory_space<vmem>>)
      %dma_wait3A_975 = arith.constant 0 : i32
      %dma_wait3A_976 = arith.constant 0 : i32
      %dma_wait3A_977 = tpu.memref_slice %arg8[%dma_wait3A_975, %dma_wait3A_976] : memref<832x32xf32, #tpu.memory_space<vmem>> -> memref<26x32xf32, #tpu.memory_space<vmem>>
      %dma_wait3A_978 = arith.constant 0 : i32
      %dma_wait3A_979 = arith.constant 0 : i32
      %dma_wait3A_980 = tpu.memref_slice %arg2[%dma_wait3A_978, %dma_wait3A_979] : memref<1000000x32xf32, #tpu.memory_space<hbm>> -> memref<26x32xf32, #tpu.memory_space<hbm>>
      %dma_wait3A_981 = arith.constant 0 : i32
      %dma_wait3A_982 = arith.constant 0 : i32
      %dma_wait3A_983 = tpu.memref_slice %arg8[%dma_wait3A_981, %dma_wait3A_982] : memref<832x32xf32, #tpu.memory_space<vmem>> -> memref<26x32xf32, #tpu.memory_space<vmem>>
      %dma_wait3A_984 = arith.constant 0 : i32
      %dma_wait3A_985 = arith.constant 0 : i32
      %dma_wait3A_986 = tpu.memref_slice %arg2[%dma_wait3A_984, %dma_wait3A_985] : memref<1000000x32xf32, #tpu.memory_space<hbm>> -> memref<26x32xf32, #tpu.memory_space<hbm>>
      tpu.wait_dma2 semaphore(%arg11 : memref<!tpu.dma_semaphore, #tpu.memory_space<semaphore_mem>>) src(%dma_wait3A_986 : memref<26x32xf32, #tpu.memory_space<hbm>>) dst(%dma_wait3A_983 : memref<26x32xf32, #tpu.memory_space<vmem>>)
      %dma_wait3A_987 = arith.constant 0 : i32
      %dma_wait3A_988 = arith.constant 0 : i32
      %dma_wait3A_989 = tpu.memref_slice %arg8[%dma_wait3A_987, %dma_wait3A_988] : memref<832x32xf32, #tpu.memory_space<vmem>> -> memref<26x32xf32, #tpu.memory_space<vmem>>
      %dma_wait3A_990 = arith.constant 0 : i32
      %dma_wait3A_991 = arith.constant 0 : i32
      %dma_wait3A_992 = tpu.memref_slice %arg2[%dma_wait3A_990, %dma_wait3A_991] : memref<1000000x32xf32, #tpu.memory_space<hbm>> -> memref<26x32xf32, #tpu.memory_space<hbm>>
      %dma_wait3A_993 = arith.constant 0 : i32
      %dma_wait3A_994 = arith.constant 0 : i32
      %dma_wait3A_995 = tpu.memref_slice %arg8[%dma_wait3A_993, %dma_wait3A_994] : memref<832x32xf32, #tpu.memory_space<vmem>> -> memref<26x32xf32, #tpu.memory_space<vmem>>
      %dma_wait3A_996 = arith.constant 0 : i32
      %dma_wait3A_997 = arith.constant 0 : i32
      %dma_wait3A_998 = tpu.memref_slice %arg2[%dma_wait3A_996, %dma_wait3A_997] : memref<1000000x32xf32, #tpu.memory_space<hbm>> -> memref<26x32xf32, #tpu.memory_space<hbm>>
      tpu.wait_dma2 semaphore(%arg11 : memref<!tpu.dma_semaphore, #tpu.memory_space<semaphore_mem>>) src(%dma_wait3A_998 : memref<26x32xf32, #tpu.memory_space<hbm>>) dst(%dma_wait3A_995 : memref<26x32xf32, #tpu.memory_space<vmem>>)
      %dma_wait3A_999 = arith.constant 0 : i32
      %dma_wait3A_1000 = arith.constant 0 : i32
      %dma_wait3A_1001 = tpu.memref_slice %arg8[%dma_wait3A_999, %dma_wait3A_1000] : memref<832x32xf32, #tpu.memory_space<vmem>> -> memref<26x32xf32, #tpu.memory_space<vmem>>
      %dma_wait3A_1002 = arith.constant 0 : i32
      %dma_wait3A_1003 = arith.constant 0 : i32
      %dma_wait3A_1004 = tpu.memref_slice %arg2[%dma_wait3A_1002, %dma_wait3A_1003] : memref<1000000x32xf32, #tpu.memory_space<hbm>> -> memref<26x32xf32, #tpu.memory_space<hbm>>
      %dma_wait3A_1005 = arith.constant 0 : i32
      %dma_wait3A_1006 = arith.constant 0 : i32
      %dma_wait3A_1007 = tpu.memref_slice %arg8[%dma_wait3A_1005, %dma_wait3A_1006] : memref<832x32xf32, #tpu.memory_space<vmem>> -> memref<26x32xf32, #tpu.memory_space<vmem>>
      %dma_wait3A_1008 = arith.constant 0 : i32
      %dma_wait3A_1009 = arith.constant 0 : i32
      %dma_wait3A_1010 = tpu.memref_slice %arg2[%dma_wait3A_1008, %dma_wait3A_1009] : memref<1000000x32xf32, #tpu.memory_space<hbm>> -> memref<26x32xf32, #tpu.memory_space<hbm>>
      tpu.wait_dma2 semaphore(%arg11 : memref<!tpu.dma_semaphore, #tpu.memory_space<semaphore_mem>>) src(%dma_wait3A_1010 : memref<26x32xf32, #tpu.memory_space<hbm>>) dst(%dma_wait3A_1007 : memref<26x32xf32, #tpu.memory_space<vmem>>)
      %dma_wait3A_1011 = arith.constant 0 : i32
      %dma_wait3A_1012 = arith.constant 0 : i32
      %dma_wait3A_1013 = tpu.memref_slice %arg8[%dma_wait3A_1011, %dma_wait3A_1012] : memref<832x32xf32, #tpu.memory_space<vmem>> -> memref<26x32xf32, #tpu.memory_space<vmem>>
      %dma_wait3A_1014 = arith.constant 0 : i32
      %dma_wait3A_1015 = arith.constant 0 : i32
      %dma_wait3A_1016 = tpu.memref_slice %arg2[%dma_wait3A_1014, %dma_wait3A_1015] : memref<1000000x32xf32, #tpu.memory_space<hbm>> -> memref<26x32xf32, #tpu.memory_space<hbm>>
      %dma_wait3A_1017 = arith.constant 0 : i32
      %dma_wait3A_1018 = arith.constant 0 : i32
      %dma_wait3A_1019 = tpu.memref_slice %arg8[%dma_wait3A_1017, %dma_wait3A_1018] : memref<832x32xf32, #tpu.memory_space<vmem>> -> memref<26x32xf32, #tpu.memory_space<vmem>>
      %dma_wait3A_1020 = arith.constant 0 : i32
      %dma_wait3A_1021 = arith.constant 0 : i32
      %dma_wait3A_1022 = tpu.memref_slice %arg2[%dma_wait3A_1020, %dma_wait3A_1021] : memref<1000000x32xf32, #tpu.memory_space<hbm>> -> memref<26x32xf32, #tpu.memory_space<hbm>>
      tpu.wait_dma2 semaphore(%arg11 : memref<!tpu.dma_semaphore, #tpu.memory_space<semaphore_mem>>) src(%dma_wait3A_1022 : memref<26x32xf32, #tpu.memory_space<hbm>>) dst(%dma_wait3A_1019 : memref<26x32xf32, #tpu.memory_space<vmem>>)
      %dma_wait3A_1023 = arith.constant 0 : i32
      %dma_wait3A_1024 = arith.constant 0 : i32
      %dma_wait3A_1025 = tpu.memref_slice %arg8[%dma_wait3A_1023, %dma_wait3A_1024] : memref<832x32xf32, #tpu.memory_space<vmem>> -> memref<26x32xf32, #tpu.memory_space<vmem>>
      %dma_wait3A_1026 = arith.constant 0 : i32
      %dma_wait3A_1027 = arith.constant 0 : i32
      %dma_wait3A_1028 = tpu.memref_slice %arg2[%dma_wait3A_1026, %dma_wait3A_1027] : memref<1000000x32xf32, #tpu.memory_space<hbm>> -> memref<26x32xf32, #tpu.memory_space<hbm>>
      %dma_wait3A_1029 = arith.constant 0 : i32
      %dma_wait3A_1030 = arith.constant 0 : i32
      %dma_wait3A_1031 = tpu.memref_slice %arg8[%dma_wait3A_1029, %dma_wait3A_1030] : memref<832x32xf32, #tpu.memory_space<vmem>> -> memref<26x32xf32, #tpu.memory_space<vmem>>
      %dma_wait3A_1032 = arith.constant 0 : i32
      %dma_wait3A_1033 = arith.constant 0 : i32
      %dma_wait3A_1034 = tpu.memref_slice %arg2[%dma_wait3A_1032, %dma_wait3A_1033] : memref<1000000x32xf32, #tpu.memory_space<hbm>> -> memref<26x32xf32, #tpu.memory_space<hbm>>
      tpu.wait_dma2 semaphore(%arg11 : memref<!tpu.dma_semaphore, #tpu.memory_space<semaphore_mem>>) src(%dma_wait3A_1034 : memref<26x32xf32, #tpu.memory_space<hbm>>) dst(%dma_wait3A_1031 : memref<26x32xf32, #tpu.memory_space<vmem>>)
      %dma_wait3A_1035 = arith.constant 0 : i32
      %dma_wait3A_1036 = arith.constant 0 : i32
      %dma_wait3A_1037 = tpu.memref_slice %arg8[%dma_wait3A_1035, %dma_wait3A_1036] : memref<832x32xf32, #tpu.memory_space<vmem>> -> memref<26x32xf32, #tpu.memory_space<vmem>>
      %dma_wait3A_1038 = arith.constant 0 : i32
      %dma_wait3A_1039 = arith.constant 0 : i32
      %dma_wait3A_1040 = tpu.memref_slice %arg2[%dma_wait3A_1038, %dma_wait3A_1039] : memref<1000000x32xf32, #tpu.memory_space<hbm>> -> memref<26x32xf32, #tpu.memory_space<hbm>>
      %dma_wait3A_1041 = arith.constant 0 : i32
      %dma_wait3A_1042 = arith.constant 0 : i32
      %dma_wait3A_1043 = tpu.memref_slice %arg8[%dma_wait3A_1041, %dma_wait3A_1042] : memref<832x32xf32, #tpu.memory_space<vmem>> -> memref<26x32xf32, #tpu.memory_space<vmem>>
      %dma_wait3A_1044 = arith.constant 0 : i32
      %dma_wait3A_1045 = arith.constant 0 : i32
      %dma_wait3A_1046 = tpu.memref_slice %arg2[%dma_wait3A_1044, %dma_wait3A_1045] : memref<1000000x32xf32, #tpu.memory_space<hbm>> -> memref<26x32xf32, #tpu.memory_space<hbm>>
      tpu.wait_dma2 semaphore(%arg11 : memref<!tpu.dma_semaphore, #tpu.memory_space<semaphore_mem>>) src(%dma_wait3A_1046 : memref<26x32xf32, #tpu.memory_space<hbm>>) dst(%dma_wait3A_1043 : memref<26x32xf32, #tpu.memory_space<vmem>>)
      %dma_wait3A_1047 = arith.constant 0 : i32
      %dma_wait3A_1048 = arith.constant 0 : i32
      %dma_wait3A_1049 = tpu.memref_slice %arg8[%dma_wait3A_1047, %dma_wait3A_1048] : memref<832x32xf32, #tpu.memory_space<vmem>> -> memref<26x32xf32, #tpu.memory_space<vmem>>
      %dma_wait3A_1050 = arith.constant 0 : i32
      %dma_wait3A_1051 = arith.constant 0 : i32
      %dma_wait3A_1052 = tpu.memref_slice %arg2[%dma_wait3A_1050, %dma_wait3A_1051] : memref<1000000x32xf32, #tpu.memory_space<hbm>> -> memref<26x32xf32, #tpu.memory_space<hbm>>
      %dma_wait3A_1053 = arith.constant 0 : i32
      %dma_wait3A_1054 = arith.constant 0 : i32
      %dma_wait3A_1055 = tpu.memref_slice %arg8[%dma_wait3A_1053, %dma_wait3A_1054] : memref<832x32xf32, #tpu.memory_space<vmem>> -> memref<26x32xf32, #tpu.memory_space<vmem>>
      %dma_wait3A_1056 = arith.constant 0 : i32
      %dma_wait3A_1057 = arith.constant 0 : i32
      %dma_wait3A_1058 = tpu.memref_slice %arg2[%dma_wait3A_1056, %dma_wait3A_1057] : memref<1000000x32xf32, #tpu.memory_space<hbm>> -> memref<26x32xf32, #tpu.memory_space<hbm>>
      tpu.wait_dma2 semaphore(%arg11 : memref<!tpu.dma_semaphore, #tpu.memory_space<semaphore_mem>>) src(%dma_wait3A_1058 : memref<26x32xf32, #tpu.memory_space<hbm>>) dst(%dma_wait3A_1055 : memref<26x32xf32, #tpu.memory_space<vmem>>)
      %dma_wait3A_1059 = arith.constant 0 : i32
      %dma_wait3A_1060 = arith.constant 0 : i32
      %dma_wait3A_1061 = tpu.memref_slice %arg8[%dma_wait3A_1059, %dma_wait3A_1060] : memref<832x32xf32, #tpu.memory_space<vmem>> -> memref<26x32xf32, #tpu.memory_space<vmem>>
      %dma_wait3A_1062 = arith.constant 0 : i32
      %dma_wait3A_1063 = arith.constant 0 : i32
      %dma_wait3A_1064 = tpu.memref_slice %arg2[%dma_wait3A_1062, %dma_wait3A_1063] : memref<1000000x32xf32, #tpu.memory_space<hbm>> -> memref<26x32xf32, #tpu.memory_space<hbm>>
      %dma_wait3A_1065 = arith.constant 0 : i32
      %dma_wait3A_1066 = arith.constant 0 : i32
      %dma_wait3A_1067 = tpu.memref_slice %arg8[%dma_wait3A_1065, %dma_wait3A_1066] : memref<832x32xf32, #tpu.memory_space<vmem>> -> memref<26x32xf32, #tpu.memory_space<vmem>>
      %dma_wait3A_1068 = arith.constant 0 : i32
      %dma_wait3A_1069 = arith.constant 0 : i32
      %dma_wait3A_1070 = tpu.memref_slice %arg2[%dma_wait3A_1068, %dma_wait3A_1069] : memref<1000000x32xf32, #tpu.memory_space<hbm>> -> memref<26x32xf32, #tpu.memory_space<hbm>>
      tpu.wait_dma2 semaphore(%arg11 : memref<!tpu.dma_semaphore, #tpu.memory_space<semaphore_mem>>) src(%dma_wait3A_1070 : memref<26x32xf32, #tpu.memory_space<hbm>>) dst(%dma_wait3A_1067 : memref<26x32xf32, #tpu.memory_space<vmem>>)
      %dma_wait3A_1071 = arith.constant 0 : i32
      %dma_wait3A_1072 = arith.constant 0 : i32
      %dma_wait3A_1073 = tpu.memref_slice %arg8[%dma_wait3A_1071, %dma_wait3A_1072] : memref<832x32xf32, #tpu.memory_space<vmem>> -> memref<26x32xf32, #tpu.memory_space<vmem>>
      %dma_wait3A_1074 = arith.constant 0 : i32
      %dma_wait3A_1075 = arith.constant 0 : i32
      %dma_wait3A_1076 = tpu.memref_slice %arg2[%dma_wait3A_1074, %dma_wait3A_1075] : memref<1000000x32xf32, #tpu.memory_space<hbm>> -> memref<26x32xf32, #tpu.memory_space<hbm>>
      %dma_wait3A_1077 = arith.constant 0 : i32
      %dma_wait3A_1078 = arith.constant 0 : i32
      %dma_wait3A_1079 = tpu.memref_slice %arg8[%dma_wait3A_1077, %dma_wait3A_1078] : memref<832x32xf32, #tpu.memory_space<vmem>> -> memref<26x32xf32, #tpu.memory_space<vmem>>
      %dma_wait3A_1080 = arith.constant 0 : i32
      %dma_wait3A_1081 = arith.constant 0 : i32
      %dma_wait3A_1082 = tpu.memref_slice %arg2[%dma_wait3A_1080, %dma_wait3A_1081] : memref<1000000x32xf32, #tpu.memory_space<hbm>> -> memref<26x32xf32, #tpu.memory_space<hbm>>
      tpu.wait_dma2 semaphore(%arg11 : memref<!tpu.dma_semaphore, #tpu.memory_space<semaphore_mem>>) src(%dma_wait3A_1082 : memref<26x32xf32, #tpu.memory_space<hbm>>) dst(%dma_wait3A_1079 : memref<26x32xf32, #tpu.memory_space<vmem>>)
      %dma_wait3A_1083 = arith.constant 0 : i32
      %dma_wait3A_1084 = arith.constant 0 : i32
      %dma_wait3A_1085 = tpu.memref_slice %arg8[%dma_wait3A_1083, %dma_wait3A_1084] : memref<832x32xf32, #tpu.memory_space<vmem>> -> memref<26x32xf32, #tpu.memory_space<vmem>>
      %dma_wait3A_1086 = arith.constant 0 : i32
      %dma_wait3A_1087 = arith.constant 0 : i32
      %dma_wait3A_1088 = tpu.memref_slice %arg2[%dma_wait3A_1086, %dma_wait3A_1087] : memref<1000000x32xf32, #tpu.memory_space<hbm>> -> memref<26x32xf32, #tpu.memory_space<hbm>>
      %dma_wait3A_1089 = arith.constant 0 : i32
      %dma_wait3A_1090 = arith.constant 0 : i32
      %dma_wait3A_1091 = tpu.memref_slice %arg8[%dma_wait3A_1089, %dma_wait3A_1090] : memref<832x32xf32, #tpu.memory_space<vmem>> -> memref<26x32xf32, #tpu.memory_space<vmem>>
      %dma_wait3A_1092 = arith.constant 0 : i32
      %dma_wait3A_1093 = arith.constant 0 : i32
      %dma_wait3A_1094 = tpu.memref_slice %arg2[%dma_wait3A_1092, %dma_wait3A_1093] : memref<1000000x32xf32, #tpu.memory_space<hbm>> -> memref<26x32xf32, #tpu.memory_space<hbm>>
      tpu.wait_dma2 semaphore(%arg11 : memref<!tpu.dma_semaphore, #tpu.memory_space<semaphore_mem>>) src(%dma_wait3A_1094 : memref<26x32xf32, #tpu.memory_space<hbm>>) dst(%dma_wait3A_1091 : memref<26x32xf32, #tpu.memory_space<vmem>>)
      %dma_wait3A_1095 = arith.constant 0 : i32
      %dma_wait3A_1096 = arith.constant 0 : i32
      %dma_wait3A_1097 = tpu.memref_slice %arg8[%dma_wait3A_1095, %dma_wait3A_1096] : memref<832x32xf32, #tpu.memory_space<vmem>> -> memref<26x32xf32, #tpu.memory_space<vmem>>
      %dma_wait3A_1098 = arith.constant 0 : i32
      %dma_wait3A_1099 = arith.constant 0 : i32
      %dma_wait3A_1100 = tpu.memref_slice %arg2[%dma_wait3A_1098, %dma_wait3A_1099] : memref<1000000x32xf32, #tpu.memory_space<hbm>> -> memref<26x32xf32, #tpu.memory_space<hbm>>
      %dma_wait3A_1101 = arith.constant 0 : i32
      %dma_wait3A_1102 = arith.constant 0 : i32
      %dma_wait3A_1103 = tpu.memref_slice %arg8[%dma_wait3A_1101, %dma_wait3A_1102] : memref<832x32xf32, #tpu.memory_space<vmem>> -> memref<26x32xf32, #tpu.memory_space<vmem>>
      %dma_wait3A_1104 = arith.constant 0 : i32
      %dma_wait3A_1105 = arith.constant 0 : i32
      %dma_wait3A_1106 = tpu.memref_slice %arg2[%dma_wait3A_1104, %dma_wait3A_1105] : memref<1000000x32xf32, #tpu.memory_space<hbm>> -> memref<26x32xf32, #tpu.memory_space<hbm>>
      tpu.wait_dma2 semaphore(%arg11 : memref<!tpu.dma_semaphore, #tpu.memory_space<semaphore_mem>>) src(%dma_wait3A_1106 : memref<26x32xf32, #tpu.memory_space<hbm>>) dst(%dma_wait3A_1103 : memref<26x32xf32, #tpu.memory_space<vmem>>)
      %dma_wait3A_1107 = arith.constant 0 : i32
      %dma_wait3A_1108 = arith.constant 0 : i32
      %dma_wait3A_1109 = tpu.memref_slice %arg8[%dma_wait3A_1107, %dma_wait3A_1108] : memref<832x32xf32, #tpu.memory_space<vmem>> -> memref<26x32xf32, #tpu.memory_space<vmem>>
      %dma_wait3A_1110 = arith.constant 0 : i32
      %dma_wait3A_1111 = arith.constant 0 : i32
      %dma_wait3A_1112 = tpu.memref_slice %arg2[%dma_wait3A_1110, %dma_wait3A_1111] : memref<1000000x32xf32, #tpu.memory_space<hbm>> -> memref<26x32xf32, #tpu.memory_space<hbm>>
      %dma_wait3A_1113 = arith.constant 0 : i32
      %dma_wait3A_1114 = arith.constant 0 : i32
      %dma_wait3A_1115 = tpu.memref_slice %arg8[%dma_wait3A_1113, %dma_wait3A_1114] : memref<832x32xf32, #tpu.memory_space<vmem>> -> memref<26x32xf32, #tpu.memory_space<vmem>>
      %dma_wait3A_1116 = arith.constant 0 : i32
      %dma_wait3A_1117 = arith.constant 0 : i32
      %dma_wait3A_1118 = tpu.memref_slice %arg2[%dma_wait3A_1116, %dma_wait3A_1117] : memref<1000000x32xf32, #tpu.memory_space<hbm>> -> memref<26x32xf32, #tpu.memory_space<hbm>>
      tpu.wait_dma2 semaphore(%arg11 : memref<!tpu.dma_semaphore, #tpu.memory_space<semaphore_mem>>) src(%dma_wait3A_1118 : memref<26x32xf32, #tpu.memory_space<hbm>>) dst(%dma_wait3A_1115 : memref<26x32xf32, #tpu.memory_space<vmem>>)
      %dma_wait3A_1119 = arith.constant 0 : i32
      %dma_wait3A_1120 = arith.constant 0 : i32
      %dma_wait3A_1121 = tpu.memref_slice %arg8[%dma_wait3A_1119, %dma_wait3A_1120] : memref<832x32xf32, #tpu.memory_space<vmem>> -> memref<26x32xf32, #tpu.memory_space<vmem>>
      %dma_wait3A_1122 = arith.constant 0 : i32
      %dma_wait3A_1123 = arith.constant 0 : i32
      %dma_wait3A_1124 = tpu.memref_slice %arg2[%dma_wait3A_1122, %dma_wait3A_1123] : memref<1000000x32xf32, #tpu.memory_space<hbm>> -> memref<26x32xf32, #tpu.memory_space<hbm>>
      %dma_wait3A_1125 = arith.constant 0 : i32
      %dma_wait3A_1126 = arith.constant 0 : i32
      %dma_wait3A_1127 = tpu.memref_slice %arg8[%dma_wait3A_1125, %dma_wait3A_1126] : memref<832x32xf32, #tpu.memory_space<vmem>> -> memref<26x32xf32, #tpu.memory_space<vmem>>
      %dma_wait3A_1128 = arith.constant 0 : i32
      %dma_wait3A_1129 = arith.constant 0 : i32
      %dma_wait3A_1130 = tpu.memref_slice %arg2[%dma_wait3A_1128, %dma_wait3A_1129] : memref<1000000x32xf32, #tpu.memory_space<hbm>> -> memref<26x32xf32, #tpu.memory_space<hbm>>
      tpu.wait_dma2 semaphore(%arg11 : memref<!tpu.dma_semaphore, #tpu.memory_space<semaphore_mem>>) src(%dma_wait3A_1130 : memref<26x32xf32, #tpu.memory_space<hbm>>) dst(%dma_wait3A_1127 : memref<26x32xf32, #tpu.memory_space<vmem>>)
      %dma_wait3A_1131 = arith.constant 0 : i32
      %dma_wait3A_1132 = arith.constant 0 : i32
      %dma_wait3A_1133 = tpu.memref_slice %arg8[%dma_wait3A_1131, %dma_wait3A_1132] : memref<832x32xf32, #tpu.memory_space<vmem>> -> memref<26x32xf32, #tpu.memory_space<vmem>>
      %dma_wait3A_1134 = arith.constant 0 : i32
      %dma_wait3A_1135 = arith.constant 0 : i32
      %dma_wait3A_1136 = tpu.memref_slice %arg2[%dma_wait3A_1134, %dma_wait3A_1135] : memref<1000000x32xf32, #tpu.memory_space<hbm>> -> memref<26x32xf32, #tpu.memory_space<hbm>>
      %dma_wait3A_1137 = arith.constant 0 : i32
      %dma_wait3A_1138 = arith.constant 0 : i32
      %dma_wait3A_1139 = tpu.memref_slice %arg8[%dma_wait3A_1137, %dma_wait3A_1138] : memref<832x32xf32, #tpu.memory_space<vmem>> -> memref<26x32xf32, #tpu.memory_space<vmem>>
      %dma_wait3A_1140 = arith.constant 0 : i32
      %dma_wait3A_1141 = arith.constant 0 : i32
      %dma_wait3A_1142 = tpu.memref_slice %arg2[%dma_wait3A_1140, %dma_wait3A_1141] : memref<1000000x32xf32, #tpu.memory_space<hbm>> -> memref<26x32xf32, #tpu.memory_space<hbm>>
      tpu.wait_dma2 semaphore(%arg11 : memref<!tpu.dma_semaphore, #tpu.memory_space<semaphore_mem>>) src(%dma_wait3A_1142 : memref<26x32xf32, #tpu.memory_space<hbm>>) dst(%dma_wait3A_1139 : memref<26x32xf32, #tpu.memory_space<vmem>>)
      %dma_wait3A_1143 = arith.constant 0 : i32
      %dma_wait3A_1144 = arith.constant 0 : i32
      %dma_wait3A_1145 = tpu.memref_slice %arg8[%dma_wait3A_1143, %dma_wait3A_1144] : memref<832x32xf32, #tpu.memory_space<vmem>> -> memref<26x32xf32, #tpu.memory_space<vmem>>
      %dma_wait3A_1146 = arith.constant 0 : i32
      %dma_wait3A_1147 = arith.constant 0 : i32
      %dma_wait3A_1148 = tpu.memref_slice %arg2[%dma_wait3A_1146, %dma_wait3A_1147] : memref<1000000x32xf32, #tpu.memory_space<hbm>> -> memref<26x32xf32, #tpu.memory_space<hbm>>
      %dma_wait3A_1149 = arith.constant 0 : i32
      %dma_wait3A_1150 = arith.constant 0 : i32
      %dma_wait3A_1151 = tpu.memref_slice %arg8[%dma_wait3A_1149, %dma_wait3A_1150] : memref<832x32xf32, #tpu.memory_space<vmem>> -> memref<26x32xf32, #tpu.memory_space<vmem>>
      %dma_wait3A_1152 = arith.constant 0 : i32
      %dma_wait3A_1153 = arith.constant 0 : i32
      %dma_wait3A_1154 = tpu.memref_slice %arg2[%dma_wait3A_1152, %dma_wait3A_1153] : memref<1000000x32xf32, #tpu.memory_space<hbm>> -> memref<26x32xf32, #tpu.memory_space<hbm>>
      tpu.wait_dma2 semaphore(%arg11 : memref<!tpu.dma_semaphore, #tpu.memory_space<semaphore_mem>>) src(%dma_wait3A_1154 : memref<26x32xf32, #tpu.memory_space<hbm>>) dst(%dma_wait3A_1151 : memref<26x32xf32, #tpu.memory_space<vmem>>)
      %dma_wait3A_1155 = arith.constant 0 : i32
      %dma_wait3A_1156 = arith.constant 0 : i32
      %dma_wait3A_1157 = tpu.memref_slice %arg8[%dma_wait3A_1155, %dma_wait3A_1156] : memref<832x32xf32, #tpu.memory_space<vmem>> -> memref<26x32xf32, #tpu.memory_space<vmem>>
      %dma_wait3A_1158 = arith.constant 0 : i32
      %dma_wait3A_1159 = arith.constant 0 : i32
      %dma_wait3A_1160 = tpu.memref_slice %arg2[%dma_wait3A_1158, %dma_wait3A_1159] : memref<1000000x32xf32, #tpu.memory_space<hbm>> -> memref<26x32xf32, #tpu.memory_space<hbm>>
      %dma_wait3A_1161 = arith.constant 0 : i32
      %dma_wait3A_1162 = arith.constant 0 : i32
      %dma_wait3A_1163 = tpu.memref_slice %arg8[%dma_wait3A_1161, %dma_wait3A_1162] : memref<832x32xf32, #tpu.memory_space<vmem>> -> memref<26x32xf32, #tpu.memory_space<vmem>>
      %dma_wait3A_1164 = arith.constant 0 : i32
      %dma_wait3A_1165 = arith.constant 0 : i32
      %dma_wait3A_1166 = tpu.memref_slice %arg2[%dma_wait3A_1164, %dma_wait3A_1165] : memref<1000000x32xf32, #tpu.memory_space<hbm>> -> memref<26x32xf32, #tpu.memory_space<hbm>>
      tpu.wait_dma2 semaphore(%arg11 : memref<!tpu.dma_semaphore, #tpu.memory_space<semaphore_mem>>) src(%dma_wait3A_1166 : memref<26x32xf32, #tpu.memory_space<hbm>>) dst(%dma_wait3A_1163 : memref<26x32xf32, #tpu.memory_space<vmem>>)
      %dma_wait3A_1167 = arith.constant 0 : i32
      %dma_wait3A_1168 = arith.constant 0 : i32
      %dma_wait3A_1169 = tpu.memref_slice %arg8[%dma_wait3A_1167, %dma_wait3A_1168] : memref<832x32xf32, #tpu.memory_space<vmem>> -> memref<26x32xf32, #tpu.memory_space<vmem>>
      %dma_wait3A_1170 = arith.constant 0 : i32
      %dma_wait3A_1171 = arith.constant 0 : i32
      %dma_wait3A_1172 = tpu.memref_slice %arg2[%dma_wait3A_1170, %dma_wait3A_1171] : memref<1000000x32xf32, #tpu.memory_space<hbm>> -> memref<26x32xf32, #tpu.memory_space<hbm>>
      %dma_wait3A_1173 = arith.constant 0 : i32
      %dma_wait3A_1174 = arith.constant 0 : i32
      %dma_wait3A_1175 = tpu.memref_slice %arg8[%dma_wait3A_1173, %dma_wait3A_1174] : memref<832x32xf32, #tpu.memory_space<vmem>> -> memref<26x32xf32, #tpu.memory_space<vmem>>
      %dma_wait3A_1176 = arith.constant 0 : i32
      %dma_wait3A_1177 = arith.constant 0 : i32
      %dma_wait3A_1178 = tpu.memref_slice %arg2[%dma_wait3A_1176, %dma_wait3A_1177] : memref<1000000x32xf32, #tpu.memory_space<hbm>> -> memref<26x32xf32, #tpu.memory_space<hbm>>
      tpu.wait_dma2 semaphore(%arg11 : memref<!tpu.dma_semaphore, #tpu.memory_space<semaphore_mem>>) src(%dma_wait3A_1178 : memref<26x32xf32, #tpu.memory_space<hbm>>) dst(%dma_wait3A_1175 : memref<26x32xf32, #tpu.memory_space<vmem>>)
      %dma_wait3A_1179 = arith.constant 0 : i32
      %dma_wait3A_1180 = arith.constant 0 : i32
      %dma_wait3A_1181 = tpu.memref_slice %arg8[%dma_wait3A_1179, %dma_wait3A_1180] : memref<832x32xf32, #tpu.memory_space<vmem>> -> memref<26x32xf32, #tpu.memory_space<vmem>>
      %dma_wait3A_1182 = arith.constant 0 : i32
      %dma_wait3A_1183 = arith.constant 0 : i32
      %dma_wait3A_1184 = tpu.memref_slice %arg2[%dma_wait3A_1182, %dma_wait3A_1183] : memref<1000000x32xf32, #tpu.memory_space<hbm>> -> memref<26x32xf32, #tpu.memory_space<hbm>>
      %dma_wait3A_1185 = arith.constant 0 : i32
      %dma_wait3A_1186 = arith.constant 0 : i32
      %dma_wait3A_1187 = tpu.memref_slice %arg8[%dma_wait3A_1185, %dma_wait3A_1186] : memref<832x32xf32, #tpu.memory_space<vmem>> -> memref<26x32xf32, #tpu.memory_space<vmem>>
      %dma_wait3A_1188 = arith.constant 0 : i32
      %dma_wait3A_1189 = arith.constant 0 : i32
      %dma_wait3A_1190 = tpu.memref_slice %arg2[%dma_wait3A_1188, %dma_wait3A_1189] : memref<1000000x32xf32, #tpu.memory_space<hbm>> -> memref<26x32xf32, #tpu.memory_space<hbm>>
      tpu.wait_dma2 semaphore(%arg11 : memref<!tpu.dma_semaphore, #tpu.memory_space<semaphore_mem>>) src(%dma_wait3A_1190 : memref<26x32xf32, #tpu.memory_space<hbm>>) dst(%dma_wait3A_1187 : memref<26x32xf32, #tpu.memory_space<vmem>>)
      %dma_wait3A_1191 = arith.constant 0 : i32
      %dma_wait3A_1192 = arith.constant 0 : i32
      %dma_wait3A_1193 = tpu.memref_slice %arg8[%dma_wait3A_1191, %dma_wait3A_1192] : memref<832x32xf32, #tpu.memory_space<vmem>> -> memref<26x32xf32, #tpu.memory_space<vmem>>
      %dma_wait3A_1194 = arith.constant 0 : i32
      %dma_wait3A_1195 = arith.constant 0 : i32
      %dma_wait3A_1196 = tpu.memref_slice %arg2[%dma_wait3A_1194, %dma_wait3A_1195] : memref<1000000x32xf32, #tpu.memory_space<hbm>> -> memref<26x32xf32, #tpu.memory_space<hbm>>
      %dma_wait3A_1197 = arith.constant 0 : i32
      %dma_wait3A_1198 = arith.constant 0 : i32
      %dma_wait3A_1199 = tpu.memref_slice %arg8[%dma_wait3A_1197, %dma_wait3A_1198] : memref<832x32xf32, #tpu.memory_space<vmem>> -> memref<26x32xf32, #tpu.memory_space<vmem>>
      %dma_wait3A_1200 = arith.constant 0 : i32
      %dma_wait3A_1201 = arith.constant 0 : i32
      %dma_wait3A_1202 = tpu.memref_slice %arg2[%dma_wait3A_1200, %dma_wait3A_1201] : memref<1000000x32xf32, #tpu.memory_space<hbm>> -> memref<26x32xf32, #tpu.memory_space<hbm>>
      tpu.wait_dma2 semaphore(%arg11 : memref<!tpu.dma_semaphore, #tpu.memory_space<semaphore_mem>>) src(%dma_wait3A_1202 : memref<26x32xf32, #tpu.memory_space<hbm>>) dst(%dma_wait3A_1199 : memref<26x32xf32, #tpu.memory_space<vmem>>)
      %dma_wait3A_1203 = arith.constant 0 : i32
      %dma_wait3A_1204 = arith.constant 0 : i32
      %dma_wait3A_1205 = tpu.memref_slice %arg8[%dma_wait3A_1203, %dma_wait3A_1204] : memref<832x32xf32, #tpu.memory_space<vmem>> -> memref<26x32xf32, #tpu.memory_space<vmem>>
      %dma_wait3A_1206 = arith.constant 0 : i32
      %dma_wait3A_1207 = arith.constant 0 : i32
      %dma_wait3A_1208 = tpu.memref_slice %arg2[%dma_wait3A_1206, %dma_wait3A_1207] : memref<1000000x32xf32, #tpu.memory_space<hbm>> -> memref<26x32xf32, #tpu.memory_space<hbm>>
      %dma_wait3A_1209 = arith.constant 0 : i32
      %dma_wait3A_1210 = arith.constant 0 : i32
      %dma_wait3A_1211 = tpu.memref_slice %arg8[%dma_wait3A_1209, %dma_wait3A_1210] : memref<832x32xf32, #tpu.memory_space<vmem>> -> memref<26x32xf32, #tpu.memory_space<vmem>>
      %dma_wait3A_1212 = arith.constant 0 : i32
      %dma_wait3A_1213 = arith.constant 0 : i32
      %dma_wait3A_1214 = tpu.memref_slice %arg2[%dma_wait3A_1212, %dma_wait3A_1213] : memref<1000000x32xf32, #tpu.memory_space<hbm>> -> memref<26x32xf32, #tpu.memory_space<hbm>>
      tpu.wait_dma2 semaphore(%arg11 : memref<!tpu.dma_semaphore, #tpu.memory_space<semaphore_mem>>) src(%dma_wait3A_1214 : memref<26x32xf32, #tpu.memory_space<hbm>>) dst(%dma_wait3A_1211 : memref<26x32xf32, #tpu.memory_space<vmem>>)
      %dma_wait3A_1215 = arith.constant 0 : i32
      %dma_wait3A_1216 = arith.constant 0 : i32
      %dma_wait3A_1217 = tpu.memref_slice %arg8[%dma_wait3A_1215, %dma_wait3A_1216] : memref<832x32xf32, #tpu.memory_space<vmem>> -> memref<26x32xf32, #tpu.memory_space<vmem>>
      %dma_wait3A_1218 = arith.constant 0 : i32
      %dma_wait3A_1219 = arith.constant 0 : i32
      %dma_wait3A_1220 = tpu.memref_slice %arg2[%dma_wait3A_1218, %dma_wait3A_1219] : memref<1000000x32xf32, #tpu.memory_space<hbm>> -> memref<26x32xf32, #tpu.memory_space<hbm>>
      %dma_wait3A_1221 = arith.constant 0 : i32
      %dma_wait3A_1222 = arith.constant 0 : i32
      %dma_wait3A_1223 = tpu.memref_slice %arg8[%dma_wait3A_1221, %dma_wait3A_1222] : memref<832x32xf32, #tpu.memory_space<vmem>> -> memref<26x32xf32, #tpu.memory_space<vmem>>
      %dma_wait3A_1224 = arith.constant 0 : i32
      %dma_wait3A_1225 = arith.constant 0 : i32
      %dma_wait3A_1226 = tpu.memref_slice %arg2[%dma_wait3A_1224, %dma_wait3A_1225] : memref<1000000x32xf32, #tpu.memory_space<hbm>> -> memref<26x32xf32, #tpu.memory_space<hbm>>
      tpu.wait_dma2 semaphore(%arg11 : memref<!tpu.dma_semaphore, #tpu.memory_space<semaphore_mem>>) src(%dma_wait3A_1226 : memref<26x32xf32, #tpu.memory_space<hbm>>) dst(%dma_wait3A_1223 : memref<26x32xf32, #tpu.memory_space<vmem>>)
      %dma_wait3A_1227 = arith.constant 0 : i32
      %dma_wait3A_1228 = arith.constant 0 : i32
      %dma_wait3A_1229 = tpu.memref_slice %arg8[%dma_wait3A_1227, %dma_wait3A_1228] : memref<832x32xf32, #tpu.memory_space<vmem>> -> memref<26x32xf32, #tpu.memory_space<vmem>>
      %dma_wait3A_1230 = arith.constant 0 : i32
      %dma_wait3A_1231 = arith.constant 0 : i32
      %dma_wait3A_1232 = tpu.memref_slice %arg2[%dma_wait3A_1230, %dma_wait3A_1231] : memref<1000000x32xf32, #tpu.memory_space<hbm>> -> memref<26x32xf32, #tpu.memory_space<hbm>>
      %dma_wait3A_1233 = arith.constant 0 : i32
      %dma_wait3A_1234 = arith.constant 0 : i32
      %dma_wait3A_1235 = tpu.memref_slice %arg8[%dma_wait3A_1233, %dma_wait3A_1234] : memref<832x32xf32, #tpu.memory_space<vmem>> -> memref<26x32xf32, #tpu.memory_space<vmem>>
      %dma_wait3A_1236 = arith.constant 0 : i32
      %dma_wait3A_1237 = arith.constant 0 : i32
      %dma_wait3A_1238 = tpu.memref_slice %arg2[%dma_wait3A_1236, %dma_wait3A_1237] : memref<1000000x32xf32, #tpu.memory_space<hbm>> -> memref<26x32xf32, #tpu.memory_space<hbm>>
      tpu.wait_dma2 semaphore(%arg11 : memref<!tpu.dma_semaphore, #tpu.memory_space<semaphore_mem>>) src(%dma_wait3A_1238 : memref<26x32xf32, #tpu.memory_space<hbm>>) dst(%dma_wait3A_1235 : memref<26x32xf32, #tpu.memory_space<vmem>>)
      %dma_wait3A_1239 = arith.constant 0 : i32
      %dma_wait3A_1240 = arith.constant 0 : i32
      %dma_wait3A_1241 = tpu.memref_slice %arg8[%dma_wait3A_1239, %dma_wait3A_1240] : memref<832x32xf32, #tpu.memory_space<vmem>> -> memref<26x32xf32, #tpu.memory_space<vmem>>
      %dma_wait3A_1242 = arith.constant 0 : i32
      %dma_wait3A_1243 = arith.constant 0 : i32
      %dma_wait3A_1244 = tpu.memref_slice %arg2[%dma_wait3A_1242, %dma_wait3A_1243] : memref<1000000x32xf32, #tpu.memory_space<hbm>> -> memref<26x32xf32, #tpu.memory_space<hbm>>
      %dma_wait3A_1245 = arith.constant 0 : i32
      %dma_wait3A_1246 = arith.constant 0 : i32
      %dma_wait3A_1247 = tpu.memref_slice %arg8[%dma_wait3A_1245, %dma_wait3A_1246] : memref<832x32xf32, #tpu.memory_space<vmem>> -> memref<26x32xf32, #tpu.memory_space<vmem>>
      %dma_wait3A_1248 = arith.constant 0 : i32
      %dma_wait3A_1249 = arith.constant 0 : i32
      %dma_wait3A_1250 = tpu.memref_slice %arg2[%dma_wait3A_1248, %dma_wait3A_1249] : memref<1000000x32xf32, #tpu.memory_space<hbm>> -> memref<26x32xf32, #tpu.memory_space<hbm>>
      tpu.wait_dma2 semaphore(%arg11 : memref<!tpu.dma_semaphore, #tpu.memory_space<semaphore_mem>>) src(%dma_wait3A_1250 : memref<26x32xf32, #tpu.memory_space<hbm>>) dst(%dma_wait3A_1247 : memref<26x32xf32, #tpu.memory_space<vmem>>)
      %gt3A = arith.constant 0 : i32
      %gt3A_1251 = arith.cmpi sgt, %scan3A_544, %gt3A : i32
      %convert_element_type3A = arith.extui %gt3A_1251 : i1 to i32
      %cond3A = arith.constant 0 : i32
      %cond3A_1252 = arith.cmpi ne, %convert_element_type3A, %cond3A : i32
      scf.if %cond3A_1252 {
        %dma_wait3A_1767 = arith.constant 0 : i32
        %dma_wait3A_1768 = arith.constant 0 : i32
        %dma_wait3A_1769 = arith.constant 0 : i32
        %dma_wait3A_1770 = arith.constant 0 : i32
        %dma_wait3A_1771 = arith.constant 0 : i32
        %dma_wait3A_1772 = tpu.memref_slice %arg10[%dma_wait3A_1769, %dma_wait3A_1770, %dma_wait3A_1771] : memref<104x8x72xf32, #tpu.memory_space<vmem>> -> memref<104x8x64xf32, #tpu.memory_space<vmem>>
        %dma_wait3A_1773 = arith.constant 0 : i32
        %dma_wait3A_1774 = arith.constant 0 : i32
        %dma_wait3A_1775 = arith.constant 0 : i32
        %dma_wait3A_1776 = tpu.memref_slice %arg5[%dma_wait3A_1767, %dma_wait3A_1773, %dma_wait3A_1768, %dma_wait3A_1774, %dma_wait3A_1775] : memref<50x104x8x8x128xf32, #tpu.memory_space<hbm>> -> memref<1x104x1x8x64xf32, #tpu.memory_space<hbm>>
        %dma_wait3A_1777 = tpu.memref_squeeze %dma_wait3A_1776 : memref<1x104x1x8x64xf32, #tpu.memory_space<hbm>> -> memref<104x8x64xf32, #tpu.memory_space<hbm>>
        %dma_wait3A_1778 = arith.constant 0 : i32
        %dma_wait3A_1779 = arith.constant 0 : i32
        %dma_wait3A_1780 = arith.constant 0 : i32
        %dma_wait3A_1781 = tpu.memref_slice %arg5[%dma_wait3A_1767, %dma_wait3A_1778, %dma_wait3A_1768, %dma_wait3A_1779, %dma_wait3A_1780] : memref<50x104x8x8x128xf32, #tpu.memory_space<hbm>> -> memref<1x104x1x8x64xf32, #tpu.memory_space<hbm>>
        %dma_wait3A_1782 = tpu.memref_squeeze %dma_wait3A_1781 : memref<1x104x1x8x64xf32, #tpu.memory_space<hbm>> -> memref<104x8x64xf32, #tpu.memory_space<hbm>>
        %dma_wait3A_1783 = arith.constant 0 : i32
        %dma_wait3A_1784 = arith.constant 0 : i32
        %dma_wait3A_1785 = arith.constant 0 : i32
        %dma_wait3A_1786 = tpu.memref_slice %arg10[%dma_wait3A_1783, %dma_wait3A_1784, %dma_wait3A_1785] : memref<104x8x72xf32, #tpu.memory_space<vmem>> -> memref<104x8x64xf32, #tpu.memory_space<vmem>>
        tpu.wait_dma2 semaphore(%arg13 : memref<!tpu.dma_semaphore, #tpu.memory_space<semaphore_mem>>) src(%dma_wait3A_1786 : memref<104x8x64xf32, #tpu.memory_space<vmem>>) dst(%dma_wait3A_1782 : memref<104x8x64xf32, #tpu.memory_space<hbm>>)
      } else {
      }
      %mul3A_1253 = arith.constant 2 : i32
      %mul3A_1254 = arith.muli %mul3A_1253, %scan3A_544 : i32
      %mul3A_1255 = arith.constant 32 : i32
      %mul3A_1256 = arith.muli %mul3A_1254, %mul3A_1255 : i32
      %scan3A_1257 = arith.constant 0 : i32
      %scan3A_1258 = arith.constant 0 : i32
      %scan3A_1259 = arith.constant 32 : i32
      %scan3A_1260 = arith.addi %scan3A_1258, %scan3A_1259 : i32
      %scan3A_1261 = arith.constant 1 : i32
      scf.for %scan3A_1767 = %scan3A_1258 to %scan3A_1260 step %scan3A_1261  : i32 {
        %add3A_1768 = arith.addi %mul3A_1256, %scan3A_1767 : i32
        %broadcast_in_dim3A = vector.broadcast %add3A_1768 : i32 to vector<16xi32>
        %gather3A = tpu.vector_load_idx %arg7[%broadcast_in_dim3A] : memref<1600xf32, #tpu.memory_space<vmem>>[vector<16xi32>], vector<16xf32>,
        %add3A_1769 = arith.constant 0 : i32
        %add3A_1770 = arith.addi %add3A_1769, %scan3A_1767 : i32
        %broadcast_in_dim3A_1771 = vector.broadcast %add3A_1770 : i32 to vector<16xi32>
        %mul3A_1772 = arith.constant 26 : i32
        %mul3A_1773 = arith.muli %scan3A_1767, %mul3A_1772 : i32
        %add3A_1774 = arith.constant 0 : i32
        %add3A_1775 = arith.addi %mul3A_1773, %add3A_1774 : i32
        %get3A = arith.index_cast %add3A_1775 : i32 to index
        %get3A_1776 = arith.constant 0 : index
        %get3A_1777 = tpu.vector_load %arg8[%get3A, %get3A_1776] {strides = array<i32>} : memref<832x32xf32, #tpu.memory_space<vmem>>, vector<16xf32>,
        %mul3A_1778 = arith.mulf %get3A_1777, %gather3A : vector<16xf32>
        %add3A_1779 = arith.constant 0 : i32
        %add3A_1780 = arith.addi %mul3A_1773, %add3A_1779 : i32
        %get3A_1781 = arith.index_cast %add3A_1780 : i32 to index
        %get3A_1782 = arith.constant 16 : index
        %get3A_1783 = tpu.vector_load %arg8[%get3A_1781, %get3A_1782] {strides = array<i32>} : memref<832x32xf32, #tpu.memory_space<vmem>>, vector<16xf32>,
        %mul3A_1784 = arith.mulf %get3A_1783, %gather3A : vector<16xf32>
        %add3A_1785 = arith.constant 0 : i32
        %add3A_1786 = vector.broadcast %add3A_1785 : i32 to vector<16xi32>
        %add3A_1787 = arith.addi %add3A_1786, %select_n3A : vector<16xi32>
        tpu.vector_store_idx %arg10[%add3A_1787, %rem3A_28, %broadcast_in_dim3A_1771], %mul3A_1778 : memref<104x8x72xf32, #tpu.memory_space<vmem>>[vector<16xi32>, vector<16xi32>, vector<16xi32>], vector<16xf32>,
        %add3A_1788 = arith.constant 2 : i32
        %add3A_1789 = vector.broadcast %add3A_1788 : i32 to vector<16xi32>
        %add3A_1790 = arith.addi %add3A_1789, %select_n3A : vector<16xi32>
        tpu.vector_store_idx %arg10[%add3A_1790, %rem3A_28, %broadcast_in_dim3A_1771], %mul3A_1784 : memref<104x8x72xf32, #tpu.memory_space<vmem>>[vector<16xi32>, vector<16xi32>, vector<16xi32>], vector<16xf32>,
        %add3A_1791 = arith.constant 1 : i32
        %add3A_1792 = arith.addi %mul3A_1773, %add3A_1791 : i32
        %get3A_1793 = arith.index_cast %add3A_1792 : i32 to index
        %get3A_1794 = arith.constant 0 : index
        %get3A_1795 = tpu.vector_load %arg8[%get3A_1793, %get3A_1794] {strides = array<i32>} : memref<832x32xf32, #tpu.memory_space<vmem>>, vector<16xf32>,
        %mul3A_1796 = arith.mulf %get3A_1795, %gather3A : vector<16xf32>
        %add3A_1797 = arith.constant 1 : i32
        %add3A_1798 = arith.addi %mul3A_1773, %add3A_1797 : i32
        %get3A_1799 = arith.index_cast %add3A_1798 : i32 to index
        %get3A_1800 = arith.constant 16 : index
        %get3A_1801 = tpu.vector_load %arg8[%get3A_1799, %get3A_1800] {strides = array<i32>} : memref<832x32xf32, #tpu.memory_space<vmem>>, vector<16xf32>,
        %mul3A_1802 = arith.mulf %get3A_1801, %gather3A : vector<16xf32>
        %add3A_1803 = arith.constant 4 : i32
        %add3A_1804 = vector.broadcast %add3A_1803 : i32 to vector<16xi32>
        %add3A_1805 = arith.addi %add3A_1804, %select_n3A : vector<16xi32>
        tpu.vector_store_idx %arg10[%add3A_1805, %rem3A_28, %broadcast_in_dim3A_1771], %mul3A_1796 : memref<104x8x72xf32, #tpu.memory_space<vmem>>[vector<16xi32>, vector<16xi32>, vector<16xi32>], vector<16xf32>,
        %add3A_1806 = arith.constant 6 : i32
        %add3A_1807 = vector.broadcast %add3A_1806 : i32 to vector<16xi32>
        %add3A_1808 = arith.addi %add3A_1807, %select_n3A : vector<16xi32>
        tpu.vector_store_idx %arg10[%add3A_1808, %rem3A_28, %broadcast_in_dim3A_1771], %mul3A_1802 : memref<104x8x72xf32, #tpu.memory_space<vmem>>[vector<16xi32>, vector<16xi32>, vector<16xi32>], vector<16xf32>,
        %add3A_1809 = arith.constant 2 : i32
        %add3A_1810 = arith.addi %mul3A_1773, %add3A_1809 : i32
        %get3A_1811 = arith.index_cast %add3A_1810 : i32 to index
        %get3A_1812 = arith.constant 0 : index
        %get3A_1813 = tpu.vector_load %arg8[%get3A_1811, %get3A_1812] {strides = array<i32>} : memref<832x32xf32, #tpu.memory_space<vmem>>, vector<16xf32>,
        %mul3A_1814 = arith.mulf %get3A_1813, %gather3A : vector<16xf32>
        %add3A_1815 = arith.constant 2 : i32
        %add3A_1816 = arith.addi %mul3A_1773, %add3A_1815 : i32
        %get3A_1817 = arith.index_cast %add3A_1816 : i32 to index
        %get3A_1818 = arith.constant 16 : index
        %get3A_1819 = tpu.vector_load %arg8[%get3A_1817, %get3A_1818] {strides = array<i32>} : memref<832x32xf32, #tpu.memory_space<vmem>>, vector<16xf32>,
        %mul3A_1820 = arith.mulf %get3A_1819, %gather3A : vector<16xf32>
        %add3A_1821 = arith.constant 8 : i32
        %add3A_1822 = vector.broadcast %add3A_1821 : i32 to vector<16xi32>
        %add3A_1823 = arith.addi %add3A_1822, %select_n3A : vector<16xi32>
        tpu.vector_store_idx %arg10[%add3A_1823, %rem3A_28, %broadcast_in_dim3A_1771], %mul3A_1814 : memref<104x8x72xf32, #tpu.memory_space<vmem>>[vector<16xi32>, vector<16xi32>, vector<16xi32>], vector<16xf32>,
        %add3A_1824 = arith.constant 10 : i32
        %add3A_1825 = vector.broadcast %add3A_1824 : i32 to vector<16xi32>
        %add3A_1826 = arith.addi %add3A_1825, %select_n3A : vector<16xi32>
        tpu.vector_store_idx %arg10[%add3A_1826, %rem3A_28, %broadcast_in_dim3A_1771], %mul3A_1820 : memref<104x8x72xf32, #tpu.memory_space<vmem>>[vector<16xi32>, vector<16xi32>, vector<16xi32>], vector<16xf32>,
        %add3A_1827 = arith.constant 3 : i32
        %add3A_1828 = arith.addi %mul3A_1773, %add3A_1827 : i32
        %get3A_1829 = arith.index_cast %add3A_1828 : i32 to index
        %get3A_1830 = arith.constant 0 : index
        %get3A_1831 = tpu.vector_load %arg8[%get3A_1829, %get3A_1830] {strides = array<i32>} : memref<832x32xf32, #tpu.memory_space<vmem>>, vector<16xf32>,
        %mul3A_1832 = arith.mulf %get3A_1831, %gather3A : vector<16xf32>
        %add3A_1833 = arith.constant 3 : i32
        %add3A_1834 = arith.addi %mul3A_1773, %add3A_1833 : i32
        %get3A_1835 = arith.index_cast %add3A_1834 : i32 to index
        %get3A_1836 = arith.constant 16 : index
        %get3A_1837 = tpu.vector_load %arg8[%get3A_1835, %get3A_1836] {strides = array<i32>} : memref<832x32xf32, #tpu.memory_space<vmem>>, vector<16xf32>,
        %mul3A_1838 = arith.mulf %get3A_1837, %gather3A : vector<16xf32>
        %add3A_1839 = arith.constant 12 : i32
        %add3A_1840 = vector.broadcast %add3A_1839 : i32 to vector<16xi32>
        %add3A_1841 = arith.addi %add3A_1840, %select_n3A : vector<16xi32>
        tpu.vector_store_idx %arg10[%add3A_1841, %rem3A_28, %broadcast_in_dim3A_1771], %mul3A_1832 : memref<104x8x72xf32, #tpu.memory_space<vmem>>[vector<16xi32>, vector<16xi32>, vector<16xi32>], vector<16xf32>,
        %add3A_1842 = arith.constant 14 : i32
        %add3A_1843 = vector.broadcast %add3A_1842 : i32 to vector<16xi32>
        %add3A_1844 = arith.addi %add3A_1843, %select_n3A : vector<16xi32>
        tpu.vector_store_idx %arg10[%add3A_1844, %rem3A_28, %broadcast_in_dim3A_1771], %mul3A_1838 : memref<104x8x72xf32, #tpu.memory_space<vmem>>[vector<16xi32>, vector<16xi32>, vector<16xi32>], vector<16xf32>,
        %add3A_1845 = arith.constant 4 : i32
        %add3A_1846 = arith.addi %mul3A_1773, %add3A_1845 : i32
        %get3A_1847 = arith.index_cast %add3A_1846 : i32 to index
        %get3A_1848 = arith.constant 0 : index
        %get3A_1849 = tpu.vector_load %arg8[%get3A_1847, %get3A_1848] {strides = array<i32>} : memref<832x32xf32, #tpu.memory_space<vmem>>, vector<16xf32>,
        %mul3A_1850 = arith.mulf %get3A_1849, %gather3A : vector<16xf32>
        %add3A_1851 = arith.constant 4 : i32
        %add3A_1852 = arith.addi %mul3A_1773, %add3A_1851 : i32
        %get3A_1853 = arith.index_cast %add3A_1852 : i32 to index
        %get3A_1854 = arith.constant 16 : index
        %get3A_1855 = tpu.vector_load %arg8[%get3A_1853, %get3A_1854] {strides = array<i32>} : memref<832x32xf32, #tpu.memory_space<vmem>>, vector<16xf32>,
        %mul3A_1856 = arith.mulf %get3A_1855, %gather3A : vector<16xf32>
        %add3A_1857 = arith.constant 16 : i32
        %add3A_1858 = vector.broadcast %add3A_1857 : i32 to vector<16xi32>
        %add3A_1859 = arith.addi %add3A_1858, %select_n3A : vector<16xi32>
        tpu.vector_store_idx %arg10[%add3A_1859, %rem3A_28, %broadcast_in_dim3A_1771], %mul3A_1850 : memref<104x8x72xf32, #tpu.memory_space<vmem>>[vector<16xi32>, vector<16xi32>, vector<16xi32>], vector<16xf32>,
        %add3A_1860 = arith.constant 18 : i32
        %add3A_1861 = vector.broadcast %add3A_1860 : i32 to vector<16xi32>
        %add3A_1862 = arith.addi %add3A_1861, %select_n3A : vector<16xi32>
        tpu.vector_store_idx %arg10[%add3A_1862, %rem3A_28, %broadcast_in_dim3A_1771], %mul3A_1856 : memref<104x8x72xf32, #tpu.memory_space<vmem>>[vector<16xi32>, vector<16xi32>, vector<16xi32>], vector<16xf32>,
        %add3A_1863 = arith.constant 5 : i32
        %add3A_1864 = arith.addi %mul3A_1773, %add3A_1863 : i32
        %get3A_1865 = arith.index_cast %add3A_1864 : i32 to index
        %get3A_1866 = arith.constant 0 : index
        %get3A_1867 = tpu.vector_load %arg8[%get3A_1865, %get3A_1866] {strides = array<i32>} : memref<832x32xf32, #tpu.memory_space<vmem>>, vector<16xf32>,
        %mul3A_1868 = arith.mulf %get3A_1867, %gather3A : vector<16xf32>
        %add3A_1869 = arith.constant 5 : i32
        %add3A_1870 = arith.addi %mul3A_1773, %add3A_1869 : i32
        %get3A_1871 = arith.index_cast %add3A_1870 : i32 to index
        %get3A_1872 = arith.constant 16 : index
        %get3A_1873 = tpu.vector_load %arg8[%get3A_1871, %get3A_1872] {strides = array<i32>} : memref<832x32xf32, #tpu.memory_space<vmem>>, vector<16xf32>,
        %mul3A_1874 = arith.mulf %get3A_1873, %gather3A : vector<16xf32>
        %add3A_1875 = arith.constant 20 : i32
        %add3A_1876 = vector.broadcast %add3A_1875 : i32 to vector<16xi32>
        %add3A_1877 = arith.addi %add3A_1876, %select_n3A : vector<16xi32>
        tpu.vector_store_idx %arg10[%add3A_1877, %rem3A_28, %broadcast_in_dim3A_1771], %mul3A_1868 : memref<104x8x72xf32, #tpu.memory_space<vmem>>[vector<16xi32>, vector<16xi32>, vector<16xi32>], vector<16xf32>,
        %add3A_1878 = arith.constant 22 : i32
        %add3A_1879 = vector.broadcast %add3A_1878 : i32 to vector<16xi32>
        %add3A_1880 = arith.addi %add3A_1879, %select_n3A : vector<16xi32>
        tpu.vector_store_idx %arg10[%add3A_1880, %rem3A_28, %broadcast_in_dim3A_1771], %mul3A_1874 : memref<104x8x72xf32, #tpu.memory_space<vmem>>[vector<16xi32>, vector<16xi32>, vector<16xi32>], vector<16xf32>,
        %add3A_1881 = arith.constant 6 : i32
        %add3A_1882 = arith.addi %mul3A_1773, %add3A_1881 : i32
        %get3A_1883 = arith.index_cast %add3A_1882 : i32 to index
        %get3A_1884 = arith.constant 0 : index
        %get3A_1885 = tpu.vector_load %arg8[%get3A_1883, %get3A_1884] {strides = array<i32>} : memref<832x32xf32, #tpu.memory_space<vmem>>, vector<16xf32>,
        %mul3A_1886 = arith.mulf %get3A_1885, %gather3A : vector<16xf32>
        %add3A_1887 = arith.constant 6 : i32
        %add3A_1888 = arith.addi %mul3A_1773, %add3A_1887 : i32
        %get3A_1889 = arith.index_cast %add3A_1888 : i32 to index
        %get3A_1890 = arith.constant 16 : index
        %get3A_1891 = tpu.vector_load %arg8[%get3A_1889, %get3A_1890] {strides = array<i32>} : memref<832x32xf32, #tpu.memory_space<vmem>>, vector<16xf32>,
        %mul3A_1892 = arith.mulf %get3A_1891, %gather3A : vector<16xf32>
        %add3A_1893 = arith.constant 24 : i32
        %add3A_1894 = vector.broadcast %add3A_1893 : i32 to vector<16xi32>
        %add3A_1895 = arith.addi %add3A_1894, %select_n3A : vector<16xi32>
        tpu.vector_store_idx %arg10[%add3A_1895, %rem3A_28, %broadcast_in_dim3A_1771], %mul3A_1886 : memref<104x8x72xf32, #tpu.memory_space<vmem>>[vector<16xi32>, vector<16xi32>, vector<16xi32>], vector<16xf32>,
        %add3A_1896 = arith.constant 26 : i32
        %add3A_1897 = vector.broadcast %add3A_1896 : i32 to vector<16xi32>
        %add3A_1898 = arith.addi %add3A_1897, %select_n3A : vector<16xi32>
        tpu.vector_store_idx %arg10[%add3A_1898, %rem3A_28, %broadcast_in_dim3A_1771], %mul3A_1892 : memref<104x8x72xf32, #tpu.memory_space<vmem>>[vector<16xi32>, vector<16xi32>, vector<16xi32>], vector<16xf32>,
        %add3A_1899 = arith.constant 7 : i32
        %add3A_1900 = arith.addi %mul3A_1773, %add3A_1899 : i32
        %get3A_1901 = arith.index_cast %add3A_1900 : i32 to index
        %get3A_1902 = arith.constant 0 : index
        %get3A_1903 = tpu.vector_load %arg8[%get3A_1901, %get3A_1902] {strides = array<i32>} : memref<832x32xf32, #tpu.memory_space<vmem>>, vector<16xf32>,
        %mul3A_1904 = arith.mulf %get3A_1903, %gather3A : vector<16xf32>
        %add3A_1905 = arith.constant 7 : i32
        %add3A_1906 = arith.addi %mul3A_1773, %add3A_1905 : i32
        %get3A_1907 = arith.index_cast %add3A_1906 : i32 to index
        %get3A_1908 = arith.constant 16 : index
        %get3A_1909 = tpu.vector_load %arg8[%get3A_1907, %get3A_1908] {strides = array<i32>} : memref<832x32xf32, #tpu.memory_space<vmem>>, vector<16xf32>,
        %mul3A_1910 = arith.mulf %get3A_1909, %gather3A : vector<16xf32>
        %add3A_1911 = arith.constant 28 : i32
        %add3A_1912 = vector.broadcast %add3A_1911 : i32 to vector<16xi32>
        %add3A_1913 = arith.addi %add3A_1912, %select_n3A : vector<16xi32>
        tpu.vector_store_idx %arg10[%add3A_1913, %rem3A_28, %broadcast_in_dim3A_1771], %mul3A_1904 : memref<104x8x72xf32, #tpu.memory_space<vmem>>[vector<16xi32>, vector<16xi32>, vector<16xi32>], vector<16xf32>,
        %add3A_1914 = arith.constant 30 : i32
        %add3A_1915 = vector.broadcast %add3A_1914 : i32 to vector<16xi32>
        %add3A_1916 = arith.addi %add3A_1915, %select_n3A : vector<16xi32>
        tpu.vector_store_idx %arg10[%add3A_1916, %rem3A_28, %broadcast_in_dim3A_1771], %mul3A_1910 : memref<104x8x72xf32, #tpu.memory_space<vmem>>[vector<16xi32>, vector<16xi32>, vector<16xi32>], vector<16xf32>,
        %add3A_1917 = arith.constant 8 : i32
        %add3A_1918 = arith.addi %mul3A_1773, %add3A_1917 : i32
        %get3A_1919 = arith.index_cast %add3A_1918 : i32 to index
        %get3A_1920 = arith.constant 0 : index
        %get3A_1921 = tpu.vector_load %arg8[%get3A_1919, %get3A_1920] {strides = array<i32>} : memref<832x32xf32, #tpu.memory_space<vmem>>, vector<16xf32>,
        %mul3A_1922 = arith.mulf %get3A_1921, %gather3A : vector<16xf32>
        %add3A_1923 = arith.constant 8 : i32
        %add3A_1924 = arith.addi %mul3A_1773, %add3A_1923 : i32
        %get3A_1925 = arith.index_cast %add3A_1924 : i32 to index
        %get3A_1926 = arith.constant 16 : index
        %get3A_1927 = tpu.vector_load %arg8[%get3A_1925, %get3A_1926] {strides = array<i32>} : memref<832x32xf32, #tpu.memory_space<vmem>>, vector<16xf32>,
        %mul3A_1928 = arith.mulf %get3A_1927, %gather3A : vector<16xf32>
        %add3A_1929 = arith.constant 32 : i32
        %add3A_1930 = vector.broadcast %add3A_1929 : i32 to vector<16xi32>
        %add3A_1931 = arith.addi %add3A_1930, %select_n3A : vector<16xi32>
        tpu.vector_store_idx %arg10[%add3A_1931, %rem3A_28, %broadcast_in_dim3A_1771], %mul3A_1922 : memref<104x8x72xf32, #tpu.memory_space<vmem>>[vector<16xi32>, vector<16xi32>, vector<16xi32>], vector<16xf32>,
        %add3A_1932 = arith.constant 34 : i32
        %add3A_1933 = vector.broadcast %add3A_1932 : i32 to vector<16xi32>
        %add3A_1934 = arith.addi %add3A_1933, %select_n3A : vector<16xi32>
        tpu.vector_store_idx %arg10[%add3A_1934, %rem3A_28, %broadcast_in_dim3A_1771], %mul3A_1928 : memref<104x8x72xf32, #tpu.memory_space<vmem>>[vector<16xi32>, vector<16xi32>, vector<16xi32>], vector<16xf32>,
        %add3A_1935 = arith.constant 9 : i32
        %add3A_1936 = arith.addi %mul3A_1773, %add3A_1935 : i32
        %get3A_1937 = arith.index_cast %add3A_1936 : i32 to index
        %get3A_1938 = arith.constant 0 : index
        %get3A_1939 = tpu.vector_load %arg8[%get3A_1937, %get3A_1938] {strides = array<i32>} : memref<832x32xf32, #tpu.memory_space<vmem>>, vector<16xf32>,
        %mul3A_1940 = arith.mulf %get3A_1939, %gather3A : vector<16xf32>
        %add3A_1941 = arith.constant 9 : i32
        %add3A_1942 = arith.addi %mul3A_1773, %add3A_1941 : i32
        %get3A_1943 = arith.index_cast %add3A_1942 : i32 to index
        %get3A_1944 = arith.constant 16 : index
        %get3A_1945 = tpu.vector_load %arg8[%get3A_1943, %get3A_1944] {strides = array<i32>} : memref<832x32xf32, #tpu.memory_space<vmem>>, vector<16xf32>,
        %mul3A_1946 = arith.mulf %get3A_1945, %gather3A : vector<16xf32>
        %add3A_1947 = arith.constant 36 : i32
        %add3A_1948 = vector.broadcast %add3A_1947 : i32 to vector<16xi32>
        %add3A_1949 = arith.addi %add3A_1948, %select_n3A : vector<16xi32>
        tpu.vector_store_idx %arg10[%add3A_1949, %rem3A_28, %broadcast_in_dim3A_1771], %mul3A_1940 : memref<104x8x72xf32, #tpu.memory_space<vmem>>[vector<16xi32>, vector<16xi32>, vector<16xi32>], vector<16xf32>,
        %add3A_1950 = arith.constant 38 : i32
        %add3A_1951 = vector.broadcast %add3A_1950 : i32 to vector<16xi32>
        %add3A_1952 = arith.addi %add3A_1951, %select_n3A : vector<16xi32>
        tpu.vector_store_idx %arg10[%add3A_1952, %rem3A_28, %broadcast_in_dim3A_1771], %mul3A_1946 : memref<104x8x72xf32, #tpu.memory_space<vmem>>[vector<16xi32>, vector<16xi32>, vector<16xi32>], vector<16xf32>,
        %add3A_1953 = arith.constant 10 : i32
        %add3A_1954 = arith.addi %mul3A_1773, %add3A_1953 : i32
        %get3A_1955 = arith.index_cast %add3A_1954 : i32 to index
        %get3A_1956 = arith.constant 0 : index
        %get3A_1957 = tpu.vector_load %arg8[%get3A_1955, %get3A_1956] {strides = array<i32>} : memref<832x32xf32, #tpu.memory_space<vmem>>, vector<16xf32>,
        %mul3A_1958 = arith.mulf %get3A_1957, %gather3A : vector<16xf32>
        %add3A_1959 = arith.constant 10 : i32
        %add3A_1960 = arith.addi %mul3A_1773, %add3A_1959 : i32
        %get3A_1961 = arith.index_cast %add3A_1960 : i32 to index
        %get3A_1962 = arith.constant 16 : index
        %get3A_1963 = tpu.vector_load %arg8[%get3A_1961, %get3A_1962] {strides = array<i32>} : memref<832x32xf32, #tpu.memory_space<vmem>>, vector<16xf32>,
        %mul3A_1964 = arith.mulf %get3A_1963, %gather3A : vector<16xf32>
        %add3A_1965 = arith.constant 40 : i32
        %add3A_1966 = vector.broadcast %add3A_1965 : i32 to vector<16xi32>
        %add3A_1967 = arith.addi %add3A_1966, %select_n3A : vector<16xi32>
        tpu.vector_store_idx %arg10[%add3A_1967, %rem3A_28, %broadcast_in_dim3A_1771], %mul3A_1958 : memref<104x8x72xf32, #tpu.memory_space<vmem>>[vector<16xi32>, vector<16xi32>, vector<16xi32>], vector<16xf32>,
        %add3A_1968 = arith.constant 42 : i32
        %add3A_1969 = vector.broadcast %add3A_1968 : i32 to vector<16xi32>
        %add3A_1970 = arith.addi %add3A_1969, %select_n3A : vector<16xi32>
        tpu.vector_store_idx %arg10[%add3A_1970, %rem3A_28, %broadcast_in_dim3A_1771], %mul3A_1964 : memref<104x8x72xf32, #tpu.memory_space<vmem>>[vector<16xi32>, vector<16xi32>, vector<16xi32>], vector<16xf32>,
        %add3A_1971 = arith.constant 11 : i32
        %add3A_1972 = arith.addi %mul3A_1773, %add3A_1971 : i32
        %get3A_1973 = arith.index_cast %add3A_1972 : i32 to index
        %get3A_1974 = arith.constant 0 : index
        %get3A_1975 = tpu.vector_load %arg8[%get3A_1973, %get3A_1974] {strides = array<i32>} : memref<832x32xf32, #tpu.memory_space<vmem>>, vector<16xf32>,
        %mul3A_1976 = arith.mulf %get3A_1975, %gather3A : vector<16xf32>
        %add3A_1977 = arith.constant 11 : i32
        %add3A_1978 = arith.addi %mul3A_1773, %add3A_1977 : i32
        %get3A_1979 = arith.index_cast %add3A_1978 : i32 to index
        %get3A_1980 = arith.constant 16 : index
        %get3A_1981 = tpu.vector_load %arg8[%get3A_1979, %get3A_1980] {strides = array<i32>} : memref<832x32xf32, #tpu.memory_space<vmem>>, vector<16xf32>,
        %mul3A_1982 = arith.mulf %get3A_1981, %gather3A : vector<16xf32>
        %add3A_1983 = arith.constant 44 : i32
        %add3A_1984 = vector.broadcast %add3A_1983 : i32 to vector<16xi32>
        %add3A_1985 = arith.addi %add3A_1984, %select_n3A : vector<16xi32>
        tpu.vector_store_idx %arg10[%add3A_1985, %rem3A_28, %broadcast_in_dim3A_1771], %mul3A_1976 : memref<104x8x72xf32, #tpu.memory_space<vmem>>[vector<16xi32>, vector<16xi32>, vector<16xi32>], vector<16xf32>,
        %add3A_1986 = arith.constant 46 : i32
        %add3A_1987 = vector.broadcast %add3A_1986 : i32 to vector<16xi32>
        %add3A_1988 = arith.addi %add3A_1987, %select_n3A : vector<16xi32>
        tpu.vector_store_idx %arg10[%add3A_1988, %rem3A_28, %broadcast_in_dim3A_1771], %mul3A_1982 : memref<104x8x72xf32, #tpu.memory_space<vmem>>[vector<16xi32>, vector<16xi32>, vector<16xi32>], vector<16xf32>,
        %add3A_1989 = arith.constant 12 : i32
        %add3A_1990 = arith.addi %mul3A_1773, %add3A_1989 : i32
        %get3A_1991 = arith.index_cast %add3A_1990 : i32 to index
        %get3A_1992 = arith.constant 0 : index
        %get3A_1993 = tpu.vector_load %arg8[%get3A_1991, %get3A_1992] {strides = array<i32>} : memref<832x32xf32, #tpu.memory_space<vmem>>, vector<16xf32>,
        %mul3A_1994 = arith.mulf %get3A_1993, %gather3A : vector<16xf32>
        %add3A_1995 = arith.constant 12 : i32
        %add3A_1996 = arith.addi %mul3A_1773, %add3A_1995 : i32
        %get3A_1997 = arith.index_cast %add3A_1996 : i32 to index
        %get3A_1998 = arith.constant 16 : index
        %get3A_1999 = tpu.vector_load %arg8[%get3A_1997, %get3A_1998] {strides = array<i32>} : memref<832x32xf32, #tpu.memory_space<vmem>>, vector<16xf32>,
        %mul3A_2000 = arith.mulf %get3A_1999, %gather3A : vector<16xf32>
        %add3A_2001 = arith.constant 48 : i32
        %add3A_2002 = vector.broadcast %add3A_2001 : i32 to vector<16xi32>
        %add3A_2003 = arith.addi %add3A_2002, %select_n3A : vector<16xi32>
        tpu.vector_store_idx %arg10[%add3A_2003, %rem3A_28, %broadcast_in_dim3A_1771], %mul3A_1994 : memref<104x8x72xf32, #tpu.memory_space<vmem>>[vector<16xi32>, vector<16xi32>, vector<16xi32>], vector<16xf32>,
        %add3A_2004 = arith.constant 50 : i32
        %add3A_2005 = vector.broadcast %add3A_2004 : i32 to vector<16xi32>
        %add3A_2006 = arith.addi %add3A_2005, %select_n3A : vector<16xi32>
        tpu.vector_store_idx %arg10[%add3A_2006, %rem3A_28, %broadcast_in_dim3A_1771], %mul3A_2000 : memref<104x8x72xf32, #tpu.memory_space<vmem>>[vector<16xi32>, vector<16xi32>, vector<16xi32>], vector<16xf32>,
        %add3A_2007 = arith.constant 13 : i32
        %add3A_2008 = arith.addi %mul3A_1773, %add3A_2007 : i32
        %get3A_2009 = arith.index_cast %add3A_2008 : i32 to index
        %get3A_2010 = arith.constant 0 : index
        %get3A_2011 = tpu.vector_load %arg8[%get3A_2009, %get3A_2010] {strides = array<i32>} : memref<832x32xf32, #tpu.memory_space<vmem>>, vector<16xf32>,
        %mul3A_2012 = arith.mulf %get3A_2011, %gather3A : vector<16xf32>
        %add3A_2013 = arith.constant 13 : i32
        %add3A_2014 = arith.addi %mul3A_1773, %add3A_2013 : i32
        %get3A_2015 = arith.index_cast %add3A_2014 : i32 to index
        %get3A_2016 = arith.constant 16 : index
        %get3A_2017 = tpu.vector_load %arg8[%get3A_2015, %get3A_2016] {strides = array<i32>} : memref<832x32xf32, #tpu.memory_space<vmem>>, vector<16xf32>,
        %mul3A_2018 = arith.mulf %get3A_2017, %gather3A : vector<16xf32>
        %add3A_2019 = arith.constant 52 : i32
        %add3A_2020 = vector.broadcast %add3A_2019 : i32 to vector<16xi32>
        %add3A_2021 = arith.addi %add3A_2020, %select_n3A : vector<16xi32>
        tpu.vector_store_idx %arg10[%add3A_2021, %rem3A_28, %broadcast_in_dim3A_1771], %mul3A_2012 : memref<104x8x72xf32, #tpu.memory_space<vmem>>[vector<16xi32>, vector<16xi32>, vector<16xi32>], vector<16xf32>,
        %add3A_2022 = arith.constant 54 : i32
        %add3A_2023 = vector.broadcast %add3A_2022 : i32 to vector<16xi32>
        %add3A_2024 = arith.addi %add3A_2023, %select_n3A : vector<16xi32>
        tpu.vector_store_idx %arg10[%add3A_2024, %rem3A_28, %broadcast_in_dim3A_1771], %mul3A_2018 : memref<104x8x72xf32, #tpu.memory_space<vmem>>[vector<16xi32>, vector<16xi32>, vector<16xi32>], vector<16xf32>,
        %add3A_2025 = arith.constant 14 : i32
        %add3A_2026 = arith.addi %mul3A_1773, %add3A_2025 : i32
        %get3A_2027 = arith.index_cast %add3A_2026 : i32 to index
        %get3A_2028 = arith.constant 0 : index
        %get3A_2029 = tpu.vector_load %arg8[%get3A_2027, %get3A_2028] {strides = array<i32>} : memref<832x32xf32, #tpu.memory_space<vmem>>, vector<16xf32>,
        %mul3A_2030 = arith.mulf %get3A_2029, %gather3A : vector<16xf32>
        %add3A_2031 = arith.constant 14 : i32
        %add3A_2032 = arith.addi %mul3A_1773, %add3A_2031 : i32
        %get3A_2033 = arith.index_cast %add3A_2032 : i32 to index
        %get3A_2034 = arith.constant 16 : index
        %get3A_2035 = tpu.vector_load %arg8[%get3A_2033, %get3A_2034] {strides = array<i32>} : memref<832x32xf32, #tpu.memory_space<vmem>>, vector<16xf32>,
        %mul3A_2036 = arith.mulf %get3A_2035, %gather3A : vector<16xf32>
        %add3A_2037 = arith.constant 56 : i32
        %add3A_2038 = vector.broadcast %add3A_2037 : i32 to vector<16xi32>
        %add3A_2039 = arith.addi %add3A_2038, %select_n3A : vector<16xi32>
        tpu.vector_store_idx %arg10[%add3A_2039, %rem3A_28, %broadcast_in_dim3A_1771], %mul3A_2030 : memref<104x8x72xf32, #tpu.memory_space<vmem>>[vector<16xi32>, vector<16xi32>, vector<16xi32>], vector<16xf32>,
        %add3A_2040 = arith.constant 58 : i32
        %add3A_2041 = vector.broadcast %add3A_2040 : i32 to vector<16xi32>
        %add3A_2042 = arith.addi %add3A_2041, %select_n3A : vector<16xi32>
        tpu.vector_store_idx %arg10[%add3A_2042, %rem3A_28, %broadcast_in_dim3A_1771], %mul3A_2036 : memref<104x8x72xf32, #tpu.memory_space<vmem>>[vector<16xi32>, vector<16xi32>, vector<16xi32>], vector<16xf32>,
        %add3A_2043 = arith.constant 15 : i32
        %add3A_2044 = arith.addi %mul3A_1773, %add3A_2043 : i32
        %get3A_2045 = arith.index_cast %add3A_2044 : i32 to index
        %get3A_2046 = arith.constant 0 : index
        %get3A_2047 = tpu.vector_load %arg8[%get3A_2045, %get3A_2046] {strides = array<i32>} : memref<832x32xf32, #tpu.memory_space<vmem>>, vector<16xf32>,
        %mul3A_2048 = arith.mulf %get3A_2047, %gather3A : vector<16xf32>
        %add3A_2049 = arith.constant 15 : i32
        %add3A_2050 = arith.addi %mul3A_1773, %add3A_2049 : i32
        %get3A_2051 = arith.index_cast %add3A_2050 : i32 to index
        %get3A_2052 = arith.constant 16 : index
        %get3A_2053 = tpu.vector_load %arg8[%get3A_2051, %get3A_2052] {strides = array<i32>} : memref<832x32xf32, #tpu.memory_space<vmem>>, vector<16xf32>,
        %mul3A_2054 = arith.mulf %get3A_2053, %gather3A : vector<16xf32>
        %add3A_2055 = arith.constant 60 : i32
        %add3A_2056 = vector.broadcast %add3A_2055 : i32 to vector<16xi32>
        %add3A_2057 = arith.addi %add3A_2056, %select_n3A : vector<16xi32>
        tpu.vector_store_idx %arg10[%add3A_2057, %rem3A_28, %broadcast_in_dim3A_1771], %mul3A_2048 : memref<104x8x72xf32, #tpu.memory_space<vmem>>[vector<16xi32>, vector<16xi32>, vector<16xi32>], vector<16xf32>,
        %add3A_2058 = arith.constant 62 : i32
        %add3A_2059 = vector.broadcast %add3A_2058 : i32 to vector<16xi32>
        %add3A_2060 = arith.addi %add3A_2059, %select_n3A : vector<16xi32>
        tpu.vector_store_idx %arg10[%add3A_2060, %rem3A_28, %broadcast_in_dim3A_1771], %mul3A_2054 : memref<104x8x72xf32, #tpu.memory_space<vmem>>[vector<16xi32>, vector<16xi32>, vector<16xi32>], vector<16xf32>,
        %add3A_2061 = arith.constant 16 : i32
        %add3A_2062 = arith.addi %mul3A_1773, %add3A_2061 : i32
        %get3A_2063 = arith.index_cast %add3A_2062 : i32 to index
        %get3A_2064 = arith.constant 0 : index
        %get3A_2065 = tpu.vector_load %arg8[%get3A_2063, %get3A_2064] {strides = array<i32>} : memref<832x32xf32, #tpu.memory_space<vmem>>, vector<16xf32>,
        %mul3A_2066 = arith.mulf %get3A_2065, %gather3A : vector<16xf32>
        %add3A_2067 = arith.constant 16 : i32
        %add3A_2068 = arith.addi %mul3A_1773, %add3A_2067 : i32
        %get3A_2069 = arith.index_cast %add3A_2068 : i32 to index
        %get3A_2070 = arith.constant 16 : index
        %get3A_2071 = tpu.vector_load %arg8[%get3A_2069, %get3A_2070] {strides = array<i32>} : memref<832x32xf32, #tpu.memory_space<vmem>>, vector<16xf32>,
        %mul3A_2072 = arith.mulf %get3A_2071, %gather3A : vector<16xf32>
        %add3A_2073 = arith.constant 64 : i32
        %add3A_2074 = vector.broadcast %add3A_2073 : i32 to vector<16xi32>
        %add3A_2075 = arith.addi %add3A_2074, %select_n3A : vector<16xi32>
        tpu.vector_store_idx %arg10[%add3A_2075, %rem3A_28, %broadcast_in_dim3A_1771], %mul3A_2066 : memref<104x8x72xf32, #tpu.memory_space<vmem>>[vector<16xi32>, vector<16xi32>, vector<16xi32>], vector<16xf32>,
        %add3A_2076 = arith.constant 66 : i32
        %add3A_2077 = vector.broadcast %add3A_2076 : i32 to vector<16xi32>
        %add3A_2078 = arith.addi %add3A_2077, %select_n3A : vector<16xi32>
        tpu.vector_store_idx %arg10[%add3A_2078, %rem3A_28, %broadcast_in_dim3A_1771], %mul3A_2072 : memref<104x8x72xf32, #tpu.memory_space<vmem>>[vector<16xi32>, vector<16xi32>, vector<16xi32>], vector<16xf32>,
        %add3A_2079 = arith.constant 17 : i32
        %add3A_2080 = arith.addi %mul3A_1773, %add3A_2079 : i32
        %get3A_2081 = arith.index_cast %add3A_2080 : i32 to index
        %get3A_2082 = arith.constant 0 : index
        %get3A_2083 = tpu.vector_load %arg8[%get3A_2081, %get3A_2082] {strides = array<i32>} : memref<832x32xf32, #tpu.memory_space<vmem>>, vector<16xf32>,
        %mul3A_2084 = arith.mulf %get3A_2083, %gather3A : vector<16xf32>
        %add3A_2085 = arith.constant 17 : i32
        %add3A_2086 = arith.addi %mul3A_1773, %add3A_2085 : i32
        %get3A_2087 = arith.index_cast %add3A_2086 : i32 to index
        %get3A_2088 = arith.constant 16 : index
        %get3A_2089 = tpu.vector_load %arg8[%get3A_2087, %get3A_2088] {strides = array<i32>} : memref<832x32xf32, #tpu.memory_space<vmem>>, vector<16xf32>,
        %mul3A_2090 = arith.mulf %get3A_2089, %gather3A : vector<16xf32>
        %add3A_2091 = arith.constant 68 : i32
        %add3A_2092 = vector.broadcast %add3A_2091 : i32 to vector<16xi32>
        %add3A_2093 = arith.addi %add3A_2092, %select_n3A : vector<16xi32>
        tpu.vector_store_idx %arg10[%add3A_2093, %rem3A_28, %broadcast_in_dim3A_1771], %mul3A_2084 : memref<104x8x72xf32, #tpu.memory_space<vmem>>[vector<16xi32>, vector<16xi32>, vector<16xi32>], vector<16xf32>,
        %add3A_2094 = arith.constant 70 : i32
        %add3A_2095 = vector.broadcast %add3A_2094 : i32 to vector<16xi32>
        %add3A_2096 = arith.addi %add3A_2095, %select_n3A : vector<16xi32>
        tpu.vector_store_idx %arg10[%add3A_2096, %rem3A_28, %broadcast_in_dim3A_1771], %mul3A_2090 : memref<104x8x72xf32, #tpu.memory_space<vmem>>[vector<16xi32>, vector<16xi32>, vector<16xi32>], vector<16xf32>,
        %add3A_2097 = arith.constant 18 : i32
        %add3A_2098 = arith.addi %mul3A_1773, %add3A_2097 : i32
        %get3A_2099 = arith.index_cast %add3A_2098 : i32 to index
        %get3A_2100 = arith.constant 0 : index
        %get3A_2101 = tpu.vector_load %arg8[%get3A_2099, %get3A_2100] {strides = array<i32>} : memref<832x32xf32, #tpu.memory_space<vmem>>, vector<16xf32>,
        %mul3A_2102 = arith.mulf %get3A_2101, %gather3A : vector<16xf32>
        %add3A_2103 = arith.constant 18 : i32
        %add3A_2104 = arith.addi %mul3A_1773, %add3A_2103 : i32
        %get3A_2105 = arith.index_cast %add3A_2104 : i32 to index
        %get3A_2106 = arith.constant 16 : index
        %get3A_2107 = tpu.vector_load %arg8[%get3A_2105, %get3A_2106] {strides = array<i32>} : memref<832x32xf32, #tpu.memory_space<vmem>>, vector<16xf32>,
        %mul3A_2108 = arith.mulf %get3A_2107, %gather3A : vector<16xf32>
        %add3A_2109 = arith.constant 72 : i32
        %add3A_2110 = vector.broadcast %add3A_2109 : i32 to vector<16xi32>
        %add3A_2111 = arith.addi %add3A_2110, %select_n3A : vector<16xi32>
        tpu.vector_store_idx %arg10[%add3A_2111, %rem3A_28, %broadcast_in_dim3A_1771], %mul3A_2102 : memref<104x8x72xf32, #tpu.memory_space<vmem>>[vector<16xi32>, vector<16xi32>, vector<16xi32>], vector<16xf32>,
        %add3A_2112 = arith.constant 74 : i32
        %add3A_2113 = vector.broadcast %add3A_2112 : i32 to vector<16xi32>
        %add3A_2114 = arith.addi %add3A_2113, %select_n3A : vector<16xi32>
        tpu.vector_store_idx %arg10[%add3A_2114, %rem3A_28, %broadcast_in_dim3A_1771], %mul3A_2108 : memref<104x8x72xf32, #tpu.memory_space<vmem>>[vector<16xi32>, vector<16xi32>, vector<16xi32>], vector<16xf32>,
        %add3A_2115 = arith.constant 19 : i32
        %add3A_2116 = arith.addi %mul3A_1773, %add3A_2115 : i32
        %get3A_2117 = arith.index_cast %add3A_2116 : i32 to index
        %get3A_2118 = arith.constant 0 : index
        %get3A_2119 = tpu.vector_load %arg8[%get3A_2117, %get3A_2118] {strides = array<i32>} : memref<832x32xf32, #tpu.memory_space<vmem>>, vector<16xf32>,
        %mul3A_2120 = arith.mulf %get3A_2119, %gather3A : vector<16xf32>
        %add3A_2121 = arith.constant 19 : i32
        %add3A_2122 = arith.addi %mul3A_1773, %add3A_2121 : i32
        %get3A_2123 = arith.index_cast %add3A_2122 : i32 to index
        %get3A_2124 = arith.constant 16 : index
        %get3A_2125 = tpu.vector_load %arg8[%get3A_2123, %get3A_2124] {strides = array<i32>} : memref<832x32xf32, #tpu.memory_space<vmem>>, vector<16xf32>,
        %mul3A_2126 = arith.mulf %get3A_2125, %gather3A : vector<16xf32>
        %add3A_2127 = arith.constant 76 : i32
        %add3A_2128 = vector.broadcast %add3A_2127 : i32 to vector<16xi32>
        %add3A_2129 = arith.addi %add3A_2128, %select_n3A : vector<16xi32>
        tpu.vector_store_idx %arg10[%add3A_2129, %rem3A_28, %broadcast_in_dim3A_1771], %mul3A_2120 : memref<104x8x72xf32, #tpu.memory_space<vmem>>[vector<16xi32>, vector<16xi32>, vector<16xi32>], vector<16xf32>,
        %add3A_2130 = arith.constant 78 : i32
        %add3A_2131 = vector.broadcast %add3A_2130 : i32 to vector<16xi32>
        %add3A_2132 = arith.addi %add3A_2131, %select_n3A : vector<16xi32>
        tpu.vector_store_idx %arg10[%add3A_2132, %rem3A_28, %broadcast_in_dim3A_1771], %mul3A_2126 : memref<104x8x72xf32, #tpu.memory_space<vmem>>[vector<16xi32>, vector<16xi32>, vector<16xi32>], vector<16xf32>,
        %add3A_2133 = arith.constant 20 : i32
        %add3A_2134 = arith.addi %mul3A_1773, %add3A_2133 : i32
        %get3A_2135 = arith.index_cast %add3A_2134 : i32 to index
        %get3A_2136 = arith.constant 0 : index
        %get3A_2137 = tpu.vector_load %arg8[%get3A_2135, %get3A_2136] {strides = array<i32>} : memref<832x32xf32, #tpu.memory_space<vmem>>, vector<16xf32>,
        %mul3A_2138 = arith.mulf %get3A_2137, %gather3A : vector<16xf32>
        %add3A_2139 = arith.constant 20 : i32
        %add3A_2140 = arith.addi %mul3A_1773, %add3A_2139 : i32
        %get3A_2141 = arith.index_cast %add3A_2140 : i32 to index
        %get3A_2142 = arith.constant 16 : index
        %get3A_2143 = tpu.vector_load %arg8[%get3A_2141, %get3A_2142] {strides = array<i32>} : memref<832x32xf32, #tpu.memory_space<vmem>>, vector<16xf32>,
        %mul3A_2144 = arith.mulf %get3A_2143, %gather3A : vector<16xf32>
        %add3A_2145 = arith.constant 80 : i32
        %add3A_2146 = vector.broadcast %add3A_2145 : i32 to vector<16xi32>
        %add3A_2147 = arith.addi %add3A_2146, %select_n3A : vector<16xi32>
        tpu.vector_store_idx %arg10[%add3A_2147, %rem3A_28, %broadcast_in_dim3A_1771], %mul3A_2138 : memref<104x8x72xf32, #tpu.memory_space<vmem>>[vector<16xi32>, vector<16xi32>, vector<16xi32>], vector<16xf32>,
        %add3A_2148 = arith.constant 82 : i32
        %add3A_2149 = vector.broadcast %add3A_2148 : i32 to vector<16xi32>
        %add3A_2150 = arith.addi %add3A_2149, %select_n3A : vector<16xi32>
        tpu.vector_store_idx %arg10[%add3A_2150, %rem3A_28, %broadcast_in_dim3A_1771], %mul3A_2144 : memref<104x8x72xf32, #tpu.memory_space<vmem>>[vector<16xi32>, vector<16xi32>, vector<16xi32>], vector<16xf32>,
        %add3A_2151 = arith.constant 21 : i32
        %add3A_2152 = arith.addi %mul3A_1773, %add3A_2151 : i32
        %get3A_2153 = arith.index_cast %add3A_2152 : i32 to index
        %get3A_2154 = arith.constant 0 : index
        %get3A_2155 = tpu.vector_load %arg8[%get3A_2153, %get3A_2154] {strides = array<i32>} : memref<832x32xf32, #tpu.memory_space<vmem>>, vector<16xf32>,
        %mul3A_2156 = arith.mulf %get3A_2155, %gather3A : vector<16xf32>
        %add3A_2157 = arith.constant 21 : i32
        %add3A_2158 = arith.addi %mul3A_1773, %add3A_2157 : i32
        %get3A_2159 = arith.index_cast %add3A_2158 : i32 to index
        %get3A_2160 = arith.constant 16 : index
        %get3A_2161 = tpu.vector_load %arg8[%get3A_2159, %get3A_2160] {strides = array<i32>} : memref<832x32xf32, #tpu.memory_space<vmem>>, vector<16xf32>,
        %mul3A_2162 = arith.mulf %get3A_2161, %gather3A : vector<16xf32>
        %add3A_2163 = arith.constant 84 : i32
        %add3A_2164 = vector.broadcast %add3A_2163 : i32 to vector<16xi32>
        %add3A_2165 = arith.addi %add3A_2164, %select_n3A : vector<16xi32>
        tpu.vector_store_idx %arg10[%add3A_2165, %rem3A_28, %broadcast_in_dim3A_1771], %mul3A_2156 : memref<104x8x72xf32, #tpu.memory_space<vmem>>[vector<16xi32>, vector<16xi32>, vector<16xi32>], vector<16xf32>,
        %add3A_2166 = arith.constant 86 : i32
        %add3A_2167 = vector.broadcast %add3A_2166 : i32 to vector<16xi32>
        %add3A_2168 = arith.addi %add3A_2167, %select_n3A : vector<16xi32>
        tpu.vector_store_idx %arg10[%add3A_2168, %rem3A_28, %broadcast_in_dim3A_1771], %mul3A_2162 : memref<104x8x72xf32, #tpu.memory_space<vmem>>[vector<16xi32>, vector<16xi32>, vector<16xi32>], vector<16xf32>,
        %add3A_2169 = arith.constant 22 : i32
        %add3A_2170 = arith.addi %mul3A_1773, %add3A_2169 : i32
        %get3A_2171 = arith.index_cast %add3A_2170 : i32 to index
        %get3A_2172 = arith.constant 0 : index
        %get3A_2173 = tpu.vector_load %arg8[%get3A_2171, %get3A_2172] {strides = array<i32>} : memref<832x32xf32, #tpu.memory_space<vmem>>, vector<16xf32>,
        %mul3A_2174 = arith.mulf %get3A_2173, %gather3A : vector<16xf32>
        %add3A_2175 = arith.constant 22 : i32
        %add3A_2176 = arith.addi %mul3A_1773, %add3A_2175 : i32
        %get3A_2177 = arith.index_cast %add3A_2176 : i32 to index
        %get3A_2178 = arith.constant 16 : index
        %get3A_2179 = tpu.vector_load %arg8[%get3A_2177, %get3A_2178] {strides = array<i32>} : memref<832x32xf32, #tpu.memory_space<vmem>>, vector<16xf32>,
        %mul3A_2180 = arith.mulf %get3A_2179, %gather3A : vector<16xf32>
        %add3A_2181 = arith.constant 88 : i32
        %add3A_2182 = vector.broadcast %add3A_2181 : i32 to vector<16xi32>
        %add3A_2183 = arith.addi %add3A_2182, %select_n3A : vector<16xi32>
        tpu.vector_store_idx %arg10[%add3A_2183, %rem3A_28, %broadcast_in_dim3A_1771], %mul3A_2174 : memref<104x8x72xf32, #tpu.memory_space<vmem>>[vector<16xi32>, vector<16xi32>, vector<16xi32>], vector<16xf32>,
        %add3A_2184 = arith.constant 90 : i32
        %add3A_2185 = vector.broadcast %add3A_2184 : i32 to vector<16xi32>
        %add3A_2186 = arith.addi %add3A_2185, %select_n3A : vector<16xi32>
        tpu.vector_store_idx %arg10[%add3A_2186, %rem3A_28, %broadcast_in_dim3A_1771], %mul3A_2180 : memref<104x8x72xf32, #tpu.memory_space<vmem>>[vector<16xi32>, vector<16xi32>, vector<16xi32>], vector<16xf32>,
        %add3A_2187 = arith.constant 23 : i32
        %add3A_2188 = arith.addi %mul3A_1773, %add3A_2187 : i32
        %get3A_2189 = arith.index_cast %add3A_2188 : i32 to index
        %get3A_2190 = arith.constant 0 : index
        %get3A_2191 = tpu.vector_load %arg8[%get3A_2189, %get3A_2190] {strides = array<i32>} : memref<832x32xf32, #tpu.memory_space<vmem>>, vector<16xf32>,
        %mul3A_2192 = arith.mulf %get3A_2191, %gather3A : vector<16xf32>
        %add3A_2193 = arith.constant 23 : i32
        %add3A_2194 = arith.addi %mul3A_1773, %add3A_2193 : i32
        %get3A_2195 = arith.index_cast %add3A_2194 : i32 to index
        %get3A_2196 = arith.constant 16 : index
        %get3A_2197 = tpu.vector_load %arg8[%get3A_2195, %get3A_2196] {strides = array<i32>} : memref<832x32xf32, #tpu.memory_space<vmem>>, vector<16xf32>,
        %mul3A_2198 = arith.mulf %get3A_2197, %gather3A : vector<16xf32>
        %add3A_2199 = arith.constant 92 : i32
        %add3A_2200 = vector.broadcast %add3A_2199 : i32 to vector<16xi32>
        %add3A_2201 = arith.addi %add3A_2200, %select_n3A : vector<16xi32>
        tpu.vector_store_idx %arg10[%add3A_2201, %rem3A_28, %broadcast_in_dim3A_1771], %mul3A_2192 : memref<104x8x72xf32, #tpu.memory_space<vmem>>[vector<16xi32>, vector<16xi32>, vector<16xi32>], vector<16xf32>,
        %add3A_2202 = arith.constant 94 : i32
        %add3A_2203 = vector.broadcast %add3A_2202 : i32 to vector<16xi32>
        %add3A_2204 = arith.addi %add3A_2203, %select_n3A : vector<16xi32>
        tpu.vector_store_idx %arg10[%add3A_2204, %rem3A_28, %broadcast_in_dim3A_1771], %mul3A_2198 : memref<104x8x72xf32, #tpu.memory_space<vmem>>[vector<16xi32>, vector<16xi32>, vector<16xi32>], vector<16xf32>,
        %add3A_2205 = arith.constant 24 : i32
        %add3A_2206 = arith.addi %mul3A_1773, %add3A_2205 : i32
        %get3A_2207 = arith.index_cast %add3A_2206 : i32 to index
        %get3A_2208 = arith.constant 0 : index
        %get3A_2209 = tpu.vector_load %arg8[%get3A_2207, %get3A_2208] {strides = array<i32>} : memref<832x32xf32, #tpu.memory_space<vmem>>, vector<16xf32>,
        %mul3A_2210 = arith.mulf %get3A_2209, %gather3A : vector<16xf32>
        %add3A_2211 = arith.constant 24 : i32
        %add3A_2212 = arith.addi %mul3A_1773, %add3A_2211 : i32
        %get3A_2213 = arith.index_cast %add3A_2212 : i32 to index
        %get3A_2214 = arith.constant 16 : index
        %get3A_2215 = tpu.vector_load %arg8[%get3A_2213, %get3A_2214] {strides = array<i32>} : memref<832x32xf32, #tpu.memory_space<vmem>>, vector<16xf32>,
        %mul3A_2216 = arith.mulf %get3A_2215, %gather3A : vector<16xf32>
        %add3A_2217 = arith.constant 96 : i32
        %add3A_2218 = vector.broadcast %add3A_2217 : i32 to vector<16xi32>
        %add3A_2219 = arith.addi %add3A_2218, %select_n3A : vector<16xi32>
        tpu.vector_store_idx %arg10[%add3A_2219, %rem3A_28, %broadcast_in_dim3A_1771], %mul3A_2210 : memref<104x8x72xf32, #tpu.memory_space<vmem>>[vector<16xi32>, vector<16xi32>, vector<16xi32>], vector<16xf32>,
        %add3A_2220 = arith.constant 98 : i32
        %add3A_2221 = vector.broadcast %add3A_2220 : i32 to vector<16xi32>
        %add3A_2222 = arith.addi %add3A_2221, %select_n3A : vector<16xi32>
        tpu.vector_store_idx %arg10[%add3A_2222, %rem3A_28, %broadcast_in_dim3A_1771], %mul3A_2216 : memref<104x8x72xf32, #tpu.memory_space<vmem>>[vector<16xi32>, vector<16xi32>, vector<16xi32>], vector<16xf32>,
        %add3A_2223 = arith.constant 25 : i32
        %add3A_2224 = arith.addi %mul3A_1773, %add3A_2223 : i32
        %get3A_2225 = arith.index_cast %add3A_2224 : i32 to index
        %get3A_2226 = arith.constant 0 : index
        %get3A_2227 = tpu.vector_load %arg8[%get3A_2225, %get3A_2226] {strides = array<i32>} : memref<832x32xf32, #tpu.memory_space<vmem>>, vector<16xf32>,
        %mul3A_2228 = arith.mulf %get3A_2227, %gather3A : vector<16xf32>
        %add3A_2229 = arith.constant 25 : i32
        %add3A_2230 = arith.addi %mul3A_1773, %add3A_2229 : i32
        %get3A_2231 = arith.index_cast %add3A_2230 : i32 to index
        %get3A_2232 = arith.constant 16 : index
        %get3A_2233 = tpu.vector_load %arg8[%get3A_2231, %get3A_2232] {strides = array<i32>} : memref<832x32xf32, #tpu.memory_space<vmem>>, vector<16xf32>,
        %mul3A_2234 = arith.mulf %get3A_2233, %gather3A : vector<16xf32>
        %add3A_2235 = arith.constant 100 : i32
        %add3A_2236 = vector.broadcast %add3A_2235 : i32 to vector<16xi32>
        %add3A_2237 = arith.addi %add3A_2236, %select_n3A : vector<16xi32>
        tpu.vector_store_idx %arg10[%add3A_2237, %rem3A_28, %broadcast_in_dim3A_1771], %mul3A_2228 : memref<104x8x72xf32, #tpu.memory_space<vmem>>[vector<16xi32>, vector<16xi32>, vector<16xi32>], vector<16xf32>,
        %add3A_2238 = arith.constant 102 : i32
        %add3A_2239 = vector.broadcast %add3A_2238 : i32 to vector<16xi32>
        %add3A_2240 = arith.addi %add3A_2239, %select_n3A : vector<16xi32>
        tpu.vector_store_idx %arg10[%add3A_2240, %rem3A_28, %broadcast_in_dim3A_1771], %mul3A_2234 : memref<104x8x72xf32, #tpu.memory_space<vmem>>[vector<16xi32>, vector<16xi32>, vector<16xi32>], vector<16xf32>,
      }
      %scan3A_1262 = arith.constant 32 : i32
      %dma_wait3A_1263 = arith.constant 0 : i32
      %dma_wait3A_1264 = arith.constant 0 : i32
      %dma_wait3A_1265 = tpu.memref_slice %arg9[%dma_wait3A_1263, %dma_wait3A_1264] : memref<832x32xf32, #tpu.memory_space<vmem>> -> memref<26x32xf32, #tpu.memory_space<vmem>>
      %dma_wait3A_1266 = arith.constant 0 : i32
      %dma_wait3A_1267 = arith.constant 0 : i32
      %dma_wait3A_1268 = tpu.memref_slice %arg2[%dma_wait3A_1266, %dma_wait3A_1267] : memref<1000000x32xf32, #tpu.memory_space<hbm>> -> memref<26x32xf32, #tpu.memory_space<hbm>>
      %dma_wait3A_1269 = arith.constant 0 : i32
      %dma_wait3A_1270 = arith.constant 0 : i32
      %dma_wait3A_1271 = tpu.memref_slice %arg9[%dma_wait3A_1269, %dma_wait3A_1270] : memref<832x32xf32, #tpu.memory_space<vmem>> -> memref<26x32xf32, #tpu.memory_space<vmem>>
      %dma_wait3A_1272 = arith.constant 0 : i32
      %dma_wait3A_1273 = arith.constant 0 : i32
      %dma_wait3A_1274 = tpu.memref_slice %arg2[%dma_wait3A_1272, %dma_wait3A_1273] : memref<1000000x32xf32, #tpu.memory_space<hbm>> -> memref<26x32xf32, #tpu.memory_space<hbm>>
      tpu.wait_dma2 semaphore(%arg12 : memref<!tpu.dma_semaphore, #tpu.memory_space<semaphore_mem>>) src(%dma_wait3A_1274 : memref<26x32xf32, #tpu.memory_space<hbm>>) dst(%dma_wait3A_1271 : memref<26x32xf32, #tpu.memory_space<vmem>>)
      %dma_wait3A_1275 = arith.constant 0 : i32
      %dma_wait3A_1276 = arith.constant 0 : i32
      %dma_wait3A_1277 = tpu.memref_slice %arg9[%dma_wait3A_1275, %dma_wait3A_1276] : memref<832x32xf32, #tpu.memory_space<vmem>> -> memref<26x32xf32, #tpu.memory_space<vmem>>
      %dma_wait3A_1278 = arith.constant 0 : i32
      %dma_wait3A_1279 = arith.constant 0 : i32
      %dma_wait3A_1280 = tpu.memref_slice %arg2[%dma_wait3A_1278, %dma_wait3A_1279] : memref<1000000x32xf32, #tpu.memory_space<hbm>> -> memref<26x32xf32, #tpu.memory_space<hbm>>
      %dma_wait3A_1281 = arith.constant 0 : i32
      %dma_wait3A_1282 = arith.constant 0 : i32
      %dma_wait3A_1283 = tpu.memref_slice %arg9[%dma_wait3A_1281, %dma_wait3A_1282] : memref<832x32xf32, #tpu.memory_space<vmem>> -> memref<26x32xf32, #tpu.memory_space<vmem>>
      %dma_wait3A_1284 = arith.constant 0 : i32
      %dma_wait3A_1285 = arith.constant 0 : i32
      %dma_wait3A_1286 = tpu.memref_slice %arg2[%dma_wait3A_1284, %dma_wait3A_1285] : memref<1000000x32xf32, #tpu.memory_space<hbm>> -> memref<26x32xf32, #tpu.memory_space<hbm>>
      tpu.wait_dma2 semaphore(%arg12 : memref<!tpu.dma_semaphore, #tpu.memory_space<semaphore_mem>>) src(%dma_wait3A_1286 : memref<26x32xf32, #tpu.memory_space<hbm>>) dst(%dma_wait3A_1283 : memref<26x32xf32, #tpu.memory_space<vmem>>)
      %dma_wait3A_1287 = arith.constant 0 : i32
      %dma_wait3A_1288 = arith.constant 0 : i32
      %dma_wait3A_1289 = tpu.memref_slice %arg9[%dma_wait3A_1287, %dma_wait3A_1288] : memref<832x32xf32, #tpu.memory_space<vmem>> -> memref<26x32xf32, #tpu.memory_space<vmem>>
      %dma_wait3A_1290 = arith.constant 0 : i32
      %dma_wait3A_1291 = arith.constant 0 : i32
      %dma_wait3A_1292 = tpu.memref_slice %arg2[%dma_wait3A_1290, %dma_wait3A_1291] : memref<1000000x32xf32, #tpu.memory_space<hbm>> -> memref<26x32xf32, #tpu.memory_space<hbm>>
      %dma_wait3A_1293 = arith.constant 0 : i32
      %dma_wait3A_1294 = arith.constant 0 : i32
      %dma_wait3A_1295 = tpu.memref_slice %arg9[%dma_wait3A_1293, %dma_wait3A_1294] : memref<832x32xf32, #tpu.memory_space<vmem>> -> memref<26x32xf32, #tpu.memory_space<vmem>>
      %dma_wait3A_1296 = arith.constant 0 : i32
      %dma_wait3A_1297 = arith.constant 0 : i32
      %dma_wait3A_1298 = tpu.memref_slice %arg2[%dma_wait3A_1296, %dma_wait3A_1297] : memref<1000000x32xf32, #tpu.memory_space<hbm>> -> memref<26x32xf32, #tpu.memory_space<hbm>>
      tpu.wait_dma2 semaphore(%arg12 : memref<!tpu.dma_semaphore, #tpu.memory_space<semaphore_mem>>) src(%dma_wait3A_1298 : memref<26x32xf32, #tpu.memory_space<hbm>>) dst(%dma_wait3A_1295 : memref<26x32xf32, #tpu.memory_space<vmem>>)
      %dma_wait3A_1299 = arith.constant 0 : i32
      %dma_wait3A_1300 = arith.constant 0 : i32
      %dma_wait3A_1301 = tpu.memref_slice %arg9[%dma_wait3A_1299, %dma_wait3A_1300] : memref<832x32xf32, #tpu.memory_space<vmem>> -> memref<26x32xf32, #tpu.memory_space<vmem>>
      %dma_wait3A_1302 = arith.constant 0 : i32
      %dma_wait3A_1303 = arith.constant 0 : i32
      %dma_wait3A_1304 = tpu.memref_slice %arg2[%dma_wait3A_1302, %dma_wait3A_1303] : memref<1000000x32xf32, #tpu.memory_space<hbm>> -> memref<26x32xf32, #tpu.memory_space<hbm>>
      %dma_wait3A_1305 = arith.constant 0 : i32
      %dma_wait3A_1306 = arith.constant 0 : i32
      %dma_wait3A_1307 = tpu.memref_slice %arg9[%dma_wait3A_1305, %dma_wait3A_1306] : memref<832x32xf32, #tpu.memory_space<vmem>> -> memref<26x32xf32, #tpu.memory_space<vmem>>
      %dma_wait3A_1308 = arith.constant 0 : i32
      %dma_wait3A_1309 = arith.constant 0 : i32
      %dma_wait3A_1310 = tpu.memref_slice %arg2[%dma_wait3A_1308, %dma_wait3A_1309] : memref<1000000x32xf32, #tpu.memory_space<hbm>> -> memref<26x32xf32, #tpu.memory_space<hbm>>
      tpu.wait_dma2 semaphore(%arg12 : memref<!tpu.dma_semaphore, #tpu.memory_space<semaphore_mem>>) src(%dma_wait3A_1310 : memref<26x32xf32, #tpu.memory_space<hbm>>) dst(%dma_wait3A_1307 : memref<26x32xf32, #tpu.memory_space<vmem>>)
      %dma_wait3A_1311 = arith.constant 0 : i32
      %dma_wait3A_1312 = arith.constant 0 : i32
      %dma_wait3A_1313 = tpu.memref_slice %arg9[%dma_wait3A_1311, %dma_wait3A_1312] : memref<832x32xf32, #tpu.memory_space<vmem>> -> memref<26x32xf32, #tpu.memory_space<vmem>>
      %dma_wait3A_1314 = arith.constant 0 : i32
      %dma_wait3A_1315 = arith.constant 0 : i32
      %dma_wait3A_1316 = tpu.memref_slice %arg2[%dma_wait3A_1314, %dma_wait3A_1315] : memref<1000000x32xf32, #tpu.memory_space<hbm>> -> memref<26x32xf32, #tpu.memory_space<hbm>>
      %dma_wait3A_1317 = arith.constant 0 : i32
      %dma_wait3A_1318 = arith.constant 0 : i32
      %dma_wait3A_1319 = tpu.memref_slice %arg9[%dma_wait3A_1317, %dma_wait3A_1318] : memref<832x32xf32, #tpu.memory_space<vmem>> -> memref<26x32xf32, #tpu.memory_space<vmem>>
      %dma_wait3A_1320 = arith.constant 0 : i32
      %dma_wait3A_1321 = arith.constant 0 : i32
      %dma_wait3A_1322 = tpu.memref_slice %arg2[%dma_wait3A_1320, %dma_wait3A_1321] : memref<1000000x32xf32, #tpu.memory_space<hbm>> -> memref<26x32xf32, #tpu.memory_space<hbm>>
      tpu.wait_dma2 semaphore(%arg12 : memref<!tpu.dma_semaphore, #tpu.memory_space<semaphore_mem>>) src(%dma_wait3A_1322 : memref<26x32xf32, #tpu.memory_space<hbm>>) dst(%dma_wait3A_1319 : memref<26x32xf32, #tpu.memory_space<vmem>>)
      %dma_wait3A_1323 = arith.constant 0 : i32
      %dma_wait3A_1324 = arith.constant 0 : i32
      %dma_wait3A_1325 = tpu.memref_slice %arg9[%dma_wait3A_1323, %dma_wait3A_1324] : memref<832x32xf32, #tpu.memory_space<vmem>> -> memref<26x32xf32, #tpu.memory_space<vmem>>
      %dma_wait3A_1326 = arith.constant 0 : i32
      %dma_wait3A_1327 = arith.constant 0 : i32
      %dma_wait3A_1328 = tpu.memref_slice %arg2[%dma_wait3A_1326, %dma_wait3A_1327] : memref<1000000x32xf32, #tpu.memory_space<hbm>> -> memref<26x32xf32, #tpu.memory_space<hbm>>
      %dma_wait3A_1329 = arith.constant 0 : i32
      %dma_wait3A_1330 = arith.constant 0 : i32
      %dma_wait3A_1331 = tpu.memref_slice %arg9[%dma_wait3A_1329, %dma_wait3A_1330] : memref<832x32xf32, #tpu.memory_space<vmem>> -> memref<26x32xf32, #tpu.memory_space<vmem>>
      %dma_wait3A_1332 = arith.constant 0 : i32
      %dma_wait3A_1333 = arith.constant 0 : i32
      %dma_wait3A_1334 = tpu.memref_slice %arg2[%dma_wait3A_1332, %dma_wait3A_1333] : memref<1000000x32xf32, #tpu.memory_space<hbm>> -> memref<26x32xf32, #tpu.memory_space<hbm>>
      tpu.wait_dma2 semaphore(%arg12 : memref<!tpu.dma_semaphore, #tpu.memory_space<semaphore_mem>>) src(%dma_wait3A_1334 : memref<26x32xf32, #tpu.memory_space<hbm>>) dst(%dma_wait3A_1331 : memref<26x32xf32, #tpu.memory_space<vmem>>)
      %dma_wait3A_1335 = arith.constant 0 : i32
      %dma_wait3A_1336 = arith.constant 0 : i32
      %dma_wait3A_1337 = tpu.memref_slice %arg9[%dma_wait3A_1335, %dma_wait3A_1336] : memref<832x32xf32, #tpu.memory_space<vmem>> -> memref<26x32xf32, #tpu.memory_space<vmem>>
      %dma_wait3A_1338 = arith.constant 0 : i32
      %dma_wait3A_1339 = arith.constant 0 : i32
      %dma_wait3A_1340 = tpu.memref_slice %arg2[%dma_wait3A_1338, %dma_wait3A_1339] : memref<1000000x32xf32, #tpu.memory_space<hbm>> -> memref<26x32xf32, #tpu.memory_space<hbm>>
      %dma_wait3A_1341 = arith.constant 0 : i32
      %dma_wait3A_1342 = arith.constant 0 : i32
      %dma_wait3A_1343 = tpu.memref_slice %arg9[%dma_wait3A_1341, %dma_wait3A_1342] : memref<832x32xf32, #tpu.memory_space<vmem>> -> memref<26x32xf32, #tpu.memory_space<vmem>>
      %dma_wait3A_1344 = arith.constant 0 : i32
      %dma_wait3A_1345 = arith.constant 0 : i32
      %dma_wait3A_1346 = tpu.memref_slice %arg2[%dma_wait3A_1344, %dma_wait3A_1345] : memref<1000000x32xf32, #tpu.memory_space<hbm>> -> memref<26x32xf32, #tpu.memory_space<hbm>>
      tpu.wait_dma2 semaphore(%arg12 : memref<!tpu.dma_semaphore, #tpu.memory_space<semaphore_mem>>) src(%dma_wait3A_1346 : memref<26x32xf32, #tpu.memory_space<hbm>>) dst(%dma_wait3A_1343 : memref<26x32xf32, #tpu.memory_space<vmem>>)
      %dma_wait3A_1347 = arith.constant 0 : i32
      %dma_wait3A_1348 = arith.constant 0 : i32
      %dma_wait3A_1349 = tpu.memref_slice %arg9[%dma_wait3A_1347, %dma_wait3A_1348] : memref<832x32xf32, #tpu.memory_space<vmem>> -> memref<26x32xf32, #tpu.memory_space<vmem>>
      %dma_wait3A_1350 = arith.constant 0 : i32
      %dma_wait3A_1351 = arith.constant 0 : i32
      %dma_wait3A_1352 = tpu.memref_slice %arg2[%dma_wait3A_1350, %dma_wait3A_1351] : memref<1000000x32xf32, #tpu.memory_space<hbm>> -> memref<26x32xf32, #tpu.memory_space<hbm>>
      %dma_wait3A_1353 = arith.constant 0 : i32
      %dma_wait3A_1354 = arith.constant 0 : i32
      %dma_wait3A_1355 = tpu.memref_slice %arg9[%dma_wait3A_1353, %dma_wait3A_1354] : memref<832x32xf32, #tpu.memory_space<vmem>> -> memref<26x32xf32, #tpu.memory_space<vmem>>
      %dma_wait3A_1356 = arith.constant 0 : i32
      %dma_wait3A_1357 = arith.constant 0 : i32
      %dma_wait3A_1358 = tpu.memref_slice %arg2[%dma_wait3A_1356, %dma_wait3A_1357] : memref<1000000x32xf32, #tpu.memory_space<hbm>> -> memref<26x32xf32, #tpu.memory_space<hbm>>
      tpu.wait_dma2 semaphore(%arg12 : memref<!tpu.dma_semaphore, #tpu.memory_space<semaphore_mem>>) src(%dma_wait3A_1358 : memref<26x32xf32, #tpu.memory_space<hbm>>) dst(%dma_wait3A_1355 : memref<26x32xf32, #tpu.memory_space<vmem>>)
      %dma_wait3A_1359 = arith.constant 0 : i32
      %dma_wait3A_1360 = arith.constant 0 : i32
      %dma_wait3A_1361 = tpu.memref_slice %arg9[%dma_wait3A_1359, %dma_wait3A_1360] : memref<832x32xf32, #tpu.memory_space<vmem>> -> memref<26x32xf32, #tpu.memory_space<vmem>>
      %dma_wait3A_1362 = arith.constant 0 : i32
      %dma_wait3A_1363 = arith.constant 0 : i32
      %dma_wait3A_1364 = tpu.memref_slice %arg2[%dma_wait3A_1362, %dma_wait3A_1363] : memref<1000000x32xf32, #tpu.memory_space<hbm>> -> memref<26x32xf32, #tpu.memory_space<hbm>>
      %dma_wait3A_1365 = arith.constant 0 : i32
      %dma_wait3A_1366 = arith.constant 0 : i32
      %dma_wait3A_1367 = tpu.memref_slice %arg9[%dma_wait3A_1365, %dma_wait3A_1366] : memref<832x32xf32, #tpu.memory_space<vmem>> -> memref<26x32xf32, #tpu.memory_space<vmem>>
      %dma_wait3A_1368 = arith.constant 0 : i32
      %dma_wait3A_1369 = arith.constant 0 : i32
      %dma_wait3A_1370 = tpu.memref_slice %arg2[%dma_wait3A_1368, %dma_wait3A_1369] : memref<1000000x32xf32, #tpu.memory_space<hbm>> -> memref<26x32xf32, #tpu.memory_space<hbm>>
      tpu.wait_dma2 semaphore(%arg12 : memref<!tpu.dma_semaphore, #tpu.memory_space<semaphore_mem>>) src(%dma_wait3A_1370 : memref<26x32xf32, #tpu.memory_space<hbm>>) dst(%dma_wait3A_1367 : memref<26x32xf32, #tpu.memory_space<vmem>>)
      %dma_wait3A_1371 = arith.constant 0 : i32
      %dma_wait3A_1372 = arith.constant 0 : i32
      %dma_wait3A_1373 = tpu.memref_slice %arg9[%dma_wait3A_1371, %dma_wait3A_1372] : memref<832x32xf32, #tpu.memory_space<vmem>> -> memref<26x32xf32, #tpu.memory_space<vmem>>
      %dma_wait3A_1374 = arith.constant 0 : i32
      %dma_wait3A_1375 = arith.constant 0 : i32
      %dma_wait3A_1376 = tpu.memref_slice %arg2[%dma_wait3A_1374, %dma_wait3A_1375] : memref<1000000x32xf32, #tpu.memory_space<hbm>> -> memref<26x32xf32, #tpu.memory_space<hbm>>
      %dma_wait3A_1377 = arith.constant 0 : i32
      %dma_wait3A_1378 = arith.constant 0 : i32
      %dma_wait3A_1379 = tpu.memref_slice %arg9[%dma_wait3A_1377, %dma_wait3A_1378] : memref<832x32xf32, #tpu.memory_space<vmem>> -> memref<26x32xf32, #tpu.memory_space<vmem>>
      %dma_wait3A_1380 = arith.constant 0 : i32
      %dma_wait3A_1381 = arith.constant 0 : i32
      %dma_wait3A_1382 = tpu.memref_slice %arg2[%dma_wait3A_1380, %dma_wait3A_1381] : memref<1000000x32xf32, #tpu.memory_space<hbm>> -> memref<26x32xf32, #tpu.memory_space<hbm>>
      tpu.wait_dma2 semaphore(%arg12 : memref<!tpu.dma_semaphore, #tpu.memory_space<semaphore_mem>>) src(%dma_wait3A_1382 : memref<26x32xf32, #tpu.memory_space<hbm>>) dst(%dma_wait3A_1379 : memref<26x32xf32, #tpu.memory_space<vmem>>)
      %dma_wait3A_1383 = arith.constant 0 : i32
      %dma_wait3A_1384 = arith.constant 0 : i32
      %dma_wait3A_1385 = tpu.memref_slice %arg9[%dma_wait3A_1383, %dma_wait3A_1384] : memref<832x32xf32, #tpu.memory_space<vmem>> -> memref<26x32xf32, #tpu.memory_space<vmem>>
      %dma_wait3A_1386 = arith.constant 0 : i32
      %dma_wait3A_1387 = arith.constant 0 : i32
      %dma_wait3A_1388 = tpu.memref_slice %arg2[%dma_wait3A_1386, %dma_wait3A_1387] : memref<1000000x32xf32, #tpu.memory_space<hbm>> -> memref<26x32xf32, #tpu.memory_space<hbm>>
      %dma_wait3A_1389 = arith.constant 0 : i32
      %dma_wait3A_1390 = arith.constant 0 : i32
      %dma_wait3A_1391 = tpu.memref_slice %arg9[%dma_wait3A_1389, %dma_wait3A_1390] : memref<832x32xf32, #tpu.memory_space<vmem>> -> memref<26x32xf32, #tpu.memory_space<vmem>>
      %dma_wait3A_1392 = arith.constant 0 : i32
      %dma_wait3A_1393 = arith.constant 0 : i32
      %dma_wait3A_1394 = tpu.memref_slice %arg2[%dma_wait3A_1392, %dma_wait3A_1393] : memref<1000000x32xf32, #tpu.memory_space<hbm>> -> memref<26x32xf32, #tpu.memory_space<hbm>>
      tpu.wait_dma2 semaphore(%arg12 : memref<!tpu.dma_semaphore, #tpu.memory_space<semaphore_mem>>) src(%dma_wait3A_1394 : memref<26x32xf32, #tpu.memory_space<hbm>>) dst(%dma_wait3A_1391 : memref<26x32xf32, #tpu.memory_space<vmem>>)
      %dma_wait3A_1395 = arith.constant 0 : i32
      %dma_wait3A_1396 = arith.constant 0 : i32
      %dma_wait3A_1397 = tpu.memref_slice %arg9[%dma_wait3A_1395, %dma_wait3A_1396] : memref<832x32xf32, #tpu.memory_space<vmem>> -> memref<26x32xf32, #tpu.memory_space<vmem>>
      %dma_wait3A_1398 = arith.constant 0 : i32
      %dma_wait3A_1399 = arith.constant 0 : i32
      %dma_wait3A_1400 = tpu.memref_slice %arg2[%dma_wait3A_1398, %dma_wait3A_1399] : memref<1000000x32xf32, #tpu.memory_space<hbm>> -> memref<26x32xf32, #tpu.memory_space<hbm>>
      %dma_wait3A_1401 = arith.constant 0 : i32
      %dma_wait3A_1402 = arith.constant 0 : i32
      %dma_wait3A_1403 = tpu.memref_slice %arg9[%dma_wait3A_1401, %dma_wait3A_1402] : memref<832x32xf32, #tpu.memory_space<vmem>> -> memref<26x32xf32, #tpu.memory_space<vmem>>
      %dma_wait3A_1404 = arith.constant 0 : i32
      %dma_wait3A_1405 = arith.constant 0 : i32
      %dma_wait3A_1406 = tpu.memref_slice %arg2[%dma_wait3A_1404, %dma_wait3A_1405] : memref<1000000x32xf32, #tpu.memory_space<hbm>> -> memref<26x32xf32, #tpu.memory_space<hbm>>
      tpu.wait_dma2 semaphore(%arg12 : memref<!tpu.dma_semaphore, #tpu.memory_space<semaphore_mem>>) src(%dma_wait3A_1406 : memref<26x32xf32, #tpu.memory_space<hbm>>) dst(%dma_wait3A_1403 : memref<26x32xf32, #tpu.memory_space<vmem>>)
      %dma_wait3A_1407 = arith.constant 0 : i32
      %dma_wait3A_1408 = arith.constant 0 : i32
      %dma_wait3A_1409 = tpu.memref_slice %arg9[%dma_wait3A_1407, %dma_wait3A_1408] : memref<832x32xf32, #tpu.memory_space<vmem>> -> memref<26x32xf32, #tpu.memory_space<vmem>>
      %dma_wait3A_1410 = arith.constant 0 : i32
      %dma_wait3A_1411 = arith.constant 0 : i32
      %dma_wait3A_1412 = tpu.memref_slice %arg2[%dma_wait3A_1410, %dma_wait3A_1411] : memref<1000000x32xf32, #tpu.memory_space<hbm>> -> memref<26x32xf32, #tpu.memory_space<hbm>>
      %dma_wait3A_1413 = arith.constant 0 : i32
      %dma_wait3A_1414 = arith.constant 0 : i32
      %dma_wait3A_1415 = tpu.memref_slice %arg9[%dma_wait3A_1413, %dma_wait3A_1414] : memref<832x32xf32, #tpu.memory_space<vmem>> -> memref<26x32xf32, #tpu.memory_space<vmem>>
      %dma_wait3A_1416 = arith.constant 0 : i32
      %dma_wait3A_1417 = arith.constant 0 : i32
      %dma_wait3A_1418 = tpu.memref_slice %arg2[%dma_wait3A_1416, %dma_wait3A_1417] : memref<1000000x32xf32, #tpu.memory_space<hbm>> -> memref<26x32xf32, #tpu.memory_space<hbm>>
      tpu.wait_dma2 semaphore(%arg12 : memref<!tpu.dma_semaphore, #tpu.memory_space<semaphore_mem>>) src(%dma_wait3A_1418 : memref<26x32xf32, #tpu.memory_space<hbm>>) dst(%dma_wait3A_1415 : memref<26x32xf32, #tpu.memory_space<vmem>>)
      %dma_wait3A_1419 = arith.constant 0 : i32
      %dma_wait3A_1420 = arith.constant 0 : i32
      %dma_wait3A_1421 = tpu.memref_slice %arg9[%dma_wait3A_1419, %dma_wait3A_1420] : memref<832x32xf32, #tpu.memory_space<vmem>> -> memref<26x32xf32, #tpu.memory_space<vmem>>
      %dma_wait3A_1422 = arith.constant 0 : i32
      %dma_wait3A_1423 = arith.constant 0 : i32
      %dma_wait3A_1424 = tpu.memref_slice %arg2[%dma_wait3A_1422, %dma_wait3A_1423] : memref<1000000x32xf32, #tpu.memory_space<hbm>> -> memref<26x32xf32, #tpu.memory_space<hbm>>
      %dma_wait3A_1425 = arith.constant 0 : i32
      %dma_wait3A_1426 = arith.constant 0 : i32
      %dma_wait3A_1427 = tpu.memref_slice %arg9[%dma_wait3A_1425, %dma_wait3A_1426] : memref<832x32xf32, #tpu.memory_space<vmem>> -> memref<26x32xf32, #tpu.memory_space<vmem>>
      %dma_wait3A_1428 = arith.constant 0 : i32
      %dma_wait3A_1429 = arith.constant 0 : i32
      %dma_wait3A_1430 = tpu.memref_slice %arg2[%dma_wait3A_1428, %dma_wait3A_1429] : memref<1000000x32xf32, #tpu.memory_space<hbm>> -> memref<26x32xf32, #tpu.memory_space<hbm>>
      tpu.wait_dma2 semaphore(%arg12 : memref<!tpu.dma_semaphore, #tpu.memory_space<semaphore_mem>>) src(%dma_wait3A_1430 : memref<26x32xf32, #tpu.memory_space<hbm>>) dst(%dma_wait3A_1427 : memref<26x32xf32, #tpu.memory_space<vmem>>)
      %dma_wait3A_1431 = arith.constant 0 : i32
      %dma_wait3A_1432 = arith.constant 0 : i32
      %dma_wait3A_1433 = tpu.memref_slice %arg9[%dma_wait3A_1431, %dma_wait3A_1432] : memref<832x32xf32, #tpu.memory_space<vmem>> -> memref<26x32xf32, #tpu.memory_space<vmem>>
      %dma_wait3A_1434 = arith.constant 0 : i32
      %dma_wait3A_1435 = arith.constant 0 : i32
      %dma_wait3A_1436 = tpu.memref_slice %arg2[%dma_wait3A_1434, %dma_wait3A_1435] : memref<1000000x32xf32, #tpu.memory_space<hbm>> -> memref<26x32xf32, #tpu.memory_space<hbm>>
      %dma_wait3A_1437 = arith.constant 0 : i32
      %dma_wait3A_1438 = arith.constant 0 : i32
      %dma_wait3A_1439 = tpu.memref_slice %arg9[%dma_wait3A_1437, %dma_wait3A_1438] : memref<832x32xf32, #tpu.memory_space<vmem>> -> memref<26x32xf32, #tpu.memory_space<vmem>>
      %dma_wait3A_1440 = arith.constant 0 : i32
      %dma_wait3A_1441 = arith.constant 0 : i32
      %dma_wait3A_1442 = tpu.memref_slice %arg2[%dma_wait3A_1440, %dma_wait3A_1441] : memref<1000000x32xf32, #tpu.memory_space<hbm>> -> memref<26x32xf32, #tpu.memory_space<hbm>>
      tpu.wait_dma2 semaphore(%arg12 : memref<!tpu.dma_semaphore, #tpu.memory_space<semaphore_mem>>) src(%dma_wait3A_1442 : memref<26x32xf32, #tpu.memory_space<hbm>>) dst(%dma_wait3A_1439 : memref<26x32xf32, #tpu.memory_space<vmem>>)
      %dma_wait3A_1443 = arith.constant 0 : i32
      %dma_wait3A_1444 = arith.constant 0 : i32
      %dma_wait3A_1445 = tpu.memref_slice %arg9[%dma_wait3A_1443, %dma_wait3A_1444] : memref<832x32xf32, #tpu.memory_space<vmem>> -> memref<26x32xf32, #tpu.memory_space<vmem>>
      %dma_wait3A_1446 = arith.constant 0 : i32
      %dma_wait3A_1447 = arith.constant 0 : i32
      %dma_wait3A_1448 = tpu.memref_slice %arg2[%dma_wait3A_1446, %dma_wait3A_1447] : memref<1000000x32xf32, #tpu.memory_space<hbm>> -> memref<26x32xf32, #tpu.memory_space<hbm>>
      %dma_wait3A_1449 = arith.constant 0 : i32
      %dma_wait3A_1450 = arith.constant 0 : i32
      %dma_wait3A_1451 = tpu.memref_slice %arg9[%dma_wait3A_1449, %dma_wait3A_1450] : memref<832x32xf32, #tpu.memory_space<vmem>> -> memref<26x32xf32, #tpu.memory_space<vmem>>
      %dma_wait3A_1452 = arith.constant 0 : i32
      %dma_wait3A_1453 = arith.constant 0 : i32
      %dma_wait3A_1454 = tpu.memref_slice %arg2[%dma_wait3A_1452, %dma_wait3A_1453] : memref<1000000x32xf32, #tpu.memory_space<hbm>> -> memref<26x32xf32, #tpu.memory_space<hbm>>
      tpu.wait_dma2 semaphore(%arg12 : memref<!tpu.dma_semaphore, #tpu.memory_space<semaphore_mem>>) src(%dma_wait3A_1454 : memref<26x32xf32, #tpu.memory_space<hbm>>) dst(%dma_wait3A_1451 : memref<26x32xf32, #tpu.memory_space<vmem>>)
      %dma_wait3A_1455 = arith.constant 0 : i32
      %dma_wait3A_1456 = arith.constant 0 : i32
      %dma_wait3A_1457 = tpu.memref_slice %arg9[%dma_wait3A_1455, %dma_wait3A_1456] : memref<832x32xf32, #tpu.memory_space<vmem>> -> memref<26x32xf32, #tpu.memory_space<vmem>>
      %dma_wait3A_1458 = arith.constant 0 : i32
      %dma_wait3A_1459 = arith.constant 0 : i32
      %dma_wait3A_1460 = tpu.memref_slice %arg2[%dma_wait3A_1458, %dma_wait3A_1459] : memref<1000000x32xf32, #tpu.memory_space<hbm>> -> memref<26x32xf32, #tpu.memory_space<hbm>>
      %dma_wait3A_1461 = arith.constant 0 : i32
      %dma_wait3A_1462 = arith.constant 0 : i32
      %dma_wait3A_1463 = tpu.memref_slice %arg9[%dma_wait3A_1461, %dma_wait3A_1462] : memref<832x32xf32, #tpu.memory_space<vmem>> -> memref<26x32xf32, #tpu.memory_space<vmem>>
      %dma_wait3A_1464 = arith.constant 0 : i32
      %dma_wait3A_1465 = arith.constant 0 : i32
      %dma_wait3A_1466 = tpu.memref_slice %arg2[%dma_wait3A_1464, %dma_wait3A_1465] : memref<1000000x32xf32, #tpu.memory_space<hbm>> -> memref<26x32xf32, #tpu.memory_space<hbm>>
      tpu.wait_dma2 semaphore(%arg12 : memref<!tpu.dma_semaphore, #tpu.memory_space<semaphore_mem>>) src(%dma_wait3A_1466 : memref<26x32xf32, #tpu.memory_space<hbm>>) dst(%dma_wait3A_1463 : memref<26x32xf32, #tpu.memory_space<vmem>>)
      %dma_wait3A_1467 = arith.constant 0 : i32
      %dma_wait3A_1468 = arith.constant 0 : i32
      %dma_wait3A_1469 = tpu.memref_slice %arg9[%dma_wait3A_1467, %dma_wait3A_1468] : memref<832x32xf32, #tpu.memory_space<vmem>> -> memref<26x32xf32, #tpu.memory_space<vmem>>
      %dma_wait3A_1470 = arith.constant 0 : i32
      %dma_wait3A_1471 = arith.constant 0 : i32
      %dma_wait3A_1472 = tpu.memref_slice %arg2[%dma_wait3A_1470, %dma_wait3A_1471] : memref<1000000x32xf32, #tpu.memory_space<hbm>> -> memref<26x32xf32, #tpu.memory_space<hbm>>
      %dma_wait3A_1473 = arith.constant 0 : i32
      %dma_wait3A_1474 = arith.constant 0 : i32
      %dma_wait3A_1475 = tpu.memref_slice %arg9[%dma_wait3A_1473, %dma_wait3A_1474] : memref<832x32xf32, #tpu.memory_space<vmem>> -> memref<26x32xf32, #tpu.memory_space<vmem>>
      %dma_wait3A_1476 = arith.constant 0 : i32
      %dma_wait3A_1477 = arith.constant 0 : i32
      %dma_wait3A_1478 = tpu.memref_slice %arg2[%dma_wait3A_1476, %dma_wait3A_1477] : memref<1000000x32xf32, #tpu.memory_space<hbm>> -> memref<26x32xf32, #tpu.memory_space<hbm>>
      tpu.wait_dma2 semaphore(%arg12 : memref<!tpu.dma_semaphore, #tpu.memory_space<semaphore_mem>>) src(%dma_wait3A_1478 : memref<26x32xf32, #tpu.memory_space<hbm>>) dst(%dma_wait3A_1475 : memref<26x32xf32, #tpu.memory_space<vmem>>)
      %dma_wait3A_1479 = arith.constant 0 : i32
      %dma_wait3A_1480 = arith.constant 0 : i32
      %dma_wait3A_1481 = tpu.memref_slice %arg9[%dma_wait3A_1479, %dma_wait3A_1480] : memref<832x32xf32, #tpu.memory_space<vmem>> -> memref<26x32xf32, #tpu.memory_space<vmem>>
      %dma_wait3A_1482 = arith.constant 0 : i32
      %dma_wait3A_1483 = arith.constant 0 : i32
      %dma_wait3A_1484 = tpu.memref_slice %arg2[%dma_wait3A_1482, %dma_wait3A_1483] : memref<1000000x32xf32, #tpu.memory_space<hbm>> -> memref<26x32xf32, #tpu.memory_space<hbm>>
      %dma_wait3A_1485 = arith.constant 0 : i32
      %dma_wait3A_1486 = arith.constant 0 : i32
      %dma_wait3A_1487 = tpu.memref_slice %arg9[%dma_wait3A_1485, %dma_wait3A_1486] : memref<832x32xf32, #tpu.memory_space<vmem>> -> memref<26x32xf32, #tpu.memory_space<vmem>>
      %dma_wait3A_1488 = arith.constant 0 : i32
      %dma_wait3A_1489 = arith.constant 0 : i32
      %dma_wait3A_1490 = tpu.memref_slice %arg2[%dma_wait3A_1488, %dma_wait3A_1489] : memref<1000000x32xf32, #tpu.memory_space<hbm>> -> memref<26x32xf32, #tpu.memory_space<hbm>>
      tpu.wait_dma2 semaphore(%arg12 : memref<!tpu.dma_semaphore, #tpu.memory_space<semaphore_mem>>) src(%dma_wait3A_1490 : memref<26x32xf32, #tpu.memory_space<hbm>>) dst(%dma_wait3A_1487 : memref<26x32xf32, #tpu.memory_space<vmem>>)
      %dma_wait3A_1491 = arith.constant 0 : i32
      %dma_wait3A_1492 = arith.constant 0 : i32
      %dma_wait3A_1493 = tpu.memref_slice %arg9[%dma_wait3A_1491, %dma_wait3A_1492] : memref<832x32xf32, #tpu.memory_space<vmem>> -> memref<26x32xf32, #tpu.memory_space<vmem>>
      %dma_wait3A_1494 = arith.constant 0 : i32
      %dma_wait3A_1495 = arith.constant 0 : i32
      %dma_wait3A_1496 = tpu.memref_slice %arg2[%dma_wait3A_1494, %dma_wait3A_1495] : memref<1000000x32xf32, #tpu.memory_space<hbm>> -> memref<26x32xf32, #tpu.memory_space<hbm>>
      %dma_wait3A_1497 = arith.constant 0 : i32
      %dma_wait3A_1498 = arith.constant 0 : i32
      %dma_wait3A_1499 = tpu.memref_slice %arg9[%dma_wait3A_1497, %dma_wait3A_1498] : memref<832x32xf32, #tpu.memory_space<vmem>> -> memref<26x32xf32, #tpu.memory_space<vmem>>
      %dma_wait3A_1500 = arith.constant 0 : i32
      %dma_wait3A_1501 = arith.constant 0 : i32
      %dma_wait3A_1502 = tpu.memref_slice %arg2[%dma_wait3A_1500, %dma_wait3A_1501] : memref<1000000x32xf32, #tpu.memory_space<hbm>> -> memref<26x32xf32, #tpu.memory_space<hbm>>
      tpu.wait_dma2 semaphore(%arg12 : memref<!tpu.dma_semaphore, #tpu.memory_space<semaphore_mem>>) src(%dma_wait3A_1502 : memref<26x32xf32, #tpu.memory_space<hbm>>) dst(%dma_wait3A_1499 : memref<26x32xf32, #tpu.memory_space<vmem>>)
      %dma_wait3A_1503 = arith.constant 0 : i32
      %dma_wait3A_1504 = arith.constant 0 : i32
      %dma_wait3A_1505 = tpu.memref_slice %arg9[%dma_wait3A_1503, %dma_wait3A_1504] : memref<832x32xf32, #tpu.memory_space<vmem>> -> memref<26x32xf32, #tpu.memory_space<vmem>>
      %dma_wait3A_1506 = arith.constant 0 : i32
      %dma_wait3A_1507 = arith.constant 0 : i32
      %dma_wait3A_1508 = tpu.memref_slice %arg2[%dma_wait3A_1506, %dma_wait3A_1507] : memref<1000000x32xf32, #tpu.memory_space<hbm>> -> memref<26x32xf32, #tpu.memory_space<hbm>>
      %dma_wait3A_1509 = arith.constant 0 : i32
      %dma_wait3A_1510 = arith.constant 0 : i32
      %dma_wait3A_1511 = tpu.memref_slice %arg9[%dma_wait3A_1509, %dma_wait3A_1510] : memref<832x32xf32, #tpu.memory_space<vmem>> -> memref<26x32xf32, #tpu.memory_space<vmem>>
      %dma_wait3A_1512 = arith.constant 0 : i32
      %dma_wait3A_1513 = arith.constant 0 : i32
      %dma_wait3A_1514 = tpu.memref_slice %arg2[%dma_wait3A_1512, %dma_wait3A_1513] : memref<1000000x32xf32, #tpu.memory_space<hbm>> -> memref<26x32xf32, #tpu.memory_space<hbm>>
      tpu.wait_dma2 semaphore(%arg12 : memref<!tpu.dma_semaphore, #tpu.memory_space<semaphore_mem>>) src(%dma_wait3A_1514 : memref<26x32xf32, #tpu.memory_space<hbm>>) dst(%dma_wait3A_1511 : memref<26x32xf32, #tpu.memory_space<vmem>>)
      %dma_wait3A_1515 = arith.constant 0 : i32
      %dma_wait3A_1516 = arith.constant 0 : i32
      %dma_wait3A_1517 = tpu.memref_slice %arg9[%dma_wait3A_1515, %dma_wait3A_1516] : memref<832x32xf32, #tpu.memory_space<vmem>> -> memref<26x32xf32, #tpu.memory_space<vmem>>
      %dma_wait3A_1518 = arith.constant 0 : i32
      %dma_wait3A_1519 = arith.constant 0 : i32
      %dma_wait3A_1520 = tpu.memref_slice %arg2[%dma_wait3A_1518, %dma_wait3A_1519] : memref<1000000x32xf32, #tpu.memory_space<hbm>> -> memref<26x32xf32, #tpu.memory_space<hbm>>
      %dma_wait3A_1521 = arith.constant 0 : i32
      %dma_wait3A_1522 = arith.constant 0 : i32
      %dma_wait3A_1523 = tpu.memref_slice %arg9[%dma_wait3A_1521, %dma_wait3A_1522] : memref<832x32xf32, #tpu.memory_space<vmem>> -> memref<26x32xf32, #tpu.memory_space<vmem>>
      %dma_wait3A_1524 = arith.constant 0 : i32
      %dma_wait3A_1525 = arith.constant 0 : i32
      %dma_wait3A_1526 = tpu.memref_slice %arg2[%dma_wait3A_1524, %dma_wait3A_1525] : memref<1000000x32xf32, #tpu.memory_space<hbm>> -> memref<26x32xf32, #tpu.memory_space<hbm>>
      tpu.wait_dma2 semaphore(%arg12 : memref<!tpu.dma_semaphore, #tpu.memory_space<semaphore_mem>>) src(%dma_wait3A_1526 : memref<26x32xf32, #tpu.memory_space<hbm>>) dst(%dma_wait3A_1523 : memref<26x32xf32, #tpu.memory_space<vmem>>)
      %dma_wait3A_1527 = arith.constant 0 : i32
      %dma_wait3A_1528 = arith.constant 0 : i32
      %dma_wait3A_1529 = tpu.memref_slice %arg9[%dma_wait3A_1527, %dma_wait3A_1528] : memref<832x32xf32, #tpu.memory_space<vmem>> -> memref<26x32xf32, #tpu.memory_space<vmem>>
      %dma_wait3A_1530 = arith.constant 0 : i32
      %dma_wait3A_1531 = arith.constant 0 : i32
      %dma_wait3A_1532 = tpu.memref_slice %arg2[%dma_wait3A_1530, %dma_wait3A_1531] : memref<1000000x32xf32, #tpu.memory_space<hbm>> -> memref<26x32xf32, #tpu.memory_space<hbm>>
      %dma_wait3A_1533 = arith.constant 0 : i32
      %dma_wait3A_1534 = arith.constant 0 : i32
      %dma_wait3A_1535 = tpu.memref_slice %arg9[%dma_wait3A_1533, %dma_wait3A_1534] : memref<832x32xf32, #tpu.memory_space<vmem>> -> memref<26x32xf32, #tpu.memory_space<vmem>>
      %dma_wait3A_1536 = arith.constant 0 : i32
      %dma_wait3A_1537 = arith.constant 0 : i32
      %dma_wait3A_1538 = tpu.memref_slice %arg2[%dma_wait3A_1536, %dma_wait3A_1537] : memref<1000000x32xf32, #tpu.memory_space<hbm>> -> memref<26x32xf32, #tpu.memory_space<hbm>>
      tpu.wait_dma2 semaphore(%arg12 : memref<!tpu.dma_semaphore, #tpu.memory_space<semaphore_mem>>) src(%dma_wait3A_1538 : memref<26x32xf32, #tpu.memory_space<hbm>>) dst(%dma_wait3A_1535 : memref<26x32xf32, #tpu.memory_space<vmem>>)
      %dma_wait3A_1539 = arith.constant 0 : i32
      %dma_wait3A_1540 = arith.constant 0 : i32
      %dma_wait3A_1541 = tpu.memref_slice %arg9[%dma_wait3A_1539, %dma_wait3A_1540] : memref<832x32xf32, #tpu.memory_space<vmem>> -> memref<26x32xf32, #tpu.memory_space<vmem>>
      %dma_wait3A_1542 = arith.constant 0 : i32
      %dma_wait3A_1543 = arith.constant 0 : i32
      %dma_wait3A_1544 = tpu.memref_slice %arg2[%dma_wait3A_1542, %dma_wait3A_1543] : memref<1000000x32xf32, #tpu.memory_space<hbm>> -> memref<26x32xf32, #tpu.memory_space<hbm>>
      %dma_wait3A_1545 = arith.constant 0 : i32
      %dma_wait3A_1546 = arith.constant 0 : i32
      %dma_wait3A_1547 = tpu.memref_slice %arg9[%dma_wait3A_1545, %dma_wait3A_1546] : memref<832x32xf32, #tpu.memory_space<vmem>> -> memref<26x32xf32, #tpu.memory_space<vmem>>
      %dma_wait3A_1548 = arith.constant 0 : i32
      %dma_wait3A_1549 = arith.constant 0 : i32
      %dma_wait3A_1550 = tpu.memref_slice %arg2[%dma_wait3A_1548, %dma_wait3A_1549] : memref<1000000x32xf32, #tpu.memory_space<hbm>> -> memref<26x32xf32, #tpu.memory_space<hbm>>
      tpu.wait_dma2 semaphore(%arg12 : memref<!tpu.dma_semaphore, #tpu.memory_space<semaphore_mem>>) src(%dma_wait3A_1550 : memref<26x32xf32, #tpu.memory_space<hbm>>) dst(%dma_wait3A_1547 : memref<26x32xf32, #tpu.memory_space<vmem>>)
      %dma_wait3A_1551 = arith.constant 0 : i32
      %dma_wait3A_1552 = arith.constant 0 : i32
      %dma_wait3A_1553 = tpu.memref_slice %arg9[%dma_wait3A_1551, %dma_wait3A_1552] : memref<832x32xf32, #tpu.memory_space<vmem>> -> memref<26x32xf32, #tpu.memory_space<vmem>>
      %dma_wait3A_1554 = arith.constant 0 : i32
      %dma_wait3A_1555 = arith.constant 0 : i32
      %dma_wait3A_1556 = tpu.memref_slice %arg2[%dma_wait3A_1554, %dma_wait3A_1555] : memref<1000000x32xf32, #tpu.memory_space<hbm>> -> memref<26x32xf32, #tpu.memory_space<hbm>>
      %dma_wait3A_1557 = arith.constant 0 : i32
      %dma_wait3A_1558 = arith.constant 0 : i32
      %dma_wait3A_1559 = tpu.memref_slice %arg9[%dma_wait3A_1557, %dma_wait3A_1558] : memref<832x32xf32, #tpu.memory_space<vmem>> -> memref<26x32xf32, #tpu.memory_space<vmem>>
      %dma_wait3A_1560 = arith.constant 0 : i32
      %dma_wait3A_1561 = arith.constant 0 : i32
      %dma_wait3A_1562 = tpu.memref_slice %arg2[%dma_wait3A_1560, %dma_wait3A_1561] : memref<1000000x32xf32, #tpu.memory_space<hbm>> -> memref<26x32xf32, #tpu.memory_space<hbm>>
      tpu.wait_dma2 semaphore(%arg12 : memref<!tpu.dma_semaphore, #tpu.memory_space<semaphore_mem>>) src(%dma_wait3A_1562 : memref<26x32xf32, #tpu.memory_space<hbm>>) dst(%dma_wait3A_1559 : memref<26x32xf32, #tpu.memory_space<vmem>>)
      %dma_wait3A_1563 = arith.constant 0 : i32
      %dma_wait3A_1564 = arith.constant 0 : i32
      %dma_wait3A_1565 = tpu.memref_slice %arg9[%dma_wait3A_1563, %dma_wait3A_1564] : memref<832x32xf32, #tpu.memory_space<vmem>> -> memref<26x32xf32, #tpu.memory_space<vmem>>
      %dma_wait3A_1566 = arith.constant 0 : i32
      %dma_wait3A_1567 = arith.constant 0 : i32
      %dma_wait3A_1568 = tpu.memref_slice %arg2[%dma_wait3A_1566, %dma_wait3A_1567] : memref<1000000x32xf32, #tpu.memory_space<hbm>> -> memref<26x32xf32, #tpu.memory_space<hbm>>
      %dma_wait3A_1569 = arith.constant 0 : i32
      %dma_wait3A_1570 = arith.constant 0 : i32
      %dma_wait3A_1571 = tpu.memref_slice %arg9[%dma_wait3A_1569, %dma_wait3A_1570] : memref<832x32xf32, #tpu.memory_space<vmem>> -> memref<26x32xf32, #tpu.memory_space<vmem>>
      %dma_wait3A_1572 = arith.constant 0 : i32
      %dma_wait3A_1573 = arith.constant 0 : i32
      %dma_wait3A_1574 = tpu.memref_slice %arg2[%dma_wait3A_1572, %dma_wait3A_1573] : memref<1000000x32xf32, #tpu.memory_space<hbm>> -> memref<26x32xf32, #tpu.memory_space<hbm>>
      tpu.wait_dma2 semaphore(%arg12 : memref<!tpu.dma_semaphore, #tpu.memory_space<semaphore_mem>>) src(%dma_wait3A_1574 : memref<26x32xf32, #tpu.memory_space<hbm>>) dst(%dma_wait3A_1571 : memref<26x32xf32, #tpu.memory_space<vmem>>)
      %dma_wait3A_1575 = arith.constant 0 : i32
      %dma_wait3A_1576 = arith.constant 0 : i32
      %dma_wait3A_1577 = tpu.memref_slice %arg9[%dma_wait3A_1575, %dma_wait3A_1576] : memref<832x32xf32, #tpu.memory_space<vmem>> -> memref<26x32xf32, #tpu.memory_space<vmem>>
      %dma_wait3A_1578 = arith.constant 0 : i32
      %dma_wait3A_1579 = arith.constant 0 : i32
      %dma_wait3A_1580 = tpu.memref_slice %arg2[%dma_wait3A_1578, %dma_wait3A_1579] : memref<1000000x32xf32, #tpu.memory_space<hbm>> -> memref<26x32xf32, #tpu.memory_space<hbm>>
      %dma_wait3A_1581 = arith.constant 0 : i32
      %dma_wait3A_1582 = arith.constant 0 : i32
      %dma_wait3A_1583 = tpu.memref_slice %arg9[%dma_wait3A_1581, %dma_wait3A_1582] : memref<832x32xf32, #tpu.memory_space<vmem>> -> memref<26x32xf32, #tpu.memory_space<vmem>>
      %dma_wait3A_1584 = arith.constant 0 : i32
      %dma_wait3A_1585 = arith.constant 0 : i32
      %dma_wait3A_1586 = tpu.memref_slice %arg2[%dma_wait3A_1584, %dma_wait3A_1585] : memref<1000000x32xf32, #tpu.memory_space<hbm>> -> memref<26x32xf32, #tpu.memory_space<hbm>>
      tpu.wait_dma2 semaphore(%arg12 : memref<!tpu.dma_semaphore, #tpu.memory_space<semaphore_mem>>) src(%dma_wait3A_1586 : memref<26x32xf32, #tpu.memory_space<hbm>>) dst(%dma_wait3A_1583 : memref<26x32xf32, #tpu.memory_space<vmem>>)
      %dma_wait3A_1587 = arith.constant 0 : i32
      %dma_wait3A_1588 = arith.constant 0 : i32
      %dma_wait3A_1589 = tpu.memref_slice %arg9[%dma_wait3A_1587, %dma_wait3A_1588] : memref<832x32xf32, #tpu.memory_space<vmem>> -> memref<26x32xf32, #tpu.memory_space<vmem>>
      %dma_wait3A_1590 = arith.constant 0 : i32
      %dma_wait3A_1591 = arith.constant 0 : i32
      %dma_wait3A_1592 = tpu.memref_slice %arg2[%dma_wait3A_1590, %dma_wait3A_1591] : memref<1000000x32xf32, #tpu.memory_space<hbm>> -> memref<26x32xf32, #tpu.memory_space<hbm>>
      %dma_wait3A_1593 = arith.constant 0 : i32
      %dma_wait3A_1594 = arith.constant 0 : i32
      %dma_wait3A_1595 = tpu.memref_slice %arg9[%dma_wait3A_1593, %dma_wait3A_1594] : memref<832x32xf32, #tpu.memory_space<vmem>> -> memref<26x32xf32, #tpu.memory_space<vmem>>
      %dma_wait3A_1596 = arith.constant 0 : i32
      %dma_wait3A_1597 = arith.constant 0 : i32
      %dma_wait3A_1598 = tpu.memref_slice %arg2[%dma_wait3A_1596, %dma_wait3A_1597] : memref<1000000x32xf32, #tpu.memory_space<hbm>> -> memref<26x32xf32, #tpu.memory_space<hbm>>
      tpu.wait_dma2 semaphore(%arg12 : memref<!tpu.dma_semaphore, #tpu.memory_space<semaphore_mem>>) src(%dma_wait3A_1598 : memref<26x32xf32, #tpu.memory_space<hbm>>) dst(%dma_wait3A_1595 : memref<26x32xf32, #tpu.memory_space<vmem>>)
      %dma_wait3A_1599 = arith.constant 0 : i32
      %dma_wait3A_1600 = arith.constant 0 : i32
      %dma_wait3A_1601 = tpu.memref_slice %arg9[%dma_wait3A_1599, %dma_wait3A_1600] : memref<832x32xf32, #tpu.memory_space<vmem>> -> memref<26x32xf32, #tpu.memory_space<vmem>>
      %dma_wait3A_1602 = arith.constant 0 : i32
      %dma_wait3A_1603 = arith.constant 0 : i32
      %dma_wait3A_1604 = tpu.memref_slice %arg2[%dma_wait3A_1602, %dma_wait3A_1603] : memref<1000000x32xf32, #tpu.memory_space<hbm>> -> memref<26x32xf32, #tpu.memory_space<hbm>>
      %dma_wait3A_1605 = arith.constant 0 : i32
      %dma_wait3A_1606 = arith.constant 0 : i32
      %dma_wait3A_1607 = tpu.memref_slice %arg9[%dma_wait3A_1605, %dma_wait3A_1606] : memref<832x32xf32, #tpu.memory_space<vmem>> -> memref<26x32xf32, #tpu.memory_space<vmem>>
      %dma_wait3A_1608 = arith.constant 0 : i32
      %dma_wait3A_1609 = arith.constant 0 : i32
      %dma_wait3A_1610 = tpu.memref_slice %arg2[%dma_wait3A_1608, %dma_wait3A_1609] : memref<1000000x32xf32, #tpu.memory_space<hbm>> -> memref<26x32xf32, #tpu.memory_space<hbm>>
      tpu.wait_dma2 semaphore(%arg12 : memref<!tpu.dma_semaphore, #tpu.memory_space<semaphore_mem>>) src(%dma_wait3A_1610 : memref<26x32xf32, #tpu.memory_space<hbm>>) dst(%dma_wait3A_1607 : memref<26x32xf32, #tpu.memory_space<vmem>>)
      %dma_wait3A_1611 = arith.constant 0 : i32
      %dma_wait3A_1612 = arith.constant 0 : i32
      %dma_wait3A_1613 = tpu.memref_slice %arg9[%dma_wait3A_1611, %dma_wait3A_1612] : memref<832x32xf32, #tpu.memory_space<vmem>> -> memref<26x32xf32, #tpu.memory_space<vmem>>
      %dma_wait3A_1614 = arith.constant 0 : i32
      %dma_wait3A_1615 = arith.constant 0 : i32
      %dma_wait3A_1616 = tpu.memref_slice %arg2[%dma_wait3A_1614, %dma_wait3A_1615] : memref<1000000x32xf32, #tpu.memory_space<hbm>> -> memref<26x32xf32, #tpu.memory_space<hbm>>
      %dma_wait3A_1617 = arith.constant 0 : i32
      %dma_wait3A_1618 = arith.constant 0 : i32
      %dma_wait3A_1619 = tpu.memref_slice %arg9[%dma_wait3A_1617, %dma_wait3A_1618] : memref<832x32xf32, #tpu.memory_space<vmem>> -> memref<26x32xf32, #tpu.memory_space<vmem>>
      %dma_wait3A_1620 = arith.constant 0 : i32
      %dma_wait3A_1621 = arith.constant 0 : i32
      %dma_wait3A_1622 = tpu.memref_slice %arg2[%dma_wait3A_1620, %dma_wait3A_1621] : memref<1000000x32xf32, #tpu.memory_space<hbm>> -> memref<26x32xf32, #tpu.memory_space<hbm>>
      tpu.wait_dma2 semaphore(%arg12 : memref<!tpu.dma_semaphore, #tpu.memory_space<semaphore_mem>>) src(%dma_wait3A_1622 : memref<26x32xf32, #tpu.memory_space<hbm>>) dst(%dma_wait3A_1619 : memref<26x32xf32, #tpu.memory_space<vmem>>)
      %dma_wait3A_1623 = arith.constant 0 : i32
      %dma_wait3A_1624 = arith.constant 0 : i32
      %dma_wait3A_1625 = tpu.memref_slice %arg9[%dma_wait3A_1623, %dma_wait3A_1624] : memref<832x32xf32, #tpu.memory_space<vmem>> -> memref<26x32xf32, #tpu.memory_space<vmem>>
      %dma_wait3A_1626 = arith.constant 0 : i32
      %dma_wait3A_1627 = arith.constant 0 : i32
      %dma_wait3A_1628 = tpu.memref_slice %arg2[%dma_wait3A_1626, %dma_wait3A_1627] : memref<1000000x32xf32, #tpu.memory_space<hbm>> -> memref<26x32xf32, #tpu.memory_space<hbm>>
      %dma_wait3A_1629 = arith.constant 0 : i32
      %dma_wait3A_1630 = arith.constant 0 : i32
      %dma_wait3A_1631 = tpu.memref_slice %arg9[%dma_wait3A_1629, %dma_wait3A_1630] : memref<832x32xf32, #tpu.memory_space<vmem>> -> memref<26x32xf32, #tpu.memory_space<vmem>>
      %dma_wait3A_1632 = arith.constant 0 : i32
      %dma_wait3A_1633 = arith.constant 0 : i32
      %dma_wait3A_1634 = tpu.memref_slice %arg2[%dma_wait3A_1632, %dma_wait3A_1633] : memref<1000000x32xf32, #tpu.memory_space<hbm>> -> memref<26x32xf32, #tpu.memory_space<hbm>>
      tpu.wait_dma2 semaphore(%arg12 : memref<!tpu.dma_semaphore, #tpu.memory_space<semaphore_mem>>) src(%dma_wait3A_1634 : memref<26x32xf32, #tpu.memory_space<hbm>>) dst(%dma_wait3A_1631 : memref<26x32xf32, #tpu.memory_space<vmem>>)
      %dma_wait3A_1635 = arith.constant 0 : i32
      %dma_wait3A_1636 = arith.constant 0 : i32
      %dma_wait3A_1637 = tpu.memref_slice %arg9[%dma_wait3A_1635, %dma_wait3A_1636] : memref<832x32xf32, #tpu.memory_space<vmem>> -> memref<26x32xf32, #tpu.memory_space<vmem>>
      %dma_wait3A_1638 = arith.constant 0 : i32
      %dma_wait3A_1639 = arith.constant 0 : i32
      %dma_wait3A_1640 = tpu.memref_slice %arg2[%dma_wait3A_1638, %dma_wait3A_1639] : memref<1000000x32xf32, #tpu.memory_space<hbm>> -> memref<26x32xf32, #tpu.memory_space<hbm>>
      %dma_wait3A_1641 = arith.constant 0 : i32
      %dma_wait3A_1642 = arith.constant 0 : i32
      %dma_wait3A_1643 = tpu.memref_slice %arg9[%dma_wait3A_1641, %dma_wait3A_1642] : memref<832x32xf32, #tpu.memory_space<vmem>> -> memref<26x32xf32, #tpu.memory_space<vmem>>
      %dma_wait3A_1644 = arith.constant 0 : i32
      %dma_wait3A_1645 = arith.constant 0 : i32
      %dma_wait3A_1646 = tpu.memref_slice %arg2[%dma_wait3A_1644, %dma_wait3A_1645] : memref<1000000x32xf32, #tpu.memory_space<hbm>> -> memref<26x32xf32, #tpu.memory_space<hbm>>
      tpu.wait_dma2 semaphore(%arg12 : memref<!tpu.dma_semaphore, #tpu.memory_space<semaphore_mem>>) src(%dma_wait3A_1646 : memref<26x32xf32, #tpu.memory_space<hbm>>) dst(%dma_wait3A_1643 : memref<26x32xf32, #tpu.memory_space<vmem>>)
      %add3A_1647 = arith.constant 1 : i32
      %add3A_1648 = arith.addi %scan3A_544, %add3A_1647 : i32
      %lt3A_1649 = arith.constant 25 : i32
      %lt3A_1650 = arith.cmpi slt, %add3A_1648, %lt3A_1649 : i32
      %convert_element_type3A_1651 = arith.extui %lt3A_1650 : i1 to i32
      %cond3A_1652 = arith.constant 0 : i32
      %cond3A_1653 = arith.cmpi ne, %convert_element_type3A_1651, %cond3A_1652 : i32
      scf.if %cond3A_1653 {
        %sub3A_1767 = arith.constant 1 : i32
        %sub3A_1768 = arith.subi %sub3A_1767, %rem3A_546 : i32
        %dma_wait3A_1769 = arith.constant 0 : i32
        %dma_wait3A_1770 = arith.constant 0 : i32
        %dma_wait3A_1771 = arith.constant 0 : i32
        %dma_wait3A_1772 = tpu.memref_slice %arg6[%sub3A_1768, %dma_wait3A_1770, %dma_wait3A_1771] : memref<2x64x26xi32, #tpu.memory_space<vmem>> -> memref<1x64x26xi32, #tpu.memory_space<vmem>>
        %dma_wait3A_1773 = tpu.memref_squeeze %dma_wait3A_1772 : memref<1x64x26xi32, #tpu.memory_space<vmem>> -> memref<64x26xi32, #tpu.memory_space<vmem>>
        %dma_wait3A_1774 = arith.constant 0 : i32
        %dma_wait3A_1775 = arith.constant 0 : i32
        %dma_wait3A_1776 = tpu.memref_slice %arg3[%dma_wait3A_1774, %dma_wait3A_1769, %dma_wait3A_1775] : memref<1024x50x26xi32, #tpu.memory_space<hbm>> -> memref<64x1x26xi32, #tpu.memory_space<hbm>>
        %dma_wait3A_1777 = tpu.memref_squeeze %dma_wait3A_1776 : memref<64x1x26xi32, #tpu.memory_space<hbm>> -> memref<64x26xi32, #tpu.memory_space<hbm>>
        %dma_wait3A_1778 = arith.constant 0 : i32
        %dma_wait3A_1779 = arith.constant 0 : i32
        %dma_wait3A_1780 = tpu.memref_slice %arg6[%sub3A_1768, %dma_wait3A_1778, %dma_wait3A_1779] : memref<2x64x26xi32, #tpu.memory_space<vmem>> -> memref<1x64x26xi32, #tpu.memory_space<vmem>>
        %dma_wait3A_1781 = tpu.memref_squeeze %dma_wait3A_1780 : memref<1x64x26xi32, #tpu.memory_space<vmem>> -> memref<64x26xi32, #tpu.memory_space<vmem>>
        %dma_wait3A_1782 = arith.constant 0 : i32
        %dma_wait3A_1783 = arith.constant 0 : i32
        %dma_wait3A_1784 = tpu.memref_slice %arg3[%dma_wait3A_1782, %dma_wait3A_1769, %dma_wait3A_1783] : memref<1024x50x26xi32, #tpu.memory_space<hbm>> -> memref<64x1x26xi32, #tpu.memory_space<hbm>>
        %dma_wait3A_1785 = tpu.memref_squeeze %dma_wait3A_1784 : memref<64x1x26xi32, #tpu.memory_space<hbm>> -> memref<64x26xi32, #tpu.memory_space<hbm>>
        tpu.wait_dma2 semaphore(%arg14 : memref<!tpu.dma_semaphore, #tpu.memory_space<semaphore_mem>>) src(%dma_wait3A_1785 : memref<64x26xi32, #tpu.memory_space<hbm>>) dst(%dma_wait3A_1781 : memref<64x26xi32, #tpu.memory_space<vmem>>)
        %sub3A_1786 = arith.constant 1 : i32
        %sub3A_1787 = arith.subi %sub3A_1786, %rem3A_546 : i32
        %dma_start3A_1788 = arith.constant 0 : i32
        %dma_start3A_1789 = arith.constant 0 : i32
        %dma_start3A_1790 = arith.constant 0 : i32
        %dma_start3A_1791 = tpu.memref_slice %arg8[%dma_start3A_1789, %dma_start3A_1790] : memref<832x32xf32, #tpu.memory_space<vmem>> -> memref<26x32xf32, #tpu.memory_space<vmem>>
        %dma_start3A_1792 = arith.constant 0 : i32
        %dma_start3A_1793 = tpu.memref_slice %arg6[%sub3A_1787, %dma_start3A_1788, %dma_start3A_1792] : memref<2x64x26xi32, #tpu.memory_space<vmem>> -> memref<1x1x26xi32, #tpu.memory_space<vmem>>
        %dma_start3A_1794 = tpu.memref_squeeze %dma_start3A_1793 : memref<1x1x26xi32, #tpu.memory_space<vmem>> -> memref<26xi32, #tpu.memory_space<vmem>>
        %dma_start3A_1795 = arith.constant 0 : i32
        %dma_start3A_1796 = arith.constant 0 : i32
        %dma_start3A_1797 = tpu.memref_slice %arg2[%dma_start3A_1795, %dma_start3A_1796] : memref<1000000x32xf32, #tpu.memory_space<hbm>> -> memref<1000000x32xf32, #tpu.memory_space<hbm>>
        tpu.enqueue_indirect_dma source(%dma_start3A_1797 : memref<1000000x32xf32, #tpu.memory_space<hbm>>) target(%dma_start3A_1791 : memref<26x32xf32, #tpu.memory_space<vmem>>) offsets(%dma_start3A_1794 : memref<26xi32, #tpu.memory_space<vmem>>) semaphore(%arg11 : memref<!tpu.dma_semaphore, #tpu.memory_space<semaphore_mem>>)
        %dma_start3A_1798 = arith.constant 1 : i32
        %dma_start3A_1799 = arith.constant 26 : i32
        %dma_start3A_1800 = arith.constant 0 : i32
        %dma_start3A_1801 = tpu.memref_slice %arg8[%dma_start3A_1799, %dma_start3A_1800] : memref<832x32xf32, #tpu.memory_space<vmem>> -> memref<26x32xf32, #tpu.memory_space<vmem>>
        %dma_start3A_1802 = arith.constant 0 : i32
        %dma_start3A_1803 = tpu.memref_slice %arg6[%sub3A_1787, %dma_start3A_1798, %dma_start3A_1802] : memref<2x64x26xi32, #tpu.memory_space<vmem>> -> memref<1x1x26xi32, #tpu.memory_space<vmem>>
        %dma_start3A_1804 = tpu.memref_squeeze %dma_start3A_1803 : memref<1x1x26xi32, #tpu.memory_space<vmem>> -> memref<26xi32, #tpu.memory_space<vmem>>
        %dma_start3A_1805 = arith.constant 0 : i32
        %dma_start3A_1806 = arith.constant 0 : i32
        %dma_start3A_1807 = tpu.memref_slice %arg2[%dma_start3A_1805, %dma_start3A_1806] : memref<1000000x32xf32, #tpu.memory_space<hbm>> -> memref<1000000x32xf32, #tpu.memory_space<hbm>>
        tpu.enqueue_indirect_dma source(%dma_start3A_1807 : memref<1000000x32xf32, #tpu.memory_space<hbm>>) target(%dma_start3A_1801 : memref<26x32xf32, #tpu.memory_space<vmem>>) offsets(%dma_start3A_1804 : memref<26xi32, #tpu.memory_space<vmem>>) semaphore(%arg11 : memref<!tpu.dma_semaphore, #tpu.memory_space<semaphore_mem>>)
        %dma_start3A_1808 = arith.constant 2 : i32
        %dma_start3A_1809 = arith.constant 52 : i32
        %dma_start3A_1810 = arith.constant 0 : i32
        %dma_start3A_1811 = tpu.memref_slice %arg8[%dma_start3A_1809, %dma_start3A_1810] : memref<832x32xf32, #tpu.memory_space<vmem>> -> memref<26x32xf32, #tpu.memory_space<vmem>>
        %dma_start3A_1812 = arith.constant 0 : i32
        %dma_start3A_1813 = tpu.memref_slice %arg6[%sub3A_1787, %dma_start3A_1808, %dma_start3A_1812] : memref<2x64x26xi32, #tpu.memory_space<vmem>> -> memref<1x1x26xi32, #tpu.memory_space<vmem>>
        %dma_start3A_1814 = tpu.memref_squeeze %dma_start3A_1813 : memref<1x1x26xi32, #tpu.memory_space<vmem>> -> memref<26xi32, #tpu.memory_space<vmem>>
        %dma_start3A_1815 = arith.constant 0 : i32
        %dma_start3A_1816 = arith.constant 0 : i32
        %dma_start3A_1817 = tpu.memref_slice %arg2[%dma_start3A_1815, %dma_start3A_1816] : memref<1000000x32xf32, #tpu.memory_space<hbm>> -> memref<1000000x32xf32, #tpu.memory_space<hbm>>
        tpu.enqueue_indirect_dma source(%dma_start3A_1817 : memref<1000000x32xf32, #tpu.memory_space<hbm>>) target(%dma_start3A_1811 : memref<26x32xf32, #tpu.memory_space<vmem>>) offsets(%dma_start3A_1814 : memref<26xi32, #tpu.memory_space<vmem>>) semaphore(%arg11 : memref<!tpu.dma_semaphore, #tpu.memory_space<semaphore_mem>>)
        %dma_start3A_1818 = arith.constant 3 : i32
        %dma_start3A_1819 = arith.constant 78 : i32
        %dma_start3A_1820 = arith.constant 0 : i32
        %dma_start3A_1821 = tpu.memref_slice %arg8[%dma_start3A_1819, %dma_start3A_1820] : memref<832x32xf32, #tpu.memory_space<vmem>> -> memref<26x32xf32, #tpu.memory_space<vmem>>
        %dma_start3A_1822 = arith.constant 0 : i32
        %dma_start3A_1823 = tpu.memref_slice %arg6[%sub3A_1787, %dma_start3A_1818, %dma_start3A_1822] : memref<2x64x26xi32, #tpu.memory_space<vmem>> -> memref<1x1x26xi32, #tpu.memory_space<vmem>>
        %dma_start3A_1824 = tpu.memref_squeeze %dma_start3A_1823 : memref<1x1x26xi32, #tpu.memory_space<vmem>> -> memref<26xi32, #tpu.memory_space<vmem>>
        %dma_start3A_1825 = arith.constant 0 : i32
        %dma_start3A_1826 = arith.constant 0 : i32
        %dma_start3A_1827 = tpu.memref_slice %arg2[%dma_start3A_1825, %dma_start3A_1826] : memref<1000000x32xf32, #tpu.memory_space<hbm>> -> memref<1000000x32xf32, #tpu.memory_space<hbm>>
        tpu.enqueue_indirect_dma source(%dma_start3A_1827 : memref<1000000x32xf32, #tpu.memory_space<hbm>>) target(%dma_start3A_1821 : memref<26x32xf32, #tpu.memory_space<vmem>>) offsets(%dma_start3A_1824 : memref<26xi32, #tpu.memory_space<vmem>>) semaphore(%arg11 : memref<!tpu.dma_semaphore, #tpu.memory_space<semaphore_mem>>)
        %dma_start3A_1828 = arith.constant 4 : i32
        %dma_start3A_1829 = arith.constant 104 : i32
        %dma_start3A_1830 = arith.constant 0 : i32
        %dma_start3A_1831 = tpu.memref_slice %arg8[%dma_start3A_1829, %dma_start3A_1830] : memref<832x32xf32, #tpu.memory_space<vmem>> -> memref<26x32xf32, #tpu.memory_space<vmem>>
        %dma_start3A_1832 = arith.constant 0 : i32
        %dma_start3A_1833 = tpu.memref_slice %arg6[%sub3A_1787, %dma_start3A_1828, %dma_start3A_1832] : memref<2x64x26xi32, #tpu.memory_space<vmem>> -> memref<1x1x26xi32, #tpu.memory_space<vmem>>
        %dma_start3A_1834 = tpu.memref_squeeze %dma_start3A_1833 : memref<1x1x26xi32, #tpu.memory_space<vmem>> -> memref<26xi32, #tpu.memory_space<vmem>>
        %dma_start3A_1835 = arith.constant 0 : i32
        %dma_start3A_1836 = arith.constant 0 : i32
        %dma_start3A_1837 = tpu.memref_slice %arg2[%dma_start3A_1835, %dma_start3A_1836] : memref<1000000x32xf32, #tpu.memory_space<hbm>> -> memref<1000000x32xf32, #tpu.memory_space<hbm>>
        tpu.enqueue_indirect_dma source(%dma_start3A_1837 : memref<1000000x32xf32, #tpu.memory_space<hbm>>) target(%dma_start3A_1831 : memref<26x32xf32, #tpu.memory_space<vmem>>) offsets(%dma_start3A_1834 : memref<26xi32, #tpu.memory_space<vmem>>) semaphore(%arg11 : memref<!tpu.dma_semaphore, #tpu.memory_space<semaphore_mem>>)
        %dma_start3A_1838 = arith.constant 5 : i32
        %dma_start3A_1839 = arith.constant 130 : i32
        %dma_start3A_1840 = arith.constant 0 : i32
        %dma_start3A_1841 = tpu.memref_slice %arg8[%dma_start3A_1839, %dma_start3A_1840] : memref<832x32xf32, #tpu.memory_space<vmem>> -> memref<26x32xf32, #tpu.memory_space<vmem>>
        %dma_start3A_1842 = arith.constant 0 : i32
        %dma_start3A_1843 = tpu.memref_slice %arg6[%sub3A_1787, %dma_start3A_1838, %dma_start3A_1842] : memref<2x64x26xi32, #tpu.memory_space<vmem>> -> memref<1x1x26xi32, #tpu.memory_space<vmem>>
        %dma_start3A_1844 = tpu.memref_squeeze %dma_start3A_1843 : memref<1x1x26xi32, #tpu.memory_space<vmem>> -> memref<26xi32, #tpu.memory_space<vmem>>
        %dma_start3A_1845 = arith.constant 0 : i32
        %dma_start3A_1846 = arith.constant 0 : i32
        %dma_start3A_1847 = tpu.memref_slice %arg2[%dma_start3A_1845, %dma_start3A_1846] : memref<1000000x32xf32, #tpu.memory_space<hbm>> -> memref<1000000x32xf32, #tpu.memory_space<hbm>>
        tpu.enqueue_indirect_dma source(%dma_start3A_1847 : memref<1000000x32xf32, #tpu.memory_space<hbm>>) target(%dma_start3A_1841 : memref<26x32xf32, #tpu.memory_space<vmem>>) offsets(%dma_start3A_1844 : memref<26xi32, #tpu.memory_space<vmem>>) semaphore(%arg11 : memref<!tpu.dma_semaphore, #tpu.memory_space<semaphore_mem>>)
        %dma_start3A_1848 = arith.constant 6 : i32
        %dma_start3A_1849 = arith.constant 156 : i32
        %dma_start3A_1850 = arith.constant 0 : i32
        %dma_start3A_1851 = tpu.memref_slice %arg8[%dma_start3A_1849, %dma_start3A_1850] : memref<832x32xf32, #tpu.memory_space<vmem>> -> memref<26x32xf32, #tpu.memory_space<vmem>>
        %dma_start3A_1852 = arith.constant 0 : i32
        %dma_start3A_1853 = tpu.memref_slice %arg6[%sub3A_1787, %dma_start3A_1848, %dma_start3A_1852] : memref<2x64x26xi32, #tpu.memory_space<vmem>> -> memref<1x1x26xi32, #tpu.memory_space<vmem>>
        %dma_start3A_1854 = tpu.memref_squeeze %dma_start3A_1853 : memref<1x1x26xi32, #tpu.memory_space<vmem>> -> memref<26xi32, #tpu.memory_space<vmem>>
        %dma_start3A_1855 = arith.constant 0 : i32
        %dma_start3A_1856 = arith.constant 0 : i32
        %dma_start3A_1857 = tpu.memref_slice %arg2[%dma_start3A_1855, %dma_start3A_1856] : memref<1000000x32xf32, #tpu.memory_space<hbm>> -> memref<1000000x32xf32, #tpu.memory_space<hbm>>
        tpu.enqueue_indirect_dma source(%dma_start3A_1857 : memref<1000000x32xf32, #tpu.memory_space<hbm>>) target(%dma_start3A_1851 : memref<26x32xf32, #tpu.memory_space<vmem>>) offsets(%dma_start3A_1854 : memref<26xi32, #tpu.memory_space<vmem>>) semaphore(%arg11 : memref<!tpu.dma_semaphore, #tpu.memory_space<semaphore_mem>>)
        %dma_start3A_1858 = arith.constant 7 : i32
        %dma_start3A_1859 = arith.constant 182 : i32
        %dma_start3A_1860 = arith.constant 0 : i32
        %dma_start3A_1861 = tpu.memref_slice %arg8[%dma_start3A_1859, %dma_start3A_1860] : memref<832x32xf32, #tpu.memory_space<vmem>> -> memref<26x32xf32, #tpu.memory_space<vmem>>
        %dma_start3A_1862 = arith.constant 0 : i32
        %dma_start3A_1863 = tpu.memref_slice %arg6[%sub3A_1787, %dma_start3A_1858, %dma_start3A_1862] : memref<2x64x26xi32, #tpu.memory_space<vmem>> -> memref<1x1x26xi32, #tpu.memory_space<vmem>>
        %dma_start3A_1864 = tpu.memref_squeeze %dma_start3A_1863 : memref<1x1x26xi32, #tpu.memory_space<vmem>> -> memref<26xi32, #tpu.memory_space<vmem>>
        %dma_start3A_1865 = arith.constant 0 : i32
        %dma_start3A_1866 = arith.constant 0 : i32
        %dma_start3A_1867 = tpu.memref_slice %arg2[%dma_start3A_1865, %dma_start3A_1866] : memref<1000000x32xf32, #tpu.memory_space<hbm>> -> memref<1000000x32xf32, #tpu.memory_space<hbm>>
        tpu.enqueue_indirect_dma source(%dma_start3A_1867 : memref<1000000x32xf32, #tpu.memory_space<hbm>>) target(%dma_start3A_1861 : memref<26x32xf32, #tpu.memory_space<vmem>>) offsets(%dma_start3A_1864 : memref<26xi32, #tpu.memory_space<vmem>>) semaphore(%arg11 : memref<!tpu.dma_semaphore, #tpu.memory_space<semaphore_mem>>)
        %dma_start3A_1868 = arith.constant 8 : i32
        %dma_start3A_1869 = arith.constant 208 : i32
        %dma_start3A_1870 = arith.constant 0 : i32
        %dma_start3A_1871 = tpu.memref_slice %arg8[%dma_start3A_1869, %dma_start3A_1870] : memref<832x32xf32, #tpu.memory_space<vmem>> -> memref<26x32xf32, #tpu.memory_space<vmem>>
        %dma_start3A_1872 = arith.constant 0 : i32
        %dma_start3A_1873 = tpu.memref_slice %arg6[%sub3A_1787, %dma_start3A_1868, %dma_start3A_1872] : memref<2x64x26xi32, #tpu.memory_space<vmem>> -> memref<1x1x26xi32, #tpu.memory_space<vmem>>
        %dma_start3A_1874 = tpu.memref_squeeze %dma_start3A_1873 : memref<1x1x26xi32, #tpu.memory_space<vmem>> -> memref<26xi32, #tpu.memory_space<vmem>>
        %dma_start3A_1875 = arith.constant 0 : i32
        %dma_start3A_1876 = arith.constant 0 : i32
        %dma_start3A_1877 = tpu.memref_slice %arg2[%dma_start3A_1875, %dma_start3A_1876] : memref<1000000x32xf32, #tpu.memory_space<hbm>> -> memref<1000000x32xf32, #tpu.memory_space<hbm>>
        tpu.enqueue_indirect_dma source(%dma_start3A_1877 : memref<1000000x32xf32, #tpu.memory_space<hbm>>) target(%dma_start3A_1871 : memref<26x32xf32, #tpu.memory_space<vmem>>) offsets(%dma_start3A_1874 : memref<26xi32, #tpu.memory_space<vmem>>) semaphore(%arg11 : memref<!tpu.dma_semaphore, #tpu.memory_space<semaphore_mem>>)
        %dma_start3A_1878 = arith.constant 9 : i32
        %dma_start3A_1879 = arith.constant 234 : i32
        %dma_start3A_1880 = arith.constant 0 : i32
        %dma_start3A_1881 = tpu.memref_slice %arg8[%dma_start3A_1879, %dma_start3A_1880] : memref<832x32xf32, #tpu.memory_space<vmem>> -> memref<26x32xf32, #tpu.memory_space<vmem>>
        %dma_start3A_1882 = arith.constant 0 : i32
        %dma_start3A_1883 = tpu.memref_slice %arg6[%sub3A_1787, %dma_start3A_1878, %dma_start3A_1882] : memref<2x64x26xi32, #tpu.memory_space<vmem>> -> memref<1x1x26xi32, #tpu.memory_space<vmem>>
        %dma_start3A_1884 = tpu.memref_squeeze %dma_start3A_1883 : memref<1x1x26xi32, #tpu.memory_space<vmem>> -> memref<26xi32, #tpu.memory_space<vmem>>
        %dma_start3A_1885 = arith.constant 0 : i32
        %dma_start3A_1886 = arith.constant 0 : i32
        %dma_start3A_1887 = tpu.memref_slice %arg2[%dma_start3A_1885, %dma_start3A_1886] : memref<1000000x32xf32, #tpu.memory_space<hbm>> -> memref<1000000x32xf32, #tpu.memory_space<hbm>>
        tpu.enqueue_indirect_dma source(%dma_start3A_1887 : memref<1000000x32xf32, #tpu.memory_space<hbm>>) target(%dma_start3A_1881 : memref<26x32xf32, #tpu.memory_space<vmem>>) offsets(%dma_start3A_1884 : memref<26xi32, #tpu.memory_space<vmem>>) semaphore(%arg11 : memref<!tpu.dma_semaphore, #tpu.memory_space<semaphore_mem>>)
        %dma_start3A_1888 = arith.constant 10 : i32
        %dma_start3A_1889 = arith.constant 260 : i32
        %dma_start3A_1890 = arith.constant 0 : i32
        %dma_start3A_1891 = tpu.memref_slice %arg8[%dma_start3A_1889, %dma_start3A_1890] : memref<832x32xf32, #tpu.memory_space<vmem>> -> memref<26x32xf32, #tpu.memory_space<vmem>>
        %dma_start3A_1892 = arith.constant 0 : i32
        %dma_start3A_1893 = tpu.memref_slice %arg6[%sub3A_1787, %dma_start3A_1888, %dma_start3A_1892] : memref<2x64x26xi32, #tpu.memory_space<vmem>> -> memref<1x1x26xi32, #tpu.memory_space<vmem>>
        %dma_start3A_1894 = tpu.memref_squeeze %dma_start3A_1893 : memref<1x1x26xi32, #tpu.memory_space<vmem>> -> memref<26xi32, #tpu.memory_space<vmem>>
        %dma_start3A_1895 = arith.constant 0 : i32
        %dma_start3A_1896 = arith.constant 0 : i32
        %dma_start3A_1897 = tpu.memref_slice %arg2[%dma_start3A_1895, %dma_start3A_1896] : memref<1000000x32xf32, #tpu.memory_space<hbm>> -> memref<1000000x32xf32, #tpu.memory_space<hbm>>
        tpu.enqueue_indirect_dma source(%dma_start3A_1897 : memref<1000000x32xf32, #tpu.memory_space<hbm>>) target(%dma_start3A_1891 : memref<26x32xf32, #tpu.memory_space<vmem>>) offsets(%dma_start3A_1894 : memref<26xi32, #tpu.memory_space<vmem>>) semaphore(%arg11 : memref<!tpu.dma_semaphore, #tpu.memory_space<semaphore_mem>>)
        %dma_start3A_1898 = arith.constant 11 : i32
        %dma_start3A_1899 = arith.constant 286 : i32
        %dma_start3A_1900 = arith.constant 0 : i32
        %dma_start3A_1901 = tpu.memref_slice %arg8[%dma_start3A_1899, %dma_start3A_1900] : memref<832x32xf32, #tpu.memory_space<vmem>> -> memref<26x32xf32, #tpu.memory_space<vmem>>
        %dma_start3A_1902 = arith.constant 0 : i32
        %dma_start3A_1903 = tpu.memref_slice %arg6[%sub3A_1787, %dma_start3A_1898, %dma_start3A_1902] : memref<2x64x26xi32, #tpu.memory_space<vmem>> -> memref<1x1x26xi32, #tpu.memory_space<vmem>>
        %dma_start3A_1904 = tpu.memref_squeeze %dma_start3A_1903 : memref<1x1x26xi32, #tpu.memory_space<vmem>> -> memref<26xi32, #tpu.memory_space<vmem>>
        %dma_start3A_1905 = arith.constant 0 : i32
        %dma_start3A_1906 = arith.constant 0 : i32
        %dma_start3A_1907 = tpu.memref_slice %arg2[%dma_start3A_1905, %dma_start3A_1906] : memref<1000000x32xf32, #tpu.memory_space<hbm>> -> memref<1000000x32xf32, #tpu.memory_space<hbm>>
        tpu.enqueue_indirect_dma source(%dma_start3A_1907 : memref<1000000x32xf32, #tpu.memory_space<hbm>>) target(%dma_start3A_1901 : memref<26x32xf32, #tpu.memory_space<vmem>>) offsets(%dma_start3A_1904 : memref<26xi32, #tpu.memory_space<vmem>>) semaphore(%arg11 : memref<!tpu.dma_semaphore, #tpu.memory_space<semaphore_mem>>)
        %dma_start3A_1908 = arith.constant 12 : i32
        %dma_start3A_1909 = arith.constant 312 : i32
        %dma_start3A_1910 = arith.constant 0 : i32
        %dma_start3A_1911 = tpu.memref_slice %arg8[%dma_start3A_1909, %dma_start3A_1910] : memref<832x32xf32, #tpu.memory_space<vmem>> -> memref<26x32xf32, #tpu.memory_space<vmem>>
        %dma_start3A_1912 = arith.constant 0 : i32
        %dma_start3A_1913 = tpu.memref_slice %arg6[%sub3A_1787, %dma_start3A_1908, %dma_start3A_1912] : memref<2x64x26xi32, #tpu.memory_space<vmem>> -> memref<1x1x26xi32, #tpu.memory_space<vmem>>
        %dma_start3A_1914 = tpu.memref_squeeze %dma_start3A_1913 : memref<1x1x26xi32, #tpu.memory_space<vmem>> -> memref<26xi32, #tpu.memory_space<vmem>>
        %dma_start3A_1915 = arith.constant 0 : i32
        %dma_start3A_1916 = arith.constant 0 : i32
        %dma_start3A_1917 = tpu.memref_slice %arg2[%dma_start3A_1915, %dma_start3A_1916] : memref<1000000x32xf32, #tpu.memory_space<hbm>> -> memref<1000000x32xf32, #tpu.memory_space<hbm>>
        tpu.enqueue_indirect_dma source(%dma_start3A_1917 : memref<1000000x32xf32, #tpu.memory_space<hbm>>) target(%dma_start3A_1911 : memref<26x32xf32, #tpu.memory_space<vmem>>) offsets(%dma_start3A_1914 : memref<26xi32, #tpu.memory_space<vmem>>) semaphore(%arg11 : memref<!tpu.dma_semaphore, #tpu.memory_space<semaphore_mem>>)
        %dma_start3A_1918 = arith.constant 13 : i32
        %dma_start3A_1919 = arith.constant 338 : i32
        %dma_start3A_1920 = arith.constant 0 : i32
        %dma_start3A_1921 = tpu.memref_slice %arg8[%dma_start3A_1919, %dma_start3A_1920] : memref<832x32xf32, #tpu.memory_space<vmem>> -> memref<26x32xf32, #tpu.memory_space<vmem>>
        %dma_start3A_1922 = arith.constant 0 : i32
        %dma_start3A_1923 = tpu.memref_slice %arg6[%sub3A_1787, %dma_start3A_1918, %dma_start3A_1922] : memref<2x64x26xi32, #tpu.memory_space<vmem>> -> memref<1x1x26xi32, #tpu.memory_space<vmem>>
        %dma_start3A_1924 = tpu.memref_squeeze %dma_start3A_1923 : memref<1x1x26xi32, #tpu.memory_space<vmem>> -> memref<26xi32, #tpu.memory_space<vmem>>
        %dma_start3A_1925 = arith.constant 0 : i32
        %dma_start3A_1926 = arith.constant 0 : i32
        %dma_start3A_1927 = tpu.memref_slice %arg2[%dma_start3A_1925, %dma_start3A_1926] : memref<1000000x32xf32, #tpu.memory_space<hbm>> -> memref<1000000x32xf32, #tpu.memory_space<hbm>>
        tpu.enqueue_indirect_dma source(%dma_start3A_1927 : memref<1000000x32xf32, #tpu.memory_space<hbm>>) target(%dma_start3A_1921 : memref<26x32xf32, #tpu.memory_space<vmem>>) offsets(%dma_start3A_1924 : memref<26xi32, #tpu.memory_space<vmem>>) semaphore(%arg11 : memref<!tpu.dma_semaphore, #tpu.memory_space<semaphore_mem>>)
        %dma_start3A_1928 = arith.constant 14 : i32
        %dma_start3A_1929 = arith.constant 364 : i32
        %dma_start3A_1930 = arith.constant 0 : i32
        %dma_start3A_1931 = tpu.memref_slice %arg8[%dma_start3A_1929, %dma_start3A_1930] : memref<832x32xf32, #tpu.memory_space<vmem>> -> memref<26x32xf32, #tpu.memory_space<vmem>>
        %dma_start3A_1932 = arith.constant 0 : i32
        %dma_start3A_1933 = tpu.memref_slice %arg6[%sub3A_1787, %dma_start3A_1928, %dma_start3A_1932] : memref<2x64x26xi32, #tpu.memory_space<vmem>> -> memref<1x1x26xi32, #tpu.memory_space<vmem>>
        %dma_start3A_1934 = tpu.memref_squeeze %dma_start3A_1933 : memref<1x1x26xi32, #tpu.memory_space<vmem>> -> memref<26xi32, #tpu.memory_space<vmem>>
        %dma_start3A_1935 = arith.constant 0 : i32
        %dma_start3A_1936 = arith.constant 0 : i32
        %dma_start3A_1937 = tpu.memref_slice %arg2[%dma_start3A_1935, %dma_start3A_1936] : memref<1000000x32xf32, #tpu.memory_space<hbm>> -> memref<1000000x32xf32, #tpu.memory_space<hbm>>
        tpu.enqueue_indirect_dma source(%dma_start3A_1937 : memref<1000000x32xf32, #tpu.memory_space<hbm>>) target(%dma_start3A_1931 : memref<26x32xf32, #tpu.memory_space<vmem>>) offsets(%dma_start3A_1934 : memref<26xi32, #tpu.memory_space<vmem>>) semaphore(%arg11 : memref<!tpu.dma_semaphore, #tpu.memory_space<semaphore_mem>>)
        %dma_start3A_1938 = arith.constant 15 : i32
        %dma_start3A_1939 = arith.constant 390 : i32
        %dma_start3A_1940 = arith.constant 0 : i32
        %dma_start3A_1941 = tpu.memref_slice %arg8[%dma_start3A_1939, %dma_start3A_1940] : memref<832x32xf32, #tpu.memory_space<vmem>> -> memref<26x32xf32, #tpu.memory_space<vmem>>
        %dma_start3A_1942 = arith.constant 0 : i32
        %dma_start3A_1943 = tpu.memref_slice %arg6[%sub3A_1787, %dma_start3A_1938, %dma_start3A_1942] : memref<2x64x26xi32, #tpu.memory_space<vmem>> -> memref<1x1x26xi32, #tpu.memory_space<vmem>>
        %dma_start3A_1944 = tpu.memref_squeeze %dma_start3A_1943 : memref<1x1x26xi32, #tpu.memory_space<vmem>> -> memref<26xi32, #tpu.memory_space<vmem>>
        %dma_start3A_1945 = arith.constant 0 : i32
        %dma_start3A_1946 = arith.constant 0 : i32
        %dma_start3A_1947 = tpu.memref_slice %arg2[%dma_start3A_1945, %dma_start3A_1946] : memref<1000000x32xf32, #tpu.memory_space<hbm>> -> memref<1000000x32xf32, #tpu.memory_space<hbm>>
        tpu.enqueue_indirect_dma source(%dma_start3A_1947 : memref<1000000x32xf32, #tpu.memory_space<hbm>>) target(%dma_start3A_1941 : memref<26x32xf32, #tpu.memory_space<vmem>>) offsets(%dma_start3A_1944 : memref<26xi32, #tpu.memory_space<vmem>>) semaphore(%arg11 : memref<!tpu.dma_semaphore, #tpu.memory_space<semaphore_mem>>)
        %dma_start3A_1948 = arith.constant 16 : i32
        %dma_start3A_1949 = arith.constant 416 : i32
        %dma_start3A_1950 = arith.constant 0 : i32
        %dma_start3A_1951 = tpu.memref_slice %arg8[%dma_start3A_1949, %dma_start3A_1950] : memref<832x32xf32, #tpu.memory_space<vmem>> -> memref<26x32xf32, #tpu.memory_space<vmem>>
        %dma_start3A_1952 = arith.constant 0 : i32
        %dma_start3A_1953 = tpu.memref_slice %arg6[%sub3A_1787, %dma_start3A_1948, %dma_start3A_1952] : memref<2x64x26xi32, #tpu.memory_space<vmem>> -> memref<1x1x26xi32, #tpu.memory_space<vmem>>
        %dma_start3A_1954 = tpu.memref_squeeze %dma_start3A_1953 : memref<1x1x26xi32, #tpu.memory_space<vmem>> -> memref<26xi32, #tpu.memory_space<vmem>>
        %dma_start3A_1955 = arith.constant 0 : i32
        %dma_start3A_1956 = arith.constant 0 : i32
        %dma_start3A_1957 = tpu.memref_slice %arg2[%dma_start3A_1955, %dma_start3A_1956] : memref<1000000x32xf32, #tpu.memory_space<hbm>> -> memref<1000000x32xf32, #tpu.memory_space<hbm>>
        tpu.enqueue_indirect_dma source(%dma_start3A_1957 : memref<1000000x32xf32, #tpu.memory_space<hbm>>) target(%dma_start3A_1951 : memref<26x32xf32, #tpu.memory_space<vmem>>) offsets(%dma_start3A_1954 : memref<26xi32, #tpu.memory_space<vmem>>) semaphore(%arg11 : memref<!tpu.dma_semaphore, #tpu.memory_space<semaphore_mem>>)
        %dma_start3A_1958 = arith.constant 17 : i32
        %dma_start3A_1959 = arith.constant 442 : i32
        %dma_start3A_1960 = arith.constant 0 : i32
        %dma_start3A_1961 = tpu.memref_slice %arg8[%dma_start3A_1959, %dma_start3A_1960] : memref<832x32xf32, #tpu.memory_space<vmem>> -> memref<26x32xf32, #tpu.memory_space<vmem>>
        %dma_start3A_1962 = arith.constant 0 : i32
        %dma_start3A_1963 = tpu.memref_slice %arg6[%sub3A_1787, %dma_start3A_1958, %dma_start3A_1962] : memref<2x64x26xi32, #tpu.memory_space<vmem>> -> memref<1x1x26xi32, #tpu.memory_space<vmem>>
        %dma_start3A_1964 = tpu.memref_squeeze %dma_start3A_1963 : memref<1x1x26xi32, #tpu.memory_space<vmem>> -> memref<26xi32, #tpu.memory_space<vmem>>
        %dma_start3A_1965 = arith.constant 0 : i32
        %dma_start3A_1966 = arith.constant 0 : i32
        %dma_start3A_1967 = tpu.memref_slice %arg2[%dma_start3A_1965, %dma_start3A_1966] : memref<1000000x32xf32, #tpu.memory_space<hbm>> -> memref<1000000x32xf32, #tpu.memory_space<hbm>>
        tpu.enqueue_indirect_dma source(%dma_start3A_1967 : memref<1000000x32xf32, #tpu.memory_space<hbm>>) target(%dma_start3A_1961 : memref<26x32xf32, #tpu.memory_space<vmem>>) offsets(%dma_start3A_1964 : memref<26xi32, #tpu.memory_space<vmem>>) semaphore(%arg11 : memref<!tpu.dma_semaphore, #tpu.memory_space<semaphore_mem>>)
        %dma_start3A_1968 = arith.constant 18 : i32
        %dma_start3A_1969 = arith.constant 468 : i32
        %dma_start3A_1970 = arith.constant 0 : i32
        %dma_start3A_1971 = tpu.memref_slice %arg8[%dma_start3A_1969, %dma_start3A_1970] : memref<832x32xf32, #tpu.memory_space<vmem>> -> memref<26x32xf32, #tpu.memory_space<vmem>>
        %dma_start3A_1972 = arith.constant 0 : i32
        %dma_start3A_1973 = tpu.memref_slice %arg6[%sub3A_1787, %dma_start3A_1968, %dma_start3A_1972] : memref<2x64x26xi32, #tpu.memory_space<vmem>> -> memref<1x1x26xi32, #tpu.memory_space<vmem>>
        %dma_start3A_1974 = tpu.memref_squeeze %dma_start3A_1973 : memref<1x1x26xi32, #tpu.memory_space<vmem>> -> memref<26xi32, #tpu.memory_space<vmem>>
        %dma_start3A_1975 = arith.constant 0 : i32
        %dma_start3A_1976 = arith.constant 0 : i32
        %dma_start3A_1977 = tpu.memref_slice %arg2[%dma_start3A_1975, %dma_start3A_1976] : memref<1000000x32xf32, #tpu.memory_space<hbm>> -> memref<1000000x32xf32, #tpu.memory_space<hbm>>
        tpu.enqueue_indirect_dma source(%dma_start3A_1977 : memref<1000000x32xf32, #tpu.memory_space<hbm>>) target(%dma_start3A_1971 : memref<26x32xf32, #tpu.memory_space<vmem>>) offsets(%dma_start3A_1974 : memref<26xi32, #tpu.memory_space<vmem>>) semaphore(%arg11 : memref<!tpu.dma_semaphore, #tpu.memory_space<semaphore_mem>>)
        %dma_start3A_1978 = arith.constant 19 : i32
        %dma_start3A_1979 = arith.constant 494 : i32
        %dma_start3A_1980 = arith.constant 0 : i32
        %dma_start3A_1981 = tpu.memref_slice %arg8[%dma_start3A_1979, %dma_start3A_1980] : memref<832x32xf32, #tpu.memory_space<vmem>> -> memref<26x32xf32, #tpu.memory_space<vmem>>
        %dma_start3A_1982 = arith.constant 0 : i32
        %dma_start3A_1983 = tpu.memref_slice %arg6[%sub3A_1787, %dma_start3A_1978, %dma_start3A_1982] : memref<2x64x26xi32, #tpu.memory_space<vmem>> -> memref<1x1x26xi32, #tpu.memory_space<vmem>>
        %dma_start3A_1984 = tpu.memref_squeeze %dma_start3A_1983 : memref<1x1x26xi32, #tpu.memory_space<vmem>> -> memref<26xi32, #tpu.memory_space<vmem>>
        %dma_start3A_1985 = arith.constant 0 : i32
        %dma_start3A_1986 = arith.constant 0 : i32
        %dma_start3A_1987 = tpu.memref_slice %arg2[%dma_start3A_1985, %dma_start3A_1986] : memref<1000000x32xf32, #tpu.memory_space<hbm>> -> memref<1000000x32xf32, #tpu.memory_space<hbm>>
        tpu.enqueue_indirect_dma source(%dma_start3A_1987 : memref<1000000x32xf32, #tpu.memory_space<hbm>>) target(%dma_start3A_1981 : memref<26x32xf32, #tpu.memory_space<vmem>>) offsets(%dma_start3A_1984 : memref<26xi32, #tpu.memory_space<vmem>>) semaphore(%arg11 : memref<!tpu.dma_semaphore, #tpu.memory_space<semaphore_mem>>)
        %dma_start3A_1988 = arith.constant 20 : i32
        %dma_start3A_1989 = arith.constant 520 : i32
        %dma_start3A_1990 = arith.constant 0 : i32
        %dma_start3A_1991 = tpu.memref_slice %arg8[%dma_start3A_1989, %dma_start3A_1990] : memref<832x32xf32, #tpu.memory_space<vmem>> -> memref<26x32xf32, #tpu.memory_space<vmem>>
        %dma_start3A_1992 = arith.constant 0 : i32
        %dma_start3A_1993 = tpu.memref_slice %arg6[%sub3A_1787, %dma_start3A_1988, %dma_start3A_1992] : memref<2x64x26xi32, #tpu.memory_space<vmem>> -> memref<1x1x26xi32, #tpu.memory_space<vmem>>
        %dma_start3A_1994 = tpu.memref_squeeze %dma_start3A_1993 : memref<1x1x26xi32, #tpu.memory_space<vmem>> -> memref<26xi32, #tpu.memory_space<vmem>>
        %dma_start3A_1995 = arith.constant 0 : i32
        %dma_start3A_1996 = arith.constant 0 : i32
        %dma_start3A_1997 = tpu.memref_slice %arg2[%dma_start3A_1995, %dma_start3A_1996] : memref<1000000x32xf32, #tpu.memory_space<hbm>> -> memref<1000000x32xf32, #tpu.memory_space<hbm>>
        tpu.enqueue_indirect_dma source(%dma_start3A_1997 : memref<1000000x32xf32, #tpu.memory_space<hbm>>) target(%dma_start3A_1991 : memref<26x32xf32, #tpu.memory_space<vmem>>) offsets(%dma_start3A_1994 : memref<26xi32, #tpu.memory_space<vmem>>) semaphore(%arg11 : memref<!tpu.dma_semaphore, #tpu.memory_space<semaphore_mem>>)
        %dma_start3A_1998 = arith.constant 21 : i32
        %dma_start3A_1999 = arith.constant 546 : i32
        %dma_start3A_2000 = arith.constant 0 : i32
        %dma_start3A_2001 = tpu.memref_slice %arg8[%dma_start3A_1999, %dma_start3A_2000] : memref<832x32xf32, #tpu.memory_space<vmem>> -> memref<26x32xf32, #tpu.memory_space<vmem>>
        %dma_start3A_2002 = arith.constant 0 : i32
        %dma_start3A_2003 = tpu.memref_slice %arg6[%sub3A_1787, %dma_start3A_1998, %dma_start3A_2002] : memref<2x64x26xi32, #tpu.memory_space<vmem>> -> memref<1x1x26xi32, #tpu.memory_space<vmem>>
        %dma_start3A_2004 = tpu.memref_squeeze %dma_start3A_2003 : memref<1x1x26xi32, #tpu.memory_space<vmem>> -> memref<26xi32, #tpu.memory_space<vmem>>
        %dma_start3A_2005 = arith.constant 0 : i32
        %dma_start3A_2006 = arith.constant 0 : i32
        %dma_start3A_2007 = tpu.memref_slice %arg2[%dma_start3A_2005, %dma_start3A_2006] : memref<1000000x32xf32, #tpu.memory_space<hbm>> -> memref<1000000x32xf32, #tpu.memory_space<hbm>>
        tpu.enqueue_indirect_dma source(%dma_start3A_2007 : memref<1000000x32xf32, #tpu.memory_space<hbm>>) target(%dma_start3A_2001 : memref<26x32xf32, #tpu.memory_space<vmem>>) offsets(%dma_start3A_2004 : memref<26xi32, #tpu.memory_space<vmem>>) semaphore(%arg11 : memref<!tpu.dma_semaphore, #tpu.memory_space<semaphore_mem>>)
        %dma_start3A_2008 = arith.constant 22 : i32
        %dma_start3A_2009 = arith.constant 572 : i32
        %dma_start3A_2010 = arith.constant 0 : i32
        %dma_start3A_2011 = tpu.memref_slice %arg8[%dma_start3A_2009, %dma_start3A_2010] : memref<832x32xf32, #tpu.memory_space<vmem>> -> memref<26x32xf32, #tpu.memory_space<vmem>>
        %dma_start3A_2012 = arith.constant 0 : i32
        %dma_start3A_2013 = tpu.memref_slice %arg6[%sub3A_1787, %dma_start3A_2008, %dma_start3A_2012] : memref<2x64x26xi32, #tpu.memory_space<vmem>> -> memref<1x1x26xi32, #tpu.memory_space<vmem>>
        %dma_start3A_2014 = tpu.memref_squeeze %dma_start3A_2013 : memref<1x1x26xi32, #tpu.memory_space<vmem>> -> memref<26xi32, #tpu.memory_space<vmem>>
        %dma_start3A_2015 = arith.constant 0 : i32
        %dma_start3A_2016 = arith.constant 0 : i32
        %dma_start3A_2017 = tpu.memref_slice %arg2[%dma_start3A_2015, %dma_start3A_2016] : memref<1000000x32xf32, #tpu.memory_space<hbm>> -> memref<1000000x32xf32, #tpu.memory_space<hbm>>
        tpu.enqueue_indirect_dma source(%dma_start3A_2017 : memref<1000000x32xf32, #tpu.memory_space<hbm>>) target(%dma_start3A_2011 : memref<26x32xf32, #tpu.memory_space<vmem>>) offsets(%dma_start3A_2014 : memref<26xi32, #tpu.memory_space<vmem>>) semaphore(%arg11 : memref<!tpu.dma_semaphore, #tpu.memory_space<semaphore_mem>>)
        %dma_start3A_2018 = arith.constant 23 : i32
        %dma_start3A_2019 = arith.constant 598 : i32
        %dma_start3A_2020 = arith.constant 0 : i32
        %dma_start3A_2021 = tpu.memref_slice %arg8[%dma_start3A_2019, %dma_start3A_2020] : memref<832x32xf32, #tpu.memory_space<vmem>> -> memref<26x32xf32, #tpu.memory_space<vmem>>
        %dma_start3A_2022 = arith.constant 0 : i32
        %dma_start3A_2023 = tpu.memref_slice %arg6[%sub3A_1787, %dma_start3A_2018, %dma_start3A_2022] : memref<2x64x26xi32, #tpu.memory_space<vmem>> -> memref<1x1x26xi32, #tpu.memory_space<vmem>>
        %dma_start3A_2024 = tpu.memref_squeeze %dma_start3A_2023 : memref<1x1x26xi32, #tpu.memory_space<vmem>> -> memref<26xi32, #tpu.memory_space<vmem>>
        %dma_start3A_2025 = arith.constant 0 : i32
        %dma_start3A_2026 = arith.constant 0 : i32
        %dma_start3A_2027 = tpu.memref_slice %arg2[%dma_start3A_2025, %dma_start3A_2026] : memref<1000000x32xf32, #tpu.memory_space<hbm>> -> memref<1000000x32xf32, #tpu.memory_space<hbm>>
        tpu.enqueue_indirect_dma source(%dma_start3A_2027 : memref<1000000x32xf32, #tpu.memory_space<hbm>>) target(%dma_start3A_2021 : memref<26x32xf32, #tpu.memory_space<vmem>>) offsets(%dma_start3A_2024 : memref<26xi32, #tpu.memory_space<vmem>>) semaphore(%arg11 : memref<!tpu.dma_semaphore, #tpu.memory_space<semaphore_mem>>)
        %dma_start3A_2028 = arith.constant 24 : i32
        %dma_start3A_2029 = arith.constant 624 : i32
        %dma_start3A_2030 = arith.constant 0 : i32
        %dma_start3A_2031 = tpu.memref_slice %arg8[%dma_start3A_2029, %dma_start3A_2030] : memref<832x32xf32, #tpu.memory_space<vmem>> -> memref<26x32xf32, #tpu.memory_space<vmem>>
        %dma_start3A_2032 = arith.constant 0 : i32
        %dma_start3A_2033 = tpu.memref_slice %arg6[%sub3A_1787, %dma_start3A_2028, %dma_start3A_2032] : memref<2x64x26xi32, #tpu.memory_space<vmem>> -> memref<1x1x26xi32, #tpu.memory_space<vmem>>
        %dma_start3A_2034 = tpu.memref_squeeze %dma_start3A_2033 : memref<1x1x26xi32, #tpu.memory_space<vmem>> -> memref<26xi32, #tpu.memory_space<vmem>>
        %dma_start3A_2035 = arith.constant 0 : i32
        %dma_start3A_2036 = arith.constant 0 : i32
        %dma_start3A_2037 = tpu.memref_slice %arg2[%dma_start3A_2035, %dma_start3A_2036] : memref<1000000x32xf32, #tpu.memory_space<hbm>> -> memref<1000000x32xf32, #tpu.memory_space<hbm>>
        tpu.enqueue_indirect_dma source(%dma_start3A_2037 : memref<1000000x32xf32, #tpu.memory_space<hbm>>) target(%dma_start3A_2031 : memref<26x32xf32, #tpu.memory_space<vmem>>) offsets(%dma_start3A_2034 : memref<26xi32, #tpu.memory_space<vmem>>) semaphore(%arg11 : memref<!tpu.dma_semaphore, #tpu.memory_space<semaphore_mem>>)
        %dma_start3A_2038 = arith.constant 25 : i32
        %dma_start3A_2039 = arith.constant 650 : i32
        %dma_start3A_2040 = arith.constant 0 : i32
        %dma_start3A_2041 = tpu.memref_slice %arg8[%dma_start3A_2039, %dma_start3A_2040] : memref<832x32xf32, #tpu.memory_space<vmem>> -> memref<26x32xf32, #tpu.memory_space<vmem>>
        %dma_start3A_2042 = arith.constant 0 : i32
        %dma_start3A_2043 = tpu.memref_slice %arg6[%sub3A_1787, %dma_start3A_2038, %dma_start3A_2042] : memref<2x64x26xi32, #tpu.memory_space<vmem>> -> memref<1x1x26xi32, #tpu.memory_space<vmem>>
        %dma_start3A_2044 = tpu.memref_squeeze %dma_start3A_2043 : memref<1x1x26xi32, #tpu.memory_space<vmem>> -> memref<26xi32, #tpu.memory_space<vmem>>
        %dma_start3A_2045 = arith.constant 0 : i32
        %dma_start3A_2046 = arith.constant 0 : i32
        %dma_start3A_2047 = tpu.memref_slice %arg2[%dma_start3A_2045, %dma_start3A_2046] : memref<1000000x32xf32, #tpu.memory_space<hbm>> -> memref<1000000x32xf32, #tpu.memory_space<hbm>>
        tpu.enqueue_indirect_dma source(%dma_start3A_2047 : memref<1000000x32xf32, #tpu.memory_space<hbm>>) target(%dma_start3A_2041 : memref<26x32xf32, #tpu.memory_space<vmem>>) offsets(%dma_start3A_2044 : memref<26xi32, #tpu.memory_space<vmem>>) semaphore(%arg11 : memref<!tpu.dma_semaphore, #tpu.memory_space<semaphore_mem>>)
        %dma_start3A_2048 = arith.constant 26 : i32
        %dma_start3A_2049 = arith.constant 676 : i32
        %dma_start3A_2050 = arith.constant 0 : i32
        %dma_start3A_2051 = tpu.memref_slice %arg8[%dma_start3A_2049, %dma_start3A_2050] : memref<832x32xf32, #tpu.memory_space<vmem>> -> memref<26x32xf32, #tpu.memory_space<vmem>>
        %dma_start3A_2052 = arith.constant 0 : i32
        %dma_start3A_2053 = tpu.memref_slice %arg6[%sub3A_1787, %dma_start3A_2048, %dma_start3A_2052] : memref<2x64x26xi32, #tpu.memory_space<vmem>> -> memref<1x1x26xi32, #tpu.memory_space<vmem>>
        %dma_start3A_2054 = tpu.memref_squeeze %dma_start3A_2053 : memref<1x1x26xi32, #tpu.memory_space<vmem>> -> memref<26xi32, #tpu.memory_space<vmem>>
        %dma_start3A_2055 = arith.constant 0 : i32
        %dma_start3A_2056 = arith.constant 0 : i32
        %dma_start3A_2057 = tpu.memref_slice %arg2[%dma_start3A_2055, %dma_start3A_2056] : memref<1000000x32xf32, #tpu.memory_space<hbm>> -> memref<1000000x32xf32, #tpu.memory_space<hbm>>
        tpu.enqueue_indirect_dma source(%dma_start3A_2057 : memref<1000000x32xf32, #tpu.memory_space<hbm>>) target(%dma_start3A_2051 : memref<26x32xf32, #tpu.memory_space<vmem>>) offsets(%dma_start3A_2054 : memref<26xi32, #tpu.memory_space<vmem>>) semaphore(%arg11 : memref<!tpu.dma_semaphore, #tpu.memory_space<semaphore_mem>>)
        %dma_start3A_2058 = arith.constant 27 : i32
        %dma_start3A_2059 = arith.constant 702 : i32
        %dma_start3A_2060 = arith.constant 0 : i32
        %dma_start3A_2061 = tpu.memref_slice %arg8[%dma_start3A_2059, %dma_start3A_2060] : memref<832x32xf32, #tpu.memory_space<vmem>> -> memref<26x32xf32, #tpu.memory_space<vmem>>
        %dma_start3A_2062 = arith.constant 0 : i32
        %dma_start3A_2063 = tpu.memref_slice %arg6[%sub3A_1787, %dma_start3A_2058, %dma_start3A_2062] : memref<2x64x26xi32, #tpu.memory_space<vmem>> -> memref<1x1x26xi32, #tpu.memory_space<vmem>>
        %dma_start3A_2064 = tpu.memref_squeeze %dma_start3A_2063 : memref<1x1x26xi32, #tpu.memory_space<vmem>> -> memref<26xi32, #tpu.memory_space<vmem>>
        %dma_start3A_2065 = arith.constant 0 : i32
        %dma_start3A_2066 = arith.constant 0 : i32
        %dma_start3A_2067 = tpu.memref_slice %arg2[%dma_start3A_2065, %dma_start3A_2066] : memref<1000000x32xf32, #tpu.memory_space<hbm>> -> memref<1000000x32xf32, #tpu.memory_space<hbm>>
        tpu.enqueue_indirect_dma source(%dma_start3A_2067 : memref<1000000x32xf32, #tpu.memory_space<hbm>>) target(%dma_start3A_2061 : memref<26x32xf32, #tpu.memory_space<vmem>>) offsets(%dma_start3A_2064 : memref<26xi32, #tpu.memory_space<vmem>>) semaphore(%arg11 : memref<!tpu.dma_semaphore, #tpu.memory_space<semaphore_mem>>)
        %dma_start3A_2068 = arith.constant 28 : i32
        %dma_start3A_2069 = arith.constant 728 : i32
        %dma_start3A_2070 = arith.constant 0 : i32
        %dma_start3A_2071 = tpu.memref_slice %arg8[%dma_start3A_2069, %dma_start3A_2070] : memref<832x32xf32, #tpu.memory_space<vmem>> -> memref<26x32xf32, #tpu.memory_space<vmem>>
        %dma_start3A_2072 = arith.constant 0 : i32
        %dma_start3A_2073 = tpu.memref_slice %arg6[%sub3A_1787, %dma_start3A_2068, %dma_start3A_2072] : memref<2x64x26xi32, #tpu.memory_space<vmem>> -> memref<1x1x26xi32, #tpu.memory_space<vmem>>
        %dma_start3A_2074 = tpu.memref_squeeze %dma_start3A_2073 : memref<1x1x26xi32, #tpu.memory_space<vmem>> -> memref<26xi32, #tpu.memory_space<vmem>>
        %dma_start3A_2075 = arith.constant 0 : i32
        %dma_start3A_2076 = arith.constant 0 : i32
        %dma_start3A_2077 = tpu.memref_slice %arg2[%dma_start3A_2075, %dma_start3A_2076] : memref<1000000x32xf32, #tpu.memory_space<hbm>> -> memref<1000000x32xf32, #tpu.memory_space<hbm>>
        tpu.enqueue_indirect_dma source(%dma_start3A_2077 : memref<1000000x32xf32, #tpu.memory_space<hbm>>) target(%dma_start3A_2071 : memref<26x32xf32, #tpu.memory_space<vmem>>) offsets(%dma_start3A_2074 : memref<26xi32, #tpu.memory_space<vmem>>) semaphore(%arg11 : memref<!tpu.dma_semaphore, #tpu.memory_space<semaphore_mem>>)
        %dma_start3A_2078 = arith.constant 29 : i32
        %dma_start3A_2079 = arith.constant 754 : i32
        %dma_start3A_2080 = arith.constant 0 : i32
        %dma_start3A_2081 = tpu.memref_slice %arg8[%dma_start3A_2079, %dma_start3A_2080] : memref<832x32xf32, #tpu.memory_space<vmem>> -> memref<26x32xf32, #tpu.memory_space<vmem>>
        %dma_start3A_2082 = arith.constant 0 : i32
        %dma_start3A_2083 = tpu.memref_slice %arg6[%sub3A_1787, %dma_start3A_2078, %dma_start3A_2082] : memref<2x64x26xi32, #tpu.memory_space<vmem>> -> memref<1x1x26xi32, #tpu.memory_space<vmem>>
        %dma_start3A_2084 = tpu.memref_squeeze %dma_start3A_2083 : memref<1x1x26xi32, #tpu.memory_space<vmem>> -> memref<26xi32, #tpu.memory_space<vmem>>
        %dma_start3A_2085 = arith.constant 0 : i32
        %dma_start3A_2086 = arith.constant 0 : i32
        %dma_start3A_2087 = tpu.memref_slice %arg2[%dma_start3A_2085, %dma_start3A_2086] : memref<1000000x32xf32, #tpu.memory_space<hbm>> -> memref<1000000x32xf32, #tpu.memory_space<hbm>>
        tpu.enqueue_indirect_dma source(%dma_start3A_2087 : memref<1000000x32xf32, #tpu.memory_space<hbm>>) target(%dma_start3A_2081 : memref<26x32xf32, #tpu.memory_space<vmem>>) offsets(%dma_start3A_2084 : memref<26xi32, #tpu.memory_space<vmem>>) semaphore(%arg11 : memref<!tpu.dma_semaphore, #tpu.memory_space<semaphore_mem>>)
        %dma_start3A_2088 = arith.constant 30 : i32
        %dma_start3A_2089 = arith.constant 780 : i32
        %dma_start3A_2090 = arith.constant 0 : i32
        %dma_start3A_2091 = tpu.memref_slice %arg8[%dma_start3A_2089, %dma_start3A_2090] : memref<832x32xf32, #tpu.memory_space<vmem>> -> memref<26x32xf32, #tpu.memory_space<vmem>>
        %dma_start3A_2092 = arith.constant 0 : i32
        %dma_start3A_2093 = tpu.memref_slice %arg6[%sub3A_1787, %dma_start3A_2088, %dma_start3A_2092] : memref<2x64x26xi32, #tpu.memory_space<vmem>> -> memref<1x1x26xi32, #tpu.memory_space<vmem>>
        %dma_start3A_2094 = tpu.memref_squeeze %dma_start3A_2093 : memref<1x1x26xi32, #tpu.memory_space<vmem>> -> memref<26xi32, #tpu.memory_space<vmem>>
        %dma_start3A_2095 = arith.constant 0 : i32
        %dma_start3A_2096 = arith.constant 0 : i32
        %dma_start3A_2097 = tpu.memref_slice %arg2[%dma_start3A_2095, %dma_start3A_2096] : memref<1000000x32xf32, #tpu.memory_space<hbm>> -> memref<1000000x32xf32, #tpu.memory_space<hbm>>
        tpu.enqueue_indirect_dma source(%dma_start3A_2097 : memref<1000000x32xf32, #tpu.memory_space<hbm>>) target(%dma_start3A_2091 : memref<26x32xf32, #tpu.memory_space<vmem>>) offsets(%dma_start3A_2094 : memref<26xi32, #tpu.memory_space<vmem>>) semaphore(%arg11 : memref<!tpu.dma_semaphore, #tpu.memory_space<semaphore_mem>>)
        %dma_start3A_2098 = arith.constant 31 : i32
        %dma_start3A_2099 = arith.constant 806 : i32
        %dma_start3A_2100 = arith.constant 0 : i32
        %dma_start3A_2101 = tpu.memref_slice %arg8[%dma_start3A_2099, %dma_start3A_2100] : memref<832x32xf32, #tpu.memory_space<vmem>> -> memref<26x32xf32, #tpu.memory_space<vmem>>
        %dma_start3A_2102 = arith.constant 0 : i32
        %dma_start3A_2103 = tpu.memref_slice %arg6[%sub3A_1787, %dma_start3A_2098, %dma_start3A_2102] : memref<2x64x26xi32, #tpu.memory_space<vmem>> -> memref<1x1x26xi32, #tpu.memory_space<vmem>>
        %dma_start3A_2104 = tpu.memref_squeeze %dma_start3A_2103 : memref<1x1x26xi32, #tpu.memory_space<vmem>> -> memref<26xi32, #tpu.memory_space<vmem>>
        %dma_start3A_2105 = arith.constant 0 : i32
        %dma_start3A_2106 = arith.constant 0 : i32
        %dma_start3A_2107 = tpu.memref_slice %arg2[%dma_start3A_2105, %dma_start3A_2106] : memref<1000000x32xf32, #tpu.memory_space<hbm>> -> memref<1000000x32xf32, #tpu.memory_space<hbm>>
        tpu.enqueue_indirect_dma source(%dma_start3A_2107 : memref<1000000x32xf32, #tpu.memory_space<hbm>>) target(%dma_start3A_2101 : memref<26x32xf32, #tpu.memory_space<vmem>>) offsets(%dma_start3A_2104 : memref<26xi32, #tpu.memory_space<vmem>>) semaphore(%arg11 : memref<!tpu.dma_semaphore, #tpu.memory_space<semaphore_mem>>)
        %add3A_2108 = arith.constant 2 : i32
        %add3A_2109 = arith.addi %scan3A_544, %add3A_2108 : i32
        %lt3A_2110 = arith.constant 25 : i32
        %lt3A_2111 = arith.cmpi slt, %add3A_2109, %lt3A_2110 : i32
        %convert_element_type3A_2112 = arith.extui %lt3A_2111 : i1 to i32
        %cond3A_2113 = arith.constant 0 : i32
        %cond3A_2114 = arith.cmpi ne, %convert_element_type3A_2112, %cond3A_2113 : i32
        scf.if %cond3A_2114 {
          %add3A_2115 = arith.constant 2 : i32
          %add3A_2116 = arith.addi %scan3A_544, %add3A_2115 : i32
          %mul3A_2117 = arith.constant 25 : i32
          %mul3A_2118 = arith.muli %add3A, %mul3A_2117 : i32
          %add3A_2119 = arith.addi %mul3A_2118, %add3A_2116 : i32
          %jit3A_2120 = arith.constant 16 : i32
          %div3A_2121 = arith.divsi %add3A_2119, %jit3A_2120 : i32
          %sign3A_2122 = arith.constant 0 : i32
          %sign3A_2123 = arith.cmpi sgt, %add3A_2119, %sign3A_2122 : i32
          %sign3A_2124 = arith.extui %sign3A_2123 : i1 to i32
          %sign3A_2125 = arith.constant 0 : i32
          %sign3A_2126 = arith.cmpi slt, %add3A_2119, %sign3A_2125 : i32
          %sign3A_2127 = arith.extui %sign3A_2126 : i1 to i32
          %sign3A_2128 = arith.subi %sign3A_2124, %sign3A_2127 : i32
          %sign3A_2129 = arith.constant 0 : i32
          %sign3A_2130 = arith.cmpi sgt, %jit3A_2120, %sign3A_2129 : i32
          %sign3A_2131 = arith.extui %sign3A_2130 : i1 to i32
          %sign3A_2132 = arith.constant 0 : i32
          %sign3A_2133 = arith.cmpi slt, %jit3A_2120, %sign3A_2132 : i32
          %sign3A_2134 = arith.extui %sign3A_2133 : i1 to i32
          %sign3A_2135 = arith.subi %sign3A_2131, %sign3A_2134 : i32
          %ne3A_2136 = arith.cmpi ne, %sign3A_2128, %sign3A_2135 : i32
          %rem3A_2137 = arith.remsi %add3A_2119, %jit3A_2120 : i32
          %ne3A_2138 = arith.constant 0 : i32
          %ne3A_2139 = arith.cmpi ne, %rem3A_2137, %ne3A_2138 : i32
          %and3A_2140 = arith.andi %ne3A_2136, %ne3A_2139 : i1
          %sub3A_2141 = arith.constant 1 : i32
          %sub3A_2142 = arith.subi %div3A_2121, %sub3A_2141 : i32
          %select_n3A_2143 = arith.select %and3A_2140, %sub3A_2142, %div3A_2121 : i32
          %jit3A_2144 = arith.constant 16 : i32
          %eq3A_2145 = arith.constant 0 : i32
          %eq3A_2146 = arith.cmpi eq, %jit3A_2144, %eq3A_2145 : i32
          %jit3A_2147 = arith.constant 1 : i32
          %select_n3A_2148 = arith.select %eq3A_2146, %jit3A_2147, %jit3A_2144 : i32
          %rem3A_2149 = arith.remsi %add3A_2119, %select_n3A_2148 : i32
          %ne3A_2150 = arith.constant 0 : i32
          %ne3A_2151 = arith.cmpi ne, %rem3A_2149, %ne3A_2150 : i32
          %lt3A_2152 = arith.constant 0 : i32
          %lt3A_2153 = arith.cmpi slt, %rem3A_2149, %lt3A_2152 : i32
          %lt3A_2154 = arith.constant 0 : i32
          %lt3A_2155 = arith.cmpi slt, %select_n3A_2148, %lt3A_2154 : i32
          %ne3A_2156 = arith.xori %lt3A_2153, %lt3A_2155 : i1
          %and3A_2157 = arith.andi %ne3A_2156, %ne3A_2151 : i1
          %add3A_2158 = arith.addi %rem3A_2149, %select_n3A_2148 : i32
          %select_n3A_2159 = arith.select %and3A_2157, %add3A_2158, %rem3A_2149 : i32
          %mul3A_2160 = arith.constant 64 : i32
          %mul3A_2161 = arith.muli %select_n3A_2159, %mul3A_2160 : i32
          %multiple_of3A_2162 = tpu.assume_multiple %mul3A_2161, 8 : i32
          %dma_start3A_2163 = arith.constant 0 : i32
          %dma_start3A_2164 = arith.constant 0 : i32
          %dma_start3A_2165 = tpu.memref_slice %arg6[%rem3A_546, %dma_start3A_2163, %dma_start3A_2164] : memref<2x64x26xi32, #tpu.memory_space<vmem>> -> memref<1x64x26xi32, #tpu.memory_space<vmem>>
          %dma_start3A_2166 = tpu.memref_squeeze %dma_start3A_2165 : memref<1x64x26xi32, #tpu.memory_space<vmem>> -> memref<64x26xi32, #tpu.memory_space<vmem>>
          %dma_start3A_2167 = arith.constant 0 : i32
          %dma_start3A_2168 = tpu.memref_slice %arg3[%multiple_of3A_2162, %select_n3A_2143, %dma_start3A_2167] : memref<1024x50x26xi32, #tpu.memory_space<hbm>> -> memref<64x1x26xi32, #tpu.memory_space<hbm>>
          %dma_start3A_2169 = tpu.memref_squeeze %dma_start3A_2168 : memref<64x1x26xi32, #tpu.memory_space<hbm>> -> memref<64x26xi32, #tpu.memory_space<hbm>>
          %dma_start3A_2170 = arith.constant 0 : i32
          %dma_start3A_2171 = arith.constant 0 : i32
          %dma_start3A_2172 = tpu.memref_slice %arg6[%rem3A_546, %dma_start3A_2170, %dma_start3A_2171] : memref<2x64x26xi32, #tpu.memory_space<vmem>> -> memref<1x64x26xi32, #tpu.memory_space<vmem>>
          %dma_start3A_2173 = tpu.memref_squeeze %dma_start3A_2172 : memref<1x64x26xi32, #tpu.memory_space<vmem>> -> memref<64x26xi32, #tpu.memory_space<vmem>>
          %dma_start3A_2174 = arith.constant 0 : i32
          %dma_start3A_2175 = tpu.memref_slice %arg3[%multiple_of3A_2162, %select_n3A_2143, %dma_start3A_2174] : memref<1024x50x26xi32, #tpu.memory_space<hbm>> -> memref<64x1x26xi32, #tpu.memory_space<hbm>>
          %dma_start3A_2176 = tpu.memref_squeeze %dma_start3A_2175 : memref<64x1x26xi32, #tpu.memory_space<hbm>> -> memref<64x26xi32, #tpu.memory_space<hbm>>
          tpu.enqueue_dma source(%dma_start3A_2176 : memref<64x26xi32, #tpu.memory_space<hbm>>) target(%dma_start3A_2173 : memref<64x26xi32, #tpu.memory_space<vmem>>) target_semaphore(%arg14 : memref<!tpu.dma_semaphore, #tpu.memory_space<semaphore_mem>>)
        } else {
        }
      } else {
      }
      %mul3A_1654 = arith.constant 2 : i32
      %mul3A_1655 = arith.muli %mul3A_1654, %scan3A_544 : i32
      %add3A_1656 = arith.constant 1 : i32
      %add3A_1657 = arith.addi %mul3A_1655, %add3A_1656 : i32
      %mul3A_1658 = arith.constant 32 : i32
      %mul3A_1659 = arith.muli %add3A_1657, %mul3A_1658 : i32
      %scan3A_1660 = arith.constant 0 : i32
      %scan3A_1661 = arith.constant 0 : i32
      %scan3A_1662 = arith.constant 32 : i32
      %scan3A_1663 = arith.addi %scan3A_1661, %scan3A_1662 : i32
      %scan3A_1664 = arith.constant 1 : i32
      scf.for %scan3A_1767 = %scan3A_1661 to %scan3A_1663 step %scan3A_1664  : i32 {
        %add3A_1768 = arith.addi %mul3A_1659, %scan3A_1767 : i32
        %broadcast_in_dim3A = vector.broadcast %add3A_1768 : i32 to vector<16xi32>
        %gather3A = tpu.vector_load_idx %arg7[%broadcast_in_dim3A] : memref<1600xf32, #tpu.memory_space<vmem>>[vector<16xi32>], vector<16xf32>,
        %add3A_1769 = arith.constant 32 : i32
        %add3A_1770 = arith.addi %add3A_1769, %scan3A_1767 : i32
        %broadcast_in_dim3A_1771 = vector.broadcast %add3A_1770 : i32 to vector<16xi32>
        %mul3A_1772 = arith.constant 26 : i32
        %mul3A_1773 = arith.muli %scan3A_1767, %mul3A_1772 : i32
        %add3A_1774 = arith.constant 0 : i32
        %add3A_1775 = arith.addi %mul3A_1773, %add3A_1774 : i32
        %get3A = arith.index_cast %add3A_1775 : i32 to index
        %get3A_1776 = arith.constant 0 : index
        %get3A_1777 = tpu.vector_load %arg9[%get3A, %get3A_1776] {strides = array<i32>} : memref<832x32xf32, #tpu.memory_space<vmem>>, vector<16xf32>,
        %mul3A_1778 = arith.mulf %get3A_1777, %gather3A : vector<16xf32>
        %add3A_1779 = arith.constant 0 : i32
        %add3A_1780 = arith.addi %mul3A_1773, %add3A_1779 : i32
        %get3A_1781 = arith.index_cast %add3A_1780 : i32 to index
        %get3A_1782 = arith.constant 16 : index
        %get3A_1783 = tpu.vector_load %arg9[%get3A_1781, %get3A_1782] {strides = array<i32>} : memref<832x32xf32, #tpu.memory_space<vmem>>, vector<16xf32>,
        %mul3A_1784 = arith.mulf %get3A_1783, %gather3A : vector<16xf32>
        %add3A_1785 = arith.constant 0 : i32
        %add3A_1786 = vector.broadcast %add3A_1785 : i32 to vector<16xi32>
        %add3A_1787 = arith.addi %add3A_1786, %select_n3A : vector<16xi32>
        tpu.vector_store_idx %arg10[%add3A_1787, %rem3A_28, %broadcast_in_dim3A_1771], %mul3A_1778 : memref<104x8x72xf32, #tpu.memory_space<vmem>>[vector<16xi32>, vector<16xi32>, vector<16xi32>], vector<16xf32>,
        %add3A_1788 = arith.constant 2 : i32
        %add3A_1789 = vector.broadcast %add3A_1788 : i32 to vector<16xi32>
        %add3A_1790 = arith.addi %add3A_1789, %select_n3A : vector<16xi32>
        tpu.vector_store_idx %arg10[%add3A_1790, %rem3A_28, %broadcast_in_dim3A_1771], %mul3A_1784 : memref<104x8x72xf32, #tpu.memory_space<vmem>>[vector<16xi32>, vector<16xi32>, vector<16xi32>], vector<16xf32>,
        %add3A_1791 = arith.constant 1 : i32
        %add3A_1792 = arith.addi %mul3A_1773, %add3A_1791 : i32
        %get3A_1793 = arith.index_cast %add3A_1792 : i32 to index
        %get3A_1794 = arith.constant 0 : index
        %get3A_1795 = tpu.vector_load %arg9[%get3A_1793, %get3A_1794] {strides = array<i32>} : memref<832x32xf32, #tpu.memory_space<vmem>>, vector<16xf32>,
        %mul3A_1796 = arith.mulf %get3A_1795, %gather3A : vector<16xf32>
        %add3A_1797 = arith.constant 1 : i32
        %add3A_1798 = arith.addi %mul3A_1773, %add3A_1797 : i32
        %get3A_1799 = arith.index_cast %add3A_1798 : i32 to index
        %get3A_1800 = arith.constant 16 : index
        %get3A_1801 = tpu.vector_load %arg9[%get3A_1799, %get3A_1800] {strides = array<i32>} : memref<832x32xf32, #tpu.memory_space<vmem>>, vector<16xf32>,
        %mul3A_1802 = arith.mulf %get3A_1801, %gather3A : vector<16xf32>
        %add3A_1803 = arith.constant 4 : i32
        %add3A_1804 = vector.broadcast %add3A_1803 : i32 to vector<16xi32>
        %add3A_1805 = arith.addi %add3A_1804, %select_n3A : vector<16xi32>
        tpu.vector_store_idx %arg10[%add3A_1805, %rem3A_28, %broadcast_in_dim3A_1771], %mul3A_1796 : memref<104x8x72xf32, #tpu.memory_space<vmem>>[vector<16xi32>, vector<16xi32>, vector<16xi32>], vector<16xf32>,
        %add3A_1806 = arith.constant 6 : i32
        %add3A_1807 = vector.broadcast %add3A_1806 : i32 to vector<16xi32>
        %add3A_1808 = arith.addi %add3A_1807, %select_n3A : vector<16xi32>
        tpu.vector_store_idx %arg10[%add3A_1808, %rem3A_28, %broadcast_in_dim3A_1771], %mul3A_1802 : memref<104x8x72xf32, #tpu.memory_space<vmem>>[vector<16xi32>, vector<16xi32>, vector<16xi32>], vector<16xf32>,
        %add3A_1809 = arith.constant 2 : i32
        %add3A_1810 = arith.addi %mul3A_1773, %add3A_1809 : i32
        %get3A_1811 = arith.index_cast %add3A_1810 : i32 to index
        %get3A_1812 = arith.constant 0 : index
        %get3A_1813 = tpu.vector_load %arg9[%get3A_1811, %get3A_1812] {strides = array<i32>} : memref<832x32xf32, #tpu.memory_space<vmem>>, vector<16xf32>,
        %mul3A_1814 = arith.mulf %get3A_1813, %gather3A : vector<16xf32>
        %add3A_1815 = arith.constant 2 : i32
        %add3A_1816 = arith.addi %mul3A_1773, %add3A_1815 : i32
        %get3A_1817 = arith.index_cast %add3A_1816 : i32 to index
        %get3A_1818 = arith.constant 16 : index
        %get3A_1819 = tpu.vector_load %arg9[%get3A_1817, %get3A_1818] {strides = array<i32>} : memref<832x32xf32, #tpu.memory_space<vmem>>, vector<16xf32>,
        %mul3A_1820 = arith.mulf %get3A_1819, %gather3A : vector<16xf32>
        %add3A_1821 = arith.constant 8 : i32
        %add3A_1822 = vector.broadcast %add3A_1821 : i32 to vector<16xi32>
        %add3A_1823 = arith.addi %add3A_1822, %select_n3A : vector<16xi32>
        tpu.vector_store_idx %arg10[%add3A_1823, %rem3A_28, %broadcast_in_dim3A_1771], %mul3A_1814 : memref<104x8x72xf32, #tpu.memory_space<vmem>>[vector<16xi32>, vector<16xi32>, vector<16xi32>], vector<16xf32>,
        %add3A_1824 = arith.constant 10 : i32
        %add3A_1825 = vector.broadcast %add3A_1824 : i32 to vector<16xi32>
        %add3A_1826 = arith.addi %add3A_1825, %select_n3A : vector<16xi32>
        tpu.vector_store_idx %arg10[%add3A_1826, %rem3A_28, %broadcast_in_dim3A_1771], %mul3A_1820 : memref<104x8x72xf32, #tpu.memory_space<vmem>>[vector<16xi32>, vector<16xi32>, vector<16xi32>], vector<16xf32>,
        %add3A_1827 = arith.constant 3 : i32
        %add3A_1828 = arith.addi %mul3A_1773, %add3A_1827 : i32
        %get3A_1829 = arith.index_cast %add3A_1828 : i32 to index
        %get3A_1830 = arith.constant 0 : index
        %get3A_1831 = tpu.vector_load %arg9[%get3A_1829, %get3A_1830] {strides = array<i32>} : memref<832x32xf32, #tpu.memory_space<vmem>>, vector<16xf32>,
        %mul3A_1832 = arith.mulf %get3A_1831, %gather3A : vector<16xf32>
        %add3A_1833 = arith.constant 3 : i32
        %add3A_1834 = arith.addi %mul3A_1773, %add3A_1833 : i32
        %get3A_1835 = arith.index_cast %add3A_1834 : i32 to index
        %get3A_1836 = arith.constant 16 : index
        %get3A_1837 = tpu.vector_load %arg9[%get3A_1835, %get3A_1836] {strides = array<i32>} : memref<832x32xf32, #tpu.memory_space<vmem>>, vector<16xf32>,
        %mul3A_1838 = arith.mulf %get3A_1837, %gather3A : vector<16xf32>
        %add3A_1839 = arith.constant 12 : i32
        %add3A_1840 = vector.broadcast %add3A_1839 : i32 to vector<16xi32>
        %add3A_1841 = arith.addi %add3A_1840, %select_n3A : vector<16xi32>
        tpu.vector_store_idx %arg10[%add3A_1841, %rem3A_28, %broadcast_in_dim3A_1771], %mul3A_1832 : memref<104x8x72xf32, #tpu.memory_space<vmem>>[vector<16xi32>, vector<16xi32>, vector<16xi32>], vector<16xf32>,
        %add3A_1842 = arith.constant 14 : i32
        %add3A_1843 = vector.broadcast %add3A_1842 : i32 to vector<16xi32>
        %add3A_1844 = arith.addi %add3A_1843, %select_n3A : vector<16xi32>
        tpu.vector_store_idx %arg10[%add3A_1844, %rem3A_28, %broadcast_in_dim3A_1771], %mul3A_1838 : memref<104x8x72xf32, #tpu.memory_space<vmem>>[vector<16xi32>, vector<16xi32>, vector<16xi32>], vector<16xf32>,
        %add3A_1845 = arith.constant 4 : i32
        %add3A_1846 = arith.addi %mul3A_1773, %add3A_1845 : i32
        %get3A_1847 = arith.index_cast %add3A_1846 : i32 to index
        %get3A_1848 = arith.constant 0 : index
        %get3A_1849 = tpu.vector_load %arg9[%get3A_1847, %get3A_1848] {strides = array<i32>} : memref<832x32xf32, #tpu.memory_space<vmem>>, vector<16xf32>,
        %mul3A_1850 = arith.mulf %get3A_1849, %gather3A : vector<16xf32>
        %add3A_1851 = arith.constant 4 : i32
        %add3A_1852 = arith.addi %mul3A_1773, %add3A_1851 : i32
        %get3A_1853 = arith.index_cast %add3A_1852 : i32 to index
        %get3A_1854 = arith.constant 16 : index
        %get3A_1855 = tpu.vector_load %arg9[%get3A_1853, %get3A_1854] {strides = array<i32>} : memref<832x32xf32, #tpu.memory_space<vmem>>, vector<16xf32>,
        %mul3A_1856 = arith.mulf %get3A_1855, %gather3A : vector<16xf32>
        %add3A_1857 = arith.constant 16 : i32
        %add3A_1858 = vector.broadcast %add3A_1857 : i32 to vector<16xi32>
        %add3A_1859 = arith.addi %add3A_1858, %select_n3A : vector<16xi32>
        tpu.vector_store_idx %arg10[%add3A_1859, %rem3A_28, %broadcast_in_dim3A_1771], %mul3A_1850 : memref<104x8x72xf32, #tpu.memory_space<vmem>>[vector<16xi32>, vector<16xi32>, vector<16xi32>], vector<16xf32>,
        %add3A_1860 = arith.constant 18 : i32
        %add3A_1861 = vector.broadcast %add3A_1860 : i32 to vector<16xi32>
        %add3A_1862 = arith.addi %add3A_1861, %select_n3A : vector<16xi32>
        tpu.vector_store_idx %arg10[%add3A_1862, %rem3A_28, %broadcast_in_dim3A_1771], %mul3A_1856 : memref<104x8x72xf32, #tpu.memory_space<vmem>>[vector<16xi32>, vector<16xi32>, vector<16xi32>], vector<16xf32>,
        %add3A_1863 = arith.constant 5 : i32
        %add3A_1864 = arith.addi %mul3A_1773, %add3A_1863 : i32
        %get3A_1865 = arith.index_cast %add3A_1864 : i32 to index
        %get3A_1866 = arith.constant 0 : index
        %get3A_1867 = tpu.vector_load %arg9[%get3A_1865, %get3A_1866] {strides = array<i32>} : memref<832x32xf32, #tpu.memory_space<vmem>>, vector<16xf32>,
        %mul3A_1868 = arith.mulf %get3A_1867, %gather3A : vector<16xf32>
        %add3A_1869 = arith.constant 5 : i32
        %add3A_1870 = arith.addi %mul3A_1773, %add3A_1869 : i32
        %get3A_1871 = arith.index_cast %add3A_1870 : i32 to index
        %get3A_1872 = arith.constant 16 : index
        %get3A_1873 = tpu.vector_load %arg9[%get3A_1871, %get3A_1872] {strides = array<i32>} : memref<832x32xf32, #tpu.memory_space<vmem>>, vector<16xf32>,
        %mul3A_1874 = arith.mulf %get3A_1873, %gather3A : vector<16xf32>
        %add3A_1875 = arith.constant 20 : i32
        %add3A_1876 = vector.broadcast %add3A_1875 : i32 to vector<16xi32>
        %add3A_1877 = arith.addi %add3A_1876, %select_n3A : vector<16xi32>
        tpu.vector_store_idx %arg10[%add3A_1877, %rem3A_28, %broadcast_in_dim3A_1771], %mul3A_1868 : memref<104x8x72xf32, #tpu.memory_space<vmem>>[vector<16xi32>, vector<16xi32>, vector<16xi32>], vector<16xf32>,
        %add3A_1878 = arith.constant 22 : i32
        %add3A_1879 = vector.broadcast %add3A_1878 : i32 to vector<16xi32>
        %add3A_1880 = arith.addi %add3A_1879, %select_n3A : vector<16xi32>
        tpu.vector_store_idx %arg10[%add3A_1880, %rem3A_28, %broadcast_in_dim3A_1771], %mul3A_1874 : memref<104x8x72xf32, #tpu.memory_space<vmem>>[vector<16xi32>, vector<16xi32>, vector<16xi32>], vector<16xf32>,
        %add3A_1881 = arith.constant 6 : i32
        %add3A_1882 = arith.addi %mul3A_1773, %add3A_1881 : i32
        %get3A_1883 = arith.index_cast %add3A_1882 : i32 to index
        %get3A_1884 = arith.constant 0 : index
        %get3A_1885 = tpu.vector_load %arg9[%get3A_1883, %get3A_1884] {strides = array<i32>} : memref<832x32xf32, #tpu.memory_space<vmem>>, vector<16xf32>,
        %mul3A_1886 = arith.mulf %get3A_1885, %gather3A : vector<16xf32>
        %add3A_1887 = arith.constant 6 : i32
        %add3A_1888 = arith.addi %mul3A_1773, %add3A_1887 : i32
        %get3A_1889 = arith.index_cast %add3A_1888 : i32 to index
        %get3A_1890 = arith.constant 16 : index
        %get3A_1891 = tpu.vector_load %arg9[%get3A_1889, %get3A_1890] {strides = array<i32>} : memref<832x32xf32, #tpu.memory_space<vmem>>, vector<16xf32>,
        %mul3A_1892 = arith.mulf %get3A_1891, %gather3A : vector<16xf32>
        %add3A_1893 = arith.constant 24 : i32
        %add3A_1894 = vector.broadcast %add3A_1893 : i32 to vector<16xi32>
        %add3A_1895 = arith.addi %add3A_1894, %select_n3A : vector<16xi32>
        tpu.vector_store_idx %arg10[%add3A_1895, %rem3A_28, %broadcast_in_dim3A_1771], %mul3A_1886 : memref<104x8x72xf32, #tpu.memory_space<vmem>>[vector<16xi32>, vector<16xi32>, vector<16xi32>], vector<16xf32>,
        %add3A_1896 = arith.constant 26 : i32
        %add3A_1897 = vector.broadcast %add3A_1896 : i32 to vector<16xi32>
        %add3A_1898 = arith.addi %add3A_1897, %select_n3A : vector<16xi32>
        tpu.vector_store_idx %arg10[%add3A_1898, %rem3A_28, %broadcast_in_dim3A_1771], %mul3A_1892 : memref<104x8x72xf32, #tpu.memory_space<vmem>>[vector<16xi32>, vector<16xi32>, vector<16xi32>], vector<16xf32>,
        %add3A_1899 = arith.constant 7 : i32
        %add3A_1900 = arith.addi %mul3A_1773, %add3A_1899 : i32
        %get3A_1901 = arith.index_cast %add3A_1900 : i32 to index
        %get3A_1902 = arith.constant 0 : index
        %get3A_1903 = tpu.vector_load %arg9[%get3A_1901, %get3A_1902] {strides = array<i32>} : memref<832x32xf32, #tpu.memory_space<vmem>>, vector<16xf32>,
        %mul3A_1904 = arith.mulf %get3A_1903, %gather3A : vector<16xf32>
        %add3A_1905 = arith.constant 7 : i32
        %add3A_1906 = arith.addi %mul3A_1773, %add3A_1905 : i32
        %get3A_1907 = arith.index_cast %add3A_1906 : i32 to index
        %get3A_1908 = arith.constant 16 : index
        %get3A_1909 = tpu.vector_load %arg9[%get3A_1907, %get3A_1908] {strides = array<i32>} : memref<832x32xf32, #tpu.memory_space<vmem>>, vector<16xf32>,
        %mul3A_1910 = arith.mulf %get3A_1909, %gather3A : vector<16xf32>
        %add3A_1911 = arith.constant 28 : i32
        %add3A_1912 = vector.broadcast %add3A_1911 : i32 to vector<16xi32>
        %add3A_1913 = arith.addi %add3A_1912, %select_n3A : vector<16xi32>
        tpu.vector_store_idx %arg10[%add3A_1913, %rem3A_28, %broadcast_in_dim3A_1771], %mul3A_1904 : memref<104x8x72xf32, #tpu.memory_space<vmem>>[vector<16xi32>, vector<16xi32>, vector<16xi32>], vector<16xf32>,
        %add3A_1914 = arith.constant 30 : i32
        %add3A_1915 = vector.broadcast %add3A_1914 : i32 to vector<16xi32>
        %add3A_1916 = arith.addi %add3A_1915, %select_n3A : vector<16xi32>
        tpu.vector_store_idx %arg10[%add3A_1916, %rem3A_28, %broadcast_in_dim3A_1771], %mul3A_1910 : memref<104x8x72xf32, #tpu.memory_space<vmem>>[vector<16xi32>, vector<16xi32>, vector<16xi32>], vector<16xf32>,
        %add3A_1917 = arith.constant 8 : i32
        %add3A_1918 = arith.addi %mul3A_1773, %add3A_1917 : i32
        %get3A_1919 = arith.index_cast %add3A_1918 : i32 to index
        %get3A_1920 = arith.constant 0 : index
        %get3A_1921 = tpu.vector_load %arg9[%get3A_1919, %get3A_1920] {strides = array<i32>} : memref<832x32xf32, #tpu.memory_space<vmem>>, vector<16xf32>,
        %mul3A_1922 = arith.mulf %get3A_1921, %gather3A : vector<16xf32>
        %add3A_1923 = arith.constant 8 : i32
        %add3A_1924 = arith.addi %mul3A_1773, %add3A_1923 : i32
        %get3A_1925 = arith.index_cast %add3A_1924 : i32 to index
        %get3A_1926 = arith.constant 16 : index
        %get3A_1927 = tpu.vector_load %arg9[%get3A_1925, %get3A_1926] {strides = array<i32>} : memref<832x32xf32, #tpu.memory_space<vmem>>, vector<16xf32>,
        %mul3A_1928 = arith.mulf %get3A_1927, %gather3A : vector<16xf32>
        %add3A_1929 = arith.constant 32 : i32
        %add3A_1930 = vector.broadcast %add3A_1929 : i32 to vector<16xi32>
        %add3A_1931 = arith.addi %add3A_1930, %select_n3A : vector<16xi32>
        tpu.vector_store_idx %arg10[%add3A_1931, %rem3A_28, %broadcast_in_dim3A_1771], %mul3A_1922 : memref<104x8x72xf32, #tpu.memory_space<vmem>>[vector<16xi32>, vector<16xi32>, vector<16xi32>], vector<16xf32>,
        %add3A_1932 = arith.constant 34 : i32
        %add3A_1933 = vector.broadcast %add3A_1932 : i32 to vector<16xi32>
        %add3A_1934 = arith.addi %add3A_1933, %select_n3A : vector<16xi32>
        tpu.vector_store_idx %arg10[%add3A_1934, %rem3A_28, %broadcast_in_dim3A_1771], %mul3A_1928 : memref<104x8x72xf32, #tpu.memory_space<vmem>>[vector<16xi32>, vector<16xi32>, vector<16xi32>], vector<16xf32>,
        %add3A_1935 = arith.constant 9 : i32
        %add3A_1936 = arith.addi %mul3A_1773, %add3A_1935 : i32
        %get3A_1937 = arith.index_cast %add3A_1936 : i32 to index
        %get3A_1938 = arith.constant 0 : index
        %get3A_1939 = tpu.vector_load %arg9[%get3A_1937, %get3A_1938] {strides = array<i32>} : memref<832x32xf32, #tpu.memory_space<vmem>>, vector<16xf32>,
        %mul3A_1940 = arith.mulf %get3A_1939, %gather3A : vector<16xf32>
        %add3A_1941 = arith.constant 9 : i32
        %add3A_1942 = arith.addi %mul3A_1773, %add3A_1941 : i32
        %get3A_1943 = arith.index_cast %add3A_1942 : i32 to index
        %get3A_1944 = arith.constant 16 : index
        %get3A_1945 = tpu.vector_load %arg9[%get3A_1943, %get3A_1944] {strides = array<i32>} : memref<832x32xf32, #tpu.memory_space<vmem>>, vector<16xf32>,
        %mul3A_1946 = arith.mulf %get3A_1945, %gather3A : vector<16xf32>
        %add3A_1947 = arith.constant 36 : i32
        %add3A_1948 = vector.broadcast %add3A_1947 : i32 to vector<16xi32>
        %add3A_1949 = arith.addi %add3A_1948, %select_n3A : vector<16xi32>
        tpu.vector_store_idx %arg10[%add3A_1949, %rem3A_28, %broadcast_in_dim3A_1771], %mul3A_1940 : memref<104x8x72xf32, #tpu.memory_space<vmem>>[vector<16xi32>, vector<16xi32>, vector<16xi32>], vector<16xf32>,
        %add3A_1950 = arith.constant 38 : i32
        %add3A_1951 = vector.broadcast %add3A_1950 : i32 to vector<16xi32>
        %add3A_1952 = arith.addi %add3A_1951, %select_n3A : vector<16xi32>
        tpu.vector_store_idx %arg10[%add3A_1952, %rem3A_28, %broadcast_in_dim3A_1771], %mul3A_1946 : memref<104x8x72xf32, #tpu.memory_space<vmem>>[vector<16xi32>, vector<16xi32>, vector<16xi32>], vector<16xf32>,
        %add3A_1953 = arith.constant 10 : i32
        %add3A_1954 = arith.addi %mul3A_1773, %add3A_1953 : i32
        %get3A_1955 = arith.index_cast %add3A_1954 : i32 to index
        %get3A_1956 = arith.constant 0 : index
        %get3A_1957 = tpu.vector_load %arg9[%get3A_1955, %get3A_1956] {strides = array<i32>} : memref<832x32xf32, #tpu.memory_space<vmem>>, vector<16xf32>,
        %mul3A_1958 = arith.mulf %get3A_1957, %gather3A : vector<16xf32>
        %add3A_1959 = arith.constant 10 : i32
        %add3A_1960 = arith.addi %mul3A_1773, %add3A_1959 : i32
        %get3A_1961 = arith.index_cast %add3A_1960 : i32 to index
        %get3A_1962 = arith.constant 16 : index
        %get3A_1963 = tpu.vector_load %arg9[%get3A_1961, %get3A_1962] {strides = array<i32>} : memref<832x32xf32, #tpu.memory_space<vmem>>, vector<16xf32>,
        %mul3A_1964 = arith.mulf %get3A_1963, %gather3A : vector<16xf32>
        %add3A_1965 = arith.constant 40 : i32
        %add3A_1966 = vector.broadcast %add3A_1965 : i32 to vector<16xi32>
        %add3A_1967 = arith.addi %add3A_1966, %select_n3A : vector<16xi32>
        tpu.vector_store_idx %arg10[%add3A_1967, %rem3A_28, %broadcast_in_dim3A_1771], %mul3A_1958 : memref<104x8x72xf32, #tpu.memory_space<vmem>>[vector<16xi32>, vector<16xi32>, vector<16xi32>], vector<16xf32>,
        %add3A_1968 = arith.constant 42 : i32
        %add3A_1969 = vector.broadcast %add3A_1968 : i32 to vector<16xi32>
        %add3A_1970 = arith.addi %add3A_1969, %select_n3A : vector<16xi32>
        tpu.vector_store_idx %arg10[%add3A_1970, %rem3A_28, %broadcast_in_dim3A_1771], %mul3A_1964 : memref<104x8x72xf32, #tpu.memory_space<vmem>>[vector<16xi32>, vector<16xi32>, vector<16xi32>], vector<16xf32>,
        %add3A_1971 = arith.constant 11 : i32
        %add3A_1972 = arith.addi %mul3A_1773, %add3A_1971 : i32
        %get3A_1973 = arith.index_cast %add3A_1972 : i32 to index
        %get3A_1974 = arith.constant 0 : index
        %get3A_1975 = tpu.vector_load %arg9[%get3A_1973, %get3A_1974] {strides = array<i32>} : memref<832x32xf32, #tpu.memory_space<vmem>>, vector<16xf32>,
        %mul3A_1976 = arith.mulf %get3A_1975, %gather3A : vector<16xf32>
        %add3A_1977 = arith.constant 11 : i32
        %add3A_1978 = arith.addi %mul3A_1773, %add3A_1977 : i32
        %get3A_1979 = arith.index_cast %add3A_1978 : i32 to index
        %get3A_1980 = arith.constant 16 : index
        %get3A_1981 = tpu.vector_load %arg9[%get3A_1979, %get3A_1980] {strides = array<i32>} : memref<832x32xf32, #tpu.memory_space<vmem>>, vector<16xf32>,
        %mul3A_1982 = arith.mulf %get3A_1981, %gather3A : vector<16xf32>
        %add3A_1983 = arith.constant 44 : i32
        %add3A_1984 = vector.broadcast %add3A_1983 : i32 to vector<16xi32>
        %add3A_1985 = arith.addi %add3A_1984, %select_n3A : vector<16xi32>
        tpu.vector_store_idx %arg10[%add3A_1985, %rem3A_28, %broadcast_in_dim3A_1771], %mul3A_1976 : memref<104x8x72xf32, #tpu.memory_space<vmem>>[vector<16xi32>, vector<16xi32>, vector<16xi32>], vector<16xf32>,
        %add3A_1986 = arith.constant 46 : i32
        %add3A_1987 = vector.broadcast %add3A_1986 : i32 to vector<16xi32>
        %add3A_1988 = arith.addi %add3A_1987, %select_n3A : vector<16xi32>
        tpu.vector_store_idx %arg10[%add3A_1988, %rem3A_28, %broadcast_in_dim3A_1771], %mul3A_1982 : memref<104x8x72xf32, #tpu.memory_space<vmem>>[vector<16xi32>, vector<16xi32>, vector<16xi32>], vector<16xf32>,
        %add3A_1989 = arith.constant 12 : i32
        %add3A_1990 = arith.addi %mul3A_1773, %add3A_1989 : i32
        %get3A_1991 = arith.index_cast %add3A_1990 : i32 to index
        %get3A_1992 = arith.constant 0 : index
        %get3A_1993 = tpu.vector_load %arg9[%get3A_1991, %get3A_1992] {strides = array<i32>} : memref<832x32xf32, #tpu.memory_space<vmem>>, vector<16xf32>,
        %mul3A_1994 = arith.mulf %get3A_1993, %gather3A : vector<16xf32>
        %add3A_1995 = arith.constant 12 : i32
        %add3A_1996 = arith.addi %mul3A_1773, %add3A_1995 : i32
        %get3A_1997 = arith.index_cast %add3A_1996 : i32 to index
        %get3A_1998 = arith.constant 16 : index
        %get3A_1999 = tpu.vector_load %arg9[%get3A_1997, %get3A_1998] {strides = array<i32>} : memref<832x32xf32, #tpu.memory_space<vmem>>, vector<16xf32>,
        %mul3A_2000 = arith.mulf %get3A_1999, %gather3A : vector<16xf32>
        %add3A_2001 = arith.constant 48 : i32
        %add3A_2002 = vector.broadcast %add3A_2001 : i32 to vector<16xi32>
        %add3A_2003 = arith.addi %add3A_2002, %select_n3A : vector<16xi32>
        tpu.vector_store_idx %arg10[%add3A_2003, %rem3A_28, %broadcast_in_dim3A_1771], %mul3A_1994 : memref<104x8x72xf32, #tpu.memory_space<vmem>>[vector<16xi32>, vector<16xi32>, vector<16xi32>], vector<16xf32>,
        %add3A_2004 = arith.constant 50 : i32
        %add3A_2005 = vector.broadcast %add3A_2004 : i32 to vector<16xi32>
        %add3A_2006 = arith.addi %add3A_2005, %select_n3A : vector<16xi32>
        tpu.vector_store_idx %arg10[%add3A_2006, %rem3A_28, %broadcast_in_dim3A_1771], %mul3A_2000 : memref<104x8x72xf32, #tpu.memory_space<vmem>>[vector<16xi32>, vector<16xi32>, vector<16xi32>], vector<16xf32>,
        %add3A_2007 = arith.constant 13 : i32
        %add3A_2008 = arith.addi %mul3A_1773, %add3A_2007 : i32
        %get3A_2009 = arith.index_cast %add3A_2008 : i32 to index
        %get3A_2010 = arith.constant 0 : index
        %get3A_2011 = tpu.vector_load %arg9[%get3A_2009, %get3A_2010] {strides = array<i32>} : memref<832x32xf32, #tpu.memory_space<vmem>>, vector<16xf32>,
        %mul3A_2012 = arith.mulf %get3A_2011, %gather3A : vector<16xf32>
        %add3A_2013 = arith.constant 13 : i32
        %add3A_2014 = arith.addi %mul3A_1773, %add3A_2013 : i32
        %get3A_2015 = arith.index_cast %add3A_2014 : i32 to index
        %get3A_2016 = arith.constant 16 : index
        %get3A_2017 = tpu.vector_load %arg9[%get3A_2015, %get3A_2016] {strides = array<i32>} : memref<832x32xf32, #tpu.memory_space<vmem>>, vector<16xf32>,
        %mul3A_2018 = arith.mulf %get3A_2017, %gather3A : vector<16xf32>
        %add3A_2019 = arith.constant 52 : i32
        %add3A_2020 = vector.broadcast %add3A_2019 : i32 to vector<16xi32>
        %add3A_2021 = arith.addi %add3A_2020, %select_n3A : vector<16xi32>
        tpu.vector_store_idx %arg10[%add3A_2021, %rem3A_28, %broadcast_in_dim3A_1771], %mul3A_2012 : memref<104x8x72xf32, #tpu.memory_space<vmem>>[vector<16xi32>, vector<16xi32>, vector<16xi32>], vector<16xf32>,
        %add3A_2022 = arith.constant 54 : i32
        %add3A_2023 = vector.broadcast %add3A_2022 : i32 to vector<16xi32>
        %add3A_2024 = arith.addi %add3A_2023, %select_n3A : vector<16xi32>
        tpu.vector_store_idx %arg10[%add3A_2024, %rem3A_28, %broadcast_in_dim3A_1771], %mul3A_2018 : memref<104x8x72xf32, #tpu.memory_space<vmem>>[vector<16xi32>, vector<16xi32>, vector<16xi32>], vector<16xf32>,
        %add3A_2025 = arith.constant 14 : i32
        %add3A_2026 = arith.addi %mul3A_1773, %add3A_2025 : i32
        %get3A_2027 = arith.index_cast %add3A_2026 : i32 to index
        %get3A_2028 = arith.constant 0 : index
        %get3A_2029 = tpu.vector_load %arg9[%get3A_2027, %get3A_2028] {strides = array<i32>} : memref<832x32xf32, #tpu.memory_space<vmem>>, vector<16xf32>,
        %mul3A_2030 = arith.mulf %get3A_2029, %gather3A : vector<16xf32>
        %add3A_2031 = arith.constant 14 : i32
        %add3A_2032 = arith.addi %mul3A_1773, %add3A_2031 : i32
        %get3A_2033 = arith.index_cast %add3A_2032 : i32 to index
        %get3A_2034 = arith.constant 16 : index
        %get3A_2035 = tpu.vector_load %arg9[%get3A_2033, %get3A_2034] {strides = array<i32>} : memref<832x32xf32, #tpu.memory_space<vmem>>, vector<16xf32>,
        %mul3A_2036 = arith.mulf %get3A_2035, %gather3A : vector<16xf32>
        %add3A_2037 = arith.constant 56 : i32
        %add3A_2038 = vector.broadcast %add3A_2037 : i32 to vector<16xi32>
        %add3A_2039 = arith.addi %add3A_2038, %select_n3A : vector<16xi32>
        tpu.vector_store_idx %arg10[%add3A_2039, %rem3A_28, %broadcast_in_dim3A_1771], %mul3A_2030 : memref<104x8x72xf32, #tpu.memory_space<vmem>>[vector<16xi32>, vector<16xi32>, vector<16xi32>], vector<16xf32>,
        %add3A_2040 = arith.constant 58 : i32
        %add3A_2041 = vector.broadcast %add3A_2040 : i32 to vector<16xi32>
        %add3A_2042 = arith.addi %add3A_2041, %select_n3A : vector<16xi32>
        tpu.vector_store_idx %arg10[%add3A_2042, %rem3A_28, %broadcast_in_dim3A_1771], %mul3A_2036 : memref<104x8x72xf32, #tpu.memory_space<vmem>>[vector<16xi32>, vector<16xi32>, vector<16xi32>], vector<16xf32>,
        %add3A_2043 = arith.constant 15 : i32
        %add3A_2044 = arith.addi %mul3A_1773, %add3A_2043 : i32
        %get3A_2045 = arith.index_cast %add3A_2044 : i32 to index
        %get3A_2046 = arith.constant 0 : index
        %get3A_2047 = tpu.vector_load %arg9[%get3A_2045, %get3A_2046] {strides = array<i32>} : memref<832x32xf32, #tpu.memory_space<vmem>>, vector<16xf32>,
        %mul3A_2048 = arith.mulf %get3A_2047, %gather3A : vector<16xf32>
        %add3A_2049 = arith.constant 15 : i32
        %add3A_2050 = arith.addi %mul3A_1773, %add3A_2049 : i32
        %get3A_2051 = arith.index_cast %add3A_2050 : i32 to index
        %get3A_2052 = arith.constant 16 : index
        %get3A_2053 = tpu.vector_load %arg9[%get3A_2051, %get3A_2052] {strides = array<i32>} : memref<832x32xf32, #tpu.memory_space<vmem>>, vector<16xf32>,
        %mul3A_2054 = arith.mulf %get3A_2053, %gather3A : vector<16xf32>
        %add3A_2055 = arith.constant 60 : i32
        %add3A_2056 = vector.broadcast %add3A_2055 : i32 to vector<16xi32>
        %add3A_2057 = arith.addi %add3A_2056, %select_n3A : vector<16xi32>
        tpu.vector_store_idx %arg10[%add3A_2057, %rem3A_28, %broadcast_in_dim3A_1771], %mul3A_2048 : memref<104x8x72xf32, #tpu.memory_space<vmem>>[vector<16xi32>, vector<16xi32>, vector<16xi32>], vector<16xf32>,
        %add3A_2058 = arith.constant 62 : i32
        %add3A_2059 = vector.broadcast %add3A_2058 : i32 to vector<16xi32>
        %add3A_2060 = arith.addi %add3A_2059, %select_n3A : vector<16xi32>
        tpu.vector_store_idx %arg10[%add3A_2060, %rem3A_28, %broadcast_in_dim3A_1771], %mul3A_2054 : memref<104x8x72xf32, #tpu.memory_space<vmem>>[vector<16xi32>, vector<16xi32>, vector<16xi32>], vector<16xf32>,
        %add3A_2061 = arith.constant 16 : i32
        %add3A_2062 = arith.addi %mul3A_1773, %add3A_2061 : i32
        %get3A_2063 = arith.index_cast %add3A_2062 : i32 to index
        %get3A_2064 = arith.constant 0 : index
        %get3A_2065 = tpu.vector_load %arg9[%get3A_2063, %get3A_2064] {strides = array<i32>} : memref<832x32xf32, #tpu.memory_space<vmem>>, vector<16xf32>,
        %mul3A_2066 = arith.mulf %get3A_2065, %gather3A : vector<16xf32>
        %add3A_2067 = arith.constant 16 : i32
        %add3A_2068 = arith.addi %mul3A_1773, %add3A_2067 : i32
        %get3A_2069 = arith.index_cast %add3A_2068 : i32 to index
        %get3A_2070 = arith.constant 16 : index
        %get3A_2071 = tpu.vector_load %arg9[%get3A_2069, %get3A_2070] {strides = array<i32>} : memref<832x32xf32, #tpu.memory_space<vmem>>, vector<16xf32>,
        %mul3A_2072 = arith.mulf %get3A_2071, %gather3A : vector<16xf32>
        %add3A_2073 = arith.constant 64 : i32
        %add3A_2074 = vector.broadcast %add3A_2073 : i32 to vector<16xi32>
        %add3A_2075 = arith.addi %add3A_2074, %select_n3A : vector<16xi32>
        tpu.vector_store_idx %arg10[%add3A_2075, %rem3A_28, %broadcast_in_dim3A_1771], %mul3A_2066 : memref<104x8x72xf32, #tpu.memory_space<vmem>>[vector<16xi32>, vector<16xi32>, vector<16xi32>], vector<16xf32>,
        %add3A_2076 = arith.constant 66 : i32
        %add3A_2077 = vector.broadcast %add3A_2076 : i32 to vector<16xi32>
        %add3A_2078 = arith.addi %add3A_2077, %select_n3A : vector<16xi32>
        tpu.vector_store_idx %arg10[%add3A_2078, %rem3A_28, %broadcast_in_dim3A_1771], %mul3A_2072 : memref<104x8x72xf32, #tpu.memory_space<vmem>>[vector<16xi32>, vector<16xi32>, vector<16xi32>], vector<16xf32>,
        %add3A_2079 = arith.constant 17 : i32
        %add3A_2080 = arith.addi %mul3A_1773, %add3A_2079 : i32
        %get3A_2081 = arith.index_cast %add3A_2080 : i32 to index
        %get3A_2082 = arith.constant 0 : index
        %get3A_2083 = tpu.vector_load %arg9[%get3A_2081, %get3A_2082] {strides = array<i32>} : memref<832x32xf32, #tpu.memory_space<vmem>>, vector<16xf32>,
        %mul3A_2084 = arith.mulf %get3A_2083, %gather3A : vector<16xf32>
        %add3A_2085 = arith.constant 17 : i32
        %add3A_2086 = arith.addi %mul3A_1773, %add3A_2085 : i32
        %get3A_2087 = arith.index_cast %add3A_2086 : i32 to index
        %get3A_2088 = arith.constant 16 : index
        %get3A_2089 = tpu.vector_load %arg9[%get3A_2087, %get3A_2088] {strides = array<i32>} : memref<832x32xf32, #tpu.memory_space<vmem>>, vector<16xf32>,
        %mul3A_2090 = arith.mulf %get3A_2089, %gather3A : vector<16xf32>
        %add3A_2091 = arith.constant 68 : i32
        %add3A_2092 = vector.broadcast %add3A_2091 : i32 to vector<16xi32>
        %add3A_2093 = arith.addi %add3A_2092, %select_n3A : vector<16xi32>
        tpu.vector_store_idx %arg10[%add3A_2093, %rem3A_28, %broadcast_in_dim3A_1771], %mul3A_2084 : memref<104x8x72xf32, #tpu.memory_space<vmem>>[vector<16xi32>, vector<16xi32>, vector<16xi32>], vector<16xf32>,
        %add3A_2094 = arith.constant 70 : i32
        %add3A_2095 = vector.broadcast %add3A_2094 : i32 to vector<16xi32>
        %add3A_2096 = arith.addi %add3A_2095, %select_n3A : vector<16xi32>
        tpu.vector_store_idx %arg10[%add3A_2096, %rem3A_28, %broadcast_in_dim3A_1771], %mul3A_2090 : memref<104x8x72xf32, #tpu.memory_space<vmem>>[vector<16xi32>, vector<16xi32>, vector<16xi32>], vector<16xf32>,
        %add3A_2097 = arith.constant 18 : i32
        %add3A_2098 = arith.addi %mul3A_1773, %add3A_2097 : i32
        %get3A_2099 = arith.index_cast %add3A_2098 : i32 to index
        %get3A_2100 = arith.constant 0 : index
        %get3A_2101 = tpu.vector_load %arg9[%get3A_2099, %get3A_2100] {strides = array<i32>} : memref<832x32xf32, #tpu.memory_space<vmem>>, vector<16xf32>,
        %mul3A_2102 = arith.mulf %get3A_2101, %gather3A : vector<16xf32>
        %add3A_2103 = arith.constant 18 : i32
        %add3A_2104 = arith.addi %mul3A_1773, %add3A_2103 : i32
        %get3A_2105 = arith.index_cast %add3A_2104 : i32 to index
        %get3A_2106 = arith.constant 16 : index
        %get3A_2107 = tpu.vector_load %arg9[%get3A_2105, %get3A_2106] {strides = array<i32>} : memref<832x32xf32, #tpu.memory_space<vmem>>, vector<16xf32>,
        %mul3A_2108 = arith.mulf %get3A_2107, %gather3A : vector<16xf32>
        %add3A_2109 = arith.constant 72 : i32
        %add3A_2110 = vector.broadcast %add3A_2109 : i32 to vector<16xi32>
        %add3A_2111 = arith.addi %add3A_2110, %select_n3A : vector<16xi32>
        tpu.vector_store_idx %arg10[%add3A_2111, %rem3A_28, %broadcast_in_dim3A_1771], %mul3A_2102 : memref<104x8x72xf32, #tpu.memory_space<vmem>>[vector<16xi32>, vector<16xi32>, vector<16xi32>], vector<16xf32>,
        %add3A_2112 = arith.constant 74 : i32
        %add3A_2113 = vector.broadcast %add3A_2112 : i32 to vector<16xi32>
        %add3A_2114 = arith.addi %add3A_2113, %select_n3A : vector<16xi32>
        tpu.vector_store_idx %arg10[%add3A_2114, %rem3A_28, %broadcast_in_dim3A_1771], %mul3A_2108 : memref<104x8x72xf32, #tpu.memory_space<vmem>>[vector<16xi32>, vector<16xi32>, vector<16xi32>], vector<16xf32>,
        %add3A_2115 = arith.constant 19 : i32
        %add3A_2116 = arith.addi %mul3A_1773, %add3A_2115 : i32
        %get3A_2117 = arith.index_cast %add3A_2116 : i32 to index
        %get3A_2118 = arith.constant 0 : index
        %get3A_2119 = tpu.vector_load %arg9[%get3A_2117, %get3A_2118] {strides = array<i32>} : memref<832x32xf32, #tpu.memory_space<vmem>>, vector<16xf32>,
        %mul3A_2120 = arith.mulf %get3A_2119, %gather3A : vector<16xf32>
        %add3A_2121 = arith.constant 19 : i32
        %add3A_2122 = arith.addi %mul3A_1773, %add3A_2121 : i32
        %get3A_2123 = arith.index_cast %add3A_2122 : i32 to index
        %get3A_2124 = arith.constant 16 : index
        %get3A_2125 = tpu.vector_load %arg9[%get3A_2123, %get3A_2124] {strides = array<i32>} : memref<832x32xf32, #tpu.memory_space<vmem>>, vector<16xf32>,
        %mul3A_2126 = arith.mulf %get3A_2125, %gather3A : vector<16xf32>
        %add3A_2127 = arith.constant 76 : i32
        %add3A_2128 = vector.broadcast %add3A_2127 : i32 to vector<16xi32>
        %add3A_2129 = arith.addi %add3A_2128, %select_n3A : vector<16xi32>
        tpu.vector_store_idx %arg10[%add3A_2129, %rem3A_28, %broadcast_in_dim3A_1771], %mul3A_2120 : memref<104x8x72xf32, #tpu.memory_space<vmem>>[vector<16xi32>, vector<16xi32>, vector<16xi32>], vector<16xf32>,
        %add3A_2130 = arith.constant 78 : i32
        %add3A_2131 = vector.broadcast %add3A_2130 : i32 to vector<16xi32>
        %add3A_2132 = arith.addi %add3A_2131, %select_n3A : vector<16xi32>
        tpu.vector_store_idx %arg10[%add3A_2132, %rem3A_28, %broadcast_in_dim3A_1771], %mul3A_2126 : memref<104x8x72xf32, #tpu.memory_space<vmem>>[vector<16xi32>, vector<16xi32>, vector<16xi32>], vector<16xf32>,
        %add3A_2133 = arith.constant 20 : i32
        %add3A_2134 = arith.addi %mul3A_1773, %add3A_2133 : i32
        %get3A_2135 = arith.index_cast %add3A_2134 : i32 to index
        %get3A_2136 = arith.constant 0 : index
        %get3A_2137 = tpu.vector_load %arg9[%get3A_2135, %get3A_2136] {strides = array<i32>} : memref<832x32xf32, #tpu.memory_space<vmem>>, vector<16xf32>,
        %mul3A_2138 = arith.mulf %get3A_2137, %gather3A : vector<16xf32>
        %add3A_2139 = arith.constant 20 : i32
        %add3A_2140 = arith.addi %mul3A_1773, %add3A_2139 : i32
        %get3A_2141 = arith.index_cast %add3A_2140 : i32 to index
        %get3A_2142 = arith.constant 16 : index
        %get3A_2143 = tpu.vector_load %arg9[%get3A_2141, %get3A_2142] {strides = array<i32>} : memref<832x32xf32, #tpu.memory_space<vmem>>, vector<16xf32>,
        %mul3A_2144 = arith.mulf %get3A_2143, %gather3A : vector<16xf32>
        %add3A_2145 = arith.constant 80 : i32
        %add3A_2146 = vector.broadcast %add3A_2145 : i32 to vector<16xi32>
        %add3A_2147 = arith.addi %add3A_2146, %select_n3A : vector<16xi32>
        tpu.vector_store_idx %arg10[%add3A_2147, %rem3A_28, %broadcast_in_dim3A_1771], %mul3A_2138 : memref<104x8x72xf32, #tpu.memory_space<vmem>>[vector<16xi32>, vector<16xi32>, vector<16xi32>], vector<16xf32>,
        %add3A_2148 = arith.constant 82 : i32
        %add3A_2149 = vector.broadcast %add3A_2148 : i32 to vector<16xi32>
        %add3A_2150 = arith.addi %add3A_2149, %select_n3A : vector<16xi32>
        tpu.vector_store_idx %arg10[%add3A_2150, %rem3A_28, %broadcast_in_dim3A_1771], %mul3A_2144 : memref<104x8x72xf32, #tpu.memory_space<vmem>>[vector<16xi32>, vector<16xi32>, vector<16xi32>], vector<16xf32>,
        %add3A_2151 = arith.constant 21 : i32
        %add3A_2152 = arith.addi %mul3A_1773, %add3A_2151 : i32
        %get3A_2153 = arith.index_cast %add3A_2152 : i32 to index
        %get3A_2154 = arith.constant 0 : index
        %get3A_2155 = tpu.vector_load %arg9[%get3A_2153, %get3A_2154] {strides = array<i32>} : memref<832x32xf32, #tpu.memory_space<vmem>>, vector<16xf32>,
        %mul3A_2156 = arith.mulf %get3A_2155, %gather3A : vector<16xf32>
        %add3A_2157 = arith.constant 21 : i32
        %add3A_2158 = arith.addi %mul3A_1773, %add3A_2157 : i32
        %get3A_2159 = arith.index_cast %add3A_2158 : i32 to index
        %get3A_2160 = arith.constant 16 : index
        %get3A_2161 = tpu.vector_load %arg9[%get3A_2159, %get3A_2160] {strides = array<i32>} : memref<832x32xf32, #tpu.memory_space<vmem>>, vector<16xf32>,
        %mul3A_2162 = arith.mulf %get3A_2161, %gather3A : vector<16xf32>
        %add3A_2163 = arith.constant 84 : i32
        %add3A_2164 = vector.broadcast %add3A_2163 : i32 to vector<16xi32>
        %add3A_2165 = arith.addi %add3A_2164, %select_n3A : vector<16xi32>
        tpu.vector_store_idx %arg10[%add3A_2165, %rem3A_28, %broadcast_in_dim3A_1771], %mul3A_2156 : memref<104x8x72xf32, #tpu.memory_space<vmem>>[vector<16xi32>, vector<16xi32>, vector<16xi32>], vector<16xf32>,
        %add3A_2166 = arith.constant 86 : i32
        %add3A_2167 = vector.broadcast %add3A_2166 : i32 to vector<16xi32>
        %add3A_2168 = arith.addi %add3A_2167, %select_n3A : vector<16xi32>
        tpu.vector_store_idx %arg10[%add3A_2168, %rem3A_28, %broadcast_in_dim3A_1771], %mul3A_2162 : memref<104x8x72xf32, #tpu.memory_space<vmem>>[vector<16xi32>, vector<16xi32>, vector<16xi32>], vector<16xf32>,
        %add3A_2169 = arith.constant 22 : i32
        %add3A_2170 = arith.addi %mul3A_1773, %add3A_2169 : i32
        %get3A_2171 = arith.index_cast %add3A_2170 : i32 to index
        %get3A_2172 = arith.constant 0 : index
        %get3A_2173 = tpu.vector_load %arg9[%get3A_2171, %get3A_2172] {strides = array<i32>} : memref<832x32xf32, #tpu.memory_space<vmem>>, vector<16xf32>,
        %mul3A_2174 = arith.mulf %get3A_2173, %gather3A : vector<16xf32>
        %add3A_2175 = arith.constant 22 : i32
        %add3A_2176 = arith.addi %mul3A_1773, %add3A_2175 : i32
        %get3A_2177 = arith.index_cast %add3A_2176 : i32 to index
        %get3A_2178 = arith.constant 16 : index
        %get3A_2179 = tpu.vector_load %arg9[%get3A_2177, %get3A_2178] {strides = array<i32>} : memref<832x32xf32, #tpu.memory_space<vmem>>, vector<16xf32>,
        %mul3A_2180 = arith.mulf %get3A_2179, %gather3A : vector<16xf32>
        %add3A_2181 = arith.constant 88 : i32
        %add3A_2182 = vector.broadcast %add3A_2181 : i32 to vector<16xi32>
        %add3A_2183 = arith.addi %add3A_2182, %select_n3A : vector<16xi32>
        tpu.vector_store_idx %arg10[%add3A_2183, %rem3A_28, %broadcast_in_dim3A_1771], %mul3A_2174 : memref<104x8x72xf32, #tpu.memory_space<vmem>>[vector<16xi32>, vector<16xi32>, vector<16xi32>], vector<16xf32>,
        %add3A_2184 = arith.constant 90 : i32
        %add3A_2185 = vector.broadcast %add3A_2184 : i32 to vector<16xi32>
        %add3A_2186 = arith.addi %add3A_2185, %select_n3A : vector<16xi32>
        tpu.vector_store_idx %arg10[%add3A_2186, %rem3A_28, %broadcast_in_dim3A_1771], %mul3A_2180 : memref<104x8x72xf32, #tpu.memory_space<vmem>>[vector<16xi32>, vector<16xi32>, vector<16xi32>], vector<16xf32>,
        %add3A_2187 = arith.constant 23 : i32
        %add3A_2188 = arith.addi %mul3A_1773, %add3A_2187 : i32
        %get3A_2189 = arith.index_cast %add3A_2188 : i32 to index
        %get3A_2190 = arith.constant 0 : index
        %get3A_2191 = tpu.vector_load %arg9[%get3A_2189, %get3A_2190] {strides = array<i32>} : memref<832x32xf32, #tpu.memory_space<vmem>>, vector<16xf32>,
        %mul3A_2192 = arith.mulf %get3A_2191, %gather3A : vector<16xf32>
        %add3A_2193 = arith.constant 23 : i32
        %add3A_2194 = arith.addi %mul3A_1773, %add3A_2193 : i32
        %get3A_2195 = arith.index_cast %add3A_2194 : i32 to index
        %get3A_2196 = arith.constant 16 : index
        %get3A_2197 = tpu.vector_load %arg9[%get3A_2195, %get3A_2196] {strides = array<i32>} : memref<832x32xf32, #tpu.memory_space<vmem>>, vector<16xf32>,
        %mul3A_2198 = arith.mulf %get3A_2197, %gather3A : vector<16xf32>
        %add3A_2199 = arith.constant 92 : i32
        %add3A_2200 = vector.broadcast %add3A_2199 : i32 to vector<16xi32>
        %add3A_2201 = arith.addi %add3A_2200, %select_n3A : vector<16xi32>
        tpu.vector_store_idx %arg10[%add3A_2201, %rem3A_28, %broadcast_in_dim3A_1771], %mul3A_2192 : memref<104x8x72xf32, #tpu.memory_space<vmem>>[vector<16xi32>, vector<16xi32>, vector<16xi32>], vector<16xf32>,
        %add3A_2202 = arith.constant 94 : i32
        %add3A_2203 = vector.broadcast %add3A_2202 : i32 to vector<16xi32>
        %add3A_2204 = arith.addi %add3A_2203, %select_n3A : vector<16xi32>
        tpu.vector_store_idx %arg10[%add3A_2204, %rem3A_28, %broadcast_in_dim3A_1771], %mul3A_2198 : memref<104x8x72xf32, #tpu.memory_space<vmem>>[vector<16xi32>, vector<16xi32>, vector<16xi32>], vector<16xf32>,
        %add3A_2205 = arith.constant 24 : i32
        %add3A_2206 = arith.addi %mul3A_1773, %add3A_2205 : i32
        %get3A_2207 = arith.index_cast %add3A_2206 : i32 to index
        %get3A_2208 = arith.constant 0 : index
        %get3A_2209 = tpu.vector_load %arg9[%get3A_2207, %get3A_2208] {strides = array<i32>} : memref<832x32xf32, #tpu.memory_space<vmem>>, vector<16xf32>,
        %mul3A_2210 = arith.mulf %get3A_2209, %gather3A : vector<16xf32>
        %add3A_2211 = arith.constant 24 : i32
        %add3A_2212 = arith.addi %mul3A_1773, %add3A_2211 : i32
        %get3A_2213 = arith.index_cast %add3A_2212 : i32 to index
        %get3A_2214 = arith.constant 16 : index
        %get3A_2215 = tpu.vector_load %arg9[%get3A_2213, %get3A_2214] {strides = array<i32>} : memref<832x32xf32, #tpu.memory_space<vmem>>, vector<16xf32>,
        %mul3A_2216 = arith.mulf %get3A_2215, %gather3A : vector<16xf32>
        %add3A_2217 = arith.constant 96 : i32
        %add3A_2218 = vector.broadcast %add3A_2217 : i32 to vector<16xi32>
        %add3A_2219 = arith.addi %add3A_2218, %select_n3A : vector<16xi32>
        tpu.vector_store_idx %arg10[%add3A_2219, %rem3A_28, %broadcast_in_dim3A_1771], %mul3A_2210 : memref<104x8x72xf32, #tpu.memory_space<vmem>>[vector<16xi32>, vector<16xi32>, vector<16xi32>], vector<16xf32>,
        %add3A_2220 = arith.constant 98 : i32
        %add3A_2221 = vector.broadcast %add3A_2220 : i32 to vector<16xi32>
        %add3A_2222 = arith.addi %add3A_2221, %select_n3A : vector<16xi32>
        tpu.vector_store_idx %arg10[%add3A_2222, %rem3A_28, %broadcast_in_dim3A_1771], %mul3A_2216 : memref<104x8x72xf32, #tpu.memory_space<vmem>>[vector<16xi32>, vector<16xi32>, vector<16xi32>], vector<16xf32>,
        %add3A_2223 = arith.constant 25 : i32
        %add3A_2224 = arith.addi %mul3A_1773, %add3A_2223 : i32
        %get3A_2225 = arith.index_cast %add3A_2224 : i32 to index
        %get3A_2226 = arith.constant 0 : index
        %get3A_2227 = tpu.vector_load %arg9[%get3A_2225, %get3A_2226] {strides = array<i32>} : memref<832x32xf32, #tpu.memory_space<vmem>>, vector<16xf32>,
        %mul3A_2228 = arith.mulf %get3A_2227, %gather3A : vector<16xf32>
        %add3A_2229 = arith.constant 25 : i32
        %add3A_2230 = arith.addi %mul3A_1773, %add3A_2229 : i32
        %get3A_2231 = arith.index_cast %add3A_2230 : i32 to index
        %get3A_2232 = arith.constant 16 : index
        %get3A_2233 = tpu.vector_load %arg9[%get3A_2231, %get3A_2232] {strides = array<i32>} : memref<832x32xf32, #tpu.memory_space<vmem>>, vector<16xf32>,
        %mul3A_2234 = arith.mulf %get3A_2233, %gather3A : vector<16xf32>
        %add3A_2235 = arith.constant 100 : i32
        %add3A_2236 = vector.broadcast %add3A_2235 : i32 to vector<16xi32>
        %add3A_2237 = arith.addi %add3A_2236, %select_n3A : vector<16xi32>
        tpu.vector_store_idx %arg10[%add3A_2237, %rem3A_28, %broadcast_in_dim3A_1771], %mul3A_2228 : memref<104x8x72xf32, #tpu.memory_space<vmem>>[vector<16xi32>, vector<16xi32>, vector<16xi32>], vector<16xf32>,
        %add3A_2238 = arith.constant 102 : i32
        %add3A_2239 = vector.broadcast %add3A_2238 : i32 to vector<16xi32>
        %add3A_2240 = arith.addi %add3A_2239, %select_n3A : vector<16xi32>
        tpu.vector_store_idx %arg10[%add3A_2240, %rem3A_28, %broadcast_in_dim3A_1771], %mul3A_2234 : memref<104x8x72xf32, #tpu.memory_space<vmem>>[vector<16xi32>, vector<16xi32>, vector<16xi32>], vector<16xf32>,
      }
      %scan3A_1665 = arith.constant 32 : i32
      %mul3A_1666 = arith.constant 25 : i32
      %mul3A_1667 = arith.muli %add3A, %mul3A_1666 : i32
      %add3A_1668 = arith.addi %mul3A_1667, %scan3A_544 : i32
      %jit3A_1669 = arith.constant 16 : i32
      %div3A_1670 = arith.divsi %add3A_1668, %jit3A_1669 : i32
      %sign3A_1671 = arith.constant 0 : i32
      %sign3A_1672 = arith.cmpi sgt, %add3A_1668, %sign3A_1671 : i32
      %sign3A_1673 = arith.extui %sign3A_1672 : i1 to i32
      %sign3A_1674 = arith.constant 0 : i32
      %sign3A_1675 = arith.cmpi slt, %add3A_1668, %sign3A_1674 : i32
      %sign3A_1676 = arith.extui %sign3A_1675 : i1 to i32
      %sign3A_1677 = arith.subi %sign3A_1673, %sign3A_1676 : i32
      %sign3A_1678 = arith.constant 0 : i32
      %sign3A_1679 = arith.cmpi sgt, %jit3A_1669, %sign3A_1678 : i32
      %sign3A_1680 = arith.extui %sign3A_1679 : i1 to i32
      %sign3A_1681 = arith.constant 0 : i32
      %sign3A_1682 = arith.cmpi slt, %jit3A_1669, %sign3A_1681 : i32
      %sign3A_1683 = arith.extui %sign3A_1682 : i1 to i32
      %sign3A_1684 = arith.subi %sign3A_1680, %sign3A_1683 : i32
      %ne3A_1685 = arith.cmpi ne, %sign3A_1677, %sign3A_1684 : i32
      %rem3A_1686 = arith.remsi %add3A_1668, %jit3A_1669 : i32
      %ne3A_1687 = arith.constant 0 : i32
      %ne3A_1688 = arith.cmpi ne, %rem3A_1686, %ne3A_1687 : i32
      %and3A_1689 = arith.andi %ne3A_1685, %ne3A_1688 : i1
      %sub3A_1690 = arith.constant 1 : i32
      %sub3A_1691 = arith.subi %div3A_1670, %sub3A_1690 : i32
      %select_n3A_1692 = arith.select %and3A_1689, %sub3A_1691, %div3A_1670 : i32
      %jit3A_1693 = arith.constant 16 : i32
      %eq3A_1694 = arith.constant 0 : i32
      %eq3A_1695 = arith.cmpi eq, %jit3A_1693, %eq3A_1694 : i32
      %jit3A_1696 = arith.constant 1 : i32
      %select_n3A_1697 = arith.select %eq3A_1695, %jit3A_1696, %jit3A_1693 : i32
      %rem3A_1698 = arith.remsi %add3A_1668, %select_n3A_1697 : i32
      %ne3A_1699 = arith.constant 0 : i32
      %ne3A_1700 = arith.cmpi ne, %rem3A_1698, %ne3A_1699 : i32
      %lt3A_1701 = arith.constant 0 : i32
      %lt3A_1702 = arith.cmpi slt, %rem3A_1698, %lt3A_1701 : i32
      %lt3A_1703 = arith.constant 0 : i32
      %lt3A_1704 = arith.cmpi slt, %select_n3A_1697, %lt3A_1703 : i32
      %ne3A_1705 = arith.xori %lt3A_1702, %lt3A_1704 : i1
      %and3A_1706 = arith.andi %ne3A_1705, %ne3A_1700 : i1
      %add3A_1707 = arith.addi %rem3A_1698, %select_n3A_1697 : i32
      %select_n3A_1708 = arith.select %and3A_1706, %add3A_1707, %rem3A_1698 : i32
      %jit3A_1709 = arith.constant 2 : i32
      %div3A_1710 = arith.divsi %select_n3A_1708, %jit3A_1709 : i32
      %sign3A_1711 = arith.constant 0 : i32
      %sign3A_1712 = arith.cmpi sgt, %select_n3A_1708, %sign3A_1711 : i32
      %sign3A_1713 = arith.extui %sign3A_1712 : i1 to i32
      %sign3A_1714 = arith.constant 0 : i32
      %sign3A_1715 = arith.cmpi slt, %select_n3A_1708, %sign3A_1714 : i32
      %sign3A_1716 = arith.extui %sign3A_1715 : i1 to i32
      %sign3A_1717 = arith.subi %sign3A_1713, %sign3A_1716 : i32
      %sign3A_1718 = arith.constant 0 : i32
      %sign3A_1719 = arith.cmpi sgt, %jit3A_1709, %sign3A_1718 : i32
      %sign3A_1720 = arith.extui %sign3A_1719 : i1 to i32
      %sign3A_1721 = arith.constant 0 : i32
      %sign3A_1722 = arith.cmpi slt, %jit3A_1709, %sign3A_1721 : i32
      %sign3A_1723 = arith.extui %sign3A_1722 : i1 to i32
      %sign3A_1724 = arith.subi %sign3A_1720, %sign3A_1723 : i32
      %ne3A_1725 = arith.cmpi ne, %sign3A_1717, %sign3A_1724 : i32
      %rem3A_1726 = arith.remsi %select_n3A_1708, %jit3A_1709 : i32
      %ne3A_1727 = arith.constant 0 : i32
      %ne3A_1728 = arith.cmpi ne, %rem3A_1726, %ne3A_1727 : i32
      %and3A_1729 = arith.andi %ne3A_1725, %ne3A_1728 : i1
      %sub3A_1730 = arith.constant 1 : i32
      %sub3A_1731 = arith.subi %div3A_1710, %sub3A_1730 : i32
      %select_n3A_1732 = arith.select %and3A_1729, %sub3A_1731, %div3A_1710 : i32
      %jit3A_1733 = arith.constant 2 : i32
      %eq3A_1734 = arith.constant 0 : i32
      %eq3A_1735 = arith.cmpi eq, %jit3A_1733, %eq3A_1734 : i32
      %jit3A_1736 = arith.constant 1 : i32
      %select_n3A_1737 = arith.select %eq3A_1735, %jit3A_1736, %jit3A_1733 : i32
      %rem3A_1738 = arith.remsi %add3A_1668, %select_n3A_1737 : i32
      %ne3A_1739 = arith.constant 0 : i32
      %ne3A_1740 = arith.cmpi ne, %rem3A_1738, %ne3A_1739 : i32
      %lt3A_1741 = arith.constant 0 : i32
      %lt3A_1742 = arith.cmpi slt, %rem3A_1738, %lt3A_1741 : i32
      %lt3A_1743 = arith.constant 0 : i32
      %lt3A_1744 = arith.cmpi slt, %select_n3A_1737, %lt3A_1743 : i32
      %ne3A_1745 = arith.xori %lt3A_1742, %lt3A_1744 : i1
      %and3A_1746 = arith.andi %ne3A_1745, %ne3A_1740 : i1
      %add3A_1747 = arith.addi %rem3A_1738, %select_n3A_1737 : i32
      %select_n3A_1748 = arith.select %and3A_1746, %add3A_1747, %rem3A_1738 : i32
      %mul3A_1749 = arith.constant 64 : i32
      %mul3A_1750 = arith.muli %select_n3A_1748, %mul3A_1749 : i32
      %dma_start3A_1751 = arith.constant 0 : i32
      %dma_start3A_1752 = arith.constant 0 : i32
      %dma_start3A_1753 = arith.constant 0 : i32
      %dma_start3A_1754 = tpu.memref_slice %arg10[%dma_start3A_1751, %dma_start3A_1752, %dma_start3A_1753] : memref<104x8x72xf32, #tpu.memory_space<vmem>> -> memref<104x8x64xf32, #tpu.memory_space<vmem>>
      %dma_start3A_1755 = arith.constant 0 : i32
      %dma_start3A_1756 = arith.constant 0 : i32
      %dma_start3A_1757 = tpu.memref_slice %arg5[%select_n3A_1692, %dma_start3A_1755, %select_n3A_1732, %dma_start3A_1756, %mul3A_1750] : memref<50x104x8x8x128xf32, #tpu.memory_space<hbm>> -> memref<1x104x1x8x64xf32, #tpu.memory_space<hbm>>
      %dma_start3A_1758 = tpu.memref_squeeze %dma_start3A_1757 : memref<1x104x1x8x64xf32, #tpu.memory_space<hbm>> -> memref<104x8x64xf32, #tpu.memory_space<hbm>>
      %dma_start3A_1759 = arith.constant 0 : i32
      %dma_start3A_1760 = arith.constant 0 : i32
      %dma_start3A_1761 = tpu.memref_slice %arg5[%select_n3A_1692, %dma_start3A_1759, %select_n3A_1732, %dma_start3A_1760, %mul3A_1750] : memref<50x104x8x8x128xf32, #tpu.memory_space<hbm>> -> memref<1x104x1x8x64xf32, #tpu.memory_space<hbm>>
      %dma_start3A_1762 = tpu.memref_squeeze %dma_start3A_1761 : memref<1x104x1x8x64xf32, #tpu.memory_space<hbm>> -> memref<104x8x64xf32, #tpu.memory_space<hbm>>
      %dma_start3A_1763 = arith.constant 0 : i32
      %dma_start3A_1764 = arith.constant 0 : i32
      %dma_start3A_1765 = arith.constant 0 : i32
      %dma_start3A_1766 = tpu.memref_slice %arg10[%dma_start3A_1763, %dma_start3A_1764, %dma_start3A_1765] : memref<104x8x72xf32, #tpu.memory_space<vmem>> -> memref<104x8x64xf32, #tpu.memory_space<vmem>>
      tpu.enqueue_dma source(%dma_start3A_1766 : memref<104x8x64xf32, #tpu.memory_space<vmem>>) target(%dma_start3A_1762 : memref<104x8x64xf32, #tpu.memory_space<hbm>>) target_semaphore(%arg13 : memref<!tpu.dma_semaphore, #tpu.memory_space<semaphore_mem>>)
    }
    %scan3A_523 = arith.constant 25 : i32
    %dma_wait3A_524 = arith.constant 0 : i32
    %dma_wait3A_525 = arith.constant 0 : i32
    %dma_wait3A_526 = arith.constant 0 : i32
    %dma_wait3A_527 = arith.constant 0 : i32
    %dma_wait3A_528 = arith.constant 0 : i32
    %dma_wait3A_529 = tpu.memref_slice %arg10[%dma_wait3A_526, %dma_wait3A_527, %dma_wait3A_528] : memref<104x8x72xf32, #tpu.memory_space<vmem>> -> memref<104x8x64xf32, #tpu.memory_space<vmem>>
    %dma_wait3A_530 = arith.constant 0 : i32
    %dma_wait3A_531 = arith.constant 0 : i32
    %dma_wait3A_532 = arith.constant 0 : i32
    %dma_wait3A_533 = tpu.memref_slice %arg5[%dma_wait3A_524, %dma_wait3A_530, %dma_wait3A_525, %dma_wait3A_531, %dma_wait3A_532] : memref<50x104x8x8x128xf32, #tpu.memory_space<hbm>> -> memref<1x104x1x8x64xf32, #tpu.memory_space<hbm>>
    %dma_wait3A_534 = tpu.memref_squeeze %dma_wait3A_533 : memref<1x104x1x8x64xf32, #tpu.memory_space<hbm>> -> memref<104x8x64xf32, #tpu.memory_space<hbm>>
    %dma_wait3A_535 = arith.constant 0 : i32
    %dma_wait3A_536 = arith.constant 0 : i32
    %dma_wait3A_537 = arith.constant 0 : i32
    %dma_wait3A_538 = tpu.memref_slice %arg5[%dma_wait3A_524, %dma_wait3A_535, %dma_wait3A_525, %dma_wait3A_536, %dma_wait3A_537] : memref<50x104x8x8x128xf32, #tpu.memory_space<hbm>> -> memref<1x104x1x8x64xf32, #tpu.memory_space<hbm>>
    %dma_wait3A_539 = tpu.memref_squeeze %dma_wait3A_538 : memref<1x104x1x8x64xf32, #tpu.memory_space<hbm>> -> memref<104x8x64xf32, #tpu.memory_space<hbm>>
    %dma_wait3A_540 = arith.constant 0 : i32
    %dma_wait3A_541 = arith.constant 0 : i32
    %dma_wait3A_542 = arith.constant 0 : i32
    %dma_wait3A_543 = tpu.memref_slice %arg10[%dma_wait3A_540, %dma_wait3A_541, %dma_wait3A_542] : memref<104x8x72xf32, #tpu.memory_space<vmem>> -> memref<104x8x64xf32, #tpu.memory_space<vmem>>
    tpu.wait_dma2 semaphore(%arg13 : memref<!tpu.dma_semaphore, #tpu.memory_space<semaphore_mem>>) src(%dma_wait3A_543 : memref<104x8x64xf32, #tpu.memory_space<vmem>>) dst(%dma_wait3A_539 : memref<104x8x64xf32, #tpu.memory_space<hbm>>)
    return
  }
}

</mosaic_0001>

<sc_bundles>
// kernel: kernel.3.cloned.1.call-start
scs
__scs_entry_jumppad:
0x0: {  	(pc) =	sbr.rel $0x88, $3  }
0x1: {  	(tag) =	ssettag $0x0;
	lr =	simm.s32 $0x1  }
0x2: {  	[smem:$0x3F9E] =	sst lr;
	_ =	strace $0xD0000000  }
0x3: {  	_ = 	snop  }
0x4: {  	_ = 	snop  }
0x5: {  	_ = 	snop  }
0x6: {  	_ = 	snop  }
0x7: {  	_ = 	snop  }
__scs_overlays_trampoline_lowered:
0x8: {  	[smem:$0x3FAD] =	sst s0  }
0x9: {  	[smem:$0x3FAE] =	sst s1  }
0xa: {  	[smem:$0x3FAF] =	sst s2  }
0xb: {  	[smem:$0x3FB0] =	sst s3  }
0xc: {  	[smem:$0x3FB1] =	sst s4  }
0xd: {  	[smem:$0x3FB2] =	sst s5  }
0xe: {  	[smem:$0x3FB3] =	sst s6  }
0xf: {  	[smem:$0x3FB4] =	sst s7  }
0x10: {  	[smem:$0x3FB5] =	sst s8  }
0x11: {  	[smem:$0x3FB6] =	sst s9;
	s0 =	simm.s32 @!p0 $0x0  }
0x12: {  	s1 =	sld [smem:$0x3F9C];
	s0 =	simm.s32 @p0 $0x1  }
0x13: {  	[smem:$0x3FB7] =	sst s0;
	s0 =	simm.s32 @!p1 $0x0  }
0x14: {  	s2 =	sld [smem:$0x3F9B];
	s0 =	simm.s32 @p1 $0x1  }
0x15: {  	[smem:$0x3FB8] =	sst s0;
	s0 =	simm.s32 @!p2 $0x0  }
0x16: {  	s3 =	sld [smem:$0x3FDB];
	s0 =	simm.s32 @p2 $0x1  }
0x17: {  	s4 =	simm.s32 $0x1BF5;
	[smem:$0x3FBA] =	sst s0  }
0x18: {  	s0 =	sld [smem:$0x3F9D];
	_ =	swait.ge [sflag:s4], $0x0  }
0x19: {  	s7 =	sld [smem:$0x3F9E]  }
0x1a: {  	s8 =	sadd.s32 $0xFFFFE003, lr  }
0x1b: {  	s9 =	sadd.s32 $0xFFFFFEF7, lr;
	s5 =	simm.s32 $0xFFFFFFFF;
	p2 =	slt.u32 s8, $0xFFFFF086  }
0x1c: {  	p1 =	slt.u32 s9, $0xF7A;
	s5 =	simm.s32 @!p2 $0x0  }
0x1d: {  	s5 =	simm.s32 @p1 $0x1;
	p0 =	seq.s32 s7, s2  }
0x1e: {  	s7 =	smul.u32 @!p0 $0xF7A, s2;
	p2 =	seq.s32 @!p0 s5, $0x0  }
0x1f: {  	s9 =	smul.u32 $0xF7A, s1;
	s8 =	simm.s32 @!p0 $0x1BF5;
	p2 =	por !p2, p0  }
0x20: {  	[sflag:s8] =	ssyncset.s32 @!p0 $0xFFFFF086;
	s6 =	sadd.s32 @!p0 s3, s7;
	s7 =	simm.s32 @!p0 $0x108  }
0x21: {  	s3 =	sadd.s32 s3, s9;
	s6 =	sadd.s32 @!p0 $0x88, s6;
	s7 =	simm.s32 @p2 $0x1082  }
0x22: {  	[simem:s7], [sflag:s8] =	dma.local @!p0 [hbm:s6], $0xF7A  }
0x23: {  	s9 =	sor.u32 $0xD0000000, s2;
	s6 =	simm.s32 $0x108;
	_ =	swait.ge @!p0 [sflag:s8], $0x0  }
0x24: {  	s3 =	sadd.s32 $0x88, s3;
	s6 =	simm.s32 @!p1 $0x1082;
	[sflag:s4] =	ssyncset.s32 $0xFFFFF086  }
0x25: {  	[simem:s6], [sflag:s4] =	dma.local [hbm:s3], $0xF7A  }
0x26: {  	[smem:$0x3F9E] =	sst s1;
	(tag) =	ssettag s2;
	_ =	strace s9  }
0x27: {  	s1 =	sld [smem:$0x3FAE]  }
0x28: {  	s2 =	sld [smem:$0x3FAF]  }
0x29: {  	s4 =	sld [smem:$0x3FB1]  }
0x2a: {  	p0 =	seq.s32 s5, $0x0;
	s5 =	sld [smem:$0x3FB2]  }
0x2b: {  	s6 =	sld [smem:$0x3FB3]  }
0x2c: {  	s7 =	sld [smem:$0x3FB4]  }
0x2d: {  	s3 =	simm.s32 $0x108;
	s8 =	sld [smem:$0x3FB5]  }
0x2e: {  	s3 =	simm.s32 @!p0 $0x1082;
	s9 =	sld [smem:$0x3FB6]  }
0x2f: {  	lr =	sadd.s32 s0, s3;
	s0 =	sld [smem:$0x3FAD]  }
0x30: {  	s3 =	sld [smem:$0x3FB0]  }
0x31: {  	[smem:$0x3FB9] =	sst s10  }
0x32: {  	s10 =	sld [smem:$0x3FB7];
	_ =	sdelay $0x3  }
0x33: {  	p0 =	seq.s32 s10, $0x1;
	s10 =	sld [smem:$0x3FB9];
	_ =	sdelay $0x3  }
0x34: {  	[smem:$0x3FB9] =	sst s10  }
0x35: {  	s10 =	sld [smem:$0x3FB8];
	_ =	sdelay $0x3  }
0x36: {  	p1 =	seq.s32 s10, $0x1;
	s10 =	sld [smem:$0x3FB9];
	_ =	sdelay $0x3  }
0x37: {  	[smem:$0x3FB9] =	sst s10  }
0x38: {  	s10 =	sld [smem:$0x3FBA]  }
0x39: {  	_ = 	snop;
	(pc) =	sbr.ind lr, $3  }
0x3a: {  	_ = 	snop  }
0x3b: {  	_ = 	snop  }
0x3c: {  	p2 =	seq.s32 s10, $0x1;
	s10 =	sld [smem:$0x3FB9]  }
0x3d: {  	_ =	shalt  }
0x3e: {  	_ =	shalt  }
0x3f: {  	_ =	shalt  }
0x40: {  	_ =	shalt  }
0x41: {  	_ =	shalt  }
0x42: {  	_ =	shalt  }
0x43: {  	_ =	shalt  }
0x44: {  	_ =	shalt  }
0x45: {  	_ =	shalt  }
0x46: {  	_ =	shalt  }
0x47: {  	_ =	shalt  }
0x48: {  	_ =	shalt  }
0x49: {  	_ =	shalt  }
0x4a: {  	_ =	shalt  }
0x4b: {  	_ =	shalt  }
0x4c: {  	_ =	shalt  }
0x4d: {  	_ =	shalt  }
0x4e: {  	_ =	shalt  }
0x4f: {  	_ =	shalt  }
0x50: {  	_ =	shalt  }
0x51: {  	_ =	shalt  }
0x52: {  	_ =	shalt  }
0x53: {  	_ =	shalt  }
0x54: {  	_ =	shalt  }
0x55: {  	_ =	shalt  }
0x56: {  	_ =	shalt  }
0x57: {  	_ =	shalt  }
0x58: {  	_ =	shalt  }
0x59: {  	_ =	shalt  }
0x5a: {  	_ =	shalt  }
0x5b: {  	_ =	shalt  }
0x5c: {  	_ =	shalt  }
0x5d: {  	_ =	shalt  }
0x5e: {  	_ =	shalt  }
0x5f: {  	_ =	shalt  }
0x60: {  	_ =	shalt  }
0x61: {  	_ =	shalt  }
0x62: {  	_ =	shalt  }
0x63: {  	_ =	shalt  }
0x64: {  	_ =	shalt  }
0x65: {  	_ =	shalt  }
0x66: {  	_ =	shalt  }
0x67: {  	_ =	shalt  }
0x68: {  	_ =	shalt  }
0x69: {  	_ =	shalt  }
0x6a: {  	_ =	shalt  }
0x6b: {  	_ =	shalt  }
0x6c: {  	_ =	shalt  }
0x6d: {  	_ =	shalt  }
0x6e: {  	_ =	shalt  }
0x6f: {  	_ =	shalt  }
0x70: {  	_ =	shalt  }
0x71: {  	_ =	shalt  }
0x72: {  	_ =	shalt  }
0x73: {  	_ =	shalt  }
0x74: {  	_ =	shalt  }
0x75: {  	_ =	shalt  }
0x76: {  	_ =	shalt  }
0x77: {  	_ =	shalt  }
0x78: {  	_ =	shalt  }
0x79: {  	_ =	shalt  }
0x7a: {  	_ =	shalt  }
0x7b: {  	_ =	shalt  }
0x7c: {  	_ =	shalt  }
0x7d: {  	_ =	shalt  }
0x7e: {  	_ =	shalt  }
0x7f: {  	_ =	shalt  }
0x80: {  	_ =	shalt  }
0x81: {  	_ =	shalt  }
0x82: {  	_ =	shalt  }
0x83: {  	_ =	shalt  }
0x84: {  	_ =	shalt  }
0x85: {  	_ =	shalt  }
0x86: {  	_ =	shalt  }
0x87: {  	_ =	shalt  }
.Lfunc_end0:
.L_simem_size_0:
called_computation_lowered:
.L_overlay_start_0:
0x88: {  	s2 =	sld [smem:$0x3FD9]  }
0x89: {  	s3 =	sld [smem:$0x3FFE];
	_ =	sdelay $0x1  }
0x8a: {  	s1 =	srdreg.scid  }
0x8b: {  	s0 =	sand.u32 $0x1, s1  }
0x8c: {  	s17 =	sshll.u32 s0, $0xA;
	s2 =	sadd.s32 s3, s2  }
0x8d: {  	s2 =	sadd.s32 s2, s17  }
0x8e: {  	[smem:$0x3FC5] =	sst s2  }
0x8f: {  	_ = 	snop  }
0x90: {  	s2 =	sld [smem:$0x3FD0];
	(tm) =	ssettm $0x1  }
0x91: {  	s18 =	sld [smem:$0x3FFB];
	_ =	sdelay $0x3  }
0x92: {  	_ =	strace s18  }
0x93: {  	s3 =	sld [smem:$0x3FFC];
	_ =	sdelay $0x3  }
0x94: {  	_ =	strace s3  }
0x95: {  	s3 =	sld [smem:$0x3FFD];
	_ =	sdelay $0x3  }
0x96: {  	_ =	strace s3  }
0x97: {  	_ =	strace $0x8FFFFFFF  }
0x98: {  	s19 =	sld [smem:$0x3FDB];
	_ =	sdelay $0x1  }
0x99: {  	s4 =	simm.s32 $_scs_section_size  }
0x9a: {  	s5 =	simm.s32 $_size__tile_overlayer_lowered;
	s6 =	simm.s32 $_tile_overlayer_lowered  }
0x9b: {  	s22 =	simm.s32 $0x1BFF;
	s21 =	sshll.u32 s6, $0x1;
	s3 =	sadd.s32 s4, s19  }
0x9c: {  	s7 =	simm.s32 $0x0;
	s20 =	sshll.u32 s5, $0x1;
	s5 =	sadd.s32 s21, s3  }
0x9d: {  	[timem:s7], [sflag:s22] =	dma.local [hbm:s5], s20  }
0x9e: {  	_ =	swait.ge [sflag:s22], s20  }
0x9f: {  	s4 =	ssub.s32 $0x0, s20;
	[sflag:s22] =	ssyncset.done $0x0  }
0xa0: {  	[sflag:s22] =	ssyncadd.s32 s4;
	_ =	sdelay $0x1  }
0xa1: {  	s23 =	simm.s32 $0x1B8B  }
0xa2: {  	_ =	swait.ge [sflag:s23], $0x1  }
0xa3: {  	[sflag:s23] =	ssyncset.done $0x0  }
0xa4: {  	s25 =	simm.s32 $0x1B8E;
	s24 =	sld [smem:$0x3FFE];
	[sflag:s23] =	ssyncadd.s32 $0xFFFFFFFF  }
0xa5: {  	s26 =	simm.s32 $execute0_lowered;
	[smem:$0x3FD2] =	sst s25  }
0xa6: {  	s5 =	sshll.u32 s26, $0x1;
	_ =	strace $0x80000046;
	[dreg:$0x1] =	wrdreg $0xFFFFFFFF  }
0xa7: {  	s28 =	simm.s32 $_size_execute0_lowered;
	s3 =	sadd.s32 s3, s5;
	[dreg:$0x0] =	wrdreg $0x0  }
0xa8: {  	s5 =	sshll.u32 s28, $0x1;
	[dreg:$0x2] =	wrdreg s3  }
0xa9: {  	[dreg:$0x3] =	wrdreg s5  }
0xaa: {  	[dreg:$0x4] =	wrdreg $0xC0  }
0xab: {  	_ =	task [dreg:s7], $0x5FFFF  }
0xac: {  	[dreg:$0x1] =	wrdreg $0xFFFFFFFF  }
0xad: {  	[dreg:$0x0] =	wrdreg $0x60  }
0xae: {  	[dreg:$0x2] =	wrdreg s24  }
0xaf: {  	[dreg:$0x3] =	wrdreg s2  }
0xb0: {  	[dreg:$0x4] =	wrdreg $0x9  }
0xb1: {  	_ =	task.clear_ibuf [dreg:s7], $0x5FFFF;
	_ =	strace $0x90000046  }
0xb2: {  	s29 =	simm.s32 $0x9;
	_ =	strace $0x80000048  }
0xb3: {  	_ =	swait.ge [sflag:s29], $0x1  }
0xb4: {  	[sflag:s29] =	ssyncadd.s32 $0xFFFFFFFF  }
0xb5: {  	_ =	strace $0x90000048  }
0xb6: {  	_ =	sfence  }
0xb7: {  	s30 =	sld [smem:$0x0];
	_ =	sdelay $0x2  }
0xb8: {  	s31 =	sshll.u32 s1, $0xD;
	s1 =	sshrl.u32 s1, $0x2  }
0xb9: {  	s3 =	sand.u32 $0x4000, s31;
	s1 =	sadd.s32 s1, s30  }
0xba: {  	s0 =	sor.u32 s3, s0;
	s1 =	sshll.u32 s1, $0x11  }
0xbb: {  	s0 =	sor.u32 s1, s0  }
0xbc: {  	s0 =	sadd.s32 $0x8F2B, s0  }
0xbd: {  	[sflag:s0] =	ssyncadd.remote.s32 $0x1  }
0xbe: {  	_ =	sfence.sel $0xFFFF  }
0xbf: {  	[dreg:$0x0] =	wrdreg $0xFFFFFFFF;
	(pc) =	sbr.abs _section_cstart, $3  }
0xc0: {  	[dreg:$0x1] =	wrdreg $0xFFFFFFFF  }
0xc1: {  	_ =	task.clear_ibuf [dreg:s7], $0x2FFFF;
	_ =	strace $0x9FFFFFFF  }
0xc2: {  	(tm) =	ssettm $0x7FFFFFFF  }
0xc3: {  	_ =	shalt  }
tec
execute0_lowered:
.L_overlay_start_1:
0x0: {  	(tag) =	ssettag $0x1  }
0x1: {  	s0 =	srdreg.scid  }
0x2: {  	s2 =	stileid.u32;
	s1 =	rddreg [dreg:$0x0];
	s3 =	simm.s32 $0x0  }
0x3: {  	s12 =	simm.s32 $0x1000;
	s16 =	simm.s32 $0x4;
	s17 =	simm.s32 $0x1A;
	v0 =	vlaneseq.u32  }
0x4: {  	s30 =	simm.s32 $0xB8C0;
	s20 =	simm.s32 $0xBF40;
	s29 =	simm.s32 $0xCF80;
	v0 =	vmul.u32 $0x48, v0  }
0x5: {  	s22 =	simm.s32 $0xD940;
	s0 =	sand.u32 $0x1, s0;
	s2 =	sshll.u32 s2, $0x1  }
0x6: {  	s31 =	simm.s32 $0xDC80;
	s15 =	simm.s32 $0xDFC0;
	s2 =	sor.u32 s0, s2;
	v1 =	vadd.s32 $0x480, v0;
	v2 =	vadd.s32 $0x900, v0;
	v3 =	vadd.s32 $0xD80, v0  }
0x7: {  	s11 =	simm.s32 $0x2;
	s18 =	simm.s32 $0x0;
	s4 =	smul.u32 $0x19, s2;
	v4 =	vadd.s32 $0x1200, v0;
	v5 =	vadd.s32 $0x1680, v0;
	v6 =	vadd.s32 $0x1B00, v0  }
0x8: {  	[smem:$0x7FF] =	sst s3;
	s10 =	sadd.s32 $0x800, s1;
	s5 =	smul.u32 $0x240, s2;
	v7 =	vadd.s32 $0x1F80, v0;
	v8 =	vadd.s32 $0x2400, v0;
	v9 =	vadd.s32 $0x2880, v0  }
0x9: {  	_ =	strace $0x80000047;
	s0 =	ssub.s32 $0x2, s0;
	s6 =	smul.u32 $0xC8, s2;
	v10 =	vadd.s32 $0x2D00, v0;
	v11 =	vadd.s32 $0x3180, v0;
	v12 =	vadd.s32 $0x3600, v0  }
0xa: {  	[dreg:$0x3] =	wrdreg s10;
	s2 =	smul.u32 $0x32, s2;
	s24 =	sshrl.u32 s0, $0x1;
	v13 =	vadd.s32 $0x3A80, v0;
	v14 =	vadd.s32 $0x3F00, v0;
	v15 =	vadd.s32 $0x4380, v0  }
0xb: {  	v16 =	vor.u32 $0x4800, v0;
	v17 =	vadd.s32 $0x4C80, v0;
	v18 =	vadd.s32 $0x5100, v0;
	s0 =	ssub.s32 s0, s24;
	s24 =	simm.s32 $0xC280;
	s7 =	sand.u32 $0x3C0, s5  }
0xc: {  	v19 =	vadd.s32 $0x5580, v0;
	v20 =	vadd.s32 $0x5A00, v0;
	v21 =	vadd.s32 $0x5E80, v0;
	s8 =	sadd.s32 $0x1, s4;
	s5 =	sadd.s32 $0xF42C00, s1;
	s1 =	sadd.s32 s6, s1  }
0xd: {  	v22 =	vadd.s32 $0x6300, v0;
	v23 =	vadd.s32 $0x6780, v0;
	v24 =	vadd.s32 $0x6C00, v0;
	s2 =	sand.u32 $0x7E0, s2;
	s28 =	sadd.s32 $0x2, s4;
	s0 =	smax.u32 s0, $0x1  }
0xe: {  	v25 =	vadd.s32 $0x7080, v0;
	v26 =	vadd.s32 $0x7500, v0;
	v27 =	vadd.s32 $0x7980, v0;
	s7 =	smul.u32 $0x640, s7;
	s9 =	sshll.u32 s8, $0x6;
	[dreg:$0x7] =	wrdreg s28  }
0xf: {  	v28 =	vadd.s32 $0x7E00, v0;
	v29 =	vadd.s32 $0x8280, v0;
	v30 =	vadd.s32 $0x8700, v0;
	s8 =	sshll.u32 s8, $0x1;
	s1 =	sadd.s32 $0x32800, s1;
	[dreg:$0x8] =	wrdreg s0  }
0x10: {  	v31 =	vadd.s32 $0x8B80, v0;
	v32 =	vor.u32 $0x9000, v0;
	v33 =	vadd.s32 $0x9480, v0;
	s0 =	simm.s32 $0xD2C0;
	s9 =	sand.u32 $0x3C0, s9;
	s8 =	sand.u32 $0xFE0, s8  }
0x11: {  	v34 =	vadd.s32 $0x9900, v0;
	v35 =	vadd.s32 $0x9D80, v0;
	v36 =	vadd.s32 $0xA200, v0;
	[dreg:$0x4] =	wrdreg s1;
	s23 =	smul.u32 $0x640, s9;
	s2 =	sor.u32 s2, s7  }
0x12: {  	v37 =	vadd.s32 $0xA680, v0;
	v38 =	vadd.s32 $0xAB00, v0;
	v39 =	vadd.s32 $0xAF80, v0;
	s1 =	simm.s32 $0xBC00;
	s7 =	simm.s32 $0xE300;
	s2 =	sshrl.u32 s2, $0x3  }
0x13: {  	v40 =	vadd.s32 $0xB400, v0;
	v41 =	vadd.s32 $0xB880, v0;
	v42 =	vadd.s32 $0xBD00, v0;
	s9 =	simm.s32 $0xE640;
	s6 =	sor.u32 s8, s23;
	s25 =	sadd.s32 s10, s2  }
0x14: {  	v43 =	vadd.s32 $0xC180, v0;
	v44 =	vadd.s32 $0xC600, v0;
	v45 =	vadd.s32 $0xCA80, v0;
	s2 =	simm.s32 $0xC5C0;
	s8 =	simm.s32 $0x1;
	s6 =	sshrl.u32 s6, $0x3  }
0x15: {  	v46 =	vadd.s32 $0xCF00, v0;
	v47 =	vadd.s32 $0xD380, v0;
	v48 =	vor.u32 $0xD800, v0;
	[dreg:$0x5] =	wrdreg s25;
	s26 =	sadd.s32 s10, s6;
	s6 =	simm.s32 $0xC900  }
0x16: {  	v49 =	vadd.s32 $0xDC80, v0;
	v50 =	vadd.s32 $0xE100, v0;
	v51 =	vadd.s32 $0xE580, v0;
	s10 =	simm.s32 $0xCC40;
	[dreg:$0x6] =	wrdreg s26;
	s26 =	simm.s32 $0xD600  }
.LBB2_1:
0x17: {  	[dreg:$0x9] =	wrdreg s18  }
0x18: {  	s13 =	rddreg [dreg:$0x4];
	s19 =	simm.s32 $0x5  }
0x19: {  	[tilespmem:s12], [sflag:$0x5] =	stream.linear.gather [hbm4b:s13+s3], $0x640, $0x38;
	[tilespmem:$0x1D040] =	vst v63  }
0x1a: {  	_ =	swait.ge [sflag:s19], $0x640  }
0x1b: {  	s14 =	simm.s32 $0x20;
	[sflag:s19] =	ssyncset.done $0x0  }
0x1c: {  	s18 =	simm.s32 $0x640;
	s21 =	rddreg [dreg:$0x5];
	[sflag:s19] =	ssyncadd.s32 $0xFFFFF9C0  }
0x1d: {  	[tilespmem:s3], [sflag:$0x4] =	stream.strided.gather [hbm4b:s21+s14], $0x800, s18, s14, $0x38;
	[tilespmem:$0x1D040] =	vst v63  }
0x1e: {  	_ =	swait.ge [sflag:s16], $0x800  }
0x1f: {  	[sflag:s16] =	ssyncset.done $0x0  }
0x20: {  	s23 =	simm.s32 $0x1640;
	[sflag:s16] =	ssyncadd.s32 $0xFFFFF800  }
0x21: {  	[tilespmem:s23], [sflag:$0x1] =	stream.indirect.gather [hbm4b:s5+s17], $0x20, s3, s17, $0xb8;
	[tilespmem:$0x1D040] =	vst v63  }
0x22: {  	s25 =	simm.s32 $0x1980  }
0x23: {  	[tilespmem:s25], [sflag:$0x1] =	stream.indirect.gather [hbm4b:s5+s17], $0x20, s14, s17, $0xb8;
	[tilespmem:$0x1D040] =	vst v63  }
0x24: {  	s28 =	simm.s32 $0x40;
	s19 =	simm.s32 $0x1CC0  }
0x25: {  	[tilespmem:s19], [sflag:$0x1] =	stream.indirect.gather [hbm4b:s5+s17], $0x20, s28, s17, $0xb8;
	[tilespmem:$0x1D040] =	vst v63  }
0x26: {  	s21 =	simm.s32 $0x60;
	s23 =	simm.s32 $0x2000  }
0x27: {  	[tilespmem:s23], [sflag:$0x1] =	stream.indirect.gather [hbm4b:s5+s17], $0x20, s21, s17, $0xb8;
	[tilespmem:$0x1D040] =	vst v63  }
0x28: {  	s25 =	simm.s32 $0x80;
	s28 =	simm.s32 $0x2340  }
0x29: {  	[tilespmem:s28], [sflag:$0x1] =	stream.indirect.gather [hbm4b:s5+s17], $0x20, s25, s17, $0xb8;
	[tilespmem:$0x1D040] =	vst v63  }
0x2a: {  	s21 =	simm.s32 $0xA0;
	s23 =	simm.s32 $0x2680  }
0x2b: {  	[tilespmem:s23], [sflag:$0x1] =	stream.indirect.gather [hbm4b:s5+s17], $0x20, s21, s17, $0xb8;
	[tilespmem:$0x1D040] =	vst v63  }
0x2c: {  	s25 =	simm.s32 $0xC0;
	s28 =	simm.s32 $0x29C0  }
0x2d: {  	[tilespmem:s28], [sflag:$0x1] =	stream.indirect.gather [hbm4b:s5+s17], $0x20, s25, s17, $0xb8;
	[tilespmem:$0x1D040] =	vst v63  }
0x2e: {  	s21 =	simm.s32 $0xE0;
	s23 =	simm.s32 $0x2D00  }
0x2f: {  	[tilespmem:s23], [sflag:$0x1] =	stream.indirect.gather [hbm4b:s5+s17], $0x20, s21, s17, $0xb8;
	[tilespmem:$0x1D040] =	vst v63  }
0x30: {  	s25 =	simm.s32 $0x100;
	s28 =	simm.s32 $0x3040  }
0x31: {  	[tilespmem:s28], [sflag:$0x1] =	stream.indirect.gather [hbm4b:s5+s17], $0x20, s25, s17, $0xb8;
	[tilespmem:$0x1D040] =	vst v63  }
0x32: {  	s21 =	simm.s32 $0x120;
	s23 =	simm.s32 $0x3380  }
0x33: {  	[tilespmem:s23], [sflag:$0x1] =	stream.indirect.gather [hbm4b:s5+s17], $0x20, s21, s17, $0xb8;
	[tilespmem:$0x1D040] =	vst v63  }
0x34: {  	s25 =	simm.s32 $0x140;
	s28 =	simm.s32 $0x36C0  }
0x35: {  	[tilespmem:s28], [sflag:$0x1] =	stream.indirect.gather [hbm4b:s5+s17], $0x20, s25, s17, $0xb8;
	[tilespmem:$0x1D040] =	vst v63  }
0x36: {  	s21 =	simm.s32 $0x160;
	s23 =	simm.s32 $0x3A00  }
0x37: {  	[tilespmem:s23], [sflag:$0x1] =	stream.indirect.gather [hbm4b:s5+s17], $0x20, s21, s17, $0xb8;
	[tilespmem:$0x1D040] =	vst v63  }
0x38: {  	s25 =	simm.s32 $0x180;
	s28 =	simm.s32 $0x3D40  }
0x39: {  	[tilespmem:s28], [sflag:$0x1] =	stream.indirect.gather [hbm4b:s5+s17], $0x20, s25, s17, $0xb8;
	[tilespmem:$0x1D040] =	vst v63  }
0x3a: {  	s21 =	simm.s32 $0x1A0;
	s23 =	simm.s32 $0x4080  }
0x3b: {  	[tilespmem:s23], [sflag:$0x1] =	stream.indirect.gather [hbm4b:s5+s17], $0x20, s21, s17, $0xb8;
	[tilespmem:$0x1D040] =	vst v63  }
0x3c: {  	s25 =	simm.s32 $0x1C0;
	s28 =	simm.s32 $0x43C0  }
0x3d: {  	[tilespmem:s28], [sflag:$0x1] =	stream.indirect.gather [hbm4b:s5+s17], $0x20, s25, s17, $0xb8;
	[tilespmem:$0x1D040] =	vst v63  }
0x3e: {  	s21 =	simm.s32 $0x1E0;
	s23 =	simm.s32 $0x4700  }
0x3f: {  	[tilespmem:s23], [sflag:$0x1] =	stream.indirect.gather [hbm4b:s5+s17], $0x20, s21, s17, $0xb8;
	[tilespmem:$0x1D040] =	vst v63  }
0x40: {  	s25 =	simm.s32 $0x200;
	s28 =	simm.s32 $0x4A40  }
0x41: {  	[tilespmem:s28], [sflag:$0x1] =	stream.indirect.gather [hbm4b:s5+s17], $0x20, s25, s17, $0xb8;
	[tilespmem:$0x1D040] =	vst v63  }
0x42: {  	s21 =	simm.s32 $0x220;
	s23 =	simm.s32 $0x4D80  }
0x43: {  	[tilespmem:s23], [sflag:$0x1] =	stream.indirect.gather [hbm4b:s5+s17], $0x20, s21, s17, $0xb8;
	[tilespmem:$0x1D040] =	vst v63  }
0x44: {  	s25 =	simm.s32 $0x240;
	s28 =	simm.s32 $0x50C0  }
0x45: {  	[tilespmem:s28], [sflag:$0x1] =	stream.indirect.gather [hbm4b:s5+s17], $0x20, s25, s17, $0xb8;
	[tilespmem:$0x1D040] =	vst v63  }
0x46: {  	s21 =	simm.s32 $0x260;
	s23 =	simm.s32 $0x5400  }
0x47: {  	[tilespmem:s23], [sflag:$0x1] =	stream.indirect.gather [hbm4b:s5+s17], $0x20, s21, s17, $0xb8;
	[tilespmem:$0x1D040] =	vst v63  }
0x48: {  	s25 =	simm.s32 $0x280;
	s28 =	simm.s32 $0x5740  }
0x49: {  	[tilespmem:s28], [sflag:$0x1] =	stream.indirect.gather [hbm4b:s5+s17], $0x20, s25, s17, $0xb8;
	[tilespmem:$0x1D040] =	vst v63  }
0x4a: {  	s21 =	simm.s32 $0x2A0;
	s23 =	simm.s32 $0x5A80  }
0x4b: {  	[tilespmem:s23], [sflag:$0x1] =	stream.indirect.gather [hbm4b:s5+s17], $0x20, s21, s17, $0xb8;
	[tilespmem:$0x1D040] =	vst v63  }
0x4c: {  	s25 =	simm.s32 $0x2C0;
	s28 =	simm.s32 $0x5DC0  }
0x4d: {  	[tilespmem:s28], [sflag:$0x1] =	stream.indirect.gather [hbm4b:s5+s17], $0x20, s25, s17, $0xb8;
	[tilespmem:$0x1D040] =	vst v63  }
0x4e: {  	s21 =	simm.s32 $0x2E0;
	s23 =	simm.s32 $0x6100  }
0x4f: {  	[tilespmem:s23], [sflag:$0x1] =	stream.indirect.gather [hbm4b:s5+s17], $0x20, s21, s17, $0xb8;
	[tilespmem:$0x1D040] =	vst v63  }
0x50: {  	s25 =	simm.s32 $0x300;
	s28 =	simm.s32 $0x6440  }
0x51: {  	[tilespmem:s28], [sflag:$0x1] =	stream.indirect.gather [hbm4b:s5+s17], $0x20, s25, s17, $0xb8;
	[tilespmem:$0x1D040] =	vst v63  }
0x52: {  	s21 =	simm.s32 $0x320;
	s23 =	simm.s32 $0x6780  }
0x53: {  	[tilespmem:s23], [sflag:$0x1] =	stream.indirect.gather [hbm4b:s5+s17], $0x20, s21, s17, $0xb8;
	[tilespmem:$0x1D040] =	vst v63  }
0x54: {  	s25 =	simm.s32 $0x340;
	s28 =	simm.s32 $0x6AC0  }
0x55: {  	[tilespmem:s28], [sflag:$0x1] =	stream.indirect.gather [hbm4b:s5+s17], $0x20, s25, s17, $0xb8;
	[tilespmem:$0x1D040] =	vst v63  }
0x56: {  	s21 =	simm.s32 $0x360;
	s23 =	simm.s32 $0x6E00  }
0x57: {  	[tilespmem:s23], [sflag:$0x1] =	stream.indirect.gather [hbm4b:s5+s17], $0x20, s21, s17, $0xb8;
	[tilespmem:$0x1D040] =	vst v63  }
0x58: {  	s25 =	simm.s32 $0x380;
	s28 =	simm.s32 $0x7140  }
0x59: {  	[tilespmem:s28], [sflag:$0x1] =	stream.indirect.gather [hbm4b:s5+s17], $0x20, s25, s17, $0xb8;
	[tilespmem:$0x1D040] =	vst v63  }
0x5a: {  	s21 =	simm.s32 $0x3A0;
	s23 =	simm.s32 $0x7480  }
0x5b: {  	[tilespmem:s23], [sflag:$0x1] =	stream.indirect.gather [hbm4b:s5+s17], $0x20, s21, s17, $0xb8;
	[tilespmem:$0x1D040] =	vst v63  }
0x5c: {  	s25 =	simm.s32 $0x3C0;
	s28 =	simm.s32 $0x77C0  }
0x5d: {  	[tilespmem:s28], [sflag:$0x1] =	stream.indirect.gather [hbm4b:s5+s17], $0x20, s25, s17, $0xb8;
	[tilespmem:$0x1D040] =	vst v63  }
0x5e: {  	s21 =	simm.s32 $0x3E0;
	s23 =	simm.s32 $0x7B00  }
0x5f: {  	[tilespmem:s23], [sflag:$0x1] =	stream.indirect.gather [hbm4b:s5+s17], $0x20, s21, s17, $0xb8;
	[tilespmem:$0x1D040] =	vst v63  }
0x60: {  	s25 =	rddreg [dreg:$0x6];
	s28 =	simm.s32 $0x800  }
0x61: {  	[tilespmem:s28], [sflag:$0x4] =	stream.strided.gather [hbm4b:s25+s14], $0x800, s18, s14, $0x38;
	[tilespmem:$0x1D040] =	vst v63  }
0x62: {  	s13 =	simm.s32 $0x0;
	s18 =	simm.s32 $0x0  }
.LBB2_3:
0x63: {  	s23 =	sshll.u32 s18, $0xB  }
0x64: {  	s14 =	smov.u32 s18;
	s18 =	sand.u32 $0x800, s23  }
0x65: {  	s21 =	simm.s32 $0x7E40;
	s19 =	sor.u32 $0x400, s18  }
0x66: {  	[tilespmem:s21], [sflag:$0x2] =	stream.indirect.gather [hbm4b:s5+s17], $0x20, s19, s17, $0xb8;
	[tilespmem:$0x1D040] =	vst v63  }
0x67: {  	s28 =	simm.s32 $0x8180;
	s25 =	sor.u32 $0x420, s18  }
0x68: {  	[tilespmem:s28], [sflag:$0x2] =	stream.indirect.gather [hbm4b:s5+s17], $0x20, s25, s17, $0xb8;
	[tilespmem:$0x1D040] =	vst v63  }
0x69: {  	s23 =	simm.s32 $0x84C0;
	s21 =	sor.u32 $0x440, s18  }
0x6a: {  	[tilespmem:s23], [sflag:$0x2] =	stream.indirect.gather [hbm4b:s5+s17], $0x20, s21, s17, $0xb8;
	[tilespmem:$0x1D040] =	vst v63  }
0x6b: {  	s25 =	sor.u32 $0x460, s18;
	s28 =	simm.s32 $0x8800  }
0x6c: {  	[tilespmem:s28], [sflag:$0x2] =	stream.indirect.gather [hbm4b:s5+s17], $0x20, s25, s17, $0xb8;
	[tilespmem:$0x1D040] =	vst v63  }
0x6d: {  	s21 =	sor.u32 $0x480, s18;
	s23 =	simm.s32 $0x8B40  }
0x6e: {  	[tilespmem:s23], [sflag:$0x2] =	stream.indirect.gather [hbm4b:s5+s17], $0x20, s21, s17, $0xb8;
	[tilespmem:$0x1D040] =	vst v63  }
0x6f: {  	s25 =	sor.u32 $0x4A0, s18;
	s28 =	simm.s32 $0x8E80  }
0x70: {  	[tilespmem:s28], [sflag:$0x2] =	stream.indirect.gather [hbm4b:s5+s17], $0x20, s25, s17, $0xb8;
	[tilespmem:$0x1D040] =	vst v63  }
0x71: {  	s21 =	sor.u32 $0x4C0, s18;
	s23 =	simm.s32 $0x91C0  }
0x72: {  	[tilespmem:s23], [sflag:$0x2] =	stream.indirect.gather [hbm4b:s5+s17], $0x20, s21, s17, $0xb8;
	[tilespmem:$0x1D040] =	vst v63  }
0x73: {  	s25 =	sor.u32 $0x4E0, s18;
	s28 =	simm.s32 $0x9500  }
0x74: {  	[tilespmem:s28], [sflag:$0x2] =	stream.indirect.gather [hbm4b:s5+s17], $0x20, s25, s17, $0xb8;
	[tilespmem:$0x1D040] =	vst v63  }
0x75: {  	s21 =	sor.u32 $0x500, s18;
	s23 =	simm.s32 $0x9840  }
0x76: {  	[tilespmem:s23], [sflag:$0x2] =	stream.indirect.gather [hbm4b:s5+s17], $0x20, s21, s17, $0xb8;
	[tilespmem:$0x1D040] =	vst v63  }
0x77: {  	s25 =	sor.u32 $0x520, s18;
	s28 =	simm.s32 $0x9B80  }
0x78: {  	[tilespmem:s28], [sflag:$0x2] =	stream.indirect.gather [hbm4b:s5+s17], $0x20, s25, s17, $0xb8;
	[tilespmem:$0x1D040] =	vst v63  }
0x79: {  	s21 =	sor.u32 $0x540, s18;
	s23 =	simm.s32 $0x9EC0  }
0x7a: {  	[tilespmem:s23], [sflag:$0x2] =	stream.indirect.gather [hbm4b:s5+s17], $0x20, s21, s17, $0xb8;
	[tilespmem:$0x1D040] =	vst v63  }
0x7b: {  	s25 =	sor.u32 $0x560, s18;
	s28 =	simm.s32 $0xA200  }
0x7c: {  	[tilespmem:s28], [sflag:$0x2] =	stream.indirect.gather [hbm4b:s5+s17], $0x20, s25, s17, $0xb8;
	[tilespmem:$0x1D040] =	vst v63  }
0x7d: {  	s21 =	sor.u32 $0x580, s18;
	s23 =	simm.s32 $0xA540  }
0x7e: {  	[tilespmem:s23], [sflag:$0x2] =	stream.indirect.gather [hbm4b:s5+s17], $0x20, s21, s17, $0xb8;
	[tilespmem:$0x1D040] =	vst v63  }
0x7f: {  	s25 =	sor.u32 $0x5A0, s18;
	s28 =	simm.s32 $0xA880  }
0x80: {  	[tilespmem:s28], [sflag:$0x2] =	stream.indirect.gather [hbm4b:s5+s17], $0x20, s25, s17, $0xb8;
	[tilespmem:$0x1D040] =	vst v63  }
0x81: {  	s21 =	sor.u32 $0x5C0, s18;
	s23 =	simm.s32 $0xABC0  }
0x82: {  	[tilespmem:s23], [sflag:$0x2] =	stream.indirect.gather [hbm4b:s5+s17], $0x20, s21, s17, $0xb8;
	[tilespmem:$0x1D040] =	vst v63  }
0x83: {  	s25 =	sor.u32 $0x5E0, s18;
	s28 =	simm.s32 $0xAF00  }
0x84: {  	[tilespmem:s28], [sflag:$0x2] =	stream.indirect.gather [hbm4b:s5+s17], $0x20, s25, s17, $0xb8;
	[tilespmem:$0x1D040] =	vst v63  }
0x85: {  	s21 =	sor.u32 $0x600, s18;
	s23 =	simm.s32 $0xB240  }
0x86: {  	[tilespmem:s23], [sflag:$0x2] =	stream.indirect.gather [hbm4b:s5+s17], $0x20, s21, s17, $0xb8;
	[tilespmem:$0x1D040] =	vst v63  }
0x87: {  	s25 =	sor.u32 $0x620, s18;
	s28 =	simm.s32 $0xB580  }
0x88: {  	[tilespmem:s28], [sflag:$0x2] =	stream.indirect.gather [hbm4b:s5+s17], $0x20, s25, s17, $0xb8;
	[tilespmem:$0x1D040] =	vst v63  }
0x89: {  	s21 =	sor.u32 $0x640, s18  }
0x8a: {  	[tilespmem:s30], [sflag:$0x2] =	stream.indirect.gather [hbm4b:s5+s17], $0x20, s21, s17, $0xb8;
	[tilespmem:$0x1D040] =	vst v63  }
0x8b: {  	s23 =	sor.u32 $0x660, s18  }
0x8c: {  	[tilespmem:s1], [sflag:$0x2] =	stream.indirect.gather [hbm4b:s5+s17], $0x20, s23, s17, $0xb8;
	[tilespmem:$0x1D040] =	vst v63  }
0x8d: {  	s25 =	sor.u32 $0x680, s18  }
0x8e: {  	[tilespmem:s20], [sflag:$0x2] =	stream.indirect.gather [hbm4b:s5+s17], $0x20, s25, s17, $0xb8;
	[tilespmem:$0x1D040] =	vst v63  }
0x8f: {  	s28 =	sor.u32 $0x6A0, s18  }
0x90: {  	[tilespmem:s24], [sflag:$0x2] =	stream.indirect.gather [hbm4b:s5+s17], $0x20, s28, s17, $0xb8;
	[tilespmem:$0x1D040] =	vst v63  }
0x91: {  	s21 =	sor.u32 $0x6C0, s18  }
0x92: {  	[tilespmem:s2], [sflag:$0x2] =	stream.indirect.gather [hbm4b:s5+s17], $0x20, s21, s17, $0xb8;
	[tilespmem:$0x1D040] =	vst v63  }
0x93: {  	s23 =	sor.u32 $0x6E0, s18  }
0x94: {  	[tilespmem:s6], [sflag:$0x2] =	stream.indirect.gather [hbm4b:s5+s17], $0x20, s23, s17, $0xb8;
	[tilespmem:$0x1D040] =	vst v63  }
0x95: {  	s25 =	sor.u32 $0x700, s18  }
0x96: {  	[tilespmem:s10], [sflag:$0x2] =	stream.indirect.gather [hbm4b:s5+s17], $0x20, s25, s17, $0xb8;
	[tilespmem:$0x1D040] =	vst v63  }
0x97: {  	s28 =	sor.u32 $0x720, s18  }
0x98: {  	[tilespmem:s29], [sflag:$0x2] =	stream.indirect.gather [hbm4b:s5+s17], $0x20, s28, s17, $0xb8;
	[tilespmem:$0x1D040] =	vst v63  }
0x99: {  	s21 =	sor.u32 $0x740, s18  }
0x9a: {  	[tilespmem:s0], [sflag:$0x2] =	stream.indirect.gather [hbm4b:s5+s17], $0x20, s21, s17, $0xb8;
	[tilespmem:$0x1D040] =	vst v63  }
0x9b: {  	s23 =	sor.u32 $0x760, s18  }
0x9c: {  	[tilespmem:s26], [sflag:$0x2] =	stream.indirect.gather [hbm4b:s5+s17], $0x20, s23, s17, $0xb8;
	[tilespmem:$0x1D040] =	vst v63  }
0x9d: {  	s25 =	sor.u32 $0x780, s18  }
0x9e: {  	[tilespmem:s22], [sflag:$0x2] =	stream.indirect.gather [hbm4b:s5+s17], $0x20, s25, s17, $0xb8;
	[tilespmem:$0x1D040] =	vst v63  }
0x9f: {  	s28 =	sor.u32 $0x7A0, s18  }
0xa0: {  	[tilespmem:s31], [sflag:$0x2] =	stream.indirect.gather [hbm4b:s5+s17], $0x20, s28, s17, $0xb8;
	[tilespmem:$0x1D040] =	vst v63  }
0xa1: {  	s21 =	sor.u32 $0x7C0, s18  }
0xa2: {  	[tilespmem:s15], [sflag:$0x2] =	stream.indirect.gather [hbm4b:s5+s17], $0x20, s21, s17, $0xb8;
	[tilespmem:$0x1D040] =	vst v63  }
0xa3: {  	s23 =	sor.u32 $0x7E0, s18  }
0xa4: {  	[tilespmem:s7], [sflag:$0x2] =	stream.indirect.gather [hbm4b:s5+s17], $0x20, s23, s17, $0xb8;
	[tilespmem:$0x1D040] =	vst v63  }
0xa5: {  	_ =	swait.ge [sflag:s8], $0x340  }
0xa6: {  	[sflag:s8] =	ssyncset.done $0x0  }
0xa7: {  	[sflag:s8] =	ssyncadd.s32 $0xFFFFFCC0  }
0xa8: {  	_ =	swait.ge [sflag:s8], $0x340  }
0xa9: {  	[sflag:s8] =	ssyncset.done $0x0  }
0xaa: {  	[sflag:s8] =	ssyncadd.s32 $0xFFFFFCC0  }
0xab: {  	_ =	swait.ge [sflag:s8], $0x340  }
0xac: {  	[sflag:s8] =	ssyncset.done $0x0  }
0xad: {  	[sflag:s8] =	ssyncadd.s32 $0xFFFFFCC0  }
0xae: {  	_ =	swait.ge [sflag:s8], $0x340  }
0xaf: {  	[sflag:s8] =	ssyncset.done $0x0  }
0xb0: {  	[sflag:s8] =	ssyncadd.s32 $0xFFFFFCC0  }
0xb1: {  	_ =	swait.ge [sflag:s8], $0x340  }
0xb2: {  	[sflag:s8] =	ssyncset.done $0x0  }
0xb3: {  	[sflag:s8] =	ssyncadd.s32 $0xFFFFFCC0  }
0xb4: {  	_ =	swait.ge [sflag:s8], $0x340  }
0xb5: {  	[sflag:s8] =	ssyncset.done $0x0  }
0xb6: {  	[sflag:s8] =	ssyncadd.s32 $0xFFFFFCC0  }
0xb7: {  	_ =	swait.ge [sflag:s8], $0x340  }
0xb8: {  	[sflag:s8] =	ssyncset.done $0x0  }
0xb9: {  	[sflag:s8] =	ssyncadd.s32 $0xFFFFFCC0  }
0xba: {  	_ =	swait.ge [sflag:s8], $0x340  }
0xbb: {  	[sflag:s8] =	ssyncset.done $0x0  }
0xbc: {  	[sflag:s8] =	ssyncadd.s32 $0xFFFFFCC0  }
0xbd: {  	_ =	swait.ge [sflag:s8], $0x340  }
0xbe: {  	[sflag:s8] =	ssyncset.done $0x0  }
0xbf: {  	[sflag:s8] =	ssyncadd.s32 $0xFFFFFCC0  }
0xc0: {  	_ =	swait.ge [sflag:s8], $0x340  }
0xc1: {  	[sflag:s8] =	ssyncset.done $0x0  }
0xc2: {  	[sflag:s8] =	ssyncadd.s32 $0xFFFFFCC0  }
0xc3: {  	_ =	swait.ge [sflag:s8], $0x340  }
0xc4: {  	[sflag:s8] =	ssyncset.done $0x0  }
0xc5: {  	[sflag:s8] =	ssyncadd.s32 $0xFFFFFCC0  }
0xc6: {  	_ =	swait.ge [sflag:s8], $0x340  }
0xc7: {  	[sflag:s8] =	ssyncset.done $0x0  }
0xc8: {  	[sflag:s8] =	ssyncadd.s32 $0xFFFFFCC0  }
0xc9: {  	_ =	swait.ge [sflag:s8], $0x340  }
0xca: {  	[sflag:s8] =	ssyncset.done $0x0  }
0xcb: {  	[sflag:s8] =	ssyncadd.s32 $0xFFFFFCC0  }
0xcc: {  	_ =	swait.ge [sflag:s8], $0x340  }
0xcd: {  	[sflag:s8] =	ssyncset.done $0x0  }
0xce: {  	[sflag:s8] =	ssyncadd.s32 $0xFFFFFCC0  }
0xcf: {  	_ =	swait.ge [sflag:s8], $0x340  }
0xd0: {  	[sflag:s8] =	ssyncset.done $0x0  }
0xd1: {  	[sflag:s8] =	ssyncadd.s32 $0xFFFFFCC0  }
0xd2: {  	_ =	swait.ge [sflag:s8], $0x340  }
0xd3: {  	[sflag:s8] =	ssyncset.done $0x0  }
0xd4: {  	[sflag:s8] =	ssyncadd.s32 $0xFFFFFCC0  }
0xd5: {  	_ =	swait.ge [sflag:s8], $0x340  }
0xd6: {  	[sflag:s8] =	ssyncset.done $0x0  }
0xd7: {  	[sflag:s8] =	ssyncadd.s32 $0xFFFFFCC0  }
0xd8: {  	_ =	swait.ge [sflag:s8], $0x340  }
0xd9: {  	[sflag:s8] =	ssyncset.done $0x0  }
0xda: {  	[sflag:s8] =	ssyncadd.s32 $0xFFFFFCC0  }
0xdb: {  	_ =	swait.ge [sflag:s8], $0x340  }
0xdc: {  	[sflag:s8] =	ssyncset.done $0x0  }
0xdd: {  	[sflag:s8] =	ssyncadd.s32 $0xFFFFFCC0  }
0xde: {  	_ =	swait.ge [sflag:s8], $0x340  }
0xdf: {  	[sflag:s8] =	ssyncset.done $0x0  }
0xe0: {  	[sflag:s8] =	ssyncadd.s32 $0xFFFFFCC0  }
0xe1: {  	_ =	swait.ge [sflag:s8], $0x340  }
0xe2: {  	[sflag:s8] =	ssyncset.done $0x0  }
0xe3: {  	[sflag:s8] =	ssyncadd.s32 $0xFFFFFCC0  }
0xe4: {  	_ =	swait.ge [sflag:s8], $0x340  }
0xe5: {  	[sflag:s8] =	ssyncset.done $0x0  }
0xe6: {  	[sflag:s8] =	ssyncadd.s32 $0xFFFFFCC0  }
0xe7: {  	_ =	swait.ge [sflag:s8], $0x340  }
0xe8: {  	[sflag:s8] =	ssyncset.done $0x0  }
0xe9: {  	[sflag:s8] =	ssyncadd.s32 $0xFFFFFCC0  }
0xea: {  	_ =	swait.ge [sflag:s8], $0x340  }
0xeb: {  	[sflag:s8] =	ssyncset.done $0x0  }
0xec: {  	[sflag:s8] =	ssyncadd.s32 $0xFFFFFCC0  }
0xed: {  	_ =	swait.ge [sflag:s8], $0x340  }
0xee: {  	[sflag:s8] =	ssyncset.done $0x0  }
0xef: {  	[sflag:s8] =	ssyncadd.s32 $0xFFFFFCC0  }
0xf0: {  	_ =	swait.ge [sflag:s8], $0x340  }
0xf1: {  	[sflag:s8] =	ssyncset.done $0x0  }
0xf2: {  	[sflag:s8] =	ssyncadd.s32 $0xFFFFFCC0  }
0xf3: {  	_ =	swait.ge [sflag:s8], $0x340  }
0xf4: {  	[sflag:s8] =	ssyncset.done $0x0  }
0xf5: {  	[sflag:s8] =	ssyncadd.s32 $0xFFFFFCC0  }
0xf6: {  	_ =	swait.ge [sflag:s8], $0x340  }
0xf7: {  	[sflag:s8] =	ssyncset.done $0x0  }
0xf8: {  	[sflag:s8] =	ssyncadd.s32 $0xFFFFFCC0  }
0xf9: {  	_ =	swait.ge [sflag:s8], $0x340  }
0xfa: {  	[sflag:s8] =	ssyncset.done $0x0  }
0xfb: {  	[sflag:s8] =	ssyncadd.s32 $0xFFFFFCC0  }
0xfc: {  	_ =	swait.ge [sflag:s8], $0x340  }
0xfd: {  	[sflag:s8] =	ssyncset.done $0x0  }
0xfe: {  	[sflag:s8] =	ssyncadd.s32 $0xFFFFFCC0  }
0xff: {  	_ =	swait.ge [sflag:s8], $0x340  }
0x100: {  	[sflag:s8] =	ssyncset.done $0x0  }
0x101: {  	[sflag:s8] =	ssyncadd.s32 $0xFFFFFCC0  }
0x102: {  	s25 =	sadd.s32 $0x0, s13;
	_ =	swait.ge [sflag:s8], $0x340  }
0x103: {  	p0 =	seq.s32 s14, $0x0;
	v52 =	vmov s25;
	[sflag:s8] =	ssyncset.done $0x0  }
0x104: {  	s19 =	simm.s32 @!p0 $0x3;
	[sflag:s8] =	ssyncadd.s32 $0xFFFFFCC0  }
0x105: {  	_ =	swait.ge @!p0 [sflag:s19], $0xD000  }
0x106: {  	[sflag:s19] =	ssyncset.done @!p0 $0x0  }
0x107: {  	[sflag:s19] =	ssyncadd.s32 @!p0 $0xFFFF3000  }
0x108: {  	s28 =	simm.s32 $0x0;
	s19 =	simm.s32 $0x17E0;
	v52 =	vld.idx.msk [tilespmem:v52+s12+$0x0], $0xffff  }
0x109: {  	v53 =	vmov s28;
	v54 =	vld [tilespmem:s19+$0xFFFFFE60]  }
0x10a: {  	v53 =	vand.u32 $0x1F, v53;
	v55 =	vld [tilespmem:s19+$0xFFFFFE70]  }
0x10b: {  	v56 =	vadd.s32 v0, v53  }
0x10c: {  	v57 =	vadd.s32 v1, v53;
	_ =	sdelay $0x1  }
0x10d: {  	v54 =	vmul.f32 v54, v52  }
0x10e: {  	v55 =	vmul.f32 v55, v52  }
0x10f: {  	[tilespmem:v56+s9+$0x0] =	vst.idx.msk $0xffff, v54  }
0x110: {  	[tilespmem:v57+s9+$0x0] =	vst.idx.msk $0xffff, v55  }
0x111: {  	v54 =	vld [tilespmem:s19+$0xFFFFFE80]  }
0x112: {  	v55 =	vld [tilespmem:s19+$0xFFFFFE90]  }
0x113: {  	v62 =	vadd.s32 v2, v53  }
0x114: {  	v63 =	vadd.s32 v3, v53;
	_ =	sdelay $0x1  }
0x115: {  	v54 =	vmul.f32 v54, v52  }
0x116: {  	v55 =	vmul.f32 v55, v52  }
0x117: {  	[tilespmem:v62+s9+$0x0] =	vst.idx.msk $0xffff, v54  }
0x118: {  	[tilespmem:v63+s9+$0x0] =	vst.idx.msk $0xffff, v55  }
0x119: {  	v54 =	vld [tilespmem:s19+$0xFFFFFEA0]  }
0x11a: {  	v55 =	vld [tilespmem:s19+$0xFFFFFEB0]  }
0x11b: {  	v60 =	vadd.s32 v4, v53  }
0x11c: {  	v61 =	vadd.s32 v5, v53;
	_ =	sdelay $0x1  }
0x11d: {  	v54 =	vmul.f32 v54, v52  }
0x11e: {  	v55 =	vmul.f32 v55, v52  }
0x11f: {  	[tilespmem:v60+s9+$0x0] =	vst.idx.msk $0xffff, v54  }
0x120: {  	[tilespmem:v61+s9+$0x0] =	vst.idx.msk $0xffff, v55  }
0x121: {  	v54 =	vld [tilespmem:s19+$0xFFFFFEC0]  }
0x122: {  	v55 =	vld [tilespmem:s19+$0xFFFFFED0]  }
0x123: {  	v62 =	vadd.s32 v6, v53  }
0x124: {  	v63 =	vadd.s32 v7, v53;
	_ =	sdelay $0x1  }
0x125: {  	v54 =	vmul.f32 v54, v52  }
0x126: {  	v55 =	vmul.f32 v55, v52  }
0x127: {  	[tilespmem:v62+s9+$0x0] =	vst.idx.msk $0xffff, v54  }
0x128: {  	[tilespmem:v63+s9+$0x0] =	vst.idx.msk $0xffff, v55  }
0x129: {  	v54 =	vld [tilespmem:s19+$0xFFFFFEE0]  }
0x12a: {  	v55 =	vld [tilespmem:s19+$0xFFFFFEF0]  }
0x12b: {  	v60 =	vadd.s32 v8, v53  }
0x12c: {  	v61 =	vadd.s32 v9, v53;
	_ =	sdelay $0x1  }
0x12d: {  	v54 =	vmul.f32 v54, v52  }
0x12e: {  	v55 =	vmul.f32 v55, v52  }
0x12f: {  	[tilespmem:v60+s9+$0x0] =	vst.idx.msk $0xffff, v54  }
0x130: {  	[tilespmem:v61+s9+$0x0] =	vst.idx.msk $0xffff, v55  }
0x131: {  	v54 =	vld [tilespmem:s19+$0xFFFFFF00]  }
0x132: {  	v55 =	vld [tilespmem:s19+$0xFFFFFF10]  }
0x133: {  	v62 =	vadd.s32 v10, v53  }
0x134: {  	v63 =	vadd.s32 v11, v53;
	_ =	sdelay $0x1  }
0x135: {  	v54 =	vmul.f32 v54, v52  }
0x136: {  	v55 =	vmul.f32 v55, v52  }
0x137: {  	[tilespmem:v62+s9+$0x0] =	vst.idx.msk $0xffff, v54  }
0x138: {  	[tilespmem:v63+s9+$0x0] =	vst.idx.msk $0xffff, v55  }
0x139: {  	v54 =	vld [tilespmem:s19+$0xFFFFFF20]  }
0x13a: {  	v55 =	vld [tilespmem:s19+$0xFFFFFF30]  }
0x13b: {  	v60 =	vadd.s32 v12, v53  }
0x13c: {  	v61 =	vadd.s32 v13, v53;
	_ =	sdelay $0x1  }
0x13d: {  	v54 =	vmul.f32 v54, v52  }
0x13e: {  	v55 =	vmul.f32 v55, v52  }
0x13f: {  	[tilespmem:v60+s9+$0x0] =	vst.idx.msk $0xffff, v54  }
0x140: {  	[tilespmem:v61+s9+$0x0] =	vst.idx.msk $0xffff, v55  }
0x141: {  	v54 =	vld [tilespmem:s19+$0xFFFFFF40]  }
0x142: {  	v55 =	vld [tilespmem:s19+$0xFFFFFF50]  }
0x143: {  	v62 =	vadd.s32 v14, v53  }
0x144: {  	v63 =	vadd.s32 v15, v53;
	_ =	sdelay $0x1  }
0x145: {  	v54 =	vmul.f32 v54, v52  }
0x146: {  	v55 =	vmul.f32 v55, v52  }
0x147: {  	[tilespmem:v62+s9+$0x0] =	vst.idx.msk $0xffff, v54  }
0x148: {  	[tilespmem:v63+s9+$0x0] =	vst.idx.msk $0xffff, v55  }
0x149: {  	v54 =	vld [tilespmem:s19+$0xFFFFFF60]  }
0x14a: {  	v55 =	vld [tilespmem:s19+$0xFFFFFF70]  }
0x14b: {  	v60 =	vadd.s32 v16, v53  }
0x14c: {  	v61 =	vadd.s32 v17, v53;
	_ =	sdelay $0x1  }
0x14d: {  	v54 =	vmul.f32 v54, v52  }
0x14e: {  	v55 =	vmul.f32 v55, v52  }
0x14f: {  	[tilespmem:v60+s9+$0x0] =	vst.idx.msk $0xffff, v54  }
0x150: {  	[tilespmem:v61+s9+$0x0] =	vst.idx.msk $0xffff, v55  }
0x151: {  	v54 =	vld [tilespmem:s19+$0xFFFFFF80]  }
0x152: {  	v55 =	vld [tilespmem:s19+$0xFFFFFF90]  }
0x153: {  	v62 =	vadd.s32 v18, v53  }
0x154: {  	v63 =	vadd.s32 v19, v53;
	_ =	sdelay $0x1  }
0x155: {  	v54 =	vmul.f32 v54, v52  }
0x156: {  	v55 =	vmul.f32 v55, v52  }
0x157: {  	[tilespmem:v62+s9+$0x0] =	vst.idx.msk $0xffff, v54  }
0x158: {  	[tilespmem:v63+s9+$0x0] =	vst.idx.msk $0xffff, v55  }
0x159: {  	v54 =	vld [tilespmem:s19+$0xFFFFFFA0]  }
0x15a: {  	v55 =	vld [tilespmem:s19+$0xFFFFFFB0]  }
0x15b: {  	v60 =	vadd.s32 v20, v53  }
0x15c: {  	v61 =	vadd.s32 v21, v53;
	_ =	sdelay $0x1  }
0x15d: {  	v54 =	vmul.f32 v54, v52  }
0x15e: {  	v55 =	vmul.f32 v55, v52  }
0x15f: {  	[tilespmem:v60+s9+$0x0] =	vst.idx.msk $0xffff, v54  }
0x160: {  	[tilespmem:v61+s9+$0x0] =	vst.idx.msk $0xffff, v55  }
0x161: {  	v54 =	vld [tilespmem:s19+$0xFFFFFFC0]  }
0x162: {  	v55 =	vld [tilespmem:s19+$0xFFFFFFD0]  }
0x163: {  	v62 =	vadd.s32 v22, v53  }
0x164: {  	v63 =	vadd.s32 v23, v53;
	_ =	sdelay $0x1  }
0x165: {  	v54 =	vmul.f32 v54, v52  }
0x166: {  	v55 =	vmul.f32 v55, v52  }
0x167: {  	[tilespmem:v62+s9+$0x0] =	vst.idx.msk $0xffff, v54  }
0x168: {  	[tilespmem:v63+s9+$0x0] =	vst.idx.msk $0xffff, v55  }
0x169: {  	v54 =	vld [tilespmem:s19+$0xFFFFFFE0]  }
0x16a: {  	v55 =	vld [tilespmem:s19+$0xFFFFFFF0]  }
0x16b: {  	v60 =	vadd.s32 v24, v53  }
0x16c: {  	v61 =	vadd.s32 v25, v53;
	_ =	sdelay $0x1  }
0x16d: {  	v54 =	vmul.f32 v54, v52  }
0x16e: {  	v55 =	vmul.f32 v55, v52  }
0x16f: {  	[tilespmem:v60+s9+$0x0] =	vst.idx.msk $0xffff, v54  }
0x170: {  	[tilespmem:v61+s9+$0x0] =	vst.idx.msk $0xffff, v55  }
0x171: {  	v54 =	vld [tilespmem:s19+$0x0]  }
0x172: {  	v55 =	vld [tilespmem:s19+$0x10]  }
0x173: {  	v62 =	vadd.s32 v26, v53  }
0x174: {  	v63 =	vadd.s32 v27, v53;
	_ =	sdelay $0x1  }
0x175: {  	v54 =	vmul.f32 v54, v52  }
0x176: {  	v55 =	vmul.f32 v55, v52  }
0x177: {  	[tilespmem:v62+s9+$0x0] =	vst.idx.msk $0xffff, v54  }
0x178: {  	[tilespmem:v63+s9+$0x0] =	vst.idx.msk $0xffff, v55  }
0x179: {  	v54 =	vld [tilespmem:s19+$0x20]  }
0x17a: {  	v55 =	vld [tilespmem:s19+$0x30]  }
0x17b: {  	v60 =	vadd.s32 v28, v53  }
0x17c: {  	v61 =	vadd.s32 v29, v53;
	_ =	sdelay $0x1  }
0x17d: {  	v54 =	vmul.f32 v54, v52  }
0x17e: {  	v55 =	vmul.f32 v55, v52  }
0x17f: {  	[tilespmem:v60+s9+$0x0] =	vst.idx.msk $0xffff, v54  }
0x180: {  	[tilespmem:v61+s9+$0x0] =	vst.idx.msk $0xffff, v55  }
0x181: {  	v54 =	vld [tilespmem:s19+$0x40]  }
0x182: {  	v55 =	vld [tilespmem:s19+$0x50]  }
0x183: {  	v62 =	vadd.s32 v30, v53  }
0x184: {  	v63 =	vadd.s32 v31, v53;
	_ =	sdelay $0x1  }
0x185: {  	v54 =	vmul.f32 v54, v52  }
0x186: {  	v55 =	vmul.f32 v55, v52  }
0x187: {  	[tilespmem:v62+s9+$0x0] =	vst.idx.msk $0xffff, v54  }
0x188: {  	[tilespmem:v63+s9+$0x0] =	vst.idx.msk $0xffff, v55  }
0x189: {  	v54 =	vld [tilespmem:s19+$0x60]  }
0x18a: {  	v55 =	vld [tilespmem:s19+$0x70]  }
0x18b: {  	v60 =	vadd.s32 v32, v53  }
0x18c: {  	v61 =	vadd.s32 v33, v53;
	_ =	sdelay $0x1  }
0x18d: {  	v54 =	vmul.f32 v54, v52  }
0x18e: {  	v55 =	vmul.f32 v55, v52  }
0x18f: {  	[tilespmem:v60+s9+$0x0] =	vst.idx.msk $0xffff, v54  }
0x190: {  	[tilespmem:v61+s9+$0x0] =	vst.idx.msk $0xffff, v55  }
0x191: {  	v54 =	vld [tilespmem:s19+$0x80]  }
0x192: {  	v55 =	vld [tilespmem:s19+$0x90]  }
0x193: {  	v62 =	vadd.s32 v34, v53  }
0x194: {  	v63 =	vadd.s32 v35, v53;
	_ =	sdelay $0x1  }
0x195: {  	v54 =	vmul.f32 v54, v52  }
0x196: {  	v55 =	vmul.f32 v55, v52  }
0x197: {  	[tilespmem:v62+s9+$0x0] =	vst.idx.msk $0xffff, v54  }
0x198: {  	[tilespmem:v63+s9+$0x0] =	vst.idx.msk $0xffff, v55  }
0x199: {  	v54 =	vld [tilespmem:s19+$0xA0]  }
0x19a: {  	v55 =	vld [tilespmem:s19+$0xB0]  }
0x19b: {  	v60 =	vadd.s32 v36, v53  }
0x19c: {  	v61 =	vadd.s32 v37, v53;
	_ =	sdelay $0x1  }
0x19d: {  	v54 =	vmul.f32 v54, v52  }
0x19e: {  	v55 =	vmul.f32 v55, v52  }
0x19f: {  	[tilespmem:v60+s9+$0x0] =	vst.idx.msk $0xffff, v54  }
0x1a0: {  	[tilespmem:v61+s9+$0x0] =	vst.idx.msk $0xffff, v55  }
0x1a1: {  	v54 =	vld [tilespmem:s19+$0xC0]  }
0x1a2: {  	v55 =	vld [tilespmem:s19+$0xD0]  }
0x1a3: {  	v62 =	vadd.s32 v38, v53  }
0x1a4: {  	v63 =	vadd.s32 v39, v53;
	_ =	sdelay $0x1  }
0x1a5: {  	v54 =	vmul.f32 v54, v52  }
0x1a6: {  	v55 =	vmul.f32 v55, v52  }
0x1a7: {  	[tilespmem:v62+s9+$0x0] =	vst.idx.msk $0xffff, v54  }
0x1a8: {  	[tilespmem:v63+s9+$0x0] =	vst.idx.msk $0xffff, v55  }
0x1a9: {  	v54 =	vld [tilespmem:s19+$0xE0]  }
0x1aa: {  	v55 =	vld [tilespmem:s19+$0xF0]  }
0x1ab: {  	v60 =	vadd.s32 v40, v53  }
0x1ac: {  	v61 =	vadd.s32 v41, v53;
	_ =	sdelay $0x1  }
0x1ad: {  	v54 =	vmul.f32 v54, v52  }
0x1ae: {  	v55 =	vmul.f32 v55, v52  }
0x1af: {  	[tilespmem:v60+s9+$0x0] =	vst.idx.msk $0xffff, v54  }
0x1b0: {  	[tilespmem:v61+s9+$0x0] =	vst.idx.msk $0xffff, v55  }
0x1b1: {  	v54 =	vld [tilespmem:s19+$0x100]  }
0x1b2: {  	v55 =	vld [tilespmem:s19+$0x110]  }
0x1b3: {  	v62 =	vadd.s32 v42, v53  }
0x1b4: {  	v63 =	vadd.s32 v43, v53;
	_ =	sdelay $0x1  }
0x1b5: {  	v54 =	vmul.f32 v54, v52  }
0x1b6: {  	v55 =	vmul.f32 v55, v52  }
0x1b7: {  	[tilespmem:v62+s9+$0x0] =	vst.idx.msk $0xffff, v54  }
0x1b8: {  	[tilespmem:v63+s9+$0x0] =	vst.idx.msk $0xffff, v55  }
0x1b9: {  	v54 =	vld [tilespmem:s19+$0x120]  }
0x1ba: {  	v55 =	vld [tilespmem:s19+$0x130]  }
0x1bb: {  	v60 =	vadd.s32 v44, v53  }
0x1bc: {  	v61 =	vadd.s32 v45, v53;
	_ =	sdelay $0x1  }
0x1bd: {  	v54 =	vmul.f32 v54, v52  }
0x1be: {  	v55 =	vmul.f32 v55, v52  }
0x1bf: {  	[tilespmem:v60+s9+$0x0] =	vst.idx.msk $0xffff, v54  }
0x1c0: {  	[tilespmem:v61+s9+$0x0] =	vst.idx.msk $0xffff, v55  }
0x1c1: {  	v54 =	vld [tilespmem:s19+$0x140]  }
0x1c2: {  	v55 =	vld [tilespmem:s19+$0x150]  }
0x1c3: {  	v62 =	vadd.s32 v46, v53  }
0x1c4: {  	v63 =	vadd.s32 v47, v53;
	_ =	sdelay $0x1  }
0x1c5: {  	v54 =	vmul.f32 v54, v52  }
0x1c6: {  	v55 =	vmul.f32 v55, v52  }
0x1c7: {  	[tilespmem:v62+s9+$0x0] =	vst.idx.msk $0xffff, v54  }
0x1c8: {  	[tilespmem:v63+s9+$0x0] =	vst.idx.msk $0xffff, v55  }
0x1c9: {  	v54 =	vld [tilespmem:s19+$0x160]  }
0x1ca: {  	v55 =	vld [tilespmem:s19+$0x170]  }
0x1cb: {  	v60 =	vadd.s32 v48, v53  }
0x1cc: {  	v61 =	vadd.s32 v49, v53;
	_ =	sdelay $0x1  }
0x1cd: {  	v54 =	vmul.f32 v54, v52  }
0x1ce: {  	v55 =	vmul.f32 v55, v52  }
0x1cf: {  	[tilespmem:v60+s9+$0x0] =	vst.idx.msk $0xffff, v54  }
0x1d0: {  	[tilespmem:v61+s9+$0x0] =	vst.idx.msk $0xffff, v55  }
0x1d1: {  	v54 =	vld [tilespmem:s19+$0x180];
	_ =	sdelay $0x1  }
0x1d2: {  	v62 =	vadd.s32 v50, v53;
	v55 =	vld [tilespmem:s19+$0x190];
	_ =	sdelay $0x1  }
0x1d3: {  	s23 =	sadd.s32 $0x1, s13;
	v53 =	vadd.s32 v51, v53  }
0x1d4: {  	v63 =	vmul.f32 v54, v52;
	v54 =	vmov s23;
	_ =	sdelay $0x1  }
0x1d5: {  	s21 =	simm.s32 $0x1;
	s23 =	simm.s32 $0x2;
	v52 =	vmul.f32 v55, v52;
	[tilespmem:v62+s9+$0x0] =	vst.idx.msk $0xffff, v63  }
.LBB2_4:
0x1d6: {  	p0 =	sne.s32 s23, $0x1F  }
0x1d7: {  	[tilespmem:v53+s9+$0x0] =	vst.idx.msk $0xffff, v52;
	s19 =	sadd.s32 $0x340, s19;
	s25 =	smov.u32 s23;
	s23 =	sadd.s32 $0x1, s23  }
0x1d8: {  	v52 =	vld.idx.msk [tilespmem:v54+s12+$0x0], $0xffff  }
0x1d9: {  	v53 =	vmov s21;
	s21 =	smov.u32 s25;
	v54 =	vld [tilespmem:s19+$0xFFFFFE60]  }
0x1da: {  	v53 =	vand.u32 $0x1F, v53;
	v55 =	vld [tilespmem:s19+$0xFFFFFE70]  }
0x1db: {  	v56 =	vadd.s32 v0, v53  }
0x1dc: {  	v57 =	vadd.s32 v1, v53;
	_ =	sdelay $0x1  }
0x1dd: {  	v54 =	vmul.f32 v54, v52  }
0x1de: {  	v55 =	vmul.f32 v55, v52  }
0x1df: {  	[tilespmem:v56+s9+$0x0] =	vst.idx.msk $0xffff, v54  }
0x1e0: {  	[tilespmem:v57+s9+$0x0] =	vst.idx.msk $0xffff, v55  }
0x1e1: {  	v54 =	vld [tilespmem:s19+$0xFFFFFE80]  }
0x1e2: {  	v55 =	vld [tilespmem:s19+$0xFFFFFE90]  }
0x1e3: {  	v56 =	vadd.s32 v2, v53  }
0x1e4: {  	v57 =	vadd.s32 v3, v53;
	_ =	sdelay $0x1  }
0x1e5: {  	v54 =	vmul.f32 v54, v52  }
0x1e6: {  	v55 =	vmul.f32 v55, v52  }
0x1e7: {  	[tilespmem:v56+s9+$0x0] =	vst.idx.msk $0xffff, v54  }
0x1e8: {  	[tilespmem:v57+s9+$0x0] =	vst.idx.msk $0xffff, v55  }
0x1e9: {  	v54 =	vld [tilespmem:s19+$0xFFFFFEA0]  }
0x1ea: {  	v55 =	vld [tilespmem:s19+$0xFFFFFEB0]  }
0x1eb: {  	v56 =	vadd.s32 v4, v53  }
0x1ec: {  	v57 =	vadd.s32 v5, v53;
	_ =	sdelay $0x1  }
0x1ed: {  	v54 =	vmul.f32 v54, v52  }
0x1ee: {  	v55 =	vmul.f32 v55, v52  }
0x1ef: {  	[tilespmem:v56+s9+$0x0] =	vst.idx.msk $0xffff, v54  }
0x1f0: {  	[tilespmem:v57+s9+$0x0] =	vst.idx.msk $0xffff, v55  }
0x1f1: {  	v54 =	vld [tilespmem:s19+$0xFFFFFEC0]  }
0x1f2: {  	v55 =	vld [tilespmem:s19+$0xFFFFFED0]  }
0x1f3: {  	v56 =	vadd.s32 v6, v53  }
0x1f4: {  	v57 =	vadd.s32 v7, v53;
	_ =	sdelay $0x1  }
0x1f5: {  	v54 =	vmul.f32 v54, v52  }
0x1f6: {  	v55 =	vmul.f32 v55, v52  }
0x1f7: {  	[tilespmem:v56+s9+$0x0] =	vst.idx.msk $0xffff, v54  }
0x1f8: {  	[tilespmem:v57+s9+$0x0] =	vst.idx.msk $0xffff, v55  }
0x1f9: {  	v54 =	vld [tilespmem:s19+$0xFFFFFEE0]  }
0x1fa: {  	v55 =	vld [tilespmem:s19+$0xFFFFFEF0]  }
0x1fb: {  	v56 =	vadd.s32 v8, v53  }
0x1fc: {  	v57 =	vadd.s32 v9, v53;
	_ =	sdelay $0x1  }
0x1fd: {  	v54 =	vmul.f32 v54, v52  }
0x1fe: {  	v55 =	vmul.f32 v55, v52  }
0x1ff: {  	[tilespmem:v56+s9+$0x0] =	vst.idx.msk $0xffff, v54  }
0x200: {  	[tilespmem:v57+s9+$0x0] =	vst.idx.msk $0xffff, v55  }
0x201: {  	v54 =	vld [tilespmem:s19+$0xFFFFFF00]  }
0x202: {  	v55 =	vld [tilespmem:s19+$0xFFFFFF10]  }
0x203: {  	v56 =	vadd.s32 v10, v53  }
0x204: {  	v57 =	vadd.s32 v11, v53;
	_ =	sdelay $0x1  }
0x205: {  	v54 =	vmul.f32 v54, v52  }
0x206: {  	v55 =	vmul.f32 v55, v52  }
0x207: {  	[tilespmem:v56+s9+$0x0] =	vst.idx.msk $0xffff, v54  }
0x208: {  	[tilespmem:v57+s9+$0x0] =	vst.idx.msk $0xffff, v55  }
0x209: {  	v54 =	vld [tilespmem:s19+$0xFFFFFF20]  }
0x20a: {  	v55 =	vld [tilespmem:s19+$0xFFFFFF30]  }
0x20b: {  	v56 =	vadd.s32 v12, v53  }
0x20c: {  	v57 =	vadd.s32 v13, v53;
	_ =	sdelay $0x1  }
0x20d: {  	v54 =	vmul.f32 v54, v52  }
0x20e: {  	v55 =	vmul.f32 v55, v52  }
0x20f: {  	[tilespmem:v56+s9+$0x0] =	vst.idx.msk $0xffff, v54  }
0x210: {  	[tilespmem:v57+s9+$0x0] =	vst.idx.msk $0xffff, v55  }
0x211: {  	v54 =	vld [tilespmem:s19+$0xFFFFFF40]  }
0x212: {  	v55 =	vld [tilespmem:s19+$0xFFFFFF50]  }
0x213: {  	v56 =	vadd.s32 v14, v53  }
0x214: {  	v57 =	vadd.s32 v15, v53;
	_ =	sdelay $0x1  }
0x215: {  	v54 =	vmul.f32 v54, v52  }
0x216: {  	v55 =	vmul.f32 v55, v52  }
0x217: {  	[tilespmem:v56+s9+$0x0] =	vst.idx.msk $0xffff, v54  }
0x218: {  	[tilespmem:v57+s9+$0x0] =	vst.idx.msk $0xffff, v55  }
0x219: {  	v54 =	vld [tilespmem:s19+$0xFFFFFF60]  }
0x21a: {  	v55 =	vld [tilespmem:s19+$0xFFFFFF70]  }
0x21b: {  	v56 =	vadd.s32 v16, v53  }
0x21c: {  	v57 =	vadd.s32 v17, v53;
	_ =	sdelay $0x1  }
0x21d: {  	v54 =	vmul.f32 v54, v52  }
0x21e: {  	v55 =	vmul.f32 v55, v52  }
0x21f: {  	[tilespmem:v56+s9+$0x0] =	vst.idx.msk $0xffff, v54  }
0x220: {  	[tilespmem:v57+s9+$0x0] =	vst.idx.msk $0xffff, v55  }
0x221: {  	v54 =	vld [tilespmem:s19+$0xFFFFFF80]  }
0x222: {  	v55 =	vld [tilespmem:s19+$0xFFFFFF90]  }
0x223: {  	v56 =	vadd.s32 v18, v53  }
0x224: {  	v57 =	vadd.s32 v19, v53;
	_ =	sdelay $0x1  }
0x225: {  	v54 =	vmul.f32 v54, v52  }
0x226: {  	v55 =	vmul.f32 v55, v52  }
0x227: {  	[tilespmem:v56+s9+$0x0] =	vst.idx.msk $0xffff, v54  }
0x228: {  	[tilespmem:v57+s9+$0x0] =	vst.idx.msk $0xffff, v55  }
0x229: {  	v54 =	vld [tilespmem:s19+$0xFFFFFFA0]  }
0x22a: {  	v55 =	vld [tilespmem:s19+$0xFFFFFFB0]  }
0x22b: {  	v56 =	vadd.s32 v20, v53  }
0x22c: {  	v57 =	vadd.s32 v21, v53;
	_ =	sdelay $0x1  }
0x22d: {  	v54 =	vmul.f32 v54, v52  }
0x22e: {  	v55 =	vmul.f32 v55, v52  }
0x22f: {  	[tilespmem:v56+s9+$0x0] =	vst.idx.msk $0xffff, v54  }
0x230: {  	[tilespmem:v57+s9+$0x0] =	vst.idx.msk $0xffff, v55  }
0x231: {  	v54 =	vld [tilespmem:s19+$0xFFFFFFC0]  }
0x232: {  	v55 =	vld [tilespmem:s19+$0xFFFFFFD0]  }
0x233: {  	v56 =	vadd.s32 v22, v53  }
0x234: {  	v57 =	vadd.s32 v23, v53;
	_ =	sdelay $0x1  }
0x235: {  	v54 =	vmul.f32 v54, v52  }
0x236: {  	v55 =	vmul.f32 v55, v52  }
0x237: {  	[tilespmem:v56+s9+$0x0] =	vst.idx.msk $0xffff, v54  }
0x238: {  	[tilespmem:v57+s9+$0x0] =	vst.idx.msk $0xffff, v55  }
0x239: {  	v54 =	vld [tilespmem:s19+$0xFFFFFFE0]  }
0x23a: {  	v55 =	vld [tilespmem:s19+$0xFFFFFFF0]  }
0x23b: {  	v56 =	vadd.s32 v24, v53  }
0x23c: {  	v57 =	vadd.s32 v25, v53;
	_ =	sdelay $0x1  }
0x23d: {  	v54 =	vmul.f32 v54, v52  }
0x23e: {  	v55 =	vmul.f32 v55, v52  }
0x23f: {  	[tilespmem:v56+s9+$0x0] =	vst.idx.msk $0xffff, v54  }
0x240: {  	[tilespmem:v57+s9+$0x0] =	vst.idx.msk $0xffff, v55  }
0x241: {  	v54 =	vld [tilespmem:s19+$0x0]  }
0x242: {  	v55 =	vld [tilespmem:s19+$0x10]  }
0x243: {  	v56 =	vadd.s32 v26, v53  }
0x244: {  	v57 =	vadd.s32 v27, v53;
	_ =	sdelay $0x1  }
0x245: {  	v54 =	vmul.f32 v54, v52  }
0x246: {  	v55 =	vmul.f32 v55, v52  }
0x247: {  	[tilespmem:v56+s9+$0x0] =	vst.idx.msk $0xffff, v54  }
0x248: {  	[tilespmem:v57+s9+$0x0] =	vst.idx.msk $0xffff, v55  }
0x249: {  	v54 =	vld [tilespmem:s19+$0x20]  }
0x24a: {  	v55 =	vld [tilespmem:s19+$0x30]  }
0x24b: {  	v56 =	vadd.s32 v28, v53  }
0x24c: {  	v57 =	vadd.s32 v29, v53;
	_ =	sdelay $0x1  }
0x24d: {  	v54 =	vmul.f32 v54, v52  }
0x24e: {  	v55 =	vmul.f32 v55, v52  }
0x24f: {  	[tilespmem:v56+s9+$0x0] =	vst.idx.msk $0xffff, v54  }
0x250: {  	[tilespmem:v57+s9+$0x0] =	vst.idx.msk $0xffff, v55  }
0x251: {  	v54 =	vld [tilespmem:s19+$0x40]  }
0x252: {  	v55 =	vld [tilespmem:s19+$0x50]  }
0x253: {  	v56 =	vadd.s32 v30, v53  }
0x254: {  	v57 =	vadd.s32 v31, v53;
	_ =	sdelay $0x1  }
0x255: {  	v54 =	vmul.f32 v54, v52  }
0x256: {  	v55 =	vmul.f32 v55, v52  }
0x257: {  	[tilespmem:v56+s9+$0x0] =	vst.idx.msk $0xffff, v54  }
0x258: {  	[tilespmem:v57+s9+$0x0] =	vst.idx.msk $0xffff, v55  }
0x259: {  	v54 =	vld [tilespmem:s19+$0x60]  }
0x25a: {  	v55 =	vld [tilespmem:s19+$0x70]  }
0x25b: {  	v56 =	vadd.s32 v32, v53  }
0x25c: {  	v57 =	vadd.s32 v33, v53;
	_ =	sdelay $0x1  }
0x25d: {  	v54 =	vmul.f32 v54, v52  }
0x25e: {  	v55 =	vmul.f32 v55, v52  }
0x25f: {  	[tilespmem:v56+s9+$0x0] =	vst.idx.msk $0xffff, v54  }
0x260: {  	[tilespmem:v57+s9+$0x0] =	vst.idx.msk $0xffff, v55  }
0x261: {  	v54 =	vld [tilespmem:s19+$0x80]  }
0x262: {  	v55 =	vld [tilespmem:s19+$0x90]  }
0x263: {  	v56 =	vadd.s32 v34, v53  }
0x264: {  	v57 =	vadd.s32 v35, v53;
	_ =	sdelay $0x1  }
0x265: {  	v54 =	vmul.f32 v54, v52  }
0x266: {  	v55 =	vmul.f32 v55, v52  }
0x267: {  	[tilespmem:v56+s9+$0x0] =	vst.idx.msk $0xffff, v54  }
0x268: {  	[tilespmem:v57+s9+$0x0] =	vst.idx.msk $0xffff, v55  }
0x269: {  	v54 =	vld [tilespmem:s19+$0xA0]  }
0x26a: {  	v55 =	vld [tilespmem:s19+$0xB0]  }
0x26b: {  	v56 =	vadd.s32 v36, v53  }
0x26c: {  	v57 =	vadd.s32 v37, v53;
	_ =	sdelay $0x1  }
0x26d: {  	v54 =	vmul.f32 v54, v52  }
0x26e: {  	v55 =	vmul.f32 v55, v52  }
0x26f: {  	[tilespmem:v56+s9+$0x0] =	vst.idx.msk $0xffff, v54  }
0x270: {  	[tilespmem:v57+s9+$0x0] =	vst.idx.msk $0xffff, v55  }
0x271: {  	v54 =	vld [tilespmem:s19+$0xC0]  }
0x272: {  	v55 =	vld [tilespmem:s19+$0xD0]  }
0x273: {  	v56 =	vadd.s32 v38, v53  }
0x274: {  	v57 =	vadd.s32 v39, v53;
	_ =	sdelay $0x1  }
0x275: {  	v54 =	vmul.f32 v54, v52  }
0x276: {  	v55 =	vmul.f32 v55, v52  }
0x277: {  	[tilespmem:v56+s9+$0x0] =	vst.idx.msk $0xffff, v54  }
0x278: {  	[tilespmem:v57+s9+$0x0] =	vst.idx.msk $0xffff, v55  }
0x279: {  	v54 =	vld [tilespmem:s19+$0xE0]  }
0x27a: {  	v55 =	vld [tilespmem:s19+$0xF0]  }
0x27b: {  	v56 =	vadd.s32 v40, v53  }
0x27c: {  	v57 =	vadd.s32 v41, v53;
	_ =	sdelay $0x1  }
0x27d: {  	v54 =	vmul.f32 v54, v52  }
0x27e: {  	v55 =	vmul.f32 v55, v52  }
0x27f: {  	[tilespmem:v56+s9+$0x0] =	vst.idx.msk $0xffff, v54  }
0x280: {  	[tilespmem:v57+s9+$0x0] =	vst.idx.msk $0xffff, v55  }
0x281: {  	v54 =	vld [tilespmem:s19+$0x100]  }
0x282: {  	v55 =	vld [tilespmem:s19+$0x110]  }
0x283: {  	v56 =	vadd.s32 v42, v53  }
0x284: {  	v57 =	vadd.s32 v43, v53;
	_ =	sdelay $0x1  }
0x285: {  	v54 =	vmul.f32 v54, v52  }
0x286: {  	v55 =	vmul.f32 v55, v52  }
0x287: {  	[tilespmem:v56+s9+$0x0] =	vst.idx.msk $0xffff, v54  }
0x288: {  	[tilespmem:v57+s9+$0x0] =	vst.idx.msk $0xffff, v55  }
0x289: {  	v54 =	vld [tilespmem:s19+$0x120]  }
0x28a: {  	v55 =	vld [tilespmem:s19+$0x130]  }
0x28b: {  	v56 =	vadd.s32 v44, v53  }
0x28c: {  	v57 =	vadd.s32 v45, v53;
	_ =	sdelay $0x1  }
0x28d: {  	v54 =	vmul.f32 v54, v52  }
0x28e: {  	v55 =	vmul.f32 v55, v52  }
0x28f: {  	[tilespmem:v56+s9+$0x0] =	vst.idx.msk $0xffff, v54  }
0x290: {  	[tilespmem:v57+s9+$0x0] =	vst.idx.msk $0xffff, v55  }
0x291: {  	v54 =	vld [tilespmem:s19+$0x140]  }
0x292: {  	v55 =	vld [tilespmem:s19+$0x150]  }
0x293: {  	v56 =	vadd.s32 v46, v53  }
0x294: {  	v57 =	vadd.s32 v47, v53;
	_ =	sdelay $0x1  }
0x295: {  	v54 =	vmul.f32 v54, v52  }
0x296: {  	v55 =	vmul.f32 v55, v52  }
0x297: {  	[tilespmem:v56+s9+$0x0] =	vst.idx.msk $0xffff, v54  }
0x298: {  	[tilespmem:v57+s9+$0x0] =	vst.idx.msk $0xffff, v55  }
0x299: {  	v54 =	vld [tilespmem:s19+$0x160]  }
0x29a: {  	v55 =	vld [tilespmem:s19+$0x170]  }
0x29b: {  	v56 =	vadd.s32 v48, v53  }
0x29c: {  	v57 =	vadd.s32 v49, v53;
	_ =	sdelay $0x1  }
0x29d: {  	v54 =	vmul.f32 v54, v52  }
0x29e: {  	v55 =	vmul.f32 v55, v52  }
0x29f: {  	[tilespmem:v56+s9+$0x0] =	vst.idx.msk $0xffff, v54  }
0x2a0: {  	[tilespmem:v57+s9+$0x0] =	vst.idx.msk $0xffff, v55  }
0x2a1: {  	v55 =	vld [tilespmem:s19+$0x180]  }
0x2a2: {  	v56 =	vld [tilespmem:s19+$0x190]  }
0x2a3: {  	v57 =	vadd.s32 v50, v53  }
.Ltmp0:
0x2a4: {  	s25 =	sadd.s32 s21, s13;
	v53 =	vadd.s32 v51, v53;
	(pc) =	sbr.rel @p0 .LBB2_4-.Ltmp0, $4  }
0x2a5: {  	v54 =	vmov s25  }
0x2a6: {  	v55 =	vmul.f32 v55, v52  }
0x2a7: {  	v52 =	vmul.f32 v56, v52  }
0x2a8: {  	[tilespmem:v57+s9+$0x0] =	vst.idx.msk $0xffff, v55  }
0x2a9: {  	_ =	sdelay $0x3  }
0x2aa: {  	[tilespmem:v53+s9+$0x0] =	vst.idx.msk $0xffff, v52  }
0x2ab: {  	s19 =	sadd.s32 $0x340, s19;
	v52 =	vld.idx.msk [tilespmem:v54+s12+$0x0], $0xffff  }
0x2ac: {  	v61 =	vmov s21;
	v62 =	vld [tilespmem:s19+$0xFFFFFE60]  }
0x2ad: {  	v55 =	vld [tilespmem:s19+$0xFFFFFE70];
	v53 =	vand.u32 $0x1F, v61  }
0x2ae: {  	v56 =	vadd.s32 v0, v53  }
0x2af: {  	v57 =	vadd.s32 v1, v53;
	_ =	sdelay $0x1  }
0x2b0: {  	v54 =	vmul.f32 v62, v52  }
0x2b1: {  	v55 =	vmul.f32 v55, v52  }
0x2b2: {  	[tilespmem:v56+s9+$0x0] =	vst.idx.msk $0xffff, v54  }
0x2b3: {  	[tilespmem:v57+s9+$0x0] =	vst.idx.msk $0xffff, v55  }
0x2b4: {  	v54 =	vld [tilespmem:s19+$0xFFFFFE80]  }
0x2b5: {  	v55 =	vld [tilespmem:s19+$0xFFFFFE90]  }
0x2b6: {  	v63 =	vadd.s32 v2, v53  }
0x2b7: {  	v60 =	vadd.s32 v3, v53;
	_ =	sdelay $0x1  }
0x2b8: {  	v54 =	vmul.f32 v54, v52  }
0x2b9: {  	v55 =	vmul.f32 v55, v52  }
0x2ba: {  	[tilespmem:v63+s9+$0x0] =	vst.idx.msk $0xffff, v54  }
0x2bb: {  	[tilespmem:v60+s9+$0x0] =	vst.idx.msk $0xffff, v55  }
0x2bc: {  	v54 =	vld [tilespmem:s19+$0xFFFFFEA0]  }
0x2bd: {  	v55 =	vld [tilespmem:s19+$0xFFFFFEB0]  }
0x2be: {  	v61 =	vadd.s32 v4, v53  }
0x2bf: {  	v62 =	vadd.s32 v5, v53;
	_ =	sdelay $0x1  }
0x2c0: {  	v54 =	vmul.f32 v54, v52  }
0x2c1: {  	v55 =	vmul.f32 v55, v52  }
0x2c2: {  	[tilespmem:v61+s9+$0x0] =	vst.idx.msk $0xffff, v54  }
0x2c3: {  	[tilespmem:v62+s9+$0x0] =	vst.idx.msk $0xffff, v55  }
0x2c4: {  	v54 =	vld [tilespmem:s19+$0xFFFFFEC0]  }
0x2c5: {  	v55 =	vld [tilespmem:s19+$0xFFFFFED0]  }
0x2c6: {  	v63 =	vadd.s32 v6, v53  }
0x2c7: {  	v60 =	vadd.s32 v7, v53;
	_ =	sdelay $0x1  }
0x2c8: {  	v54 =	vmul.f32 v54, v52  }
0x2c9: {  	v55 =	vmul.f32 v55, v52  }
0x2ca: {  	[tilespmem:v63+s9+$0x0] =	vst.idx.msk $0xffff, v54  }
0x2cb: {  	[tilespmem:v60+s9+$0x0] =	vst.idx.msk $0xffff, v55  }
0x2cc: {  	v54 =	vld [tilespmem:s19+$0xFFFFFEE0]  }
0x2cd: {  	v55 =	vld [tilespmem:s19+$0xFFFFFEF0]  }
0x2ce: {  	v61 =	vadd.s32 v8, v53  }
0x2cf: {  	v62 =	vadd.s32 v9, v53;
	_ =	sdelay $0x1  }
0x2d0: {  	v54 =	vmul.f32 v54, v52  }
0x2d1: {  	v55 =	vmul.f32 v55, v52  }
0x2d2: {  	[tilespmem:v61+s9+$0x0] =	vst.idx.msk $0xffff, v54  }
0x2d3: {  	[tilespmem:v62+s9+$0x0] =	vst.idx.msk $0xffff, v55  }
0x2d4: {  	v54 =	vld [tilespmem:s19+$0xFFFFFF00]  }
0x2d5: {  	v55 =	vld [tilespmem:s19+$0xFFFFFF10]  }
0x2d6: {  	v63 =	vadd.s32 v10, v53  }
0x2d7: {  	v60 =	vadd.s32 v11, v53;
	_ =	sdelay $0x1  }
0x2d8: {  	v54 =	vmul.f32 v54, v52  }
0x2d9: {  	v55 =	vmul.f32 v55, v52  }
0x2da: {  	[tilespmem:v63+s9+$0x0] =	vst.idx.msk $0xffff, v54  }
0x2db: {  	[tilespmem:v60+s9+$0x0] =	vst.idx.msk $0xffff, v55  }
0x2dc: {  	v54 =	vld [tilespmem:s19+$0xFFFFFF20]  }
0x2dd: {  	v55 =	vld [tilespmem:s19+$0xFFFFFF30]  }
0x2de: {  	v61 =	vadd.s32 v12, v53  }
0x2df: {  	v62 =	vadd.s32 v13, v53;
	_ =	sdelay $0x1  }
0x2e0: {  	v54 =	vmul.f32 v54, v52  }
0x2e1: {  	v55 =	vmul.f32 v55, v52  }
0x2e2: {  	[tilespmem:v61+s9+$0x0] =	vst.idx.msk $0xffff, v54  }
0x2e3: {  	[tilespmem:v62+s9+$0x0] =	vst.idx.msk $0xffff, v55  }
0x2e4: {  	v54 =	vld [tilespmem:s19+$0xFFFFFF40]  }
0x2e5: {  	v55 =	vld [tilespmem:s19+$0xFFFFFF50]  }
0x2e6: {  	v63 =	vadd.s32 v14, v53  }
0x2e7: {  	v60 =	vadd.s32 v15, v53;
	_ =	sdelay $0x1  }
0x2e8: {  	v54 =	vmul.f32 v54, v52  }
0x2e9: {  	v55 =	vmul.f32 v55, v52  }
0x2ea: {  	[tilespmem:v63+s9+$0x0] =	vst.idx.msk $0xffff, v54  }
0x2eb: {  	[tilespmem:v60+s9+$0x0] =	vst.idx.msk $0xffff, v55  }
0x2ec: {  	v54 =	vld [tilespmem:s19+$0xFFFFFF60]  }
0x2ed: {  	v55 =	vld [tilespmem:s19+$0xFFFFFF70]  }
0x2ee: {  	v61 =	vadd.s32 v16, v53  }
0x2ef: {  	v62 =	vadd.s32 v17, v53;
	_ =	sdelay $0x1  }
0x2f0: {  	v54 =	vmul.f32 v54, v52  }
0x2f1: {  	v55 =	vmul.f32 v55, v52  }
0x2f2: {  	[tilespmem:v61+s9+$0x0] =	vst.idx.msk $0xffff, v54  }
0x2f3: {  	[tilespmem:v62+s9+$0x0] =	vst.idx.msk $0xffff, v55  }
0x2f4: {  	v54 =	vld [tilespmem:s19+$0xFFFFFF80]  }
0x2f5: {  	v55 =	vld [tilespmem:s19+$0xFFFFFF90]  }
0x2f6: {  	v63 =	vadd.s32 v18, v53  }
0x2f7: {  	v60 =	vadd.s32 v19, v53;
	_ =	sdelay $0x1  }
0x2f8: {  	v54 =	vmul.f32 v54, v52  }
0x2f9: {  	v55 =	vmul.f32 v55, v52  }
0x2fa: {  	[tilespmem:v63+s9+$0x0] =	vst.idx.msk $0xffff, v54  }
0x2fb: {  	[tilespmem:v60+s9+$0x0] =	vst.idx.msk $0xffff, v55  }
0x2fc: {  	v54 =	vld [tilespmem:s19+$0xFFFFFFA0]  }
0x2fd: {  	v55 =	vld [tilespmem:s19+$0xFFFFFFB0]  }
0x2fe: {  	v61 =	vadd.s32 v20, v53  }
0x2ff: {  	v62 =	vadd.s32 v21, v53;
	_ =	sdelay $0x1  }
0x300: {  	v54 =	vmul.f32 v54, v52  }
0x301: {  	v55 =	vmul.f32 v55, v52  }
0x302: {  	[tilespmem:v61+s9+$0x0] =	vst.idx.msk $0xffff, v54  }
0x303: {  	[tilespmem:v62+s9+$0x0] =	vst.idx.msk $0xffff, v55  }
0x304: {  	v54 =	vld [tilespmem:s19+$0xFFFFFFC0]  }
0x305: {  	v55 =	vld [tilespmem:s19+$0xFFFFFFD0]  }
0x306: {  	v63 =	vadd.s32 v22, v53  }
0x307: {  	v60 =	vadd.s32 v23, v53;
	_ =	sdelay $0x1  }
0x308: {  	v54 =	vmul.f32 v54, v52  }
0x309: {  	v55 =	vmul.f32 v55, v52  }
0x30a: {  	[tilespmem:v63+s9+$0x0] =	vst.idx.msk $0xffff, v54  }
0x30b: {  	[tilespmem:v60+s9+$0x0] =	vst.idx.msk $0xffff, v55  }
0x30c: {  	v54 =	vld [tilespmem:s19+$0xFFFFFFE0]  }
0x30d: {  	v55 =	vld [tilespmem:s19+$0xFFFFFFF0]  }
0x30e: {  	v61 =	vadd.s32 v24, v53  }
0x30f: {  	v62 =	vadd.s32 v25, v53;
	_ =	sdelay $0x1  }
0x310: {  	v54 =	vmul.f32 v54, v52  }
0x311: {  	v55 =	vmul.f32 v55, v52  }
0x312: {  	[tilespmem:v61+s9+$0x0] =	vst.idx.msk $0xffff, v54  }
0x313: {  	[tilespmem:v62+s9+$0x0] =	vst.idx.msk $0xffff, v55  }
0x314: {  	v54 =	vld [tilespmem:s19+$0x0]  }
0x315: {  	v55 =	vld [tilespmem:s19+$0x10]  }
0x316: {  	v63 =	vadd.s32 v26, v53  }
0x317: {  	v60 =	vadd.s32 v27, v53;
	_ =	sdelay $0x1  }
0x318: {  	v54 =	vmul.f32 v54, v52  }
0x319: {  	v55 =	vmul.f32 v55, v52  }
0x31a: {  	[tilespmem:v63+s9+$0x0] =	vst.idx.msk $0xffff, v54  }
0x31b: {  	[tilespmem:v60+s9+$0x0] =	vst.idx.msk $0xffff, v55  }
0x31c: {  	v54 =	vld [tilespmem:s19+$0x20]  }
0x31d: {  	v55 =	vld [tilespmem:s19+$0x30]  }
0x31e: {  	v61 =	vadd.s32 v28, v53  }
0x31f: {  	v62 =	vadd.s32 v29, v53;
	_ =	sdelay $0x1  }
0x320: {  	v54 =	vmul.f32 v54, v52  }
0x321: {  	v55 =	vmul.f32 v55, v52  }
0x322: {  	[tilespmem:v61+s9+$0x0] =	vst.idx.msk $0xffff, v54  }
0x323: {  	[tilespmem:v62+s9+$0x0] =	vst.idx.msk $0xffff, v55  }
0x324: {  	v54 =	vld [tilespmem:s19+$0x40]  }
0x325: {  	v55 =	vld [tilespmem:s19+$0x50]  }
0x326: {  	v63 =	vadd.s32 v30, v53  }
0x327: {  	v60 =	vadd.s32 v31, v53;
	_ =	sdelay $0x1  }
0x328: {  	v54 =	vmul.f32 v54, v52  }
0x329: {  	v55 =	vmul.f32 v55, v52  }
0x32a: {  	[tilespmem:v63+s9+$0x0] =	vst.idx.msk $0xffff, v54  }
0x32b: {  	[tilespmem:v60+s9+$0x0] =	vst.idx.msk $0xffff, v55  }
0x32c: {  	v54 =	vld [tilespmem:s19+$0x60]  }
0x32d: {  	v55 =	vld [tilespmem:s19+$0x70]  }
0x32e: {  	v61 =	vadd.s32 v32, v53  }
0x32f: {  	v62 =	vadd.s32 v33, v53;
	_ =	sdelay $0x1  }
0x330: {  	v54 =	vmul.f32 v54, v52  }
0x331: {  	v55 =	vmul.f32 v55, v52  }
0x332: {  	[tilespmem:v61+s9+$0x0] =	vst.idx.msk $0xffff, v54  }
0x333: {  	[tilespmem:v62+s9+$0x0] =	vst.idx.msk $0xffff, v55  }
0x334: {  	v54 =	vld [tilespmem:s19+$0x80]  }
0x335: {  	v55 =	vld [tilespmem:s19+$0x90]  }
0x336: {  	v63 =	vadd.s32 v34, v53  }
0x337: {  	v60 =	vadd.s32 v35, v53;
	_ =	sdelay $0x1  }
0x338: {  	v54 =	vmul.f32 v54, v52  }
0x339: {  	v55 =	vmul.f32 v55, v52  }
0x33a: {  	[tilespmem:v63+s9+$0x0] =	vst.idx.msk $0xffff, v54  }
0x33b: {  	[tilespmem:v60+s9+$0x0] =	vst.idx.msk $0xffff, v55  }
0x33c: {  	v54 =	vld [tilespmem:s19+$0xA0]  }
0x33d: {  	v55 =	vld [tilespmem:s19+$0xB0]  }
0x33e: {  	v61 =	vadd.s32 v36, v53  }
0x33f: {  	v62 =	vadd.s32 v37, v53;
	_ =	sdelay $0x1  }
0x340: {  	v54 =	vmul.f32 v54, v52  }
0x341: {  	v55 =	vmul.f32 v55, v52  }
0x342: {  	[tilespmem:v61+s9+$0x0] =	vst.idx.msk $0xffff, v54  }
0x343: {  	[tilespmem:v62+s9+$0x0] =	vst.idx.msk $0xffff, v55  }
0x344: {  	v54 =	vld [tilespmem:s19+$0xC0]  }
0x345: {  	v55 =	vld [tilespmem:s19+$0xD0]  }
0x346: {  	v63 =	vadd.s32 v38, v53  }
0x347: {  	v60 =	vadd.s32 v39, v53;
	_ =	sdelay $0x1  }
0x348: {  	v54 =	vmul.f32 v54, v52  }
0x349: {  	v55 =	vmul.f32 v55, v52  }
0x34a: {  	[tilespmem:v63+s9+$0x0] =	vst.idx.msk $0xffff, v54  }
0x34b: {  	[tilespmem:v60+s9+$0x0] =	vst.idx.msk $0xffff, v55  }
0x34c: {  	v54 =	vld [tilespmem:s19+$0xE0]  }
0x34d: {  	v55 =	vld [tilespmem:s19+$0xF0]  }
0x34e: {  	v61 =	vadd.s32 v40, v53  }
0x34f: {  	v62 =	vadd.s32 v41, v53;
	_ =	sdelay $0x1  }
0x350: {  	v54 =	vmul.f32 v54, v52  }
0x351: {  	v55 =	vmul.f32 v55, v52  }
0x352: {  	[tilespmem:v61+s9+$0x0] =	vst.idx.msk $0xffff, v54  }
0x353: {  	[tilespmem:v62+s9+$0x0] =	vst.idx.msk $0xffff, v55  }
0x354: {  	v54 =	vld [tilespmem:s19+$0x100]  }
0x355: {  	v55 =	vld [tilespmem:s19+$0x110]  }
0x356: {  	v63 =	vadd.s32 v42, v53  }
0x357: {  	v60 =	vadd.s32 v43, v53;
	_ =	sdelay $0x1  }
0x358: {  	v54 =	vmul.f32 v54, v52  }
0x359: {  	v55 =	vmul.f32 v55, v52  }
0x35a: {  	[tilespmem:v63+s9+$0x0] =	vst.idx.msk $0xffff, v54  }
0x35b: {  	[tilespmem:v60+s9+$0x0] =	vst.idx.msk $0xffff, v55  }
0x35c: {  	v54 =	vld [tilespmem:s19+$0x120]  }
0x35d: {  	v55 =	vld [tilespmem:s19+$0x130]  }
0x35e: {  	v61 =	vadd.s32 v44, v53  }
0x35f: {  	v62 =	vadd.s32 v45, v53;
	_ =	sdelay $0x1  }
0x360: {  	v54 =	vmul.f32 v54, v52  }
0x361: {  	v55 =	vmul.f32 v55, v52  }
0x362: {  	[tilespmem:v61+s9+$0x0] =	vst.idx.msk $0xffff, v54  }
0x363: {  	[tilespmem:v62+s9+$0x0] =	vst.idx.msk $0xffff, v55  }
0x364: {  	v54 =	vld [tilespmem:s19+$0x140]  }
0x365: {  	v55 =	vld [tilespmem:s19+$0x150]  }
0x366: {  	v63 =	vadd.s32 v46, v53  }
0x367: {  	v60 =	vadd.s32 v47, v53;
	_ =	sdelay $0x1  }
0x368: {  	v54 =	vmul.f32 v54, v52  }
0x369: {  	v55 =	vmul.f32 v55, v52  }
0x36a: {  	[tilespmem:v63+s9+$0x0] =	vst.idx.msk $0xffff, v54  }
0x36b: {  	[tilespmem:v60+s9+$0x0] =	vst.idx.msk $0xffff, v55  }
0x36c: {  	v54 =	vld [tilespmem:s19+$0x160]  }
0x36d: {  	v55 =	vld [tilespmem:s19+$0x170]  }
0x36e: {  	v61 =	vadd.s32 v48, v53  }
0x36f: {  	v62 =	vadd.s32 v49, v53;
	_ =	sdelay $0x1  }
0x370: {  	v54 =	vmul.f32 v54, v52  }
0x371: {  	v55 =	vmul.f32 v55, v52  }
0x372: {  	[tilespmem:v61+s9+$0x0] =	vst.idx.msk $0xffff, v54  }
0x373: {  	[tilespmem:v62+s9+$0x0] =	vst.idx.msk $0xffff, v55  }
0x374: {  	v54 =	vld [tilespmem:s19+$0x180]  }
0x375: {  	v55 =	vld [tilespmem:s19+$0x190]  }
0x376: {  	v63 =	vadd.s32 v50, v53  }
0x377: {  	v53 =	vadd.s32 v51, v53;
	_ =	sdelay $0x1  }
0x378: {  	v54 =	vmul.f32 v54, v52  }
0x379: {  	v52 =	vmul.f32 v55, v52  }
0x37a: {  	[tilespmem:v63+s9+$0x0] =	vst.idx.msk $0xffff, v54  }
0x37b: {  	[tilespmem:v53+s9+$0x0] =	vst.idx.msk $0xffff, v52  }
0x37c: {  	_ =	swait.ge [sflag:s11], $0x340  }
0x37d: {  	[sflag:s11] =	ssyncset.done $0x0  }
0x37e: {  	[sflag:s11] =	ssyncadd.s32 $0xFFFFFCC0  }
0x37f: {  	_ =	swait.ge [sflag:s11], $0x340  }
0x380: {  	[sflag:s11] =	ssyncset.done $0x0  }
0x381: {  	[sflag:s11] =	ssyncadd.s32 $0xFFFFFCC0  }
0x382: {  	_ =	swait.ge [sflag:s11], $0x340  }
0x383: {  	[sflag:s11] =	ssyncset.done $0x0  }
0x384: {  	[sflag:s11] =	ssyncadd.s32 $0xFFFFFCC0  }
0x385: {  	_ =	swait.ge [sflag:s11], $0x340  }
0x386: {  	[sflag:s11] =	ssyncset.done $0x0  }
0x387: {  	[sflag:s11] =	ssyncadd.s32 $0xFFFFFCC0  }
0x388: {  	_ =	swait.ge [sflag:s11], $0x340  }
0x389: {  	[sflag:s11] =	ssyncset.done $0x0  }
0x38a: {  	[sflag:s11] =	ssyncadd.s32 $0xFFFFFCC0  }
0x38b: {  	_ =	swait.ge [sflag:s11], $0x340  }
0x38c: {  	[sflag:s11] =	ssyncset.done $0x0  }
0x38d: {  	[sflag:s11] =	ssyncadd.s32 $0xFFFFFCC0  }
0x38e: {  	_ =	swait.ge [sflag:s11], $0x340  }
0x38f: {  	[sflag:s11] =	ssyncset.done $0x0  }
0x390: {  	[sflag:s11] =	ssyncadd.s32 $0xFFFFFCC0  }
0x391: {  	_ =	swait.ge [sflag:s11], $0x340  }
0x392: {  	[sflag:s11] =	ssyncset.done $0x0  }
0x393: {  	[sflag:s11] =	ssyncadd.s32 $0xFFFFFCC0  }
0x394: {  	_ =	swait.ge [sflag:s11], $0x340  }
0x395: {  	[sflag:s11] =	ssyncset.done $0x0  }
0x396: {  	[sflag:s11] =	ssyncadd.s32 $0xFFFFFCC0  }
0x397: {  	_ =	swait.ge [sflag:s11], $0x340  }
0x398: {  	[sflag:s11] =	ssyncset.done $0x0  }
0x399: {  	[sflag:s11] =	ssyncadd.s32 $0xFFFFFCC0  }
0x39a: {  	_ =	swait.ge [sflag:s11], $0x340  }
0x39b: {  	[sflag:s11] =	ssyncset.done $0x0  }
0x39c: {  	[sflag:s11] =	ssyncadd.s32 $0xFFFFFCC0  }
0x39d: {  	_ =	swait.ge [sflag:s11], $0x340  }
0x39e: {  	[sflag:s11] =	ssyncset.done $0x0  }
0x39f: {  	[sflag:s11] =	ssyncadd.s32 $0xFFFFFCC0  }
0x3a0: {  	_ =	swait.ge [sflag:s11], $0x340  }
0x3a1: {  	[sflag:s11] =	ssyncset.done $0x0  }
0x3a2: {  	[sflag:s11] =	ssyncadd.s32 $0xFFFFFCC0  }
0x3a3: {  	_ =	swait.ge [sflag:s11], $0x340  }
0x3a4: {  	[sflag:s11] =	ssyncset.done $0x0  }
0x3a5: {  	[sflag:s11] =	ssyncadd.s32 $0xFFFFFCC0  }
0x3a6: {  	_ =	swait.ge [sflag:s11], $0x340  }
0x3a7: {  	[sflag:s11] =	ssyncset.done $0x0  }
0x3a8: {  	[sflag:s11] =	ssyncadd.s32 $0xFFFFFCC0  }
0x3a9: {  	_ =	swait.ge [sflag:s11], $0x340  }
0x3aa: {  	[sflag:s11] =	ssyncset.done $0x0  }
0x3ab: {  	[sflag:s11] =	ssyncadd.s32 $0xFFFFFCC0  }
0x3ac: {  	_ =	swait.ge [sflag:s11], $0x340  }
0x3ad: {  	[sflag:s11] =	ssyncset.done $0x0  }
0x3ae: {  	[sflag:s11] =	ssyncadd.s32 $0xFFFFFCC0  }
0x3af: {  	_ =	swait.ge [sflag:s11], $0x340  }
0x3b0: {  	[sflag:s11] =	ssyncset.done $0x0  }
0x3b1: {  	[sflag:s11] =	ssyncadd.s32 $0xFFFFFCC0  }
0x3b2: {  	_ =	swait.ge [sflag:s11], $0x340  }
0x3b3: {  	[sflag:s11] =	ssyncset.done $0x0  }
0x3b4: {  	[sflag:s11] =	ssyncadd.s32 $0xFFFFFCC0  }
0x3b5: {  	_ =	swait.ge [sflag:s11], $0x340  }
0x3b6: {  	[sflag:s11] =	ssyncset.done $0x0  }
0x3b7: {  	[sflag:s11] =	ssyncadd.s32 $0xFFFFFCC0  }
0x3b8: {  	_ =	swait.ge [sflag:s11], $0x340  }
0x3b9: {  	[sflag:s11] =	ssyncset.done $0x0  }
0x3ba: {  	[sflag:s11] =	ssyncadd.s32 $0xFFFFFCC0  }
0x3bb: {  	_ =	swait.ge [sflag:s11], $0x340  }
0x3bc: {  	[sflag:s11] =	ssyncset.done $0x0  }
0x3bd: {  	[sflag:s11] =	ssyncadd.s32 $0xFFFFFCC0  }
0x3be: {  	_ =	swait.ge [sflag:s11], $0x340  }
0x3bf: {  	[sflag:s11] =	ssyncset.done $0x0  }
0x3c0: {  	[sflag:s11] =	ssyncadd.s32 $0xFFFFFCC0  }
0x3c1: {  	_ =	swait.ge [sflag:s11], $0x340  }
0x3c2: {  	[sflag:s11] =	ssyncset.done $0x0  }
0x3c3: {  	[sflag:s11] =	ssyncadd.s32 $0xFFFFFCC0  }
0x3c4: {  	_ =	swait.ge [sflag:s11], $0x340  }
0x3c5: {  	[sflag:s11] =	ssyncset.done $0x0  }
0x3c6: {  	[sflag:s11] =	ssyncadd.s32 $0xFFFFFCC0  }
0x3c7: {  	_ =	swait.ge [sflag:s11], $0x340  }
0x3c8: {  	[sflag:s11] =	ssyncset.done $0x0  }
0x3c9: {  	[sflag:s11] =	ssyncadd.s32 $0xFFFFFCC0  }
0x3ca: {  	_ =	swait.ge [sflag:s11], $0x340  }
0x3cb: {  	[sflag:s11] =	ssyncset.done $0x0  }
0x3cc: {  	[sflag:s11] =	ssyncadd.s32 $0xFFFFFCC0  }
0x3cd: {  	_ =	swait.ge [sflag:s11], $0x340  }
0x3ce: {  	[sflag:s11] =	ssyncset.done $0x0  }
0x3cf: {  	[sflag:s11] =	ssyncadd.s32 $0xFFFFFCC0  }
0x3d0: {  	_ =	swait.ge [sflag:s11], $0x340  }
0x3d1: {  	[sflag:s11] =	ssyncset.done $0x0  }
0x3d2: {  	[sflag:s11] =	ssyncadd.s32 $0xFFFFFCC0  }
0x3d3: {  	_ =	swait.ge [sflag:s11], $0x340  }
0x3d4: {  	[sflag:s11] =	ssyncset.done $0x0  }
0x3d5: {  	[sflag:s11] =	ssyncadd.s32 $0xFFFFFCC0  }
0x3d6: {  	p0 =	seq.s32 s14, $0x18;
	_ =	swait.ge [sflag:s11], $0x340  }
.Ltmp1:
0x3d7: {  	[sflag:s11] =	ssyncset.done $0x0;
	(pc) =	sbr.rel @p0 .LBB2_7-.Ltmp1, $4  }
0x3d8: {  	[sflag:s11] =	ssyncadd.s32 $0xFFFFFCC0  }
0x3d9: {  	_ =	swait.ge [sflag:s11], $0x340  }
0x3da: {  	[sflag:s11] =	ssyncset.done $0x0  }
0x3db: {  	[sflag:s11] =	ssyncadd.s32 $0xFFFFFCC0  }
0x3dc: {  	_ =	swait.ge [sflag:s16], $0x800  }
0x3dd: {  	[sflag:s16] =	ssyncset.done $0x0  }
0x3de: {  	s19 =	ssub.s32 $0x800, s18;
	s21 =	simm.s32 $0x1640;
	[sflag:s16] =	ssyncadd.s32 $0xFFFFF800  }
0x3df: {  	[tilespmem:s21], [sflag:$0x1] =	stream.indirect.gather [hbm4b:s5+s17], $0x20, s19, s17, $0xb8;
	[tilespmem:$0x1D040] =	vst v63  }
0x3e0: {  	s25 =	ssub.s32 $0x820, s18;
	s28 =	simm.s32 $0x1980  }
0x3e1: {  	[tilespmem:s28], [sflag:$0x1] =	stream.indirect.gather [hbm4b:s5+s17], $0x20, s25, s17, $0xb8;
	[tilespmem:$0x1D040] =	vst v63  }
0x3e2: {  	s23 =	simm.s32 $0x1CC0;
	s21 =	ssub.s32 $0x840, s18  }
0x3e3: {  	[tilespmem:s23], [sflag:$0x1] =	stream.indirect.gather [hbm4b:s5+s17], $0x20, s21, s17, $0xb8;
	[tilespmem:$0x1D040] =	vst v63  }
0x3e4: {  	s25 =	ssub.s32 $0x860, s18;
	s28 =	simm.s32 $0x2000  }
0x3e5: {  	[tilespmem:s28], [sflag:$0x1] =	stream.indirect.gather [hbm4b:s5+s17], $0x20, s25, s17, $0xb8;
	[tilespmem:$0x1D040] =	vst v63  }
0x3e6: {  	s21 =	ssub.s32 $0x880, s18;
	s23 =	simm.s32 $0x2340  }
0x3e7: {  	[tilespmem:s23], [sflag:$0x1] =	stream.indirect.gather [hbm4b:s5+s17], $0x20, s21, s17, $0xb8;
	[tilespmem:$0x1D040] =	vst v63  }
0x3e8: {  	s25 =	ssub.s32 $0x8A0, s18;
	s28 =	simm.s32 $0x2680  }
0x3e9: {  	[tilespmem:s28], [sflag:$0x1] =	stream.indirect.gather [hbm4b:s5+s17], $0x20, s25, s17, $0xb8;
	[tilespmem:$0x1D040] =	vst v63  }
0x3ea: {  	s21 =	ssub.s32 $0x8C0, s18;
	s23 =	simm.s32 $0x29C0  }
0x3eb: {  	[tilespmem:s23], [sflag:$0x1] =	stream.indirect.gather [hbm4b:s5+s17], $0x20, s21, s17, $0xb8;
	[tilespmem:$0x1D040] =	vst v63  }
0x3ec: {  	s25 =	ssub.s32 $0x8E0, s18;
	s28 =	simm.s32 $0x2D00  }
0x3ed: {  	[tilespmem:s28], [sflag:$0x1] =	stream.indirect.gather [hbm4b:s5+s17], $0x20, s25, s17, $0xb8;
	[tilespmem:$0x1D040] =	vst v63  }
0x3ee: {  	s21 =	ssub.s32 $0x900, s18;
	s23 =	simm.s32 $0x3040  }
0x3ef: {  	[tilespmem:s23], [sflag:$0x1] =	stream.indirect.gather [hbm4b:s5+s17], $0x20, s21, s17, $0xb8;
	[tilespmem:$0x1D040] =	vst v63  }
0x3f0: {  	s25 =	ssub.s32 $0x920, s18;
	s28 =	simm.s32 $0x3380  }
0x3f1: {  	[tilespmem:s28], [sflag:$0x1] =	stream.indirect.gather [hbm4b:s5+s17], $0x20, s25, s17, $0xb8;
	[tilespmem:$0x1D040] =	vst v63  }
0x3f2: {  	s21 =	ssub.s32 $0x940, s18;
	s23 =	simm.s32 $0x36C0  }
0x3f3: {  	[tilespmem:s23], [sflag:$0x1] =	stream.indirect.gather [hbm4b:s5+s17], $0x20, s21, s17, $0xb8;
	[tilespmem:$0x1D040] =	vst v63  }
0x3f4: {  	s25 =	ssub.s32 $0x960, s18;
	s28 =	simm.s32 $0x3A00  }
0x3f5: {  	[tilespmem:s28], [sflag:$0x1] =	stream.indirect.gather [hbm4b:s5+s17], $0x20, s25, s17, $0xb8;
	[tilespmem:$0x1D040] =	vst v63  }
0x3f6: {  	s21 =	ssub.s32 $0x980, s18;
	s23 =	simm.s32 $0x3D40  }
0x3f7: {  	[tilespmem:s23], [sflag:$0x1] =	stream.indirect.gather [hbm4b:s5+s17], $0x20, s21, s17, $0xb8;
	[tilespmem:$0x1D040] =	vst v63  }
0x3f8: {  	s25 =	ssub.s32 $0x9A0, s18;
	s28 =	simm.s32 $0x4080  }
0x3f9: {  	[tilespmem:s28], [sflag:$0x1] =	stream.indirect.gather [hbm4b:s5+s17], $0x20, s25, s17, $0xb8;
	[tilespmem:$0x1D040] =	vst v63  }
0x3fa: {  	s21 =	ssub.s32 $0x9C0, s18;
	s23 =	simm.s32 $0x43C0  }
0x3fb: {  	[tilespmem:s23], [sflag:$0x1] =	stream.indirect.gather [hbm4b:s5+s17], $0x20, s21, s17, $0xb8;
	[tilespmem:$0x1D040] =	vst v63  }
0x3fc: {  	s25 =	ssub.s32 $0x9E0, s18;
	s28 =	simm.s32 $0x4700  }
0x3fd: {  	[tilespmem:s28], [sflag:$0x1] =	stream.indirect.gather [hbm4b:s5+s17], $0x20, s25, s17, $0xb8;
	[tilespmem:$0x1D040] =	vst v63  }
0x3fe: {  	s21 =	ssub.s32 $0xA00, s18;
	s23 =	simm.s32 $0x4A40  }
0x3ff: {  	[tilespmem:s23], [sflag:$0x1] =	stream.indirect.gather [hbm4b:s5+s17], $0x20, s21, s17, $0xb8;
	[tilespmem:$0x1D040] =	vst v63  }
0x400: {  	s25 =	ssub.s32 $0xA20, s18;
	s28 =	simm.s32 $0x4D80  }
0x401: {  	[tilespmem:s28], [sflag:$0x1] =	stream.indirect.gather [hbm4b:s5+s17], $0x20, s25, s17, $0xb8;
	[tilespmem:$0x1D040] =	vst v63  }
0x402: {  	s21 =	ssub.s32 $0xA40, s18;
	s23 =	simm.s32 $0x50C0  }
0x403: {  	[tilespmem:s23], [sflag:$0x1] =	stream.indirect.gather [hbm4b:s5+s17], $0x20, s21, s17, $0xb8;
	[tilespmem:$0x1D040] =	vst v63  }
0x404: {  	s25 =	ssub.s32 $0xA60, s18;
	s28 =	simm.s32 $0x5400  }
0x405: {  	[tilespmem:s28], [sflag:$0x1] =	stream.indirect.gather [hbm4b:s5+s17], $0x20, s25, s17, $0xb8;
	[tilespmem:$0x1D040] =	vst v63  }
0x406: {  	s21 =	ssub.s32 $0xA80, s18;
	s23 =	simm.s32 $0x5740  }
0x407: {  	[tilespmem:s23], [sflag:$0x1] =	stream.indirect.gather [hbm4b:s5+s17], $0x20, s21, s17, $0xb8;
	[tilespmem:$0x1D040] =	vst v63  }
0x408: {  	s25 =	ssub.s32 $0xAA0, s18;
	s28 =	simm.s32 $0x5A80  }
0x409: {  	[tilespmem:s28], [sflag:$0x1] =	stream.indirect.gather [hbm4b:s5+s17], $0x20, s25, s17, $0xb8;
	[tilespmem:$0x1D040] =	vst v63  }
0x40a: {  	s21 =	ssub.s32 $0xAC0, s18;
	s23 =	simm.s32 $0x5DC0  }
0x40b: {  	[tilespmem:s23], [sflag:$0x1] =	stream.indirect.gather [hbm4b:s5+s17], $0x20, s21, s17, $0xb8;
	[tilespmem:$0x1D040] =	vst v63  }
0x40c: {  	s25 =	ssub.s32 $0xAE0, s18;
	s28 =	simm.s32 $0x6100  }
0x40d: {  	[tilespmem:s28], [sflag:$0x1] =	stream.indirect.gather [hbm4b:s5+s17], $0x20, s25, s17, $0xb8;
	[tilespmem:$0x1D040] =	vst v63  }
0x40e: {  	s21 =	ssub.s32 $0xB00, s18;
	s23 =	simm.s32 $0x6440  }
0x40f: {  	[tilespmem:s23], [sflag:$0x1] =	stream.indirect.gather [hbm4b:s5+s17], $0x20, s21, s17, $0xb8;
	[tilespmem:$0x1D040] =	vst v63  }
0x410: {  	s25 =	ssub.s32 $0xB20, s18;
	s28 =	simm.s32 $0x6780  }
0x411: {  	[tilespmem:s28], [sflag:$0x1] =	stream.indirect.gather [hbm4b:s5+s17], $0x20, s25, s17, $0xb8;
	[tilespmem:$0x1D040] =	vst v63  }
0x412: {  	s21 =	ssub.s32 $0xB40, s18;
	s23 =	simm.s32 $0x6AC0  }
0x413: {  	[tilespmem:s23], [sflag:$0x1] =	stream.indirect.gather [hbm4b:s5+s17], $0x20, s21, s17, $0xb8;
	[tilespmem:$0x1D040] =	vst v63  }
0x414: {  	s25 =	ssub.s32 $0xB60, s18;
	s28 =	simm.s32 $0x6E00  }
0x415: {  	[tilespmem:s28], [sflag:$0x1] =	stream.indirect.gather [hbm4b:s5+s17], $0x20, s25, s17, $0xb8;
	[tilespmem:$0x1D040] =	vst v63  }
0x416: {  	p0 =	sgt.u32 s14, $0x16;
	s21 =	ssub.s32 $0xB80, s18;
	s23 =	simm.s32 $0x7140  }
0x417: {  	[tilespmem:s23], [sflag:$0x1] =	stream.indirect.gather [hbm4b:s5+s17], $0x20, s21, s17, $0xb8;
	[tilespmem:$0x1D040] =	vst v63  }
0x418: {  	s19 =	rddreg [dreg:$0x7];
	s25 =	ssub.s32 $0xBA0, s18;
	s28 =	simm.s32 $0x7480  }
0x419: {  	[tilespmem:s28], [sflag:$0x1] =	stream.indirect.gather [hbm4b:s5+s17], $0x20, s25, s17, $0xb8;
	[tilespmem:$0x1D040] =	vst v63  }
0x41a: {  	s19 =	sadd.s32 @!p0 s14, s19;
	s21 =	ssub.s32 $0xBC0, s18;
	s23 =	simm.s32 $0x77C0  }
0x41b: {  	[tilespmem:s23], [sflag:$0x1] =	stream.indirect.gather [hbm4b:s5+s17], $0x20, s21, s17, $0xb8;
	[tilespmem:$0x1D040] =	vst v63  }
0x41c: {  	s21 =	sshll.u32 @!p0 s19, $0x6  }
0x41d: {  	s25 =	ssub.s32 $0xBE0, s18;
	s19 =	sshll.u32 @!p0 s19, $0x1;
	s21 =	sand.u32 @!p0 $0x3C0, s21  }
0x41e: {  	s28 =	simm.s32 $0x7B00;
	s19 =	sand.u32 @!p0 $0x7FFFFFE0, s19;
	s21 =	smul.u32 @!p0 $0x640, s21  }
0x41f: {  	[tilespmem:s28], [sflag:$0x1] =	stream.indirect.gather [hbm4b:s5+s17], $0x20, s25, s17, $0xb8;
	[tilespmem:$0x1D040] =	vst v63  }
0x420: {  	s19 =	sadd.s32 @!p0 s19, s21  }
0x421: {  	s21 =	rddreg [dreg:$0x3];
	s19 =	sshrl.u32 @!p0 s19, $0x3  }
0x422: {  	s23 =	simm.s32 @!p0 $0x640;
	s19 =	sadd.s32 @!p0 s21, s19;
	s21 =	simm.s32 @!p0 $0x20  }
0x423: {  	[tilespmem:s18], [sflag:$0x4] =	stream.strided.gather @!p0 [hbm4b:s19+s21], $0x800, s23, s21, $0x38;
	[tilespmem:$0x1D040] =	vst v63  }
.LBB2_7:
0x424: {  	s18 =	sadd.s32 $0x20, s13  }
0x425: {  	v52 =	vmov s18;
	_ =	sdelay $0x2  }
0x426: {  	s19 =	simm.s32 $0x7FE0  }
0x427: {  	s28 =	simm.s32 $0x20;
	v54 =	vld [tilespmem:s19+$0xFFFFFE60]  }
0x428: {  	v53 =	vmov s28;
	v52 =	vld.idx.msk [tilespmem:v52+s12+$0x0], $0xffff  }
0x429: {  	v55 =	vld [tilespmem:s19+$0xFFFFFE70];
	v53 =	vand.u32 $0x3F, v53  }
0x42a: {  	v56 =	vadd.s32 v0, v53  }
0x42b: {  	v57 =	vadd.s32 v1, v53;
	_ =	sdelay $0x1  }
0x42c: {  	v54 =	vmul.f32 v54, v52  }
0x42d: {  	v55 =	vmul.f32 v55, v52  }
0x42e: {  	[tilespmem:v56+s9+$0x0] =	vst.idx.msk $0xffff, v54  }
0x42f: {  	[tilespmem:v57+s9+$0x0] =	vst.idx.msk $0xffff, v55  }
0x430: {  	v54 =	vld [tilespmem:s19+$0xFFFFFE80]  }
0x431: {  	v55 =	vld [tilespmem:s19+$0xFFFFFE90]  }
0x432: {  	v62 =	vadd.s32 v2, v53  }
0x433: {  	v63 =	vadd.s32 v3, v53;
	_ =	sdelay $0x1  }
0x434: {  	v54 =	vmul.f32 v54, v52  }
0x435: {  	v55 =	vmul.f32 v55, v52  }
0x436: {  	[tilespmem:v62+s9+$0x0] =	vst.idx.msk $0xffff, v54  }
0x437: {  	[tilespmem:v63+s9+$0x0] =	vst.idx.msk $0xffff, v55  }
0x438: {  	v54 =	vld [tilespmem:s19+$0xFFFFFEA0]  }
0x439: {  	v55 =	vld [tilespmem:s19+$0xFFFFFEB0]  }
0x43a: {  	v60 =	vadd.s32 v4, v53  }
0x43b: {  	v61 =	vadd.s32 v5, v53;
	_ =	sdelay $0x1  }
0x43c: {  	v54 =	vmul.f32 v54, v52  }
0x43d: {  	v55 =	vmul.f32 v55, v52  }
0x43e: {  	[tilespmem:v60+s9+$0x0] =	vst.idx.msk $0xffff, v54  }
0x43f: {  	[tilespmem:v61+s9+$0x0] =	vst.idx.msk $0xffff, v55  }
0x440: {  	v54 =	vld [tilespmem:s19+$0xFFFFFEC0]  }
0x441: {  	v55 =	vld [tilespmem:s19+$0xFFFFFED0]  }
0x442: {  	v62 =	vadd.s32 v6, v53  }
0x443: {  	v63 =	vadd.s32 v7, v53;
	_ =	sdelay $0x1  }
0x444: {  	v54 =	vmul.f32 v54, v52  }
0x445: {  	v55 =	vmul.f32 v55, v52  }
0x446: {  	[tilespmem:v62+s9+$0x0] =	vst.idx.msk $0xffff, v54  }
0x447: {  	[tilespmem:v63+s9+$0x0] =	vst.idx.msk $0xffff, v55  }
0x448: {  	v54 =	vld [tilespmem:s19+$0xFFFFFEE0]  }
0x449: {  	v55 =	vld [tilespmem:s19+$0xFFFFFEF0]  }
0x44a: {  	v60 =	vadd.s32 v8, v53  }
0x44b: {  	v61 =	vadd.s32 v9, v53;
	_ =	sdelay $0x1  }
0x44c: {  	v54 =	vmul.f32 v54, v52  }
0x44d: {  	v55 =	vmul.f32 v55, v52  }
0x44e: {  	[tilespmem:v60+s9+$0x0] =	vst.idx.msk $0xffff, v54  }
0x44f: {  	[tilespmem:v61+s9+$0x0] =	vst.idx.msk $0xffff, v55  }
0x450: {  	v54 =	vld [tilespmem:s19+$0xFFFFFF00]  }
0x451: {  	v55 =	vld [tilespmem:s19+$0xFFFFFF10]  }
0x452: {  	v62 =	vadd.s32 v10, v53  }
0x453: {  	v63 =	vadd.s32 v11, v53;
	_ =	sdelay $0x1  }
0x454: {  	v54 =	vmul.f32 v54, v52  }
0x455: {  	v55 =	vmul.f32 v55, v52  }
0x456: {  	[tilespmem:v62+s9+$0x0] =	vst.idx.msk $0xffff, v54  }
0x457: {  	[tilespmem:v63+s9+$0x0] =	vst.idx.msk $0xffff, v55  }
0x458: {  	v54 =	vld [tilespmem:s19+$0xFFFFFF20]  }
0x459: {  	v55 =	vld [tilespmem:s19+$0xFFFFFF30]  }
0x45a: {  	v60 =	vadd.s32 v12, v53  }
0x45b: {  	v61 =	vadd.s32 v13, v53;
	_ =	sdelay $0x1  }
0x45c: {  	v54 =	vmul.f32 v54, v52  }
0x45d: {  	v55 =	vmul.f32 v55, v52  }
0x45e: {  	[tilespmem:v60+s9+$0x0] =	vst.idx.msk $0xffff, v54  }
0x45f: {  	[tilespmem:v61+s9+$0x0] =	vst.idx.msk $0xffff, v55  }
0x460: {  	v54 =	vld [tilespmem:s19+$0xFFFFFF40]  }
0x461: {  	v55 =	vld [tilespmem:s19+$0xFFFFFF50]  }
0x462: {  	v62 =	vadd.s32 v14, v53  }
0x463: {  	v63 =	vadd.s32 v15, v53;
	_ =	sdelay $0x1  }
0x464: {  	v54 =	vmul.f32 v54, v52  }
0x465: {  	v55 =	vmul.f32 v55, v52  }
0x466: {  	[tilespmem:v62+s9+$0x0] =	vst.idx.msk $0xffff, v54  }
0x467: {  	[tilespmem:v63+s9+$0x0] =	vst.idx.msk $0xffff, v55  }
0x468: {  	v54 =	vld [tilespmem:s19+$0xFFFFFF60]  }
0x469: {  	v55 =	vld [tilespmem:s19+$0xFFFFFF70]  }
0x46a: {  	v60 =	vadd.s32 v16, v53  }
0x46b: {  	v61 =	vadd.s32 v17, v53;
	_ =	sdelay $0x1  }
0x46c: {  	v54 =	vmul.f32 v54, v52  }
0x46d: {  	v55 =	vmul.f32 v55, v52  }
0x46e: {  	[tilespmem:v60+s9+$0x0] =	vst.idx.msk $0xffff, v54  }
0x46f: {  	[tilespmem:v61+s9+$0x0] =	vst.idx.msk $0xffff, v55  }
0x470: {  	v54 =	vld [tilespmem:s19+$0xFFFFFF80]  }
0x471: {  	v55 =	vld [tilespmem:s19+$0xFFFFFF90]  }
0x472: {  	v62 =	vadd.s32 v18, v53  }
0x473: {  	v63 =	vadd.s32 v19, v53;
	_ =	sdelay $0x1  }
0x474: {  	v54 =	vmul.f32 v54, v52  }
0x475: {  	v55 =	vmul.f32 v55, v52  }
0x476: {  	[tilespmem:v62+s9+$0x0] =	vst.idx.msk $0xffff, v54  }
0x477: {  	[tilespmem:v63+s9+$0x0] =	vst.idx.msk $0xffff, v55  }
0x478: {  	v54 =	vld [tilespmem:s19+$0xFFFFFFA0]  }
0x479: {  	v55 =	vld [tilespmem:s19+$0xFFFFFFB0]  }
0x47a: {  	v60 =	vadd.s32 v20, v53  }
0x47b: {  	v61 =	vadd.s32 v21, v53;
	_ =	sdelay $0x1  }
0x47c: {  	v54 =	vmul.f32 v54, v52  }
0x47d: {  	v55 =	vmul.f32 v55, v52  }
0x47e: {  	[tilespmem:v60+s9+$0x0] =	vst.idx.msk $0xffff, v54  }
0x47f: {  	[tilespmem:v61+s9+$0x0] =	vst.idx.msk $0xffff, v55  }
0x480: {  	v54 =	vld [tilespmem:s19+$0xFFFFFFC0]  }
0x481: {  	v55 =	vld [tilespmem:s19+$0xFFFFFFD0]  }
0x482: {  	v62 =	vadd.s32 v22, v53  }
0x483: {  	v63 =	vadd.s32 v23, v53;
	_ =	sdelay $0x1  }
0x484: {  	v54 =	vmul.f32 v54, v52  }
0x485: {  	v55 =	vmul.f32 v55, v52  }
0x486: {  	[tilespmem:v62+s9+$0x0] =	vst.idx.msk $0xffff, v54  }
0x487: {  	[tilespmem:v63+s9+$0x0] =	vst.idx.msk $0xffff, v55  }
0x488: {  	v54 =	vld [tilespmem:s19+$0xFFFFFFE0]  }
0x489: {  	v55 =	vld [tilespmem:s19+$0xFFFFFFF0]  }
0x48a: {  	v60 =	vadd.s32 v24, v53  }
0x48b: {  	v61 =	vadd.s32 v25, v53;
	_ =	sdelay $0x1  }
0x48c: {  	v54 =	vmul.f32 v54, v52  }
0x48d: {  	v55 =	vmul.f32 v55, v52  }
0x48e: {  	[tilespmem:v60+s9+$0x0] =	vst.idx.msk $0xffff, v54  }
0x48f: {  	[tilespmem:v61+s9+$0x0] =	vst.idx.msk $0xffff, v55  }
0x490: {  	v54 =	vld [tilespmem:s19+$0x0]  }
0x491: {  	v55 =	vld [tilespmem:s19+$0x10]  }
0x492: {  	v62 =	vadd.s32 v26, v53  }
0x493: {  	v63 =	vadd.s32 v27, v53;
	_ =	sdelay $0x1  }
0x494: {  	v54 =	vmul.f32 v54, v52  }
0x495: {  	v55 =	vmul.f32 v55, v52  }
0x496: {  	[tilespmem:v62+s9+$0x0] =	vst.idx.msk $0xffff, v54  }
0x497: {  	[tilespmem:v63+s9+$0x0] =	vst.idx.msk $0xffff, v55  }
0x498: {  	v54 =	vld [tilespmem:s19+$0x20]  }
0x499: {  	v55 =	vld [tilespmem:s19+$0x30]  }
0x49a: {  	v60 =	vadd.s32 v28, v53  }
0x49b: {  	v61 =	vadd.s32 v29, v53;
	_ =	sdelay $0x1  }
0x49c: {  	v54 =	vmul.f32 v54, v52  }
0x49d: {  	v55 =	vmul.f32 v55, v52  }
0x49e: {  	[tilespmem:v60+s9+$0x0] =	vst.idx.msk $0xffff, v54  }
0x49f: {  	[tilespmem:v61+s9+$0x0] =	vst.idx.msk $0xffff, v55  }
0x4a0: {  	v54 =	vld [tilespmem:s19+$0x40]  }
0x4a1: {  	v55 =	vld [tilespmem:s19+$0x50]  }
0x4a2: {  	v62 =	vadd.s32 v30, v53  }
0x4a3: {  	v63 =	vadd.s32 v31, v53;
	_ =	sdelay $0x1  }
0x4a4: {  	v54 =	vmul.f32 v54, v52  }
0x4a5: {  	v55 =	vmul.f32 v55, v52  }
0x4a6: {  	[tilespmem:v62+s9+$0x0] =	vst.idx.msk $0xffff, v54  }
0x4a7: {  	[tilespmem:v63+s9+$0x0] =	vst.idx.msk $0xffff, v55  }
0x4a8: {  	v54 =	vld [tilespmem:s19+$0x60]  }
0x4a9: {  	v55 =	vld [tilespmem:s19+$0x70]  }
0x4aa: {  	v60 =	vadd.s32 v32, v53  }
0x4ab: {  	v61 =	vadd.s32 v33, v53;
	_ =	sdelay $0x1  }
0x4ac: {  	v54 =	vmul.f32 v54, v52  }
0x4ad: {  	v55 =	vmul.f32 v55, v52  }
0x4ae: {  	[tilespmem:v60+s9+$0x0] =	vst.idx.msk $0xffff, v54  }
0x4af: {  	[tilespmem:v61+s9+$0x0] =	vst.idx.msk $0xffff, v55  }
0x4b0: {  	v54 =	vld [tilespmem:s19+$0x80]  }
0x4b1: {  	v55 =	vld [tilespmem:s19+$0x90]  }
0x4b2: {  	v62 =	vadd.s32 v34, v53  }
0x4b3: {  	v63 =	vadd.s32 v35, v53;
	_ =	sdelay $0x1  }
0x4b4: {  	v54 =	vmul.f32 v54, v52  }
0x4b5: {  	v55 =	vmul.f32 v55, v52  }
0x4b6: {  	[tilespmem:v62+s9+$0x0] =	vst.idx.msk $0xffff, v54  }
0x4b7: {  	[tilespmem:v63+s9+$0x0] =	vst.idx.msk $0xffff, v55  }
0x4b8: {  	v54 =	vld [tilespmem:s19+$0xA0]  }
0x4b9: {  	v55 =	vld [tilespmem:s19+$0xB0]  }
0x4ba: {  	v60 =	vadd.s32 v36, v53  }
0x4bb: {  	v61 =	vadd.s32 v37, v53;
	_ =	sdelay $0x1  }
0x4bc: {  	v54 =	vmul.f32 v54, v52  }
0x4bd: {  	v55 =	vmul.f32 v55, v52  }
0x4be: {  	[tilespmem:v60+s9+$0x0] =	vst.idx.msk $0xffff, v54  }
0x4bf: {  	[tilespmem:v61+s9+$0x0] =	vst.idx.msk $0xffff, v55  }
0x4c0: {  	v54 =	vld [tilespmem:s19+$0xC0]  }
0x4c1: {  	v55 =	vld [tilespmem:s19+$0xD0]  }
0x4c2: {  	v62 =	vadd.s32 v38, v53  }
0x4c3: {  	v63 =	vadd.s32 v39, v53;
	_ =	sdelay $0x1  }
0x4c4: {  	v54 =	vmul.f32 v54, v52  }
0x4c5: {  	v55 =	vmul.f32 v55, v52  }
0x4c6: {  	[tilespmem:v62+s9+$0x0] =	vst.idx.msk $0xffff, v54  }
0x4c7: {  	[tilespmem:v63+s9+$0x0] =	vst.idx.msk $0xffff, v55  }
0x4c8: {  	v54 =	vld [tilespmem:s19+$0xE0]  }
0x4c9: {  	v55 =	vld [tilespmem:s19+$0xF0]  }
0x4ca: {  	v60 =	vadd.s32 v40, v53  }
0x4cb: {  	v61 =	vadd.s32 v41, v53;
	_ =	sdelay $0x1  }
0x4cc: {  	v54 =	vmul.f32 v54, v52  }
0x4cd: {  	v55 =	vmul.f32 v55, v52  }
0x4ce: {  	[tilespmem:v60+s9+$0x0] =	vst.idx.msk $0xffff, v54  }
0x4cf: {  	[tilespmem:v61+s9+$0x0] =	vst.idx.msk $0xffff, v55  }
0x4d0: {  	v54 =	vld [tilespmem:s19+$0x100]  }
0x4d1: {  	v55 =	vld [tilespmem:s19+$0x110]  }
0x4d2: {  	v62 =	vadd.s32 v42, v53  }
0x4d3: {  	v63 =	vadd.s32 v43, v53;
	_ =	sdelay $0x1  }
0x4d4: {  	v54 =	vmul.f32 v54, v52  }
0x4d5: {  	v55 =	vmul.f32 v55, v52  }
0x4d6: {  	[tilespmem:v62+s9+$0x0] =	vst.idx.msk $0xffff, v54  }
0x4d7: {  	[tilespmem:v63+s9+$0x0] =	vst.idx.msk $0xffff, v55  }
0x4d8: {  	v54 =	vld [tilespmem:s19+$0x120]  }
0x4d9: {  	v55 =	vld [tilespmem:s19+$0x130]  }
0x4da: {  	v60 =	vadd.s32 v44, v53  }
0x4db: {  	v61 =	vadd.s32 v45, v53;
	_ =	sdelay $0x1  }
0x4dc: {  	v54 =	vmul.f32 v54, v52  }
0x4dd: {  	v55 =	vmul.f32 v55, v52  }
0x4de: {  	[tilespmem:v60+s9+$0x0] =	vst.idx.msk $0xffff, v54  }
0x4df: {  	[tilespmem:v61+s9+$0x0] =	vst.idx.msk $0xffff, v55  }
0x4e0: {  	v54 =	vld [tilespmem:s19+$0x140]  }
0x4e1: {  	v55 =	vld [tilespmem:s19+$0x150]  }
0x4e2: {  	v62 =	vadd.s32 v46, v53  }
0x4e3: {  	v63 =	vadd.s32 v47, v53;
	_ =	sdelay $0x1  }
0x4e4: {  	v54 =	vmul.f32 v54, v52  }
0x4e5: {  	v55 =	vmul.f32 v55, v52  }
0x4e6: {  	[tilespmem:v62+s9+$0x0] =	vst.idx.msk $0xffff, v54  }
0x4e7: {  	[tilespmem:v63+s9+$0x0] =	vst.idx.msk $0xffff, v55  }
0x4e8: {  	v54 =	vld [tilespmem:s19+$0x160]  }
0x4e9: {  	v55 =	vld [tilespmem:s19+$0x170]  }
0x4ea: {  	v60 =	vadd.s32 v48, v53  }
0x4eb: {  	v61 =	vadd.s32 v49, v53;
	_ =	sdelay $0x1  }
0x4ec: {  	v54 =	vmul.f32 v54, v52  }
0x4ed: {  	v55 =	vmul.f32 v55, v52  }
0x4ee: {  	[tilespmem:v60+s9+$0x0] =	vst.idx.msk $0xffff, v54  }
0x4ef: {  	[tilespmem:v61+s9+$0x0] =	vst.idx.msk $0xffff, v55  }
0x4f0: {  	v54 =	vld [tilespmem:s19+$0x180];
	_ =	sdelay $0x2  }
0x4f1: {  	v62 =	vadd.s32 v50, v53;
	v55 =	vld [tilespmem:s19+$0x190];
	_ =	sdelay $0x1  }
0x4f2: {  	s25 =	sadd.s32 $0x21, s13;
	v63 =	vmul.f32 v54, v52;
	v54 =	vadd.s32 v51, v53  }
0x4f3: {  	v53 =	vmov s25;
	_ =	sdelay $0x1  }
0x4f4: {  	s21 =	simm.s32 $0x21;
	s23 =	simm.s32 $0x22;
	s18 =	sadd.s32 $0x1, s14;
	v52 =	vmul.f32 v55, v52;
	[tilespmem:v62+s9+$0x0] =	vst.idx.msk $0xffff, v63  }
.LBB2_8:
0x4f5: {  	p0 =	sne.s32 s23, $0x3F  }
0x4f6: {  	[tilespmem:v54+s9+$0x0] =	vst.idx.msk $0xffff, v52;
	s19 =	sadd.s32 $0x340, s19;
	s25 =	smov.u32 s23;
	s23 =	sadd.s32 $0x1, s23  }
0x4f7: {  	v52 =	vld.idx.msk [tilespmem:v53+s12+$0x0], $0xffff  }
0x4f8: {  	v53 =	vmov s21;
	s21 =	smov.u32 s25;
	v54 =	vld [tilespmem:s19+$0xFFFFFE60]  }
0x4f9: {  	v53 =	vand.u32 $0x3F, v53;
	v55 =	vld [tilespmem:s19+$0xFFFFFE70]  }
0x4fa: {  	v56 =	vadd.s32 v0, v53  }
0x4fb: {  	v57 =	vadd.s32 v1, v53;
	_ =	sdelay $0x1  }
0x4fc: {  	v54 =	vmul.f32 v54, v52  }
0x4fd: {  	v55 =	vmul.f32 v55, v52  }
0x4fe: {  	[tilespmem:v56+s9+$0x0] =	vst.idx.msk $0xffff, v54  }
0x4ff: {  	[tilespmem:v57+s9+$0x0] =	vst.idx.msk $0xffff, v55  }
0x500: {  	v54 =	vld [tilespmem:s19+$0xFFFFFE80]  }
0x501: {  	v55 =	vld [tilespmem:s19+$0xFFFFFE90]  }
0x502: {  	v56 =	vadd.s32 v2, v53  }
0x503: {  	v57 =	vadd.s32 v3, v53;
	_ =	sdelay $0x1  }
0x504: {  	v54 =	vmul.f32 v54, v52  }
0x505: {  	v55 =	vmul.f32 v55, v52  }
0x506: {  	[tilespmem:v56+s9+$0x0] =	vst.idx.msk $0xffff, v54  }
0x507: {  	[tilespmem:v57+s9+$0x0] =	vst.idx.msk $0xffff, v55  }
0x508: {  	v54 =	vld [tilespmem:s19+$0xFFFFFEA0]  }
0x509: {  	v55 =	vld [tilespmem:s19+$0xFFFFFEB0]  }
0x50a: {  	v56 =	vadd.s32 v4, v53  }
0x50b: {  	v57 =	vadd.s32 v5, v53;
	_ =	sdelay $0x1  }
0x50c: {  	v54 =	vmul.f32 v54, v52  }
0x50d: {  	v55 =	vmul.f32 v55, v52  }
0x50e: {  	[tilespmem:v56+s9+$0x0] =	vst.idx.msk $0xffff, v54  }
0x50f: {  	[tilespmem:v57+s9+$0x0] =	vst.idx.msk $0xffff, v55  }
0x510: {  	v54 =	vld [tilespmem:s19+$0xFFFFFEC0]  }
0x511: {  	v55 =	vld [tilespmem:s19+$0xFFFFFED0]  }
0x512: {  	v56 =	vadd.s32 v6, v53  }
0x513: {  	v57 =	vadd.s32 v7, v53;
	_ =	sdelay $0x1  }
0x514: {  	v54 =	vmul.f32 v54, v52  }
0x515: {  	v55 =	vmul.f32 v55, v52  }
0x516: {  	[tilespmem:v56+s9+$0x0] =	vst.idx.msk $0xffff, v54  }
0x517: {  	[tilespmem:v57+s9+$0x0] =	vst.idx.msk $0xffff, v55  }
0x518: {  	v54 =	vld [tilespmem:s19+$0xFFFFFEE0]  }
0x519: {  	v55 =	vld [tilespmem:s19+$0xFFFFFEF0]  }
0x51a: {  	v56 =	vadd.s32 v8, v53  }
0x51b: {  	v57 =	vadd.s32 v9, v53;
	_ =	sdelay $0x1  }
0x51c: {  	v54 =	vmul.f32 v54, v52  }
0x51d: {  	v55 =	vmul.f32 v55, v52  }
0x51e: {  	[tilespmem:v56+s9+$0x0] =	vst.idx.msk $0xffff, v54  }
0x51f: {  	[tilespmem:v57+s9+$0x0] =	vst.idx.msk $0xffff, v55  }
0x520: {  	v54 =	vld [tilespmem:s19+$0xFFFFFF00]  }
0x521: {  	v55 =	vld [tilespmem:s19+$0xFFFFFF10]  }
0x522: {  	v56 =	vadd.s32 v10, v53  }
0x523: {  	v57 =	vadd.s32 v11, v53;
	_ =	sdelay $0x1  }
0x524: {  	v54 =	vmul.f32 v54, v52  }
0x525: {  	v55 =	vmul.f32 v55, v52  }
0x526: {  	[tilespmem:v56+s9+$0x0] =	vst.idx.msk $0xffff, v54  }
0x527: {  	[tilespmem:v57+s9+$0x0] =	vst.idx.msk $0xffff, v55  }
0x528: {  	v54 =	vld [tilespmem:s19+$0xFFFFFF20]  }
0x529: {  	v55 =	vld [tilespmem:s19+$0xFFFFFF30]  }
0x52a: {  	v56 =	vadd.s32 v12, v53  }
0x52b: {  	v57 =	vadd.s32 v13, v53;
	_ =	sdelay $0x1  }
0x52c: {  	v54 =	vmul.f32 v54, v52  }
0x52d: {  	v55 =	vmul.f32 v55, v52  }
0x52e: {  	[tilespmem:v56+s9+$0x0] =	vst.idx.msk $0xffff, v54  }
0x52f: {  	[tilespmem:v57+s9+$0x0] =	vst.idx.msk $0xffff, v55  }
0x530: {  	v54 =	vld [tilespmem:s19+$0xFFFFFF40]  }
0x531: {  	v55 =	vld [tilespmem:s19+$0xFFFFFF50]  }
0x532: {  	v56 =	vadd.s32 v14, v53  }
0x533: {  	v57 =	vadd.s32 v15, v53;
	_ =	sdelay $0x1  }
0x534: {  	v54 =	vmul.f32 v54, v52  }
0x535: {  	v55 =	vmul.f32 v55, v52  }
0x536: {  	[tilespmem:v56+s9+$0x0] =	vst.idx.msk $0xffff, v54  }
0x537: {  	[tilespmem:v57+s9+$0x0] =	vst.idx.msk $0xffff, v55  }
0x538: {  	v54 =	vld [tilespmem:s19+$0xFFFFFF60]  }
0x539: {  	v55 =	vld [tilespmem:s19+$0xFFFFFF70]  }
0x53a: {  	v56 =	vadd.s32 v16, v53  }
0x53b: {  	v57 =	vadd.s32 v17, v53;
	_ =	sdelay $0x1  }
0x53c: {  	v54 =	vmul.f32 v54, v52  }
0x53d: {  	v55 =	vmul.f32 v55, v52  }
0x53e: {  	[tilespmem:v56+s9+$0x0] =	vst.idx.msk $0xffff, v54  }
0x53f: {  	[tilespmem:v57+s9+$0x0] =	vst.idx.msk $0xffff, v55  }
0x540: {  	v54 =	vld [tilespmem:s19+$0xFFFFFF80]  }
0x541: {  	v55 =	vld [tilespmem:s19+$0xFFFFFF90]  }
0x542: {  	v56 =	vadd.s32 v18, v53  }
0x543: {  	v57 =	vadd.s32 v19, v53;
	_ =	sdelay $0x1  }
0x544: {  	v54 =	vmul.f32 v54, v52  }
0x545: {  	v55 =	vmul.f32 v55, v52  }
0x546: {  	[tilespmem:v56+s9+$0x0] =	vst.idx.msk $0xffff, v54  }
0x547: {  	[tilespmem:v57+s9+$0x0] =	vst.idx.msk $0xffff, v55  }
0x548: {  	v54 =	vld [tilespmem:s19+$0xFFFFFFA0]  }
0x549: {  	v55 =	vld [tilespmem:s19+$0xFFFFFFB0]  }
0x54a: {  	v56 =	vadd.s32 v20, v53  }
0x54b: {  	v57 =	vadd.s32 v21, v53;
	_ =	sdelay $0x1  }
0x54c: {  	v54 =	vmul.f32 v54, v52  }
0x54d: {  	v55 =	vmul.f32 v55, v52  }
0x54e: {  	[tilespmem:v56+s9+$0x0] =	vst.idx.msk $0xffff, v54  }
0x54f: {  	[tilespmem:v57+s9+$0x0] =	vst.idx.msk $0xffff, v55  }
0x550: {  	v54 =	vld [tilespmem:s19+$0xFFFFFFC0]  }
0x551: {  	v55 =	vld [tilespmem:s19+$0xFFFFFFD0]  }
0x552: {  	v56 =	vadd.s32 v22, v53  }
0x553: {  	v57 =	vadd.s32 v23, v53;
	_ =	sdelay $0x1  }
0x554: {  	v54 =	vmul.f32 v54, v52  }
0x555: {  	v55 =	vmul.f32 v55, v52  }
0x556: {  	[tilespmem:v56+s9+$0x0] =	vst.idx.msk $0xffff, v54  }
0x557: {  	[tilespmem:v57+s9+$0x0] =	vst.idx.msk $0xffff, v55  }
0x558: {  	v54 =	vld [tilespmem:s19+$0xFFFFFFE0]  }
0x559: {  	v55 =	vld [tilespmem:s19+$0xFFFFFFF0]  }
0x55a: {  	v56 =	vadd.s32 v24, v53  }
0x55b: {  	v57 =	vadd.s32 v25, v53;
	_ =	sdelay $0x1  }
0x55c: {  	v54 =	vmul.f32 v54, v52  }
0x55d: {  	v55 =	vmul.f32 v55, v52  }
0x55e: {  	[tilespmem:v56+s9+$0x0] =	vst.idx.msk $0xffff, v54  }
0x55f: {  	[tilespmem:v57+s9+$0x0] =	vst.idx.msk $0xffff, v55  }
0x560: {  	v54 =	vld [tilespmem:s19+$0x0]  }
0x561: {  	v55 =	vld [tilespmem:s19+$0x10]  }
0x562: {  	v56 =	vadd.s32 v26, v53  }
0x563: {  	v57 =	vadd.s32 v27, v53;
	_ =	sdelay $0x1  }
0x564: {  	v54 =	vmul.f32 v54, v52  }
0x565: {  	v55 =	vmul.f32 v55, v52  }
0x566: {  	[tilespmem:v56+s9+$0x0] =	vst.idx.msk $0xffff, v54  }
0x567: {  	[tilespmem:v57+s9+$0x0] =	vst.idx.msk $0xffff, v55  }
0x568: {  	v54 =	vld [tilespmem:s19+$0x20]  }
0x569: {  	v55 =	vld [tilespmem:s19+$0x30]  }
0x56a: {  	v56 =	vadd.s32 v28, v53  }
0x56b: {  	v57 =	vadd.s32 v29, v53;
	_ =	sdelay $0x1  }
0x56c: {  	v54 =	vmul.f32 v54, v52  }
0x56d: {  	v55 =	vmul.f32 v55, v52  }
0x56e: {  	[tilespmem:v56+s9+$0x0] =	vst.idx.msk $0xffff, v54  }
0x56f: {  	[tilespmem:v57+s9+$0x0] =	vst.idx.msk $0xffff, v55  }
0x570: {  	v54 =	vld [tilespmem:s19+$0x40]  }
0x571: {  	v55 =	vld [tilespmem:s19+$0x50]  }
0x572: {  	v56 =	vadd.s32 v30, v53  }
0x573: {  	v57 =	vadd.s32 v31, v53;
	_ =	sdelay $0x1  }
0x574: {  	v54 =	vmul.f32 v54, v52  }
0x575: {  	v55 =	vmul.f32 v55, v52  }
0x576: {  	[tilespmem:v56+s9+$0x0] =	vst.idx.msk $0xffff, v54  }
0x577: {  	[tilespmem:v57+s9+$0x0] =	vst.idx.msk $0xffff, v55  }
0x578: {  	v54 =	vld [tilespmem:s19+$0x60]  }
0x579: {  	v55 =	vld [tilespmem:s19+$0x70]  }
0x57a: {  	v56 =	vadd.s32 v32, v53  }
0x57b: {  	v57 =	vadd.s32 v33, v53;
	_ =	sdelay $0x1  }
0x57c: {  	v54 =	vmul.f32 v54, v52  }
0x57d: {  	v55 =	vmul.f32 v55, v52  }
0x57e: {  	[tilespmem:v56+s9+$0x0] =	vst.idx.msk $0xffff, v54  }
0x57f: {  	[tilespmem:v57+s9+$0x0] =	vst.idx.msk $0xffff, v55  }
0x580: {  	v54 =	vld [tilespmem:s19+$0x80]  }
0x581: {  	v55 =	vld [tilespmem:s19+$0x90]  }
0x582: {  	v56 =	vadd.s32 v34, v53  }
0x583: {  	v57 =	vadd.s32 v35, v53;
	_ =	sdelay $0x1  }
0x584: {  	v54 =	vmul.f32 v54, v52  }
0x585: {  	v55 =	vmul.f32 v55, v52  }
0x586: {  	[tilespmem:v56+s9+$0x0] =	vst.idx.msk $0xffff, v54  }
0x587: {  	[tilespmem:v57+s9+$0x0] =	vst.idx.msk $0xffff, v55  }
0x588: {  	v54 =	vld [tilespmem:s19+$0xA0]  }
0x589: {  	v55 =	vld [tilespmem:s19+$0xB0]  }
0x58a: {  	v56 =	vadd.s32 v36, v53  }
0x58b: {  	v57 =	vadd.s32 v37, v53;
	_ =	sdelay $0x1  }
0x58c: {  	v54 =	vmul.f32 v54, v52  }
0x58d: {  	v55 =	vmul.f32 v55, v52  }
0x58e: {  	[tilespmem:v56+s9+$0x0] =	vst.idx.msk $0xffff, v54  }
0x58f: {  	[tilespmem:v57+s9+$0x0] =	vst.idx.msk $0xffff, v55  }
0x590: {  	v54 =	vld [tilespmem:s19+$0xC0]  }
0x591: {  	v55 =	vld [tilespmem:s19+$0xD0]  }
0x592: {  	v56 =	vadd.s32 v38, v53  }
0x593: {  	v57 =	vadd.s32 v39, v53;
	_ =	sdelay $0x1  }
0x594: {  	v54 =	vmul.f32 v54, v52  }
0x595: {  	v55 =	vmul.f32 v55, v52  }
0x596: {  	[tilespmem:v56+s9+$0x0] =	vst.idx.msk $0xffff, v54  }
0x597: {  	[tilespmem:v57+s9+$0x0] =	vst.idx.msk $0xffff, v55  }
0x598: {  	v54 =	vld [tilespmem:s19+$0xE0]  }
0x599: {  	v55 =	vld [tilespmem:s19+$0xF0]  }
0x59a: {  	v56 =	vadd.s32 v40, v53  }
0x59b: {  	v57 =	vadd.s32 v41, v53;
	_ =	sdelay $0x1  }
0x59c: {  	v54 =	vmul.f32 v54, v52  }
0x59d: {  	v55 =	vmul.f32 v55, v52  }
0x59e: {  	[tilespmem:v56+s9+$0x0] =	vst.idx.msk $0xffff, v54  }
0x59f: {  	[tilespmem:v57+s9+$0x0] =	vst.idx.msk $0xffff, v55  }
0x5a0: {  	v54 =	vld [tilespmem:s19+$0x100]  }
0x5a1: {  	v55 =	vld [tilespmem:s19+$0x110]  }
0x5a2: {  	v56 =	vadd.s32 v42, v53  }
0x5a3: {  	v57 =	vadd.s32 v43, v53;
	_ =	sdelay $0x1  }
0x5a4: {  	v54 =	vmul.f32 v54, v52  }
0x5a5: {  	v55 =	vmul.f32 v55, v52  }
0x5a6: {  	[tilespmem:v56+s9+$0x0] =	vst.idx.msk $0xffff, v54  }
0x5a7: {  	[tilespmem:v57+s9+$0x0] =	vst.idx.msk $0xffff, v55  }
0x5a8: {  	v54 =	vld [tilespmem:s19+$0x120]  }
0x5a9: {  	v55 =	vld [tilespmem:s19+$0x130]  }
0x5aa: {  	v56 =	vadd.s32 v44, v53  }
0x5ab: {  	v57 =	vadd.s32 v45, v53;
	_ =	sdelay $0x1  }
0x5ac: {  	v54 =	vmul.f32 v54, v52  }
0x5ad: {  	v55 =	vmul.f32 v55, v52  }
0x5ae: {  	[tilespmem:v56+s9+$0x0] =	vst.idx.msk $0xffff, v54  }
0x5af: {  	[tilespmem:v57+s9+$0x0] =	vst.idx.msk $0xffff, v55  }
0x5b0: {  	v54 =	vld [tilespmem:s19+$0x140]  }
0x5b1: {  	v55 =	vld [tilespmem:s19+$0x150]  }
0x5b2: {  	v56 =	vadd.s32 v46, v53  }
0x5b3: {  	v57 =	vadd.s32 v47, v53;
	_ =	sdelay $0x1  }
0x5b4: {  	v54 =	vmul.f32 v54, v52  }
0x5b5: {  	v55 =	vmul.f32 v55, v52  }
0x5b6: {  	[tilespmem:v56+s9+$0x0] =	vst.idx.msk $0xffff, v54  }
0x5b7: {  	[tilespmem:v57+s9+$0x0] =	vst.idx.msk $0xffff, v55  }
0x5b8: {  	v54 =	vld [tilespmem:s19+$0x160]  }
0x5b9: {  	v55 =	vld [tilespmem:s19+$0x170]  }
0x5ba: {  	v56 =	vadd.s32 v48, v53  }
0x5bb: {  	v57 =	vadd.s32 v49, v53;
	_ =	sdelay $0x1  }
0x5bc: {  	v54 =	vmul.f32 v54, v52  }
0x5bd: {  	v55 =	vmul.f32 v55, v52  }
0x5be: {  	[tilespmem:v56+s9+$0x0] =	vst.idx.msk $0xffff, v54  }
0x5bf: {  	[tilespmem:v57+s9+$0x0] =	vst.idx.msk $0xffff, v55  }
0x5c0: {  	v55 =	vld [tilespmem:s19+$0x180]  }
0x5c1: {  	v56 =	vld [tilespmem:s19+$0x190]  }
0x5c2: {  	v57 =	vadd.s32 v50, v53  }
.Ltmp2:
0x5c3: {  	s25 =	sadd.s32 s21, s13;
	v54 =	vadd.s32 v51, v53;
	(pc) =	sbr.rel @p0 .LBB2_8-.Ltmp2, $4  }
0x5c4: {  	v53 =	vmov s25  }
0x5c5: {  	v55 =	vmul.f32 v55, v52  }
0x5c6: {  	v52 =	vmul.f32 v56, v52  }
0x5c7: {  	[tilespmem:v57+s9+$0x0] =	vst.idx.msk $0xffff, v55  }
0x5c8: {  	_ =	sdelay $0x3  }
0x5c9: {  	[tilespmem:v54+s9+$0x0] =	vst.idx.msk $0xffff, v52  }
0x5ca: {  	s19 =	sadd.s32 $0x340, s19;
	v52 =	vld.idx.msk [tilespmem:v53+s12+$0x0], $0xffff  }
0x5cb: {  	v62 =	vmov s21;
	v54 =	vld [tilespmem:s19+$0xFFFFFE60]  }
0x5cc: {  	v55 =	vld [tilespmem:s19+$0xFFFFFE70];
	v53 =	vand.u32 $0x3F, v62  }
0x5cd: {  	v56 =	vadd.s32 v0, v53  }
0x5ce: {  	v57 =	vadd.s32 v1, v53;
	_ =	sdelay $0x1  }
0x5cf: {  	v54 =	vmul.f32 v54, v52  }
0x5d0: {  	v55 =	vmul.f32 v55, v52  }
0x5d1: {  	[tilespmem:v56+s9+$0x0] =	vst.idx.msk $0xffff, v54  }
0x5d2: {  	[tilespmem:v57+s9+$0x0] =	vst.idx.msk $0xffff, v55  }
0x5d3: {  	v54 =	vld [tilespmem:s19+$0xFFFFFE80]  }
0x5d4: {  	v55 =	vld [tilespmem:s19+$0xFFFFFE90]  }
0x5d5: {  	v63 =	vadd.s32 v2, v53  }
0x5d6: {  	v60 =	vadd.s32 v3, v53;
	_ =	sdelay $0x1  }
0x5d7: {  	v54 =	vmul.f32 v54, v52  }
0x5d8: {  	v55 =	vmul.f32 v55, v52  }
0x5d9: {  	[tilespmem:v63+s9+$0x0] =	vst.idx.msk $0xffff, v54  }
0x5da: {  	[tilespmem:v60+s9+$0x0] =	vst.idx.msk $0xffff, v55  }
0x5db: {  	v54 =	vld [tilespmem:s19+$0xFFFFFEA0]  }
0x5dc: {  	v55 =	vld [tilespmem:s19+$0xFFFFFEB0]  }
0x5dd: {  	v61 =	vadd.s32 v4, v53  }
0x5de: {  	v62 =	vadd.s32 v5, v53;
	_ =	sdelay $0x1  }
0x5df: {  	v54 =	vmul.f32 v54, v52  }
0x5e0: {  	v55 =	vmul.f32 v55, v52  }
0x5e1: {  	[tilespmem:v61+s9+$0x0] =	vst.idx.msk $0xffff, v54  }
0x5e2: {  	[tilespmem:v62+s9+$0x0] =	vst.idx.msk $0xffff, v55  }
0x5e3: {  	v54 =	vld [tilespmem:s19+$0xFFFFFEC0]  }
0x5e4: {  	v55 =	vld [tilespmem:s19+$0xFFFFFED0]  }
0x5e5: {  	v63 =	vadd.s32 v6, v53  }
0x5e6: {  	v60 =	vadd.s32 v7, v53;
	_ =	sdelay $0x1  }
0x5e7: {  	v54 =	vmul.f32 v54, v52  }
0x5e8: {  	v55 =	vmul.f32 v55, v52  }
0x5e9: {  	[tilespmem:v63+s9+$0x0] =	vst.idx.msk $0xffff, v54  }
0x5ea: {  	[tilespmem:v60+s9+$0x0] =	vst.idx.msk $0xffff, v55  }
0x5eb: {  	v54 =	vld [tilespmem:s19+$0xFFFFFEE0]  }
0x5ec: {  	v55 =	vld [tilespmem:s19+$0xFFFFFEF0]  }
0x5ed: {  	v61 =	vadd.s32 v8, v53  }
0x5ee: {  	v62 =	vadd.s32 v9, v53;
	_ =	sdelay $0x1  }
0x5ef: {  	v54 =	vmul.f32 v54, v52  }
0x5f0: {  	v55 =	vmul.f32 v55, v52  }
0x5f1: {  	[tilespmem:v61+s9+$0x0] =	vst.idx.msk $0xffff, v54  }
0x5f2: {  	[tilespmem:v62+s9+$0x0] =	vst.idx.msk $0xffff, v55  }
0x5f3: {  	v54 =	vld [tilespmem:s19+$0xFFFFFF00]  }
0x5f4: {  	v55 =	vld [tilespmem:s19+$0xFFFFFF10]  }
0x5f5: {  	v63 =	vadd.s32 v10, v53  }
0x5f6: {  	v60 =	vadd.s32 v11, v53;
	_ =	sdelay $0x1  }
0x5f7: {  	v54 =	vmul.f32 v54, v52  }
0x5f8: {  	v55 =	vmul.f32 v55, v52  }
0x5f9: {  	[tilespmem:v63+s9+$0x0] =	vst.idx.msk $0xffff, v54  }
0x5fa: {  	[tilespmem:v60+s9+$0x0] =	vst.idx.msk $0xffff, v55  }
0x5fb: {  	v54 =	vld [tilespmem:s19+$0xFFFFFF20]  }
0x5fc: {  	v55 =	vld [tilespmem:s19+$0xFFFFFF30]  }
0x5fd: {  	v61 =	vadd.s32 v12, v53  }
0x5fe: {  	v62 =	vadd.s32 v13, v53;
	_ =	sdelay $0x1  }
0x5ff: {  	v54 =	vmul.f32 v54, v52  }
0x600: {  	v55 =	vmul.f32 v55, v52  }
0x601: {  	[tilespmem:v61+s9+$0x0] =	vst.idx.msk $0xffff, v54  }
0x602: {  	[tilespmem:v62+s9+$0x0] =	vst.idx.msk $0xffff, v55  }
0x603: {  	v54 =	vld [tilespmem:s19+$0xFFFFFF40]  }
0x604: {  	v55 =	vld [tilespmem:s19+$0xFFFFFF50]  }
0x605: {  	v63 =	vadd.s32 v14, v53  }
0x606: {  	v60 =	vadd.s32 v15, v53;
	_ =	sdelay $0x1  }
0x607: {  	v54 =	vmul.f32 v54, v52  }
0x608: {  	v55 =	vmul.f32 v55, v52  }
0x609: {  	[tilespmem:v63+s9+$0x0] =	vst.idx.msk $0xffff, v54  }
0x60a: {  	[tilespmem:v60+s9+$0x0] =	vst.idx.msk $0xffff, v55  }
0x60b: {  	v54 =	vld [tilespmem:s19+$0xFFFFFF60]  }
0x60c: {  	v55 =	vld [tilespmem:s19+$0xFFFFFF70]  }
0x60d: {  	v61 =	vadd.s32 v16, v53  }
0x60e: {  	v62 =	vadd.s32 v17, v53;
	_ =	sdelay $0x1  }
0x60f: {  	v54 =	vmul.f32 v54, v52  }
0x610: {  	v55 =	vmul.f32 v55, v52  }
0x611: {  	[tilespmem:v61+s9+$0x0] =	vst.idx.msk $0xffff, v54  }
0x612: {  	[tilespmem:v62+s9+$0x0] =	vst.idx.msk $0xffff, v55  }
0x613: {  	v54 =	vld [tilespmem:s19+$0xFFFFFF80]  }
0x614: {  	v55 =	vld [tilespmem:s19+$0xFFFFFF90]  }
0x615: {  	v63 =	vadd.s32 v18, v53  }
0x616: {  	v60 =	vadd.s32 v19, v53;
	_ =	sdelay $0x1  }
0x617: {  	v54 =	vmul.f32 v54, v52  }
0x618: {  	v55 =	vmul.f32 v55, v52  }
0x619: {  	[tilespmem:v63+s9+$0x0] =	vst.idx.msk $0xffff, v54  }
0x61a: {  	[tilespmem:v60+s9+$0x0] =	vst.idx.msk $0xffff, v55  }
0x61b: {  	v54 =	vld [tilespmem:s19+$0xFFFFFFA0]  }
0x61c: {  	v55 =	vld [tilespmem:s19+$0xFFFFFFB0]  }
0x61d: {  	v61 =	vadd.s32 v20, v53  }
0x61e: {  	v62 =	vadd.s32 v21, v53;
	_ =	sdelay $0x1  }
0x61f: {  	v54 =	vmul.f32 v54, v52  }
0x620: {  	v55 =	vmul.f32 v55, v52  }
0x621: {  	[tilespmem:v61+s9+$0x0] =	vst.idx.msk $0xffff, v54  }
0x622: {  	[tilespmem:v62+s9+$0x0] =	vst.idx.msk $0xffff, v55  }
0x623: {  	v54 =	vld [tilespmem:s19+$0xFFFFFFC0]  }
0x624: {  	v55 =	vld [tilespmem:s19+$0xFFFFFFD0]  }
0x625: {  	v63 =	vadd.s32 v22, v53  }
0x626: {  	v60 =	vadd.s32 v23, v53;
	_ =	sdelay $0x1  }
0x627: {  	v54 =	vmul.f32 v54, v52  }
0x628: {  	v55 =	vmul.f32 v55, v52  }
0x629: {  	[tilespmem:v63+s9+$0x0] =	vst.idx.msk $0xffff, v54  }
0x62a: {  	[tilespmem:v60+s9+$0x0] =	vst.idx.msk $0xffff, v55  }
0x62b: {  	v54 =	vld [tilespmem:s19+$0xFFFFFFE0]  }
0x62c: {  	v55 =	vld [tilespmem:s19+$0xFFFFFFF0]  }
0x62d: {  	v61 =	vadd.s32 v24, v53  }
0x62e: {  	v62 =	vadd.s32 v25, v53;
	_ =	sdelay $0x1  }
0x62f: {  	v54 =	vmul.f32 v54, v52  }
0x630: {  	v55 =	vmul.f32 v55, v52  }
0x631: {  	[tilespmem:v61+s9+$0x0] =	vst.idx.msk $0xffff, v54  }
0x632: {  	[tilespmem:v62+s9+$0x0] =	vst.idx.msk $0xffff, v55  }
0x633: {  	v54 =	vld [tilespmem:s19+$0x0]  }
0x634: {  	v55 =	vld [tilespmem:s19+$0x10]  }
0x635: {  	v63 =	vadd.s32 v26, v53  }
0x636: {  	v60 =	vadd.s32 v27, v53;
	_ =	sdelay $0x1  }
0x637: {  	v54 =	vmul.f32 v54, v52  }
0x638: {  	v55 =	vmul.f32 v55, v52  }
0x639: {  	[tilespmem:v63+s9+$0x0] =	vst.idx.msk $0xffff, v54  }
0x63a: {  	[tilespmem:v60+s9+$0x0] =	vst.idx.msk $0xffff, v55  }
0x63b: {  	v54 =	vld [tilespmem:s19+$0x20]  }
0x63c: {  	v55 =	vld [tilespmem:s19+$0x30]  }
0x63d: {  	v61 =	vadd.s32 v28, v53  }
0x63e: {  	v62 =	vadd.s32 v29, v53;
	_ =	sdelay $0x1  }
0x63f: {  	v54 =	vmul.f32 v54, v52  }
0x640: {  	v55 =	vmul.f32 v55, v52  }
0x641: {  	[tilespmem:v61+s9+$0x0] =	vst.idx.msk $0xffff, v54  }
0x642: {  	[tilespmem:v62+s9+$0x0] =	vst.idx.msk $0xffff, v55  }
0x643: {  	v54 =	vld [tilespmem:s19+$0x40]  }
0x644: {  	v55 =	vld [tilespmem:s19+$0x50]  }
0x645: {  	v63 =	vadd.s32 v30, v53  }
0x646: {  	v60 =	vadd.s32 v31, v53;
	_ =	sdelay $0x1  }
0x647: {  	v54 =	vmul.f32 v54, v52  }
0x648: {  	v55 =	vmul.f32 v55, v52  }
0x649: {  	[tilespmem:v63+s9+$0x0] =	vst.idx.msk $0xffff, v54  }
0x64a: {  	[tilespmem:v60+s9+$0x0] =	vst.idx.msk $0xffff, v55  }
0x64b: {  	v54 =	vld [tilespmem:s19+$0x60]  }
0x64c: {  	v55 =	vld [tilespmem:s19+$0x70]  }
0x64d: {  	v61 =	vadd.s32 v32, v53  }
0x64e: {  	v62 =	vadd.s32 v33, v53;
	_ =	sdelay $0x1  }
0x64f: {  	v54 =	vmul.f32 v54, v52  }
0x650: {  	v55 =	vmul.f32 v55, v52  }
0x651: {  	[tilespmem:v61+s9+$0x0] =	vst.idx.msk $0xffff, v54  }
0x652: {  	[tilespmem:v62+s9+$0x0] =	vst.idx.msk $0xffff, v55  }
0x653: {  	v54 =	vld [tilespmem:s19+$0x80]  }
0x654: {  	v55 =	vld [tilespmem:s19+$0x90]  }
0x655: {  	v63 =	vadd.s32 v34, v53  }
0x656: {  	v60 =	vadd.s32 v35, v53;
	_ =	sdelay $0x1  }
0x657: {  	v54 =	vmul.f32 v54, v52  }
0x658: {  	v55 =	vmul.f32 v55, v52  }
0x659: {  	[tilespmem:v63+s9+$0x0] =	vst.idx.msk $0xffff, v54  }
0x65a: {  	[tilespmem:v60+s9+$0x0] =	vst.idx.msk $0xffff, v55  }
0x65b: {  	v54 =	vld [tilespmem:s19+$0xA0]  }
0x65c: {  	v55 =	vld [tilespmem:s19+$0xB0]  }
0x65d: {  	v61 =	vadd.s32 v36, v53  }
0x65e: {  	v62 =	vadd.s32 v37, v53;
	_ =	sdelay $0x1  }
0x65f: {  	v54 =	vmul.f32 v54, v52  }
0x660: {  	v55 =	vmul.f32 v55, v52  }
0x661: {  	[tilespmem:v61+s9+$0x0] =	vst.idx.msk $0xffff, v54  }
0x662: {  	[tilespmem:v62+s9+$0x0] =	vst.idx.msk $0xffff, v55  }
0x663: {  	v54 =	vld [tilespmem:s19+$0xC0]  }
0x664: {  	v55 =	vld [tilespmem:s19+$0xD0]  }
0x665: {  	v63 =	vadd.s32 v38, v53  }
0x666: {  	v60 =	vadd.s32 v39, v53;
	_ =	sdelay $0x1  }
0x667: {  	v54 =	vmul.f32 v54, v52  }
0x668: {  	v55 =	vmul.f32 v55, v52  }
0x669: {  	[tilespmem:v63+s9+$0x0] =	vst.idx.msk $0xffff, v54  }
0x66a: {  	[tilespmem:v60+s9+$0x0] =	vst.idx.msk $0xffff, v55  }
0x66b: {  	v54 =	vld [tilespmem:s19+$0xE0]  }
0x66c: {  	v55 =	vld [tilespmem:s19+$0xF0]  }
0x66d: {  	v61 =	vadd.s32 v40, v53  }
0x66e: {  	v62 =	vadd.s32 v41, v53;
	_ =	sdelay $0x1  }
0x66f: {  	v54 =	vmul.f32 v54, v52  }
0x670: {  	v55 =	vmul.f32 v55, v52  }
0x671: {  	[tilespmem:v61+s9+$0x0] =	vst.idx.msk $0xffff, v54  }
0x672: {  	[tilespmem:v62+s9+$0x0] =	vst.idx.msk $0xffff, v55  }
0x673: {  	v54 =	vld [tilespmem:s19+$0x100]  }
0x674: {  	v55 =	vld [tilespmem:s19+$0x110]  }
0x675: {  	v63 =	vadd.s32 v42, v53  }
0x676: {  	v60 =	vadd.s32 v43, v53;
	_ =	sdelay $0x1  }
0x677: {  	v54 =	vmul.f32 v54, v52  }
0x678: {  	v55 =	vmul.f32 v55, v52  }
0x679: {  	[tilespmem:v63+s9+$0x0] =	vst.idx.msk $0xffff, v54  }
0x67a: {  	[tilespmem:v60+s9+$0x0] =	vst.idx.msk $0xffff, v55  }
0x67b: {  	v54 =	vld [tilespmem:s19+$0x120]  }
0x67c: {  	v55 =	vld [tilespmem:s19+$0x130]  }
0x67d: {  	v61 =	vadd.s32 v44, v53  }
0x67e: {  	v62 =	vadd.s32 v45, v53;
	_ =	sdelay $0x1  }
0x67f: {  	v54 =	vmul.f32 v54, v52  }
0x680: {  	v55 =	vmul.f32 v55, v52  }
0x681: {  	[tilespmem:v61+s9+$0x0] =	vst.idx.msk $0xffff, v54  }
0x682: {  	[tilespmem:v62+s9+$0x0] =	vst.idx.msk $0xffff, v55  }
0x683: {  	v54 =	vld [tilespmem:s19+$0x140]  }
0x684: {  	v55 =	vld [tilespmem:s19+$0x150]  }
0x685: {  	v63 =	vadd.s32 v46, v53  }
0x686: {  	v60 =	vadd.s32 v47, v53;
	_ =	sdelay $0x1  }
0x687: {  	v54 =	vmul.f32 v54, v52  }
0x688: {  	v55 =	vmul.f32 v55, v52  }
0x689: {  	[tilespmem:v63+s9+$0x0] =	vst.idx.msk $0xffff, v54  }
0x68a: {  	[tilespmem:v60+s9+$0x0] =	vst.idx.msk $0xffff, v55  }
0x68b: {  	v54 =	vld [tilespmem:s19+$0x160]  }
0x68c: {  	v55 =	vld [tilespmem:s19+$0x170]  }
0x68d: {  	v61 =	vadd.s32 v48, v53  }
0x68e: {  	v62 =	vadd.s32 v49, v53;
	_ =	sdelay $0x1  }
0x68f: {  	v54 =	vmul.f32 v54, v52  }
0x690: {  	v55 =	vmul.f32 v55, v52  }
0x691: {  	[tilespmem:v61+s9+$0x0] =	vst.idx.msk $0xffff, v54  }
0x692: {  	[tilespmem:v62+s9+$0x0] =	vst.idx.msk $0xffff, v55  }
0x693: {  	v54 =	vld [tilespmem:s19+$0x180]  }
0x694: {  	s14 =	sadd.s32 s4, s14;
	v55 =	vld [tilespmem:s19+$0x190]  }
0x695: {  	s21 =	sshrl.u32 s14, $0x4;
	v63 =	vadd.s32 v50, v53  }
0x696: {  	s23 =	sshll.u32 s14, $0x9;
	v53 =	vadd.s32 v51, v53;
	s19 =	smul.u32 $0xD0000, s21  }
0x697: {  	s14 =	sshll.u32 s14, $0x6;
	s21 =	sand.u32 $0x1C00, s23  }
0x698: {  	s14 =	sand.u32 $0x40, s14;
	s19 =	sor.u32 s21, s19;
	v54 =	vmul.f32 v54, v52  }
0x699: {  	s14 =	sor.u32 s14, s19;
	v52 =	vmul.f32 v55, v52  }
0x69a: {  	s25 =	rddreg [dreg:$0x1];
	s14 =	sshrl.u32 s14, $0x3;
	[tilespmem:v63+s9+$0x0] =	vst.idx.msk $0xffff, v54  }
0x69b: {  	s28 =	simm.s32 $0xE640;
	s19 =	sadd.s32 s25, s14;
	[tilespmem:v53+s9+$0x0] =	vst.idx.msk $0xffff, v52  }
0x69c: {  	[hbm4b:s19+s3] =	stream.linear.scatter [tilespmem:s28], [sflag:$0x3], $0x40, $0x38;
	[tilespmem:$0x1D040] =	vst v63  }
0x69d: {  	s21 =	simm.s32 $0xE688;
	s23 =	sadd.s32 $0x10, s19  }
0x69e: {  	[hbm4b:s23+s3] =	stream.linear.scatter [tilespmem:s21], [sflag:$0x3], $0x40, $0x38;
	[tilespmem:$0x1D040] =	vst v63  }
0x69f: {  	s25 =	simm.s32 $0xE6D0;
	s28 =	sadd.s32 $0x20, s19  }
0x6a0: {  	[hbm4b:s28+s3] =	stream.linear.scatter [tilespmem:s25], [sflag:$0x3], $0x40, $0x38;
	[tilespmem:$0x1D040] =	vst v63  }
0x6a1: {  	s21 =	simm.s32 $0xE718;
	s23 =	sadd.s32 $0x30, s19  }
0x6a2: {  	[hbm4b:s23+s3] =	stream.linear.scatter [tilespmem:s21], [sflag:$0x3], $0x40, $0x38;
	[tilespmem:$0x1D040] =	vst v63  }
0x6a3: {  	s25 =	simm.s32 $0xE760;
	s28 =	sadd.s32 $0x40, s19  }
0x6a4: {  	[hbm4b:s28+s3] =	stream.linear.scatter [tilespmem:s25], [sflag:$0x3], $0x40, $0x38;
	[tilespmem:$0x1D040] =	vst v63  }
0x6a5: {  	s14 =	simm.s32 $0x240;
	s21 =	simm.s32 $0xE7A8;
	s23 =	sadd.s32 $0x50, s19  }
0x6a6: {  	[hbm4b:s23+s3] =	stream.linear.scatter [tilespmem:s21], [sflag:$0x3], $0x40, $0x38;
	[tilespmem:$0x1D040] =	vst v63  }
0x6a7: {  	s25 =	simm.s32 $0xE7F0;
	s28 =	sadd.s32 $0x60, s19;
	s21 =	simm.s32 $0x1200  }
0x6a8: {  	[hbm4b:s28+s3] =	stream.linear.scatter [tilespmem:s25], [sflag:$0x3], $0x40, $0x38;
	[tilespmem:$0x1D040] =	vst v63  }
0x6a9: {  	s23 =	simm.s32 $0xE838;
	s25 =	sadd.s32 $0x70, s19;
	s19 =	sadd.s32 $0x400, s19  }
.LBB2_10:
0x6aa: {  	[hbm4b:s25+s3] =	stream.linear.scatter [tilespmem:s23], [sflag:$0x3], $0x40, $0x38;
	[tilespmem:$0x1D040] =	vst v63  }
0x6ab: {  	s23 =	smov.u32 s14;
	s14 =	smov.u32 s21  }
0x6ac: {  	s28 =	sadd.s32 $0x900, s21;
	s14 =	sshra.s32 s14, $0x2;
	s25 =	sadd.s32 $0xE640, s23  }
0x6ad: {  	[hbm4b:s19+s3] =	stream.linear.scatter [tilespmem:s25], [sflag:$0x3], $0x40, $0x38;
	[tilespmem:$0x1D040] =	vst v63  }
0x6ae: {  	p0 =	seq.s32 s21, $0x39F00;
	s21 =	sadd.s32 $0xE688, s23;
	s25 =	sadd.s32 $0x10, s19  }
0x6af: {  	[hbm4b:s25+s3] =	stream.linear.scatter [tilespmem:s21], [sflag:$0x3], $0x40, $0x38;
	[tilespmem:$0x1D040] =	vst v63  }
0x6b0: {  	s21 =	sadd.s32 $0xE6D0, s23;
	s25 =	sadd.s32 $0x20, s19  }
0x6b1: {  	[hbm4b:s25+s3] =	stream.linear.scatter [tilespmem:s21], [sflag:$0x3], $0x40, $0x38;
	[tilespmem:$0x1D040] =	vst v63  }
0x6b2: {  	s21 =	sadd.s32 $0xE718, s23;
	s25 =	sadd.s32 $0x30, s19  }
0x6b3: {  	[hbm4b:s25+s3] =	stream.linear.scatter [tilespmem:s21], [sflag:$0x3], $0x40, $0x38;
	[tilespmem:$0x1D040] =	vst v63  }
0x6b4: {  	s21 =	sadd.s32 $0xE760, s23;
	s25 =	sadd.s32 $0x40, s19  }
0x6b5: {  	[hbm4b:s25+s3] =	stream.linear.scatter [tilespmem:s21], [sflag:$0x3], $0x40, $0x38;
	[tilespmem:$0x1D040] =	vst v63  }
.Ltmp3:
0x6b6: {  	s21 =	sadd.s32 $0xE7A8, s23;
	s25 =	sadd.s32 $0x50, s19;
	(pc) =	sbr.rel @!p0 .LBB2_10-.Ltmp3, $4  }
0x6b7: {  	[hbm4b:s25+s3] =	stream.linear.scatter [tilespmem:s21], [sflag:$0x3], $0x40, $0x38;
	[tilespmem:$0x1D040] =	vst v63  }
0x6b8: {  	s21 =	sadd.s32 $0xE7F0, s23;
	s25 =	sadd.s32 $0x60, s19;
	s23 =	sadd.s32 $0xE838, s23  }
0x6b9: {  	[hbm4b:s25+s3] =	stream.linear.scatter [tilespmem:s21], [sflag:$0x3], $0x40, $0x38;
	[tilespmem:$0x1D040] =	vst v63  }
0x6ba: {  	s25 =	sadd.s32 $0x70, s19;
	s19 =	sadd.s32 $0x400, s19;
	s21 =	smov.u32 s28  }
0x6bb: {  	[hbm4b:s25+s3] =	stream.linear.scatter [tilespmem:s23], [sflag:$0x3], $0x40, $0x38;
	[tilespmem:$0x1D040] =	vst v63  }
0x6bc: {  	s21 =	sadd.s32 $0xE640, s14  }
0x6bd: {  	[hbm4b:s19+s3] =	stream.linear.scatter [tilespmem:s21], [sflag:$0x3], $0x40, $0x38;
	[tilespmem:$0x1D040] =	vst v63  }
0x6be: {  	s25 =	sadd.s32 $0xE688, s14;
	s28 =	sadd.s32 $0x10, s19  }
0x6bf: {  	[hbm4b:s28+s3] =	stream.linear.scatter [tilespmem:s25], [sflag:$0x3], $0x40, $0x38;
	[tilespmem:$0x1D040] =	vst v63  }
0x6c0: {  	s25 =	sadd.s32 $0xE6D0, s14;
	s28 =	sadd.s32 $0x20, s19  }
0x6c1: {  	[hbm4b:s28+s3] =	stream.linear.scatter [tilespmem:s25], [sflag:$0x3], $0x40, $0x38;
	[tilespmem:$0x1D040] =	vst v63  }
0x6c2: {  	s25 =	sadd.s32 $0xE718, s14;
	s28 =	sadd.s32 $0x30, s19  }
0x6c3: {  	[hbm4b:s28+s3] =	stream.linear.scatter [tilespmem:s25], [sflag:$0x3], $0x40, $0x38;
	[tilespmem:$0x1D040] =	vst v63  }
0x6c4: {  	s25 =	sadd.s32 $0xE760, s14;
	s28 =	sadd.s32 $0x40, s19  }
0x6c5: {  	[hbm4b:s28+s3] =	stream.linear.scatter [tilespmem:s25], [sflag:$0x3], $0x40, $0x38;
	[tilespmem:$0x1D040] =	vst v63  }
0x6c6: {  	s25 =	sadd.s32 $0xE7A8, s14;
	s28 =	sadd.s32 $0x50, s19  }
0x6c7: {  	[hbm4b:s28+s3] =	stream.linear.scatter [tilespmem:s25], [sflag:$0x3], $0x40, $0x38;
	[tilespmem:$0x1D040] =	vst v63  }
0x6c8: {  	s25 =	sadd.s32 $0xE7F0, s14;
	s28 =	sadd.s32 $0x60, s19  }
0x6c9: {  	[hbm4b:s28+s3] =	stream.linear.scatter [tilespmem:s25], [sflag:$0x3], $0x40, $0x38;
	[tilespmem:$0x1D040] =	vst v63  }
0x6ca: {  	s25 =	sadd.s32 $0xE838, s14;
	s28 =	sadd.s32 $0x70, s19  }
0x6cb: {  	[hbm4b:s28+s3] =	stream.linear.scatter [tilespmem:s25], [sflag:$0x3], $0x40, $0x38;
	[tilespmem:$0x1D040] =	vst v63  }
0x6cc: {  	p0 =	seq.s32 s18, $0x19  }
.Ltmp4:
0x6cd: {  	_ = 	snop;
	(pc) =	sbr.rel @!p0 .LBB2_3-.Ltmp4, $2  }
0x6ce: {  	_ =	sdelay $0x2  }
0x6cf: {  	s13 =	sadd.s32 $0x40, s13  }
0x6d0: {  	s14 =	simm.s32 $0x3  }
0x6d1: {  	_ =	swait.ge [sflag:s14], $0xD000  }
0x6d2: {  	s18 =	rddreg [dreg:$0x9]  }
0x6d3: {  	s13 =	rddreg [dreg:$0x8];
	s18 =	sadd.s32 $0x1, s18  }
0x6d4: {  	p0 =	sne.s32 s18, s13  }
.Ltmp5:
0x6d5: {  	_ = 	snop;
	(pc) =	sbr.rel @p0 .LBB2_1-.Ltmp5, $3  }
0x6d6: {  	_ =	sdelay $0x1  }
0x6d7: {  	[sflag:s14] =	ssyncset.done $0x0  }
0x6d8: {  	[sflag:s14] =	ssyncadd.s32 $0xFFFF3000  }
0x6d9: {  	_ =	sfence.sel $0x180000  }
0x6da: {  	[bflag:$0x0] =	sbarrier.arrive $0xFFFF  }
0x6db: {  	_ =	strace $0x90000047  }
0x6dc: {  	s0 =	stileid.u32;
	[bflag:$0x2] =	sbarrier.arrive $0xFFFF  }
0x6dd: {  	p0 =	sne.s32 s0, $0x0;
	s0 =	rddreg [dreg:$0x2]  }
0x6de: {  	s0 =	sadd.s32 @!p0 $0x100000, s0  }
0x6df: {  	[sflag:s0] =	ssyncadd.tile.s32 @!p0 $0x1;
	_ =	shalt  }
.Lfunc_end2:
_tile_overlayer_lowered:
.L_overlay_start_2:
0x6e0: {  	(tag) =	ssettag $0x2  }
0x6e1: {  	s0 =	rddreg [dreg:$0x0];
	s2 =	stileid.u32  }
0x6e2: {  	s1 =	rddreg [dreg:$0x1];
	p0 =	sne.s32 s2, $0x0  }
0x6e3: {  	s3 =	rddreg [dreg:$0x2];
	[bflag:$0x3] =	sbarrier.arrive $0xFFFF;
	s2 =	simm.s32 @!p0 $0x1C05  }
0x6e4: {  	[timem:s3], [sflag:s2] =	dma.local @!p0 [hbm:s0], s1  }
0x6e5: {  	s0 =	simm.s32 @!p0 $0x5  }
0x6e6: {  	_ =	swait.ge @!p0 [sflag:s0], s1  }
0x6e7: {  	s1 =	ssub.s32 @!p0 $0x0, s1;
	[sflag:s0] =	ssyncset.done @!p0 $0x0  }
0x6e8: {  	[sflag:s0] =	ssyncadd.s32 @!p0 s1  }
0x6e9: {  	[bflag:$0x3] =	sbarrier.arrive $0xFFFF  }
0x6ea: {  	_ =	shalt  }

</sc_bundles>
